<compile_context>
chip_gen: v7x
topology: tpu7x:2x2x1
jax: 0.10.2.dev20260603
libtpu: 0.0.44.dev20260713+nightly
codegen_flags: <defaults>
</compile_context>

<pallas_src>
import functools

import jax
import jax.numpy as jnp
from jax import lax
from jax.experimental import pallas as pl
from jax.experimental.pallas import tpu as pltpu
from jax.experimental.pallas import tpu_sc as plsc

N = 10000
E = 320000
IN_CH = 128
HID = 16
OUT_CH = 128

NC = 2
NS = 16
NW = NC * NS
L = 16

EPW = E // NW
NBUF = 5
KB = 512
SCH = 20
EPW_P = SCH * KB
G = SCH // NBUF
RPT = 632
NPAD = NS * RPT

_MESH = plsc.VectorSubcoreMesh(core_axis_name="c", subcore_axis_name="s")
_SC_PARAMS = pltpu.CompilerParams(use_tc_tiling_on_sc=False)


def _fill_tail(idx_v):
    for i in range((EPW_P - EPW) // L):
        idx_v[pl.ds(EPW + i * L, L)] = jnp.full((L,), N, jnp.int32)


def _zero_slice_and_barrier(stage_v, acc_sh, s):
    def zfill(i, _):
        for u in range(8):
            stage_v[i * 8 + u, :] = jnp.zeros((L,), jnp.float32)
        return 0
    lax.fori_loop(0, RPT // 8, zfill, 0)
    pltpu.sync_copy(stage_v, acc_sh.at[pl.ds(s * RPT, RPT)])
    plsc.subcore_barrier()


def _writeback(stage_v, acc_sh, out_hbm, c, s):
    plsc.subcore_barrier()
    pltpu.sync_copy(acc_sh.at[pl.ds(s * RPT, RPT)],
                    out_hbm.at[c, pl.ds(s * RPT, RPT)])


@functools.partial(
    pl.kernel,
    out_type=jax.ShapeDtypeStruct((NC, NPAD, L), jnp.float32),
    mesh=_MESH,
    scratch_types=[
        pltpu.VMEM((EPW_P,), jnp.int32),
        pltpu.VMEM((KB, L), jnp.float32),
        pltpu.VMEM((RPT, L), jnp.float32),
        pltpu.VMEM_SHARED((NPAD, L), jnp.float32),
        pltpu.SemaphoreType.DMA,
    ],
    compiler_params=_SC_PARAMS,
)
def _deg_kernel(ei_hbm, out_hbm, dst_v, ones_v, stage_v, acc_sh, sem):
    c = lax.axis_index("c")
    s = lax.axis_index("s")
    w = c * NS + s

    def ofill(i, _):
        for u in range(8):
            ones_v[i * 8 + u, :] = jnp.full((L,), 1.0, jnp.float32)
        return 0
    lax.fori_loop(0, KB // 8, ofill, 0)
    _zero_slice_and_barrier(stage_v, acc_sh, s)

    pltpu.sync_copy(ei_hbm.at[1, pl.ds(w * EPW, EPW)],
                    dst_v.at[pl.ds(0, EPW)])
    _fill_tail(dst_v)

    def fire(j, _):
        pltpu.async_copy(ones_v, acc_sh.at[dst_v.at[pl.ds(j * KB, KB)]],
                         sem, add=True)
        return 0
    lax.fori_loop(0, SCH, fire, 0)

    def drain(j, _):
        pltpu.make_async_copy(ones_v,
                              acc_sh.at[dst_v.at[pl.ds(j * KB, KB)]],
                              sem).wait()
        return 0
    lax.fori_loop(0, SCH, drain, 0)

    _writeback(stage_v, acc_sh, out_hbm, c, s)


@functools.partial(
    pl.kernel,
    out_type=jax.ShapeDtypeStruct((NC, NPAD, L), jnp.float32),
    mesh=_MESH,
    scratch_types=[
        pltpu.VMEM((EPW_P,), jnp.int32),
        pltpu.VMEM((EPW_P,), jnp.int32),
        pltpu.VMEM((NBUF, KB, L), jnp.float32),
        pltpu.VMEM((RPT, L), jnp.float32),
        pltpu.VMEM_SHARED((NPAD, L), jnp.float32),
        pltpu.VMEM_SHARED((NPAD, L), jnp.float32),
        pltpu.SemaphoreType.DMA((NBUF,)),
        pltpu.SemaphoreType.DMA((NBUF,)),
    ],
    compiler_params=_SC_PARAMS,
)
def _agg_kernel(g_hbm, ei_hbm, out_hbm,
                src_v, dst_v, rows_v, stage_v, acc_sh, g_sp, gsem, ssem):
    c = lax.axis_index("c")
    s = lax.axis_index("s")
    w = c * NS + s

    pltpu.sync_copy(g_hbm.at[pl.ds(s * RPT, RPT)],
                    g_sp.at[pl.ds(s * RPT, RPT)])
    _zero_slice_and_barrier(stage_v, acc_sh, s)

    pltpu.sync_copy(ei_hbm.at[0, pl.ds(w * EPW, EPW)],
                    src_v.at[pl.ds(0, EPW)])
    pltpu.sync_copy(ei_hbm.at[1, pl.ds(w * EPW, EPW)],
                    dst_v.at[pl.ds(0, EPW)])
    _fill_tail(src_v)
    _fill_tail(dst_v)

    def g_desc(t, b):
        return pltpu.make_async_copy(
            g_sp.at[src_v.at[pl.ds(t * KB, KB)]], rows_v.at[b], gsem.at[b])

    def s_desc(t, b):
        return pltpu.make_async_copy(
            rows_v.at[b], acc_sh.at[dst_v.at[pl.ds(t * KB, KB)]], ssem.at[b])

    for b in range(NBUF):
        g_desc(b, b).start()

    def group(i, _):
        for b in range(NBUF):
            t = i * NBUF + b
            g_desc(t, b).wait()
            pltpu.async_copy(rows_v.at[b],
                             acc_sh.at[dst_v.at[pl.ds(t * KB, KB)]],
                             ssem.at[b], add=True)
        for b in range(NBUF):
            t = i * NBUF + b
            s_desc(t, b).wait()
            g_desc(t + NBUF, b).start()
        return 0
    lax.fori_loop(0, G - 1, group, 0)

    for b in range(NBUF):
        t = (G - 1) * NBUF + b
        g_desc(t, b).wait()
        pltpu.async_copy(rows_v.at[b],
                         acc_sh.at[dst_v.at[pl.ds(t * KB, KB)]],
                         ssem.at[b], add=True)
    for b in range(NBUF):
        s_desc((G - 1) * NBUF + b, b).wait()

    _writeback(stage_v, acc_sh, out_hbm, c, s)


@functools.partial(
    pl.kernel,
    out_type=jax.ShapeDtypeStruct((NC, NPAD, L), jnp.float32),
    mesh=_MESH,
    scratch_types=[
        pltpu.VMEM((EPW_P,), jnp.int32),
        pltpu.VMEM((EPW_P,), jnp.int32),
        pltpu.VMEM((NBUF, KB, L), jnp.float32),
        pltpu.VMEM((RPT, L), jnp.float32),
        pltpu.VMEM((RPT, L), jnp.float32),
        pltpu.VMEM((RPT, L), jnp.float32),
        pltpu.VMEM((RPT, L), jnp.float32),
        pltpu.VMEM((1, L), jnp.float32),
        pltpu.VMEM_SHARED((NPAD, L), jnp.float32),
        pltpu.VMEM_SHARED((NPAD, L), jnp.float32),
        pltpu.SemaphoreType.DMA((NBUF,)),
        pltpu.SemaphoreType.DMA((NBUF,)),
    ],
    compiler_params=_SC_PARAMS,
)
def _agg2_kernel(accp_hbm, g1_hbm, dinv_hbm, b1_hbm, ei_hbm, out_hbm,
                 src_v, dst_v, rows_v, stage_v, tmp_v, dinv_v, g2_v, b1_v,
                 acc_sh, g_sp, gsem, ssem):
    c = lax.axis_index("c")
    s = lax.axis_index("s")
    w = c * NS + s
    sl = pl.ds(s * RPT, RPT)

    pltpu.sync_copy(accp_hbm.at[0, sl], stage_v)
    pltpu.sync_copy(accp_hbm.at[1, sl], tmp_v)
    pltpu.sync_copy(g1_hbm.at[sl], g2_v)
    pltpu.sync_copy(dinv_hbm.at[sl], dinv_v)
    pltpu.sync_copy(b1_hbm, b1_v)

    def prow(i, _):
        for u in range(8):
            r = i * 8 + u
            acc = stage_v[r, :] + tmp_v[r, :] + g2_v[r, :]
            z = dinv_v[r, :] * acc + b1_v[0, :]
            g2_v[r, :] = jnp.maximum(z, 0.0) * dinv_v[r, :]
        return 0
    lax.fori_loop(0, RPT // 8, prow, 0)
    pltpu.sync_copy(g2_v, g_sp.at[sl])
    _zero_slice_and_barrier(stage_v, acc_sh, s)

    pltpu.sync_copy(ei_hbm.at[0, pl.ds(w * EPW, EPW)],
                    src_v.at[pl.ds(0, EPW)])
    pltpu.sync_copy(ei_hbm.at[1, pl.ds(w * EPW, EPW)],
                    dst_v.at[pl.ds(0, EPW)])
    _fill_tail(src_v)
    _fill_tail(dst_v)

    def g_desc(t, b):
        return pltpu.make_async_copy(
            g_sp.at[src_v.at[pl.ds(t * KB, KB)]], rows_v.at[b], gsem.at[b])

    def s_desc(t, b):
        return pltpu.make_async_copy(
            rows_v.at[b], acc_sh.at[dst_v.at[pl.ds(t * KB, KB)]], ssem.at[b])

    for b in range(NBUF):
        g_desc(b, b).start()

    def group(i, _):
        for b in range(NBUF):
            t = i * NBUF + b
            g_desc(t, b).wait()
            pltpu.async_copy(rows_v.at[b],
                             acc_sh.at[dst_v.at[pl.ds(t * KB, KB)]],
                             ssem.at[b], add=True)
        for b in range(NBUF):
            t = i * NBUF + b
            s_desc(t, b).wait()
            g_desc(t + NBUF, b).start()
        return 0
    lax.fori_loop(0, G - 1, group, 0)

    for b in range(NBUF):
        t = (G - 1) * NBUF + b
        g_desc(t, b).wait()
        pltpu.async_copy(rows_v.at[b],
                         acc_sh.at[dst_v.at[pl.ds(t * KB, KB)]],
                         ssem.at[b], add=True)
    for b in range(NBUF):
        s_desc((G - 1) * NBUF + b, b).wait()

    plsc.subcore_barrier()
    pltpu.sync_copy(acc_sh.at[sl], stage_v)
    sel = jnp.where(c == 1, 1.0, 0.0).astype(jnp.float32)

    def erow(i, _):
        for u in range(8):
            r = i * 8 + u
            stage_v[r, :] = dinv_v[r, :] * (stage_v[r, :] + sel * g2_v[r, :])
        return 0
    lax.fori_loop(0, RPT // 8, erow, 0)
    pltpu.sync_copy(stage_v, out_hbm.at[c, sl])


def _tc1_body(degp_ref, x_ref, w1_ref, g1_ref, dinv_ref):
    deg = degp_ref[0] + degp_ref[1] + 1.0
    dinv = lax.rsqrt(deg)
    h = jnp.dot(x_ref[:], w1_ref[:], preferred_element_type=jnp.float32)
    g1_ref[:N, :] = h * dinv[:N, :]
    g1_ref[N:, :] = jnp.zeros((NPAD - N, HID), jnp.float32)
    dinv_ref[:] = dinv


def _tc3_body(zp_ref, w2_ref, b2_ref, out_ref):
    z = zp_ref[0, :N, :] + zp_ref[1, :N, :]
    out_ref[:] = (
        jnp.dot(z, w2_ref[:], preferred_element_type=jnp.float32) + b2_ref[:]
    )


def kernel(x, edge_index, W1, b1, W2, b2):
    b1r = b1.reshape(1, HID)
    b2r = b2.reshape(1, OUT_CH)

    deg_parts = _deg_kernel(edge_index)

    g1, dinv16 = pl.pallas_call(
        _tc1_body,
        out_shape=(
            jax.ShapeDtypeStruct((NPAD, HID), jnp.float32),
            jax.ShapeDtypeStruct((NPAD, HID), jnp.float32),
        ),
    )(deg_parts, x, W1)

    acc1 = _agg_kernel(g1, edge_index)

    zp = _agg2_kernel(acc1, g1, dinv16, b1r, edge_index)

    out = pl.pallas_call(
        _tc3_body,
        out_shape=jax.ShapeDtypeStruct((N, OUT_CH), jnp.float32),
    )(zp, W2, b2r)

    return out

# --- scband reference (transcript-rebuilt; emitter-appended) ---
"""Pipeline reference for scband-gcnencoder-65000035058237 (READ-ONLY COPY).

The authoritative reference and input builder live on the scoring server;
editing this copy changes nothing except your own understanding.
"""

import jax, jax.numpy as jnp
import numpy as np

N_NODES = 10000
N_EDGES = 320000
IN_CH = 128
HID = 16
OUT_CH = 128


def setup_inputs(seed: int = 0) -> dict:
    key = jax.random.key(seed)
    k1, k2, k3, k4 = jax.random.split(key, 4)
    x = jax.random.normal(k1, (N_NODES, IN_CH), dtype=jnp.float32)
    edge_index = jax.random.randint(k2, (2, N_EDGES), 0, N_NODES, dtype=jnp.int32)
    W1 = jax.random.normal(k3, (IN_CH, HID), dtype=jnp.float32) * (1.0 / np.sqrt(IN_CH))
    b1 = jnp.zeros((HID,), dtype=jnp.float32)
    W2 = jax.random.normal(k4, (HID, OUT_CH), dtype=jnp.float32) * (1.0 / np.sqrt(HID))
    b2 = jnp.zeros((OUT_CH,), dtype=jnp.float32)
    return {"x": x, "edge_index": edge_index, "W1": W1, "b1": b1, "W2": W2, "b2": b2}


def _gcn_conv(x, edge_index, W, b):
    # PyG-style GCNConv: add self-loops, symmetric degree normalization,
    # linear transform then message passing (scatter-add over dst).
    n = x.shape[0]
    loop = jnp.arange(n, dtype=edge_index.dtype)
    src = jnp.concatenate([edge_index[0], loop])
    dst = jnp.concatenate([edge_index[1], loop])
    deg = jax.ops.segment_sum(jnp.ones_like(src, dtype=x.dtype), dst, num_segments=n)
    dinv = jax.lax.rsqrt(jnp.maximum(deg, 1e-12))
    norm = dinv[src] * dinv[dst]
    h = x @ W
    msg = h[src] * norm[:, None]
    out = jax.ops.segment_sum(msg, dst, num_segments=n)
    return out + b


def reference(x, edge_index, W1, b1, W2, b2):
    h = _gcn_conv(x, edge_index, W1, b1)
    h = jax.nn.relu(h)
    out = _gcn_conv(h, edge_index, W2, b2)
    return out

if __name__ == "__main__":
    import jax
    _d = setup_inputs()
    print(jax.jit(kernel)(*tuple(_d.values())))

</pallas_src>

<mosaic_0001>
#map = affine_map<(d0, d1) -> (0, 0, 0)>
#map1 = affine_map<(d0, d1) -> (0, 0)>
module attributes {stable_mosaic.version = 14 : i64} {
  func.func @_agg2_kernel(%arg0: i32, %arg1: i32, %arg2: memref<2x10112x16xf32, #tpu.memory_space<hbm>>, %arg3: memref<10112x16xf32, #tpu.memory_space<hbm>>, %arg4: memref<10112x16xf32, #tpu.memory_space<hbm>>, %arg5: memref<1x16xf32, #tpu.memory_space<hbm>>, %arg6: memref<2x320000xi32, #tpu.memory_space<hbm>>, %arg7: memref<2x10112x16xf32, #tpu.memory_space<hbm>>, %arg8: memref<10240xi32, #tpu.memory_space<vmem>>, %arg9: memref<10240xi32, #tpu.memory_space<vmem>>, %arg10: memref<5x512x16xf32, #tpu.memory_space<vmem>>, %arg11: memref<632x16xf32, #tpu.memory_space<vmem>>, %arg12: memref<632x16xf32, #tpu.memory_space<vmem>>, %arg13: memref<632x16xf32, #tpu.memory_space<vmem>>, %arg14: memref<632x16xf32, #tpu.memory_space<vmem>>, %arg15: memref<1x16xf32, #tpu.memory_space<vmem>>, %arg16: memref<10112x16xf32, #tpu.memory_space<vmem_shared>>, %arg17: memref<10112x16xf32, #tpu.memory_space<vmem_shared>>, %arg18: memref<5x!tpu.dma_semaphore, #tpu.memory_space<semaphore_mem>>, %arg19: memref<5x!tpu.dma_semaphore, #tpu.memory_space<semaphore_mem>>) attributes {dimension_semantics = [#tpu.dimension_semantics<core_parallel>, #tpu.dimension_semantics<subcore_parallel>], iteration_bounds = array<i64: 2, 16>, scalar_prefetch = 0 : i64, scratch_operands = 12 : i64, tpu.core_type = #tpu.core_type<sc_vector_subcore>, window_params = [{transform_indices = #map}, {transform_indices = #map1}, {transform_indices = #map1}, {transform_indices = #map1}, {transform_indices = #map1}, {transform_indices = #map}]} {
    %mul3A = arith.constant 16 : i32
    %mul3A_0 = arith.muli %arg0, %mul3A : i32
    %add3A = arith.addi %mul3A_0, %arg1 : i32
    %mul3A_1 = arith.constant 632 : i32
    %mul3A_2 = arith.muli %arg1, %mul3A_1 : i32
    %run_scoped3A = arith.constant 0 : i32
    "tpu.region"() ({
      %run_scoped3A_478 = tpu.sem_alloc : memref<!tpu.dma_semaphore, #tpu.memory_space<semaphore_mem>>
      %dma_start3A_479 = arith.constant 0 : i32
      %dma_start3A_480 = tpu.memref_slice %arg2[%run_scoped3A, %mul3A_2, %dma_start3A_479] : memref<2x10112x16xf32, #tpu.memory_space<hbm>> -> memref<1x632x16xf32, #tpu.memory_space<hbm>>
      %dma_start3A_481 = tpu.memref_squeeze %dma_start3A_480 : memref<1x632x16xf32, #tpu.memory_space<hbm>> -> memref<632x16xf32, #tpu.memory_space<hbm>>
      %dma_start3A_482 = arith.constant 0 : i32
      %dma_start3A_483 = tpu.memref_slice %arg2[%run_scoped3A, %mul3A_2, %dma_start3A_482] : memref<2x10112x16xf32, #tpu.memory_space<hbm>> -> memref<1x632x16xf32, #tpu.memory_space<hbm>>
      %dma_start3A_484 = tpu.memref_squeeze %dma_start3A_483 : memref<1x632x16xf32, #tpu.memory_space<hbm>> -> memref<632x16xf32, #tpu.memory_space<hbm>>
      tpu.enqueue_dma source(%dma_start3A_484 : memref<632x16xf32, #tpu.memory_space<hbm>>) target(%arg11 : memref<632x16xf32, #tpu.memory_space<vmem>>) target_semaphore(%run_scoped3A_478 : memref<!tpu.dma_semaphore, #tpu.memory_space<semaphore_mem>>)
      %dma_wait3A_485 = arith.constant 0 : i32
      %dma_wait3A_486 = tpu.memref_slice %arg2[%run_scoped3A, %mul3A_2, %dma_wait3A_485] : memref<2x10112x16xf32, #tpu.memory_space<hbm>> -> memref<1x632x16xf32, #tpu.memory_space<hbm>>
      %dma_wait3A_487 = tpu.memref_squeeze %dma_wait3A_486 : memref<1x632x16xf32, #tpu.memory_space<hbm>> -> memref<632x16xf32, #tpu.memory_space<hbm>>
      %dma_wait3A_488 = arith.constant 0 : i32
      %dma_wait3A_489 = tpu.memref_slice %arg2[%run_scoped3A, %mul3A_2, %dma_wait3A_488] : memref<2x10112x16xf32, #tpu.memory_space<hbm>> -> memref<1x632x16xf32, #tpu.memory_space<hbm>>
      %dma_wait3A_490 = tpu.memref_squeeze %dma_wait3A_489 : memref<1x632x16xf32, #tpu.memory_space<hbm>> -> memref<632x16xf32, #tpu.memory_space<hbm>>
      tpu.wait_dma2 semaphore(%run_scoped3A_478 : memref<!tpu.dma_semaphore, #tpu.memory_space<semaphore_mem>>) src(%dma_wait3A_490 : memref<632x16xf32, #tpu.memory_space<hbm>>) dst(%arg11 : memref<632x16xf32, #tpu.memory_space<vmem>>)
      tpu.yield
    }) : () -> ()
    %run_scoped3A_3 = arith.constant 1 : i32
    "tpu.region"() ({
      %run_scoped3A_478 = tpu.sem_alloc : memref<!tpu.dma_semaphore, #tpu.memory_space<semaphore_mem>>
      %dma_start3A_479 = arith.constant 0 : i32
      %dma_start3A_480 = tpu.memref_slice %arg2[%run_scoped3A_3, %mul3A_2, %dma_start3A_479] : memref<2x10112x16xf32, #tpu.memory_space<hbm>> -> memref<1x632x16xf32, #tpu.memory_space<hbm>>
      %dma_start3A_481 = tpu.memref_squeeze %dma_start3A_480 : memref<1x632x16xf32, #tpu.memory_space<hbm>> -> memref<632x16xf32, #tpu.memory_space<hbm>>
      %dma_start3A_482 = arith.constant 0 : i32
      %dma_start3A_483 = tpu.memref_slice %arg2[%run_scoped3A_3, %mul3A_2, %dma_start3A_482] : memref<2x10112x16xf32, #tpu.memory_space<hbm>> -> memref<1x632x16xf32, #tpu.memory_space<hbm>>
      %dma_start3A_484 = tpu.memref_squeeze %dma_start3A_483 : memref<1x632x16xf32, #tpu.memory_space<hbm>> -> memref<632x16xf32, #tpu.memory_space<hbm>>
      tpu.enqueue_dma source(%dma_start3A_484 : memref<632x16xf32, #tpu.memory_space<hbm>>) target(%arg12 : memref<632x16xf32, #tpu.memory_space<vmem>>) target_semaphore(%run_scoped3A_478 : memref<!tpu.dma_semaphore, #tpu.memory_space<semaphore_mem>>)
      %dma_wait3A_485 = arith.constant 0 : i32
      %dma_wait3A_486 = tpu.memref_slice %arg2[%run_scoped3A_3, %mul3A_2, %dma_wait3A_485] : memref<2x10112x16xf32, #tpu.memory_space<hbm>> -> memref<1x632x16xf32, #tpu.memory_space<hbm>>
      %dma_wait3A_487 = tpu.memref_squeeze %dma_wait3A_486 : memref<1x632x16xf32, #tpu.memory_space<hbm>> -> memref<632x16xf32, #tpu.memory_space<hbm>>
      %dma_wait3A_488 = arith.constant 0 : i32
      %dma_wait3A_489 = tpu.memref_slice %arg2[%run_scoped3A_3, %mul3A_2, %dma_wait3A_488] : memref<2x10112x16xf32, #tpu.memory_space<hbm>> -> memref<1x632x16xf32, #tpu.memory_space<hbm>>
      %dma_wait3A_490 = tpu.memref_squeeze %dma_wait3A_489 : memref<1x632x16xf32, #tpu.memory_space<hbm>> -> memref<632x16xf32, #tpu.memory_space<hbm>>
      tpu.wait_dma2 semaphore(%run_scoped3A_478 : memref<!tpu.dma_semaphore, #tpu.memory_space<semaphore_mem>>) src(%dma_wait3A_490 : memref<632x16xf32, #tpu.memory_space<hbm>>) dst(%arg12 : memref<632x16xf32, #tpu.memory_space<vmem>>)
      tpu.yield
    }) : () -> ()
    "tpu.region"() ({
      %run_scoped3A_478 = tpu.sem_alloc : memref<!tpu.dma_semaphore, #tpu.memory_space<semaphore_mem>>
      %dma_start3A_479 = arith.constant 0 : i32
      %dma_start3A_480 = tpu.memref_slice %arg3[%mul3A_2, %dma_start3A_479] : memref<10112x16xf32, #tpu.memory_space<hbm>> -> memref<632x16xf32, #tpu.memory_space<hbm>>
      %dma_start3A_481 = arith.constant 0 : i32
      %dma_start3A_482 = tpu.memref_slice %arg3[%mul3A_2, %dma_start3A_481] : memref<10112x16xf32, #tpu.memory_space<hbm>> -> memref<632x16xf32, #tpu.memory_space<hbm>>
      tpu.enqueue_dma source(%dma_start3A_482 : memref<632x16xf32, #tpu.memory_space<hbm>>) target(%arg14 : memref<632x16xf32, #tpu.memory_space<vmem>>) target_semaphore(%run_scoped3A_478 : memref<!tpu.dma_semaphore, #tpu.memory_space<semaphore_mem>>)
      %dma_wait3A_483 = arith.constant 0 : i32
      %dma_wait3A_484 = tpu.memref_slice %arg3[%mul3A_2, %dma_wait3A_483] : memref<10112x16xf32, #tpu.memory_space<hbm>> -> memref<632x16xf32, #tpu.memory_space<hbm>>
      %dma_wait3A_485 = arith.constant 0 : i32
      %dma_wait3A_486 = tpu.memref_slice %arg3[%mul3A_2, %dma_wait3A_485] : memref<10112x16xf32, #tpu.memory_space<hbm>> -> memref<632x16xf32, #tpu.memory_space<hbm>>
      tpu.wait_dma2 semaphore(%run_scoped3A_478 : memref<!tpu.dma_semaphore, #tpu.memory_space<semaphore_mem>>) src(%dma_wait3A_486 : memref<632x16xf32, #tpu.memory_space<hbm>>) dst(%arg14 : memref<632x16xf32, #tpu.memory_space<vmem>>)
      tpu.yield
    }) : () -> ()
    "tpu.region"() ({
      %run_scoped3A_478 = tpu.sem_alloc : memref<!tpu.dma_semaphore, #tpu.memory_space<semaphore_mem>>
      %dma_start3A_479 = arith.constant 0 : i32
      %dma_start3A_480 = tpu.memref_slice %arg4[%mul3A_2, %dma_start3A_479] : memref<10112x16xf32, #tpu.memory_space<hbm>> -> memref<632x16xf32, #tpu.memory_space<hbm>>
      %dma_start3A_481 = arith.constant 0 : i32
      %dma_start3A_482 = tpu.memref_slice %arg4[%mul3A_2, %dma_start3A_481] : memref<10112x16xf32, #tpu.memory_space<hbm>> -> memref<632x16xf32, #tpu.memory_space<hbm>>
      tpu.enqueue_dma source(%dma_start3A_482 : memref<632x16xf32, #tpu.memory_space<hbm>>) target(%arg13 : memref<632x16xf32, #tpu.memory_space<vmem>>) target_semaphore(%run_scoped3A_478 : memref<!tpu.dma_semaphore, #tpu.memory_space<semaphore_mem>>)
      %dma_wait3A_483 = arith.constant 0 : i32
      %dma_wait3A_484 = tpu.memref_slice %arg4[%mul3A_2, %dma_wait3A_483] : memref<10112x16xf32, #tpu.memory_space<hbm>> -> memref<632x16xf32, #tpu.memory_space<hbm>>
      %dma_wait3A_485 = arith.constant 0 : i32
      %dma_wait3A_486 = tpu.memref_slice %arg4[%mul3A_2, %dma_wait3A_485] : memref<10112x16xf32, #tpu.memory_space<hbm>> -> memref<632x16xf32, #tpu.memory_space<hbm>>
      tpu.wait_dma2 semaphore(%run_scoped3A_478 : memref<!tpu.dma_semaphore, #tpu.memory_space<semaphore_mem>>) src(%dma_wait3A_486 : memref<632x16xf32, #tpu.memory_space<hbm>>) dst(%arg13 : memref<632x16xf32, #tpu.memory_space<vmem>>)
      tpu.yield
    }) : () -> ()
    "tpu.region"() ({
      %run_scoped3A_478 = tpu.sem_alloc : memref<!tpu.dma_semaphore, #tpu.memory_space<semaphore_mem>>
      tpu.enqueue_dma source(%arg5 : memref<1x16xf32, #tpu.memory_space<hbm>>) target(%arg15 : memref<1x16xf32, #tpu.memory_space<vmem>>) target_semaphore(%run_scoped3A_478 : memref<!tpu.dma_semaphore, #tpu.memory_space<semaphore_mem>>)
      tpu.wait_dma2 semaphore(%run_scoped3A_478 : memref<!tpu.dma_semaphore, #tpu.memory_space<semaphore_mem>>) src(%arg5 : memref<1x16xf32, #tpu.memory_space<hbm>>) dst(%arg15 : memref<1x16xf32, #tpu.memory_space<vmem>>)
      tpu.yield
    }) : () -> ()
    %scan3A = arith.constant 0 : i32
    %scan3A_4 = arith.constant 0 : i32
    %scan3A_5 = arith.constant 79 : i32
    %scan3A_6 = arith.addi %scan3A_4, %scan3A_5 : i32
    %scan3A_7 = arith.constant 1 : i32
    %scan3A_8 = scf.for %scan3A_478 = %scan3A_4 to %scan3A_6 step %scan3A_7 iter_args(%scan3A_479 = %scan3A) -> (i32)  : i32 {
      %mul3A_480 = arith.constant 8 : i32
      %mul3A_481 = arith.muli %scan3A_478, %mul3A_480 : i32
      %add3A_482 = arith.constant 0 : i32
      %add3A_483 = arith.addi %mul3A_481, %add3A_482 : i32
      %get3A = arith.index_cast %add3A_483 : i32 to index
      %get3A_484 = arith.constant 0 : index
      %get3A_485 = tpu.vector_load %arg11[%get3A, %get3A_484] {strides = array<i32>} : memref<632x16xf32, #tpu.memory_space<vmem>>, vector<1x16xf32>,
      %get3A_486 = vector.shape_cast %get3A_485 : vector<1x16xf32> to vector<16xf32>
      %get3A_487 = arith.index_cast %add3A_483 : i32 to index
      %get3A_488 = arith.constant 0 : index
      %get3A_489 = tpu.vector_load %arg12[%get3A_487, %get3A_488] {strides = array<i32>} : memref<632x16xf32, #tpu.memory_space<vmem>>, vector<1x16xf32>,
      %get3A_490 = vector.shape_cast %get3A_489 : vector<1x16xf32> to vector<16xf32>
      %add3A_491 = arith.addf %get3A_486, %get3A_490 : vector<16xf32>
      %get3A_492 = arith.index_cast %add3A_483 : i32 to index
      %get3A_493 = arith.constant 0 : index
      %get3A_494 = tpu.vector_load %arg14[%get3A_492, %get3A_493] {strides = array<i32>} : memref<632x16xf32, #tpu.memory_space<vmem>>, vector<1x16xf32>,
      %get3A_495 = vector.shape_cast %get3A_494 : vector<1x16xf32> to vector<16xf32>
      %add3A_496 = arith.addf %add3A_491, %get3A_495 : vector<16xf32>
      %get3A_497 = arith.index_cast %add3A_483 : i32 to index
      %get3A_498 = arith.constant 0 : index
      %get3A_499 = tpu.vector_load %arg13[%get3A_497, %get3A_498] {strides = array<i32>} : memref<632x16xf32, #tpu.memory_space<vmem>>, vector<1x16xf32>,
      %get3A_500 = vector.shape_cast %get3A_499 : vector<1x16xf32> to vector<16xf32>
      %mul3A_501 = arith.mulf %get3A_500, %add3A_496 : vector<16xf32>
      %get3A_502 = arith.constant 0 : i32
      %get3A_503 = arith.index_cast %get3A_502 : i32 to index
      %get3A_504 = arith.constant 0 : index
      %get3A_505 = tpu.vector_load %arg15[%get3A_503, %get3A_504] {strides = array<i32>} : memref<1x16xf32, #tpu.memory_space<vmem>>, vector<1x16xf32>,
      %get3A_506 = vector.shape_cast %get3A_505 : vector<1x16xf32> to vector<16xf32>
      %add3A_507 = arith.addf %mul3A_501, %get3A_506 : vector<16xf32>
      %max3A = arith.constant 0.000000e+00 : f32
      %max3A_508 = vector.broadcast %max3A : f32 to vector<16xf32>
      %max3A_509 = arith.maximumf %add3A_507, %max3A_508 : vector<16xf32>
      %get3A_510 = arith.index_cast %add3A_483 : i32 to index
      %get3A_511 = arith.constant 0 : index
      %get3A_512 = tpu.vector_load %arg13[%get3A_510, %get3A_511] {strides = array<i32>} : memref<632x16xf32, #tpu.memory_space<vmem>>, vector<1x16xf32>,
      %get3A_513 = vector.shape_cast %get3A_512 : vector<1x16xf32> to vector<16xf32>
      %mul3A_514 = arith.mulf %max3A_509, %get3A_513 : vector<16xf32>
      %swap3A_515 = arith.index_cast %add3A_483 : i32 to index
      %swap3A_516 = arith.constant 0 : index
      %swap3A_517 = tpu.vector_load %arg14[%swap3A_515, %swap3A_516] {strides = array<i32>} : memref<632x16xf32, #tpu.memory_space<vmem>>, vector<1x16xf32>,
      %swap3A_518 = vector.shape_cast %swap3A_517 : vector<1x16xf32> to vector<16xf32>
      %swap3A_519 = vector.shape_cast %mul3A_514 : vector<16xf32> to vector<1x16xf32>
      tpu.vector_store %arg14[%swap3A_515, %swap3A_516], %swap3A_519 {strides = array<i32>} : memref<632x16xf32, #tpu.memory_space<vmem>>, vector<1x16xf32>,
      %mul3A_520 = arith.constant 8 : i32
      %mul3A_521 = arith.muli %scan3A_478, %mul3A_520 : i32
      %add3A_522 = arith.constant 1 : i32
      %add3A_523 = arith.addi %mul3A_521, %add3A_522 : i32
      %get3A_524 = arith.index_cast %add3A_523 : i32 to index
      %get3A_525 = arith.constant 0 : index
      %get3A_526 = tpu.vector_load %arg11[%get3A_524, %get3A_525] {strides = array<i32>} : memref<632x16xf32, #tpu.memory_space<vmem>>, vector<1x16xf32>,
      %get3A_527 = vector.shape_cast %get3A_526 : vector<1x16xf32> to vector<16xf32>
      %get3A_528 = arith.index_cast %add3A_523 : i32 to index
      %get3A_529 = arith.constant 0 : index
      %get3A_530 = tpu.vector_load %arg12[%get3A_528, %get3A_529] {strides = array<i32>} : memref<632x16xf32, #tpu.memory_space<vmem>>, vector<1x16xf32>,
      %get3A_531 = vector.shape_cast %get3A_530 : vector<1x16xf32> to vector<16xf32>
      %add3A_532 = arith.addf %get3A_527, %get3A_531 : vector<16xf32>
      %get3A_533 = arith.index_cast %add3A_523 : i32 to index
      %get3A_534 = arith.constant 0 : index
      %get3A_535 = tpu.vector_load %arg14[%get3A_533, %get3A_534] {strides = array<i32>} : memref<632x16xf32, #tpu.memory_space<vmem>>, vector<1x16xf32>,
      %get3A_536 = vector.shape_cast %get3A_535 : vector<1x16xf32> to vector<16xf32>
      %add3A_537 = arith.addf %add3A_532, %get3A_536 : vector<16xf32>
      %get3A_538 = arith.index_cast %add3A_523 : i32 to index
      %get3A_539 = arith.constant 0 : index
      %get3A_540 = tpu.vector_load %arg13[%get3A_538, %get3A_539] {strides = array<i32>} : memref<632x16xf32, #tpu.memory_space<vmem>>, vector<1x16xf32>,
      %get3A_541 = vector.shape_cast %get3A_540 : vector<1x16xf32> to vector<16xf32>
      %mul3A_542 = arith.mulf %get3A_541, %add3A_537 : vector<16xf32>
      %get3A_543 = arith.constant 0 : i32
      %get3A_544 = arith.index_cast %get3A_543 : i32 to index
      %get3A_545 = arith.constant 0 : index
      %get3A_546 = tpu.vector_load %arg15[%get3A_544, %get3A_545] {strides = array<i32>} : memref<1x16xf32, #tpu.memory_space<vmem>>, vector<1x16xf32>,
      %get3A_547 = vector.shape_cast %get3A_546 : vector<1x16xf32> to vector<16xf32>
      %add3A_548 = arith.addf %mul3A_542, %get3A_547 : vector<16xf32>
      %max3A_549 = arith.constant 0.000000e+00 : f32
      %max3A_550 = vector.broadcast %max3A_549 : f32 to vector<16xf32>
      %max3A_551 = arith.maximumf %add3A_548, %max3A_550 : vector<16xf32>
      %get3A_552 = arith.index_cast %add3A_523 : i32 to index
      %get3A_553 = arith.constant 0 : index
      %get3A_554 = tpu.vector_load %arg13[%get3A_552, %get3A_553] {strides = array<i32>} : memref<632x16xf32, #tpu.memory_space<vmem>>, vector<1x16xf32>,
      %get3A_555 = vector.shape_cast %get3A_554 : vector<1x16xf32> to vector<16xf32>
      %mul3A_556 = arith.mulf %max3A_551, %get3A_555 : vector<16xf32>
      %swap3A_557 = arith.index_cast %add3A_523 : i32 to index
      %swap3A_558 = arith.constant 0 : index
      %swap3A_559 = tpu.vector_load %arg14[%swap3A_557, %swap3A_558] {strides = array<i32>} : memref<632x16xf32, #tpu.memory_space<vmem>>, vector<1x16xf32>,
      %swap3A_560 = vector.shape_cast %swap3A_559 : vector<1x16xf32> to vector<16xf32>
      %swap3A_561 = vector.shape_cast %mul3A_556 : vector<16xf32> to vector<1x16xf32>
      tpu.vector_store %arg14[%swap3A_557, %swap3A_558], %swap3A_561 {strides = array<i32>} : memref<632x16xf32, #tpu.memory_space<vmem>>, vector<1x16xf32>,
      %mul3A_562 = arith.constant 8 : i32
      %mul3A_563 = arith.muli %scan3A_478, %mul3A_562 : i32
      %add3A_564 = arith.constant 2 : i32
      %add3A_565 = arith.addi %mul3A_563, %add3A_564 : i32
      %get3A_566 = arith.index_cast %add3A_565 : i32 to index
      %get3A_567 = arith.constant 0 : index
      %get3A_568 = tpu.vector_load %arg11[%get3A_566, %get3A_567] {strides = array<i32>} : memref<632x16xf32, #tpu.memory_space<vmem>>, vector<1x16xf32>,
      %get3A_569 = vector.shape_cast %get3A_568 : vector<1x16xf32> to vector<16xf32>
      %get3A_570 = arith.index_cast %add3A_565 : i32 to index
      %get3A_571 = arith.constant 0 : index
      %get3A_572 = tpu.vector_load %arg12[%get3A_570, %get3A_571] {strides = array<i32>} : memref<632x16xf32, #tpu.memory_space<vmem>>, vector<1x16xf32>,
      %get3A_573 = vector.shape_cast %get3A_572 : vector<1x16xf32> to vector<16xf32>
      %add3A_574 = arith.addf %get3A_569, %get3A_573 : vector<16xf32>
      %get3A_575 = arith.index_cast %add3A_565 : i32 to index
      %get3A_576 = arith.constant 0 : index
      %get3A_577 = tpu.vector_load %arg14[%get3A_575, %get3A_576] {strides = array<i32>} : memref<632x16xf32, #tpu.memory_space<vmem>>, vector<1x16xf32>,
      %get3A_578 = vector.shape_cast %get3A_577 : vector<1x16xf32> to vector<16xf32>
      %add3A_579 = arith.addf %add3A_574, %get3A_578 : vector<16xf32>
      %get3A_580 = arith.index_cast %add3A_565 : i32 to index
      %get3A_581 = arith.constant 0 : index
      %get3A_582 = tpu.vector_load %arg13[%get3A_580, %get3A_581] {strides = array<i32>} : memref<632x16xf32, #tpu.memory_space<vmem>>, vector<1x16xf32>,
      %get3A_583 = vector.shape_cast %get3A_582 : vector<1x16xf32> to vector<16xf32>
      %mul3A_584 = arith.mulf %get3A_583, %add3A_579 : vector<16xf32>
      %get3A_585 = arith.constant 0 : i32
      %get3A_586 = arith.index_cast %get3A_585 : i32 to index
      %get3A_587 = arith.constant 0 : index
      %get3A_588 = tpu.vector_load %arg15[%get3A_586, %get3A_587] {strides = array<i32>} : memref<1x16xf32, #tpu.memory_space<vmem>>, vector<1x16xf32>,
      %get3A_589 = vector.shape_cast %get3A_588 : vector<1x16xf32> to vector<16xf32>
      %add3A_590 = arith.addf %mul3A_584, %get3A_589 : vector<16xf32>
      %max3A_591 = arith.constant 0.000000e+00 : f32
      %max3A_592 = vector.broadcast %max3A_591 : f32 to vector<16xf32>
      %max3A_593 = arith.maximumf %add3A_590, %max3A_592 : vector<16xf32>
      %get3A_594 = arith.index_cast %add3A_565 : i32 to index
      %get3A_595 = arith.constant 0 : index
      %get3A_596 = tpu.vector_load %arg13[%get3A_594, %get3A_595] {strides = array<i32>} : memref<632x16xf32, #tpu.memory_space<vmem>>, vector<1x16xf32>,
      %get3A_597 = vector.shape_cast %get3A_596 : vector<1x16xf32> to vector<16xf32>
      %mul3A_598 = arith.mulf %max3A_593, %get3A_597 : vector<16xf32>
      %swap3A_599 = arith.index_cast %add3A_565 : i32 to index
      %swap3A_600 = arith.constant 0 : index
      %swap3A_601 = tpu.vector_load %arg14[%swap3A_599, %swap3A_600] {strides = array<i32>} : memref<632x16xf32, #tpu.memory_space<vmem>>, vector<1x16xf32>,
      %swap3A_602 = vector.shape_cast %swap3A_601 : vector<1x16xf32> to vector<16xf32>
      %swap3A_603 = vector.shape_cast %mul3A_598 : vector<16xf32> to vector<1x16xf32>
      tpu.vector_store %arg14[%swap3A_599, %swap3A_600], %swap3A_603 {strides = array<i32>} : memref<632x16xf32, #tpu.memory_space<vmem>>, vector<1x16xf32>,
      %mul3A_604 = arith.constant 8 : i32
      %mul3A_605 = arith.muli %scan3A_478, %mul3A_604 : i32
      %add3A_606 = arith.constant 3 : i32
      %add3A_607 = arith.addi %mul3A_605, %add3A_606 : i32
      %get3A_608 = arith.index_cast %add3A_607 : i32 to index
      %get3A_609 = arith.constant 0 : index
      %get3A_610 = tpu.vector_load %arg11[%get3A_608, %get3A_609] {strides = array<i32>} : memref<632x16xf32, #tpu.memory_space<vmem>>, vector<1x16xf32>,
      %get3A_611 = vector.shape_cast %get3A_610 : vector<1x16xf32> to vector<16xf32>
      %get3A_612 = arith.index_cast %add3A_607 : i32 to index
      %get3A_613 = arith.constant 0 : index
      %get3A_614 = tpu.vector_load %arg12[%get3A_612, %get3A_613] {strides = array<i32>} : memref<632x16xf32, #tpu.memory_space<vmem>>, vector<1x16xf32>,
      %get3A_615 = vector.shape_cast %get3A_614 : vector<1x16xf32> to vector<16xf32>
      %add3A_616 = arith.addf %get3A_611, %get3A_615 : vector<16xf32>
      %get3A_617 = arith.index_cast %add3A_607 : i32 to index
      %get3A_618 = arith.constant 0 : index
      %get3A_619 = tpu.vector_load %arg14[%get3A_617, %get3A_618] {strides = array<i32>} : memref<632x16xf32, #tpu.memory_space<vmem>>, vector<1x16xf32>,
      %get3A_620 = vector.shape_cast %get3A_619 : vector<1x16xf32> to vector<16xf32>
      %add3A_621 = arith.addf %add3A_616, %get3A_620 : vector<16xf32>
      %get3A_622 = arith.index_cast %add3A_607 : i32 to index
      %get3A_623 = arith.constant 0 : index
      %get3A_624 = tpu.vector_load %arg13[%get3A_622, %get3A_623] {strides = array<i32>} : memref<632x16xf32, #tpu.memory_space<vmem>>, vector<1x16xf32>,
      %get3A_625 = vector.shape_cast %get3A_624 : vector<1x16xf32> to vector<16xf32>
      %mul3A_626 = arith.mulf %get3A_625, %add3A_621 : vector<16xf32>
      %get3A_627 = arith.constant 0 : i32
      %get3A_628 = arith.index_cast %get3A_627 : i32 to index
      %get3A_629 = arith.constant 0 : index
      %get3A_630 = tpu.vector_load %arg15[%get3A_628, %get3A_629] {strides = array<i32>} : memref<1x16xf32, #tpu.memory_space<vmem>>, vector<1x16xf32>,
      %get3A_631 = vector.shape_cast %get3A_630 : vector<1x16xf32> to vector<16xf32>
      %add3A_632 = arith.addf %mul3A_626, %get3A_631 : vector<16xf32>
      %max3A_633 = arith.constant 0.000000e+00 : f32
      %max3A_634 = vector.broadcast %max3A_633 : f32 to vector<16xf32>
      %max3A_635 = arith.maximumf %add3A_632, %max3A_634 : vector<16xf32>
      %get3A_636 = arith.index_cast %add3A_607 : i32 to index
      %get3A_637 = arith.constant 0 : index
      %get3A_638 = tpu.vector_load %arg13[%get3A_636, %get3A_637] {strides = array<i32>} : memref<632x16xf32, #tpu.memory_space<vmem>>, vector<1x16xf32>,
      %get3A_639 = vector.shape_cast %get3A_638 : vector<1x16xf32> to vector<16xf32>
      %mul3A_640 = arith.mulf %max3A_635, %get3A_639 : vector<16xf32>
      %swap3A_641 = arith.index_cast %add3A_607 : i32 to index
      %swap3A_642 = arith.constant 0 : index
      %swap3A_643 = tpu.vector_load %arg14[%swap3A_641, %swap3A_642] {strides = array<i32>} : memref<632x16xf32, #tpu.memory_space<vmem>>, vector<1x16xf32>,
      %swap3A_644 = vector.shape_cast %swap3A_643 : vector<1x16xf32> to vector<16xf32>
      %swap3A_645 = vector.shape_cast %mul3A_640 : vector<16xf32> to vector<1x16xf32>
      tpu.vector_store %arg14[%swap3A_641, %swap3A_642], %swap3A_645 {strides = array<i32>} : memref<632x16xf32, #tpu.memory_space<vmem>>, vector<1x16xf32>,
      %mul3A_646 = arith.constant 8 : i32
      %mul3A_647 = arith.muli %scan3A_478, %mul3A_646 : i32
      %add3A_648 = arith.constant 4 : i32
      %add3A_649 = arith.addi %mul3A_647, %add3A_648 : i32
      %get3A_650 = arith.index_cast %add3A_649 : i32 to index
      %get3A_651 = arith.constant 0 : index
      %get3A_652 = tpu.vector_load %arg11[%get3A_650, %get3A_651] {strides = array<i32>} : memref<632x16xf32, #tpu.memory_space<vmem>>, vector<1x16xf32>,
      %get3A_653 = vector.shape_cast %get3A_652 : vector<1x16xf32> to vector<16xf32>
      %get3A_654 = arith.index_cast %add3A_649 : i32 to index
      %get3A_655 = arith.constant 0 : index
      %get3A_656 = tpu.vector_load %arg12[%get3A_654, %get3A_655] {strides = array<i32>} : memref<632x16xf32, #tpu.memory_space<vmem>>, vector<1x16xf32>,
      %get3A_657 = vector.shape_cast %get3A_656 : vector<1x16xf32> to vector<16xf32>
      %add3A_658 = arith.addf %get3A_653, %get3A_657 : vector<16xf32>
      %get3A_659 = arith.index_cast %add3A_649 : i32 to index
      %get3A_660 = arith.constant 0 : index
      %get3A_661 = tpu.vector_load %arg14[%get3A_659, %get3A_660] {strides = array<i32>} : memref<632x16xf32, #tpu.memory_space<vmem>>, vector<1x16xf32>,
      %get3A_662 = vector.shape_cast %get3A_661 : vector<1x16xf32> to vector<16xf32>
      %add3A_663 = arith.addf %add3A_658, %get3A_662 : vector<16xf32>
      %get3A_664 = arith.index_cast %add3A_649 : i32 to index
      %get3A_665 = arith.constant 0 : index
      %get3A_666 = tpu.vector_load %arg13[%get3A_664, %get3A_665] {strides = array<i32>} : memref<632x16xf32, #tpu.memory_space<vmem>>, vector<1x16xf32>,
      %get3A_667 = vector.shape_cast %get3A_666 : vector<1x16xf32> to vector<16xf32>
      %mul3A_668 = arith.mulf %get3A_667, %add3A_663 : vector<16xf32>
      %get3A_669 = arith.constant 0 : i32
      %get3A_670 = arith.index_cast %get3A_669 : i32 to index
      %get3A_671 = arith.constant 0 : index
      %get3A_672 = tpu.vector_load %arg15[%get3A_670, %get3A_671] {strides = array<i32>} : memref<1x16xf32, #tpu.memory_space<vmem>>, vector<1x16xf32>,
      %get3A_673 = vector.shape_cast %get3A_672 : vector<1x16xf32> to vector<16xf32>
      %add3A_674 = arith.addf %mul3A_668, %get3A_673 : vector<16xf32>
      %max3A_675 = arith.constant 0.000000e+00 : f32
      %max3A_676 = vector.broadcast %max3A_675 : f32 to vector<16xf32>
      %max3A_677 = arith.maximumf %add3A_674, %max3A_676 : vector<16xf32>
      %get3A_678 = arith.index_cast %add3A_649 : i32 to index
      %get3A_679 = arith.constant 0 : index
      %get3A_680 = tpu.vector_load %arg13[%get3A_678, %get3A_679] {strides = array<i32>} : memref<632x16xf32, #tpu.memory_space<vmem>>, vector<1x16xf32>,
      %get3A_681 = vector.shape_cast %get3A_680 : vector<1x16xf32> to vector<16xf32>
      %mul3A_682 = arith.mulf %max3A_677, %get3A_681 : vector<16xf32>
      %swap3A_683 = arith.index_cast %add3A_649 : i32 to index
      %swap3A_684 = arith.constant 0 : index
      %swap3A_685 = tpu.vector_load %arg14[%swap3A_683, %swap3A_684] {strides = array<i32>} : memref<632x16xf32, #tpu.memory_space<vmem>>, vector<1x16xf32>,
      %swap3A_686 = vector.shape_cast %swap3A_685 : vector<1x16xf32> to vector<16xf32>
      %swap3A_687 = vector.shape_cast %mul3A_682 : vector<16xf32> to vector<1x16xf32>
      tpu.vector_store %arg14[%swap3A_683, %swap3A_684], %swap3A_687 {strides = array<i32>} : memref<632x16xf32, #tpu.memory_space<vmem>>, vector<1x16xf32>,
      %mul3A_688 = arith.constant 8 : i32
      %mul3A_689 = arith.muli %scan3A_478, %mul3A_688 : i32
      %add3A_690 = arith.constant 5 : i32
      %add3A_691 = arith.addi %mul3A_689, %add3A_690 : i32
      %get3A_692 = arith.index_cast %add3A_691 : i32 to index
      %get3A_693 = arith.constant 0 : index
      %get3A_694 = tpu.vector_load %arg11[%get3A_692, %get3A_693] {strides = array<i32>} : memref<632x16xf32, #tpu.memory_space<vmem>>, vector<1x16xf32>,
      %get3A_695 = vector.shape_cast %get3A_694 : vector<1x16xf32> to vector<16xf32>
      %get3A_696 = arith.index_cast %add3A_691 : i32 to index
      %get3A_697 = arith.constant 0 : index
      %get3A_698 = tpu.vector_load %arg12[%get3A_696, %get3A_697] {strides = array<i32>} : memref<632x16xf32, #tpu.memory_space<vmem>>, vector<1x16xf32>,
      %get3A_699 = vector.shape_cast %get3A_698 : vector<1x16xf32> to vector<16xf32>
      %add3A_700 = arith.addf %get3A_695, %get3A_699 : vector<16xf32>
      %get3A_701 = arith.index_cast %add3A_691 : i32 to index
      %get3A_702 = arith.constant 0 : index
      %get3A_703 = tpu.vector_load %arg14[%get3A_701, %get3A_702] {strides = array<i32>} : memref<632x16xf32, #tpu.memory_space<vmem>>, vector<1x16xf32>,
      %get3A_704 = vector.shape_cast %get3A_703 : vector<1x16xf32> to vector<16xf32>
      %add3A_705 = arith.addf %add3A_700, %get3A_704 : vector<16xf32>
      %get3A_706 = arith.index_cast %add3A_691 : i32 to index
      %get3A_707 = arith.constant 0 : index
      %get3A_708 = tpu.vector_load %arg13[%get3A_706, %get3A_707] {strides = array<i32>} : memref<632x16xf32, #tpu.memory_space<vmem>>, vector<1x16xf32>,
      %get3A_709 = vector.shape_cast %get3A_708 : vector<1x16xf32> to vector<16xf32>
      %mul3A_710 = arith.mulf %get3A_709, %add3A_705 : vector<16xf32>
      %get3A_711 = arith.constant 0 : i32
      %get3A_712 = arith.index_cast %get3A_711 : i32 to index
      %get3A_713 = arith.constant 0 : index
      %get3A_714 = tpu.vector_load %arg15[%get3A_712, %get3A_713] {strides = array<i32>} : memref<1x16xf32, #tpu.memory_space<vmem>>, vector<1x16xf32>,
      %get3A_715 = vector.shape_cast %get3A_714 : vector<1x16xf32> to vector<16xf32>
      %add3A_716 = arith.addf %mul3A_710, %get3A_715 : vector<16xf32>
      %max3A_717 = arith.constant 0.000000e+00 : f32
      %max3A_718 = vector.broadcast %max3A_717 : f32 to vector<16xf32>
      %max3A_719 = arith.maximumf %add3A_716, %max3A_718 : vector<16xf32>
      %get3A_720 = arith.index_cast %add3A_691 : i32 to index
      %get3A_721 = arith.constant 0 : index
      %get3A_722 = tpu.vector_load %arg13[%get3A_720, %get3A_721] {strides = array<i32>} : memref<632x16xf32, #tpu.memory_space<vmem>>, vector<1x16xf32>,
      %get3A_723 = vector.shape_cast %get3A_722 : vector<1x16xf32> to vector<16xf32>
      %mul3A_724 = arith.mulf %max3A_719, %get3A_723 : vector<16xf32>
      %swap3A_725 = arith.index_cast %add3A_691 : i32 to index
      %swap3A_726 = arith.constant 0 : index
      %swap3A_727 = tpu.vector_load %arg14[%swap3A_725, %swap3A_726] {strides = array<i32>} : memref<632x16xf32, #tpu.memory_space<vmem>>, vector<1x16xf32>,
      %swap3A_728 = vector.shape_cast %swap3A_727 : vector<1x16xf32> to vector<16xf32>
      %swap3A_729 = vector.shape_cast %mul3A_724 : vector<16xf32> to vector<1x16xf32>
      tpu.vector_store %arg14[%swap3A_725, %swap3A_726], %swap3A_729 {strides = array<i32>} : memref<632x16xf32, #tpu.memory_space<vmem>>, vector<1x16xf32>,
      %mul3A_730 = arith.constant 8 : i32
      %mul3A_731 = arith.muli %scan3A_478, %mul3A_730 : i32
      %add3A_732 = arith.constant 6 : i32
      %add3A_733 = arith.addi %mul3A_731, %add3A_732 : i32
      %get3A_734 = arith.index_cast %add3A_733 : i32 to index
      %get3A_735 = arith.constant 0 : index
      %get3A_736 = tpu.vector_load %arg11[%get3A_734, %get3A_735] {strides = array<i32>} : memref<632x16xf32, #tpu.memory_space<vmem>>, vector<1x16xf32>,
      %get3A_737 = vector.shape_cast %get3A_736 : vector<1x16xf32> to vector<16xf32>
      %get3A_738 = arith.index_cast %add3A_733 : i32 to index
      %get3A_739 = arith.constant 0 : index
      %get3A_740 = tpu.vector_load %arg12[%get3A_738, %get3A_739] {strides = array<i32>} : memref<632x16xf32, #tpu.memory_space<vmem>>, vector<1x16xf32>,
      %get3A_741 = vector.shape_cast %get3A_740 : vector<1x16xf32> to vector<16xf32>
      %add3A_742 = arith.addf %get3A_737, %get3A_741 : vector<16xf32>
      %get3A_743 = arith.index_cast %add3A_733 : i32 to index
      %get3A_744 = arith.constant 0 : index
      %get3A_745 = tpu.vector_load %arg14[%get3A_743, %get3A_744] {strides = array<i32>} : memref<632x16xf32, #tpu.memory_space<vmem>>, vector<1x16xf32>,
      %get3A_746 = vector.shape_cast %get3A_745 : vector<1x16xf32> to vector<16xf32>
      %add3A_747 = arith.addf %add3A_742, %get3A_746 : vector<16xf32>
      %get3A_748 = arith.index_cast %add3A_733 : i32 to index
      %get3A_749 = arith.constant 0 : index
      %get3A_750 = tpu.vector_load %arg13[%get3A_748, %get3A_749] {strides = array<i32>} : memref<632x16xf32, #tpu.memory_space<vmem>>, vector<1x16xf32>,
      %get3A_751 = vector.shape_cast %get3A_750 : vector<1x16xf32> to vector<16xf32>
      %mul3A_752 = arith.mulf %get3A_751, %add3A_747 : vector<16xf32>
      %get3A_753 = arith.constant 0 : i32
      %get3A_754 = arith.index_cast %get3A_753 : i32 to index
      %get3A_755 = arith.constant 0 : index
      %get3A_756 = tpu.vector_load %arg15[%get3A_754, %get3A_755] {strides = array<i32>} : memref<1x16xf32, #tpu.memory_space<vmem>>, vector<1x16xf32>,
      %get3A_757 = vector.shape_cast %get3A_756 : vector<1x16xf32> to vector<16xf32>
      %add3A_758 = arith.addf %mul3A_752, %get3A_757 : vector<16xf32>
      %max3A_759 = arith.constant 0.000000e+00 : f32
      %max3A_760 = vector.broadcast %max3A_759 : f32 to vector<16xf32>
      %max3A_761 = arith.maximumf %add3A_758, %max3A_760 : vector<16xf32>
      %get3A_762 = arith.index_cast %add3A_733 : i32 to index
      %get3A_763 = arith.constant 0 : index
      %get3A_764 = tpu.vector_load %arg13[%get3A_762, %get3A_763] {strides = array<i32>} : memref<632x16xf32, #tpu.memory_space<vmem>>, vector<1x16xf32>,
      %get3A_765 = vector.shape_cast %get3A_764 : vector<1x16xf32> to vector<16xf32>
      %mul3A_766 = arith.mulf %max3A_761, %get3A_765 : vector<16xf32>
      %swap3A_767 = arith.index_cast %add3A_733 : i32 to index
      %swap3A_768 = arith.constant 0 : index
      %swap3A_769 = tpu.vector_load %arg14[%swap3A_767, %swap3A_768] {strides = array<i32>} : memref<632x16xf32, #tpu.memory_space<vmem>>, vector<1x16xf32>,
      %swap3A_770 = vector.shape_cast %swap3A_769 : vector<1x16xf32> to vector<16xf32>
      %swap3A_771 = vector.shape_cast %mul3A_766 : vector<16xf32> to vector<1x16xf32>
      tpu.vector_store %arg14[%swap3A_767, %swap3A_768], %swap3A_771 {strides = array<i32>} : memref<632x16xf32, #tpu.memory_space<vmem>>, vector<1x16xf32>,
      %mul3A_772 = arith.constant 8 : i32
      %mul3A_773 = arith.muli %scan3A_478, %mul3A_772 : i32
      %add3A_774 = arith.constant 7 : i32
      %add3A_775 = arith.addi %mul3A_773, %add3A_774 : i32
      %get3A_776 = arith.index_cast %add3A_775 : i32 to index
      %get3A_777 = arith.constant 0 : index
      %get3A_778 = tpu.vector_load %arg11[%get3A_776, %get3A_777] {strides = array<i32>} : memref<632x16xf32, #tpu.memory_space<vmem>>, vector<1x16xf32>,
      %get3A_779 = vector.shape_cast %get3A_778 : vector<1x16xf32> to vector<16xf32>
      %get3A_780 = arith.index_cast %add3A_775 : i32 to index
      %get3A_781 = arith.constant 0 : index
      %get3A_782 = tpu.vector_load %arg12[%get3A_780, %get3A_781] {strides = array<i32>} : memref<632x16xf32, #tpu.memory_space<vmem>>, vector<1x16xf32>,
      %get3A_783 = vector.shape_cast %get3A_782 : vector<1x16xf32> to vector<16xf32>
      %add3A_784 = arith.addf %get3A_779, %get3A_783 : vector<16xf32>
      %get3A_785 = arith.index_cast %add3A_775 : i32 to index
      %get3A_786 = arith.constant 0 : index
      %get3A_787 = tpu.vector_load %arg14[%get3A_785, %get3A_786] {strides = array<i32>} : memref<632x16xf32, #tpu.memory_space<vmem>>, vector<1x16xf32>,
      %get3A_788 = vector.shape_cast %get3A_787 : vector<1x16xf32> to vector<16xf32>
      %add3A_789 = arith.addf %add3A_784, %get3A_788 : vector<16xf32>
      %get3A_790 = arith.index_cast %add3A_775 : i32 to index
      %get3A_791 = arith.constant 0 : index
      %get3A_792 = tpu.vector_load %arg13[%get3A_790, %get3A_791] {strides = array<i32>} : memref<632x16xf32, #tpu.memory_space<vmem>>, vector<1x16xf32>,
      %get3A_793 = vector.shape_cast %get3A_792 : vector<1x16xf32> to vector<16xf32>
      %mul3A_794 = arith.mulf %get3A_793, %add3A_789 : vector<16xf32>
      %get3A_795 = arith.constant 0 : i32
      %get3A_796 = arith.index_cast %get3A_795 : i32 to index
      %get3A_797 = arith.constant 0 : index
      %get3A_798 = tpu.vector_load %arg15[%get3A_796, %get3A_797] {strides = array<i32>} : memref<1x16xf32, #tpu.memory_space<vmem>>, vector<1x16xf32>,
      %get3A_799 = vector.shape_cast %get3A_798 : vector<1x16xf32> to vector<16xf32>
      %add3A_800 = arith.addf %mul3A_794, %get3A_799 : vector<16xf32>
      %max3A_801 = arith.constant 0.000000e+00 : f32
      %max3A_802 = vector.broadcast %max3A_801 : f32 to vector<16xf32>
      %max3A_803 = arith.maximumf %add3A_800, %max3A_802 : vector<16xf32>
      %get3A_804 = arith.index_cast %add3A_775 : i32 to index
      %get3A_805 = arith.constant 0 : index
      %get3A_806 = tpu.vector_load %arg13[%get3A_804, %get3A_805] {strides = array<i32>} : memref<632x16xf32, #tpu.memory_space<vmem>>, vector<1x16xf32>,
      %get3A_807 = vector.shape_cast %get3A_806 : vector<1x16xf32> to vector<16xf32>
      %mul3A_808 = arith.mulf %max3A_803, %get3A_807 : vector<16xf32>
      %swap3A_809 = arith.index_cast %add3A_775 : i32 to index
      %swap3A_810 = arith.constant 0 : index
      %swap3A_811 = tpu.vector_load %arg14[%swap3A_809, %swap3A_810] {strides = array<i32>} : memref<632x16xf32, #tpu.memory_space<vmem>>, vector<1x16xf32>,
      %swap3A_812 = vector.shape_cast %swap3A_811 : vector<1x16xf32> to vector<16xf32>
      %swap3A_813 = vector.shape_cast %mul3A_808 : vector<16xf32> to vector<1x16xf32>
      tpu.vector_store %arg14[%swap3A_809, %swap3A_810], %swap3A_813 {strides = array<i32>} : memref<632x16xf32, #tpu.memory_space<vmem>>, vector<1x16xf32>,
      %scan3A_814 = arith.constant 0 : i32
      scf.yield %scan3A_814 : i32
    }
    %scan3A_9 = arith.constant 79 : i32
    "tpu.region"() ({
      %run_scoped3A_478 = tpu.sem_alloc : memref<!tpu.dma_semaphore, #tpu.memory_space<semaphore_mem>>
      %dma_start3A_479 = arith.constant 0 : i32
      %dma_start3A_480 = tpu.memref_slice %arg17[%mul3A_2, %dma_start3A_479] : memref<10112x16xf32, #tpu.memory_space<vmem_shared>> -> memref<632x16xf32, #tpu.memory_space<vmem_shared>>
      %dma_start3A_481 = arith.constant 0 : i32
      %dma_start3A_482 = tpu.memref_slice %arg17[%mul3A_2, %dma_start3A_481] : memref<10112x16xf32, #tpu.memory_space<vmem_shared>> -> memref<632x16xf32, #tpu.memory_space<vmem_shared>>
      tpu.enqueue_dma source(%arg14 : memref<632x16xf32, #tpu.memory_space<vmem>>) target(%dma_start3A_482 : memref<632x16xf32, #tpu.memory_space<vmem_shared>>) target_semaphore(%run_scoped3A_478 : memref<!tpu.dma_semaphore, #tpu.memory_space<semaphore_mem>>)
      %dma_wait3A_483 = arith.constant 0 : i32
      %dma_wait3A_484 = tpu.memref_slice %arg17[%mul3A_2, %dma_wait3A_483] : memref<10112x16xf32, #tpu.memory_space<vmem_shared>> -> memref<632x16xf32, #tpu.memory_space<vmem_shared>>
      %dma_wait3A_485 = arith.constant 0 : i32
      %dma_wait3A_486 = tpu.memref_slice %arg17[%mul3A_2, %dma_wait3A_485] : memref<10112x16xf32, #tpu.memory_space<vmem_shared>> -> memref<632x16xf32, #tpu.memory_space<vmem_shared>>
      tpu.wait_dma2 semaphore(%run_scoped3A_478 : memref<!tpu.dma_semaphore, #tpu.memory_space<semaphore_mem>>) src(%arg14 : memref<632x16xf32, #tpu.memory_space<vmem>>) dst(%dma_wait3A_486 : memref<632x16xf32, #tpu.memory_space<vmem_shared>>)
      tpu.yield
    }) : () -> ()
    %scan3A_10 = arith.constant 0 : i32
    %scan3A_11 = arith.constant 0 : i32
    %scan3A_12 = arith.constant 79 : i32
    %scan3A_13 = arith.addi %scan3A_11, %scan3A_12 : i32
    %scan3A_14 = arith.constant 1 : i32
    %scan3A_15 = scf.for %scan3A_478 = %scan3A_11 to %scan3A_13 step %scan3A_14 iter_args(%scan3A_479 = %scan3A_10) -> (i32)  : i32 {
      %broadcast_in_dim3A_480 = arith.constant 0.000000e+00 : f32
      %broadcast_in_dim3A_481 = vector.broadcast %broadcast_in_dim3A_480 : f32 to vector<16xf32>
      %mul3A_482 = arith.constant 8 : i32
      %mul3A_483 = arith.muli %scan3A_478, %mul3A_482 : i32
      %add3A_484 = arith.constant 0 : i32
      %add3A_485 = arith.addi %mul3A_483, %add3A_484 : i32
      %swap3A_486 = arith.index_cast %add3A_485 : i32 to index
      %swap3A_487 = arith.constant 0 : index
      %swap3A_488 = tpu.vector_load %arg11[%swap3A_486, %swap3A_487] {strides = array<i32>} : memref<632x16xf32, #tpu.memory_space<vmem>>, vector<1x16xf32>,
      %swap3A_489 = vector.shape_cast %swap3A_488 : vector<1x16xf32> to vector<16xf32>
      %swap3A_490 = vector.shape_cast %broadcast_in_dim3A_481 : vector<16xf32> to vector<1x16xf32>
      tpu.vector_store %arg11[%swap3A_486, %swap3A_487], %swap3A_490 {strides = array<i32>} : memref<632x16xf32, #tpu.memory_space<vmem>>, vector<1x16xf32>,
      %broadcast_in_dim3A_491 = arith.constant 0.000000e+00 : f32
      %broadcast_in_dim3A_492 = vector.broadcast %broadcast_in_dim3A_491 : f32 to vector<16xf32>
      %mul3A_493 = arith.constant 8 : i32
      %mul3A_494 = arith.muli %scan3A_478, %mul3A_493 : i32
      %add3A_495 = arith.constant 1 : i32
      %add3A_496 = arith.addi %mul3A_494, %add3A_495 : i32
      %swap3A_497 = arith.index_cast %add3A_496 : i32 to index
      %swap3A_498 = arith.constant 0 : index
      %swap3A_499 = tpu.vector_load %arg11[%swap3A_497, %swap3A_498] {strides = array<i32>} : memref<632x16xf32, #tpu.memory_space<vmem>>, vector<1x16xf32>,
      %swap3A_500 = vector.shape_cast %swap3A_499 : vector<1x16xf32> to vector<16xf32>
      %swap3A_501 = vector.shape_cast %broadcast_in_dim3A_492 : vector<16xf32> to vector<1x16xf32>
      tpu.vector_store %arg11[%swap3A_497, %swap3A_498], %swap3A_501 {strides = array<i32>} : memref<632x16xf32, #tpu.memory_space<vmem>>, vector<1x16xf32>,
      %broadcast_in_dim3A_502 = arith.constant 0.000000e+00 : f32
      %broadcast_in_dim3A_503 = vector.broadcast %broadcast_in_dim3A_502 : f32 to vector<16xf32>
      %mul3A_504 = arith.constant 8 : i32
      %mul3A_505 = arith.muli %scan3A_478, %mul3A_504 : i32
      %add3A_506 = arith.constant 2 : i32
      %add3A_507 = arith.addi %mul3A_505, %add3A_506 : i32
      %swap3A_508 = arith.index_cast %add3A_507 : i32 to index
      %swap3A_509 = arith.constant 0 : index
      %swap3A_510 = tpu.vector_load %arg11[%swap3A_508, %swap3A_509] {strides = array<i32>} : memref<632x16xf32, #tpu.memory_space<vmem>>, vector<1x16xf32>,
      %swap3A_511 = vector.shape_cast %swap3A_510 : vector<1x16xf32> to vector<16xf32>
      %swap3A_512 = vector.shape_cast %broadcast_in_dim3A_503 : vector<16xf32> to vector<1x16xf32>
      tpu.vector_store %arg11[%swap3A_508, %swap3A_509], %swap3A_512 {strides = array<i32>} : memref<632x16xf32, #tpu.memory_space<vmem>>, vector<1x16xf32>,
      %broadcast_in_dim3A_513 = arith.constant 0.000000e+00 : f32
      %broadcast_in_dim3A_514 = vector.broadcast %broadcast_in_dim3A_513 : f32 to vector<16xf32>
      %mul3A_515 = arith.constant 8 : i32
      %mul3A_516 = arith.muli %scan3A_478, %mul3A_515 : i32
      %add3A_517 = arith.constant 3 : i32
      %add3A_518 = arith.addi %mul3A_516, %add3A_517 : i32
      %swap3A_519 = arith.index_cast %add3A_518 : i32 to index
      %swap3A_520 = arith.constant 0 : index
      %swap3A_521 = tpu.vector_load %arg11[%swap3A_519, %swap3A_520] {strides = array<i32>} : memref<632x16xf32, #tpu.memory_space<vmem>>, vector<1x16xf32>,
      %swap3A_522 = vector.shape_cast %swap3A_521 : vector<1x16xf32> to vector<16xf32>
      %swap3A_523 = vector.shape_cast %broadcast_in_dim3A_514 : vector<16xf32> to vector<1x16xf32>
      tpu.vector_store %arg11[%swap3A_519, %swap3A_520], %swap3A_523 {strides = array<i32>} : memref<632x16xf32, #tpu.memory_space<vmem>>, vector<1x16xf32>,
      %broadcast_in_dim3A_524 = arith.constant 0.000000e+00 : f32
      %broadcast_in_dim3A_525 = vector.broadcast %broadcast_in_dim3A_524 : f32 to vector<16xf32>
      %mul3A_526 = arith.constant 8 : i32
      %mul3A_527 = arith.muli %scan3A_478, %mul3A_526 : i32
      %add3A_528 = arith.constant 4 : i32
      %add3A_529 = arith.addi %mul3A_527, %add3A_528 : i32
      %swap3A_530 = arith.index_cast %add3A_529 : i32 to index
      %swap3A_531 = arith.constant 0 : index
      %swap3A_532 = tpu.vector_load %arg11[%swap3A_530, %swap3A_531] {strides = array<i32>} : memref<632x16xf32, #tpu.memory_space<vmem>>, vector<1x16xf32>,
      %swap3A_533 = vector.shape_cast %swap3A_532 : vector<1x16xf32> to vector<16xf32>
      %swap3A_534 = vector.shape_cast %broadcast_in_dim3A_525 : vector<16xf32> to vector<1x16xf32>
      tpu.vector_store %arg11[%swap3A_530, %swap3A_531], %swap3A_534 {strides = array<i32>} : memref<632x16xf32, #tpu.memory_space<vmem>>, vector<1x16xf32>,
      %broadcast_in_dim3A_535 = arith.constant 0.000000e+00 : f32
      %broadcast_in_dim3A_536 = vector.broadcast %broadcast_in_dim3A_535 : f32 to vector<16xf32>
      %mul3A_537 = arith.constant 8 : i32
      %mul3A_538 = arith.muli %scan3A_478, %mul3A_537 : i32
      %add3A_539 = arith.constant 5 : i32
      %add3A_540 = arith.addi %mul3A_538, %add3A_539 : i32
      %swap3A_541 = arith.index_cast %add3A_540 : i32 to index
      %swap3A_542 = arith.constant 0 : index
      %swap3A_543 = tpu.vector_load %arg11[%swap3A_541, %swap3A_542] {strides = array<i32>} : memref<632x16xf32, #tpu.memory_space<vmem>>, vector<1x16xf32>,
      %swap3A_544 = vector.shape_cast %swap3A_543 : vector<1x16xf32> to vector<16xf32>
      %swap3A_545 = vector.shape_cast %broadcast_in_dim3A_536 : vector<16xf32> to vector<1x16xf32>
      tpu.vector_store %arg11[%swap3A_541, %swap3A_542], %swap3A_545 {strides = array<i32>} : memref<632x16xf32, #tpu.memory_space<vmem>>, vector<1x16xf32>,
      %broadcast_in_dim3A_546 = arith.constant 0.000000e+00 : f32
      %broadcast_in_dim3A_547 = vector.broadcast %broadcast_in_dim3A_546 : f32 to vector<16xf32>
      %mul3A_548 = arith.constant 8 : i32
      %mul3A_549 = arith.muli %scan3A_478, %mul3A_548 : i32
      %add3A_550 = arith.constant 6 : i32
      %add3A_551 = arith.addi %mul3A_549, %add3A_550 : i32
      %swap3A_552 = arith.index_cast %add3A_551 : i32 to index
      %swap3A_553 = arith.constant 0 : index
      %swap3A_554 = tpu.vector_load %arg11[%swap3A_552, %swap3A_553] {strides = array<i32>} : memref<632x16xf32, #tpu.memory_space<vmem>>, vector<1x16xf32>,
      %swap3A_555 = vector.shape_cast %swap3A_554 : vector<1x16xf32> to vector<16xf32>
      %swap3A_556 = vector.shape_cast %broadcast_in_dim3A_547 : vector<16xf32> to vector<1x16xf32>
      tpu.vector_store %arg11[%swap3A_552, %swap3A_553], %swap3A_556 {strides = array<i32>} : memref<632x16xf32, #tpu.memory_space<vmem>>, vector<1x16xf32>,
      %broadcast_in_dim3A_557 = arith.constant 0.000000e+00 : f32
      %broadcast_in_dim3A_558 = vector.broadcast %broadcast_in_dim3A_557 : f32 to vector<16xf32>
      %mul3A_559 = arith.constant 8 : i32
      %mul3A_560 = arith.muli %scan3A_478, %mul3A_559 : i32
      %add3A_561 = arith.constant 7 : i32
      %add3A_562 = arith.addi %mul3A_560, %add3A_561 : i32
      %swap3A_563 = arith.index_cast %add3A_562 : i32 to index
      %swap3A_564 = arith.constant 0 : index
      %swap3A_565 = tpu.vector_load %arg11[%swap3A_563, %swap3A_564] {strides = array<i32>} : memref<632x16xf32, #tpu.memory_space<vmem>>, vector<1x16xf32>,
      %swap3A_566 = vector.shape_cast %swap3A_565 : vector<1x16xf32> to vector<16xf32>
      %swap3A_567 = vector.shape_cast %broadcast_in_dim3A_558 : vector<16xf32> to vector<1x16xf32>
      tpu.vector_store %arg11[%swap3A_563, %swap3A_564], %swap3A_567 {strides = array<i32>} : memref<632x16xf32, #tpu.memory_space<vmem>>, vector<1x16xf32>,
      %scan3A_568 = arith.constant 0 : i32
      scf.yield %scan3A_568 : i32
    }
    %scan3A_16 = arith.constant 79 : i32
    %mul3A_17 = arith.constant 632 : i32
    %mul3A_18 = arith.muli %arg1, %mul3A_17 : i32
    "tpu.region"() ({
      %run_scoped3A_478 = tpu.sem_alloc : memref<!tpu.dma_semaphore, #tpu.memory_space<semaphore_mem>>
      %dma_start3A_479 = arith.constant 0 : i32
      %dma_start3A_480 = tpu.memref_slice %arg16[%mul3A_18, %dma_start3A_479] : memref<10112x16xf32, #tpu.memory_space<vmem_shared>> -> memref<632x16xf32, #tpu.memory_space<vmem_shared>>
      %dma_start3A_481 = arith.constant 0 : i32
      %dma_start3A_482 = tpu.memref_slice %arg16[%mul3A_18, %dma_start3A_481] : memref<10112x16xf32, #tpu.memory_space<vmem_shared>> -> memref<632x16xf32, #tpu.memory_space<vmem_shared>>
      tpu.enqueue_dma source(%arg11 : memref<632x16xf32, #tpu.memory_space<vmem>>) target(%dma_start3A_482 : memref<632x16xf32, #tpu.memory_space<vmem_shared>>) target_semaphore(%run_scoped3A_478 : memref<!tpu.dma_semaphore, #tpu.memory_space<semaphore_mem>>)
      %dma_wait3A_483 = arith.constant 0 : i32
      %dma_wait3A_484 = tpu.memref_slice %arg16[%mul3A_18, %dma_wait3A_483] : memref<10112x16xf32, #tpu.memory_space<vmem_shared>> -> memref<632x16xf32, #tpu.memory_space<vmem_shared>>
      %dma_wait3A_485 = arith.constant 0 : i32
      %dma_wait3A_486 = tpu.memref_slice %arg16[%mul3A_18, %dma_wait3A_485] : memref<10112x16xf32, #tpu.memory_space<vmem_shared>> -> memref<632x16xf32, #tpu.memory_space<vmem_shared>>
      tpu.wait_dma2 semaphore(%run_scoped3A_478 : memref<!tpu.dma_semaphore, #tpu.memory_space<semaphore_mem>>) src(%arg11 : memref<632x16xf32, #tpu.memory_space<vmem>>) dst(%dma_wait3A_486 : memref<632x16xf32, #tpu.memory_space<vmem_shared>>)
      tpu.yield
    }) : () -> ()
    %barrier3A = arith.constant 0 : index
    tpu.barrier barrier_id(%barrier3A)
    %mul3A_19 = arith.constant 10000 : i32
    %mul3A_20 = arith.muli %add3A, %mul3A_19 : i32
    %run_scoped3A_21 = arith.constant 0 : i32
    "tpu.region"() ({
      %run_scoped3A_478 = tpu.sem_alloc : memref<!tpu.dma_semaphore, #tpu.memory_space<semaphore_mem>>
      %dma_start3A_479 = arith.constant 0 : i32
      %dma_start3A_480 = tpu.memref_slice %arg8[%dma_start3A_479] : memref<10240xi32, #tpu.memory_space<vmem>> -> memref<10000xi32, #tpu.memory_space<vmem>>
      %dma_start3A_481 = tpu.memref_slice %arg6[%run_scoped3A_21, %mul3A_20] : memref<2x320000xi32, #tpu.memory_space<hbm>> -> memref<1x10000xi32, #tpu.memory_space<hbm>>
      %dma_start3A_482 = tpu.memref_squeeze %dma_start3A_481 : memref<1x10000xi32, #tpu.memory_space<hbm>> -> memref<10000xi32, #tpu.memory_space<hbm>>
      %dma_start3A_483 = arith.constant 0 : i32
      %dma_start3A_484 = tpu.memref_slice %arg8[%dma_start3A_483] : memref<10240xi32, #tpu.memory_space<vmem>> -> memref<10000xi32, #tpu.memory_space<vmem>>
      %dma_start3A_485 = tpu.memref_slice %arg6[%run_scoped3A_21, %mul3A_20] : memref<2x320000xi32, #tpu.memory_space<hbm>> -> memref<1x10000xi32, #tpu.memory_space<hbm>>
      %dma_start3A_486 = tpu.memref_squeeze %dma_start3A_485 : memref<1x10000xi32, #tpu.memory_space<hbm>> -> memref<10000xi32, #tpu.memory_space<hbm>>
      tpu.enqueue_dma source(%dma_start3A_486 : memref<10000xi32, #tpu.memory_space<hbm>>) target(%dma_start3A_484 : memref<10000xi32, #tpu.memory_space<vmem>>) target_semaphore(%run_scoped3A_478 : memref<!tpu.dma_semaphore, #tpu.memory_space<semaphore_mem>>)
      %dma_wait3A_487 = arith.constant 0 : i32
      %dma_wait3A_488 = tpu.memref_slice %arg8[%dma_wait3A_487] : memref<10240xi32, #tpu.memory_space<vmem>> -> memref<10000xi32, #tpu.memory_space<vmem>>
      %dma_wait3A_489 = tpu.memref_slice %arg6[%run_scoped3A_21, %mul3A_20] : memref<2x320000xi32, #tpu.memory_space<hbm>> -> memref<1x10000xi32, #tpu.memory_space<hbm>>
      %dma_wait3A_490 = tpu.memref_squeeze %dma_wait3A_489 : memref<1x10000xi32, #tpu.memory_space<hbm>> -> memref<10000xi32, #tpu.memory_space<hbm>>
      %dma_wait3A_491 = arith.constant 0 : i32
      %dma_wait3A_492 = tpu.memref_slice %arg8[%dma_wait3A_491] : memref<10240xi32, #tpu.memory_space<vmem>> -> memref<10000xi32, #tpu.memory_space<vmem>>
      %dma_wait3A_493 = tpu.memref_slice %arg6[%run_scoped3A_21, %mul3A_20] : memref<2x320000xi32, #tpu.memory_space<hbm>> -> memref<1x10000xi32, #tpu.memory_space<hbm>>
      %dma_wait3A_494 = tpu.memref_squeeze %dma_wait3A_493 : memref<1x10000xi32, #tpu.memory_space<hbm>> -> memref<10000xi32, #tpu.memory_space<hbm>>
      tpu.wait_dma2 semaphore(%run_scoped3A_478 : memref<!tpu.dma_semaphore, #tpu.memory_space<semaphore_mem>>) src(%dma_wait3A_494 : memref<10000xi32, #tpu.memory_space<hbm>>) dst(%dma_wait3A_492 : memref<10000xi32, #tpu.memory_space<vmem>>)
      tpu.yield
    }) : () -> ()
    %mul3A_22 = arith.constant 10000 : i32
    %mul3A_23 = arith.muli %add3A, %mul3A_22 : i32
    %run_scoped3A_24 = arith.constant 1 : i32
    "tpu.region"() ({
      %run_scoped3A_478 = tpu.sem_alloc : memref<!tpu.dma_semaphore, #tpu.memory_space<semaphore_mem>>
      %dma_start3A_479 = arith.constant 0 : i32
      %dma_start3A_480 = tpu.memref_slice %arg9[%dma_start3A_479] : memref<10240xi32, #tpu.memory_space<vmem>> -> memref<10000xi32, #tpu.memory_space<vmem>>
      %dma_start3A_481 = tpu.memref_slice %arg6[%run_scoped3A_24, %mul3A_23] : memref<2x320000xi32, #tpu.memory_space<hbm>> -> memref<1x10000xi32, #tpu.memory_space<hbm>>
      %dma_start3A_482 = tpu.memref_squeeze %dma_start3A_481 : memref<1x10000xi32, #tpu.memory_space<hbm>> -> memref<10000xi32, #tpu.memory_space<hbm>>
      %dma_start3A_483 = arith.constant 0 : i32
      %dma_start3A_484 = tpu.memref_slice %arg9[%dma_start3A_483] : memref<10240xi32, #tpu.memory_space<vmem>> -> memref<10000xi32, #tpu.memory_space<vmem>>
      %dma_start3A_485 = tpu.memref_slice %arg6[%run_scoped3A_24, %mul3A_23] : memref<2x320000xi32, #tpu.memory_space<hbm>> -> memref<1x10000xi32, #tpu.memory_space<hbm>>
      %dma_start3A_486 = tpu.memref_squeeze %dma_start3A_485 : memref<1x10000xi32, #tpu.memory_space<hbm>> -> memref<10000xi32, #tpu.memory_space<hbm>>
      tpu.enqueue_dma source(%dma_start3A_486 : memref<10000xi32, #tpu.memory_space<hbm>>) target(%dma_start3A_484 : memref<10000xi32, #tpu.memory_space<vmem>>) target_semaphore(%run_scoped3A_478 : memref<!tpu.dma_semaphore, #tpu.memory_space<semaphore_mem>>)
      %dma_wait3A_487 = arith.constant 0 : i32
      %dma_wait3A_488 = tpu.memref_slice %arg9[%dma_wait3A_487] : memref<10240xi32, #tpu.memory_space<vmem>> -> memref<10000xi32, #tpu.memory_space<vmem>>
      %dma_wait3A_489 = tpu.memref_slice %arg6[%run_scoped3A_24, %mul3A_23] : memref<2x320000xi32, #tpu.memory_space<hbm>> -> memref<1x10000xi32, #tpu.memory_space<hbm>>
      %dma_wait3A_490 = tpu.memref_squeeze %dma_wait3A_489 : memref<1x10000xi32, #tpu.memory_space<hbm>> -> memref<10000xi32, #tpu.memory_space<hbm>>
      %dma_wait3A_491 = arith.constant 0 : i32
      %dma_wait3A_492 = tpu.memref_slice %arg9[%dma_wait3A_491] : memref<10240xi32, #tpu.memory_space<vmem>> -> memref<10000xi32, #tpu.memory_space<vmem>>
      %dma_wait3A_493 = tpu.memref_slice %arg6[%run_scoped3A_24, %mul3A_23] : memref<2x320000xi32, #tpu.memory_space<hbm>> -> memref<1x10000xi32, #tpu.memory_space<hbm>>
      %dma_wait3A_494 = tpu.memref_squeeze %dma_wait3A_493 : memref<1x10000xi32, #tpu.memory_space<hbm>> -> memref<10000xi32, #tpu.memory_space<hbm>>
      tpu.wait_dma2 semaphore(%run_scoped3A_478 : memref<!tpu.dma_semaphore, #tpu.memory_space<semaphore_mem>>) src(%dma_wait3A_494 : memref<10000xi32, #tpu.memory_space<hbm>>) dst(%dma_wait3A_492 : memref<10000xi32, #tpu.memory_space<vmem>>)
      tpu.yield
    }) : () -> ()
    %broadcast_in_dim3A = arith.constant 10000 : i32
    %broadcast_in_dim3A_25 = vector.broadcast %broadcast_in_dim3A : i32 to vector<16xi32>
    %swap3A = arith.constant 10000 : index
    %swap3A_26 = tpu.vector_load %arg8[%swap3A] {strides = array<i32>} : memref<10240xi32, #tpu.memory_space<vmem>>, vector<16xi32>,
    %swap3A_27 = vector.shape_cast %swap3A_26 : vector<16xi32> to vector<16xi32>
    %swap3A_28 = vector.shape_cast %broadcast_in_dim3A_25 : vector<16xi32> to vector<16xi32>
    tpu.vector_store %arg8[%swap3A], %swap3A_28 {strides = array<i32>} : memref<10240xi32, #tpu.memory_space<vmem>>, vector<16xi32>,
    %broadcast_in_dim3A_29 = arith.constant 10000 : i32
    %broadcast_in_dim3A_30 = vector.broadcast %broadcast_in_dim3A_29 : i32 to vector<16xi32>
    %swap3A_31 = arith.constant 10016 : index
    %swap3A_32 = tpu.vector_load %arg8[%swap3A_31] {strides = array<i32>} : memref<10240xi32, #tpu.memory_space<vmem>>, vector<16xi32>,
    %swap3A_33 = vector.shape_cast %swap3A_32 : vector<16xi32> to vector<16xi32>
    %swap3A_34 = vector.shape_cast %broadcast_in_dim3A_30 : vector<16xi32> to vector<16xi32>
    tpu.vector_store %arg8[%swap3A_31], %swap3A_34 {strides = array<i32>} : memref<10240xi32, #tpu.memory_space<vmem>>, vector<16xi32>,
    %broadcast_in_dim3A_35 = arith.constant 10000 : i32
    %broadcast_in_dim3A_36 = vector.broadcast %broadcast_in_dim3A_35 : i32 to vector<16xi32>
    %swap3A_37 = arith.constant 10032 : index
    %swap3A_38 = tpu.vector_load %arg8[%swap3A_37] {strides = array<i32>} : memref<10240xi32, #tpu.memory_space<vmem>>, vector<16xi32>,
    %swap3A_39 = vector.shape_cast %swap3A_38 : vector<16xi32> to vector<16xi32>
    %swap3A_40 = vector.shape_cast %broadcast_in_dim3A_36 : vector<16xi32> to vector<16xi32>
    tpu.vector_store %arg8[%swap3A_37], %swap3A_40 {strides = array<i32>} : memref<10240xi32, #tpu.memory_space<vmem>>, vector<16xi32>,
    %broadcast_in_dim3A_41 = arith.constant 10000 : i32
    %broadcast_in_dim3A_42 = vector.broadcast %broadcast_in_dim3A_41 : i32 to vector<16xi32>
    %swap3A_43 = arith.constant 10048 : index
    %swap3A_44 = tpu.vector_load %arg8[%swap3A_43] {strides = array<i32>} : memref<10240xi32, #tpu.memory_space<vmem>>, vector<16xi32>,
    %swap3A_45 = vector.shape_cast %swap3A_44 : vector<16xi32> to vector<16xi32>
    %swap3A_46 = vector.shape_cast %broadcast_in_dim3A_42 : vector<16xi32> to vector<16xi32>
    tpu.vector_store %arg8[%swap3A_43], %swap3A_46 {strides = array<i32>} : memref<10240xi32, #tpu.memory_space<vmem>>, vector<16xi32>,
    %broadcast_in_dim3A_47 = arith.constant 10000 : i32
    %broadcast_in_dim3A_48 = vector.broadcast %broadcast_in_dim3A_47 : i32 to vector<16xi32>
    %swap3A_49 = arith.constant 10064 : index
    %swap3A_50 = tpu.vector_load %arg8[%swap3A_49] {strides = array<i32>} : memref<10240xi32, #tpu.memory_space<vmem>>, vector<16xi32>,
    %swap3A_51 = vector.shape_cast %swap3A_50 : vector<16xi32> to vector<16xi32>
    %swap3A_52 = vector.shape_cast %broadcast_in_dim3A_48 : vector<16xi32> to vector<16xi32>
    tpu.vector_store %arg8[%swap3A_49], %swap3A_52 {strides = array<i32>} : memref<10240xi32, #tpu.memory_space<vmem>>, vector<16xi32>,
    %broadcast_in_dim3A_53 = arith.constant 10000 : i32
    %broadcast_in_dim3A_54 = vector.broadcast %broadcast_in_dim3A_53 : i32 to vector<16xi32>
    %swap3A_55 = arith.constant 10080 : index
    %swap3A_56 = tpu.vector_load %arg8[%swap3A_55] {strides = array<i32>} : memref<10240xi32, #tpu.memory_space<vmem>>, vector<16xi32>,
    %swap3A_57 = vector.shape_cast %swap3A_56 : vector<16xi32> to vector<16xi32>
    %swap3A_58 = vector.shape_cast %broadcast_in_dim3A_54 : vector<16xi32> to vector<16xi32>
    tpu.vector_store %arg8[%swap3A_55], %swap3A_58 {strides = array<i32>} : memref<10240xi32, #tpu.memory_space<vmem>>, vector<16xi32>,
    %broadcast_in_dim3A_59 = arith.constant 10000 : i32
    %broadcast_in_dim3A_60 = vector.broadcast %broadcast_in_dim3A_59 : i32 to vector<16xi32>
    %swap3A_61 = arith.constant 10096 : index
    %swap3A_62 = tpu.vector_load %arg8[%swap3A_61] {strides = array<i32>} : memref<10240xi32, #tpu.memory_space<vmem>>, vector<16xi32>,
    %swap3A_63 = vector.shape_cast %swap3A_62 : vector<16xi32> to vector<16xi32>
    %swap3A_64 = vector.shape_cast %broadcast_in_dim3A_60 : vector<16xi32> to vector<16xi32>
    tpu.vector_store %arg8[%swap3A_61], %swap3A_64 {strides = array<i32>} : memref<10240xi32, #tpu.memory_space<vmem>>, vector<16xi32>,
    %broadcast_in_dim3A_65 = arith.constant 10000 : i32
    %broadcast_in_dim3A_66 = vector.broadcast %broadcast_in_dim3A_65 : i32 to vector<16xi32>
    %swap3A_67 = arith.constant 10112 : index
    %swap3A_68 = tpu.vector_load %arg8[%swap3A_67] {strides = array<i32>} : memref<10240xi32, #tpu.memory_space<vmem>>, vector<16xi32>,
    %swap3A_69 = vector.shape_cast %swap3A_68 : vector<16xi32> to vector<16xi32>
    %swap3A_70 = vector.shape_cast %broadcast_in_dim3A_66 : vector<16xi32> to vector<16xi32>
    tpu.vector_store %arg8[%swap3A_67], %swap3A_70 {strides = array<i32>} : memref<10240xi32, #tpu.memory_space<vmem>>, vector<16xi32>,
    %broadcast_in_dim3A_71 = arith.constant 10000 : i32
    %broadcast_in_dim3A_72 = vector.broadcast %broadcast_in_dim3A_71 : i32 to vector<16xi32>
    %swap3A_73 = arith.constant 10128 : index
    %swap3A_74 = tpu.vector_load %arg8[%swap3A_73] {strides = array<i32>} : memref<10240xi32, #tpu.memory_space<vmem>>, vector<16xi32>,
    %swap3A_75 = vector.shape_cast %swap3A_74 : vector<16xi32> to vector<16xi32>
    %swap3A_76 = vector.shape_cast %broadcast_in_dim3A_72 : vector<16xi32> to vector<16xi32>
    tpu.vector_store %arg8[%swap3A_73], %swap3A_76 {strides = array<i32>} : memref<10240xi32, #tpu.memory_space<vmem>>, vector<16xi32>,
    %broadcast_in_dim3A_77 = arith.constant 10000 : i32
    %broadcast_in_dim3A_78 = vector.broadcast %broadcast_in_dim3A_77 : i32 to vector<16xi32>
    %swap3A_79 = arith.constant 10144 : index
    %swap3A_80 = tpu.vector_load %arg8[%swap3A_79] {strides = array<i32>} : memref<10240xi32, #tpu.memory_space<vmem>>, vector<16xi32>,
    %swap3A_81 = vector.shape_cast %swap3A_80 : vector<16xi32> to vector<16xi32>
    %swap3A_82 = vector.shape_cast %broadcast_in_dim3A_78 : vector<16xi32> to vector<16xi32>
    tpu.vector_store %arg8[%swap3A_79], %swap3A_82 {strides = array<i32>} : memref<10240xi32, #tpu.memory_space<vmem>>, vector<16xi32>,
    %broadcast_in_dim3A_83 = arith.constant 10000 : i32
    %broadcast_in_dim3A_84 = vector.broadcast %broadcast_in_dim3A_83 : i32 to vector<16xi32>
    %swap3A_85 = arith.constant 10160 : index
    %swap3A_86 = tpu.vector_load %arg8[%swap3A_85] {strides = array<i32>} : memref<10240xi32, #tpu.memory_space<vmem>>, vector<16xi32>,
    %swap3A_87 = vector.shape_cast %swap3A_86 : vector<16xi32> to vector<16xi32>
    %swap3A_88 = vector.shape_cast %broadcast_in_dim3A_84 : vector<16xi32> to vector<16xi32>
    tpu.vector_store %arg8[%swap3A_85], %swap3A_88 {strides = array<i32>} : memref<10240xi32, #tpu.memory_space<vmem>>, vector<16xi32>,
    %broadcast_in_dim3A_89 = arith.constant 10000 : i32
    %broadcast_in_dim3A_90 = vector.broadcast %broadcast_in_dim3A_89 : i32 to vector<16xi32>
    %swap3A_91 = arith.constant 10176 : index
    %swap3A_92 = tpu.vector_load %arg8[%swap3A_91] {strides = array<i32>} : memref<10240xi32, #tpu.memory_space<vmem>>, vector<16xi32>,
    %swap3A_93 = vector.shape_cast %swap3A_92 : vector<16xi32> to vector<16xi32>
    %swap3A_94 = vector.shape_cast %broadcast_in_dim3A_90 : vector<16xi32> to vector<16xi32>
    tpu.vector_store %arg8[%swap3A_91], %swap3A_94 {strides = array<i32>} : memref<10240xi32, #tpu.memory_space<vmem>>, vector<16xi32>,
    %broadcast_in_dim3A_95 = arith.constant 10000 : i32
    %broadcast_in_dim3A_96 = vector.broadcast %broadcast_in_dim3A_95 : i32 to vector<16xi32>
    %swap3A_97 = arith.constant 10192 : index
    %swap3A_98 = tpu.vector_load %arg8[%swap3A_97] {strides = array<i32>} : memref<10240xi32, #tpu.memory_space<vmem>>, vector<16xi32>,
    %swap3A_99 = vector.shape_cast %swap3A_98 : vector<16xi32> to vector<16xi32>
    %swap3A_100 = vector.shape_cast %broadcast_in_dim3A_96 : vector<16xi32> to vector<16xi32>
    tpu.vector_store %arg8[%swap3A_97], %swap3A_100 {strides = array<i32>} : memref<10240xi32, #tpu.memory_space<vmem>>, vector<16xi32>,
    %broadcast_in_dim3A_101 = arith.constant 10000 : i32
    %broadcast_in_dim3A_102 = vector.broadcast %broadcast_in_dim3A_101 : i32 to vector<16xi32>
    %swap3A_103 = arith.constant 10208 : index
    %swap3A_104 = tpu.vector_load %arg8[%swap3A_103] {strides = array<i32>} : memref<10240xi32, #tpu.memory_space<vmem>>, vector<16xi32>,
    %swap3A_105 = vector.shape_cast %swap3A_104 : vector<16xi32> to vector<16xi32>
    %swap3A_106 = vector.shape_cast %broadcast_in_dim3A_102 : vector<16xi32> to vector<16xi32>
    tpu.vector_store %arg8[%swap3A_103], %swap3A_106 {strides = array<i32>} : memref<10240xi32, #tpu.memory_space<vmem>>, vector<16xi32>,
    %broadcast_in_dim3A_107 = arith.constant 10000 : i32
    %broadcast_in_dim3A_108 = vector.broadcast %broadcast_in_dim3A_107 : i32 to vector<16xi32>
    %swap3A_109 = arith.constant 10224 : index
    %swap3A_110 = tpu.vector_load %arg8[%swap3A_109] {strides = array<i32>} : memref<10240xi32, #tpu.memory_space<vmem>>, vector<16xi32>,
    %swap3A_111 = vector.shape_cast %swap3A_110 : vector<16xi32> to vector<16xi32>
    %swap3A_112 = vector.shape_cast %broadcast_in_dim3A_108 : vector<16xi32> to vector<16xi32>
    tpu.vector_store %arg8[%swap3A_109], %swap3A_112 {strides = array<i32>} : memref<10240xi32, #tpu.memory_space<vmem>>, vector<16xi32>,
    %broadcast_in_dim3A_113 = arith.constant 10000 : i32
    %broadcast_in_dim3A_114 = vector.broadcast %broadcast_in_dim3A_113 : i32 to vector<16xi32>
    %swap3A_115 = arith.constant 10000 : index
    %swap3A_116 = tpu.vector_load %arg9[%swap3A_115] {strides = array<i32>} : memref<10240xi32, #tpu.memory_space<vmem>>, vector<16xi32>,
    %swap3A_117 = vector.shape_cast %swap3A_116 : vector<16xi32> to vector<16xi32>
    %swap3A_118 = vector.shape_cast %broadcast_in_dim3A_114 : vector<16xi32> to vector<16xi32>
    tpu.vector_store %arg9[%swap3A_115], %swap3A_118 {strides = array<i32>} : memref<10240xi32, #tpu.memory_space<vmem>>, vector<16xi32>,
    %broadcast_in_dim3A_119 = arith.constant 10000 : i32
    %broadcast_in_dim3A_120 = vector.broadcast %broadcast_in_dim3A_119 : i32 to vector<16xi32>
    %swap3A_121 = arith.constant 10016 : index
    %swap3A_122 = tpu.vector_load %arg9[%swap3A_121] {strides = array<i32>} : memref<10240xi32, #tpu.memory_space<vmem>>, vector<16xi32>,
    %swap3A_123 = vector.shape_cast %swap3A_122 : vector<16xi32> to vector<16xi32>
    %swap3A_124 = vector.shape_cast %broadcast_in_dim3A_120 : vector<16xi32> to vector<16xi32>
    tpu.vector_store %arg9[%swap3A_121], %swap3A_124 {strides = array<i32>} : memref<10240xi32, #tpu.memory_space<vmem>>, vector<16xi32>,
    %broadcast_in_dim3A_125 = arith.constant 10000 : i32
    %broadcast_in_dim3A_126 = vector.broadcast %broadcast_in_dim3A_125 : i32 to vector<16xi32>
    %swap3A_127 = arith.constant 10032 : index
    %swap3A_128 = tpu.vector_load %arg9[%swap3A_127] {strides = array<i32>} : memref<10240xi32, #tpu.memory_space<vmem>>, vector<16xi32>,
    %swap3A_129 = vector.shape_cast %swap3A_128 : vector<16xi32> to vector<16xi32>
    %swap3A_130 = vector.shape_cast %broadcast_in_dim3A_126 : vector<16xi32> to vector<16xi32>
    tpu.vector_store %arg9[%swap3A_127], %swap3A_130 {strides = array<i32>} : memref<10240xi32, #tpu.memory_space<vmem>>, vector<16xi32>,
    %broadcast_in_dim3A_131 = arith.constant 10000 : i32
    %broadcast_in_dim3A_132 = vector.broadcast %broadcast_in_dim3A_131 : i32 to vector<16xi32>
    %swap3A_133 = arith.constant 10048 : index
    %swap3A_134 = tpu.vector_load %arg9[%swap3A_133] {strides = array<i32>} : memref<10240xi32, #tpu.memory_space<vmem>>, vector<16xi32>,
    %swap3A_135 = vector.shape_cast %swap3A_134 : vector<16xi32> to vector<16xi32>
    %swap3A_136 = vector.shape_cast %broadcast_in_dim3A_132 : vector<16xi32> to vector<16xi32>
    tpu.vector_store %arg9[%swap3A_133], %swap3A_136 {strides = array<i32>} : memref<10240xi32, #tpu.memory_space<vmem>>, vector<16xi32>,
    %broadcast_in_dim3A_137 = arith.constant 10000 : i32
    %broadcast_in_dim3A_138 = vector.broadcast %broadcast_in_dim3A_137 : i32 to vector<16xi32>
    %swap3A_139 = arith.constant 10064 : index
    %swap3A_140 = tpu.vector_load %arg9[%swap3A_139] {strides = array<i32>} : memref<10240xi32, #tpu.memory_space<vmem>>, vector<16xi32>,
    %swap3A_141 = vector.shape_cast %swap3A_140 : vector<16xi32> to vector<16xi32>
    %swap3A_142 = vector.shape_cast %broadcast_in_dim3A_138 : vector<16xi32> to vector<16xi32>
    tpu.vector_store %arg9[%swap3A_139], %swap3A_142 {strides = array<i32>} : memref<10240xi32, #tpu.memory_space<vmem>>, vector<16xi32>,
    %broadcast_in_dim3A_143 = arith.constant 10000 : i32
    %broadcast_in_dim3A_144 = vector.broadcast %broadcast_in_dim3A_143 : i32 to vector<16xi32>
    %swap3A_145 = arith.constant 10080 : index
    %swap3A_146 = tpu.vector_load %arg9[%swap3A_145] {strides = array<i32>} : memref<10240xi32, #tpu.memory_space<vmem>>, vector<16xi32>,
    %swap3A_147 = vector.shape_cast %swap3A_146 : vector<16xi32> to vector<16xi32>
    %swap3A_148 = vector.shape_cast %broadcast_in_dim3A_144 : vector<16xi32> to vector<16xi32>
    tpu.vector_store %arg9[%swap3A_145], %swap3A_148 {strides = array<i32>} : memref<10240xi32, #tpu.memory_space<vmem>>, vector<16xi32>,
    %broadcast_in_dim3A_149 = arith.constant 10000 : i32
    %broadcast_in_dim3A_150 = vector.broadcast %broadcast_in_dim3A_149 : i32 to vector<16xi32>
    %swap3A_151 = arith.constant 10096 : index
    %swap3A_152 = tpu.vector_load %arg9[%swap3A_151] {strides = array<i32>} : memref<10240xi32, #tpu.memory_space<vmem>>, vector<16xi32>,
    %swap3A_153 = vector.shape_cast %swap3A_152 : vector<16xi32> to vector<16xi32>
    %swap3A_154 = vector.shape_cast %broadcast_in_dim3A_150 : vector<16xi32> to vector<16xi32>
    tpu.vector_store %arg9[%swap3A_151], %swap3A_154 {strides = array<i32>} : memref<10240xi32, #tpu.memory_space<vmem>>, vector<16xi32>,
    %broadcast_in_dim3A_155 = arith.constant 10000 : i32
    %broadcast_in_dim3A_156 = vector.broadcast %broadcast_in_dim3A_155 : i32 to vector<16xi32>
    %swap3A_157 = arith.constant 10112 : index
    %swap3A_158 = tpu.vector_load %arg9[%swap3A_157] {strides = array<i32>} : memref<10240xi32, #tpu.memory_space<vmem>>, vector<16xi32>,
    %swap3A_159 = vector.shape_cast %swap3A_158 : vector<16xi32> to vector<16xi32>
    %swap3A_160 = vector.shape_cast %broadcast_in_dim3A_156 : vector<16xi32> to vector<16xi32>
    tpu.vector_store %arg9[%swap3A_157], %swap3A_160 {strides = array<i32>} : memref<10240xi32, #tpu.memory_space<vmem>>, vector<16xi32>,
    %broadcast_in_dim3A_161 = arith.constant 10000 : i32
    %broadcast_in_dim3A_162 = vector.broadcast %broadcast_in_dim3A_161 : i32 to vector<16xi32>
    %swap3A_163 = arith.constant 10128 : index
    %swap3A_164 = tpu.vector_load %arg9[%swap3A_163] {strides = array<i32>} : memref<10240xi32, #tpu.memory_space<vmem>>, vector<16xi32>,
    %swap3A_165 = vector.shape_cast %swap3A_164 : vector<16xi32> to vector<16xi32>
    %swap3A_166 = vector.shape_cast %broadcast_in_dim3A_162 : vector<16xi32> to vector<16xi32>
    tpu.vector_store %arg9[%swap3A_163], %swap3A_166 {strides = array<i32>} : memref<10240xi32, #tpu.memory_space<vmem>>, vector<16xi32>,
    %broadcast_in_dim3A_167 = arith.constant 10000 : i32
    %broadcast_in_dim3A_168 = vector.broadcast %broadcast_in_dim3A_167 : i32 to vector<16xi32>
    %swap3A_169 = arith.constant 10144 : index
    %swap3A_170 = tpu.vector_load %arg9[%swap3A_169] {strides = array<i32>} : memref<10240xi32, #tpu.memory_space<vmem>>, vector<16xi32>,
    %swap3A_171 = vector.shape_cast %swap3A_170 : vector<16xi32> to vector<16xi32>
    %swap3A_172 = vector.shape_cast %broadcast_in_dim3A_168 : vector<16xi32> to vector<16xi32>
    tpu.vector_store %arg9[%swap3A_169], %swap3A_172 {strides = array<i32>} : memref<10240xi32, #tpu.memory_space<vmem>>, vector<16xi32>,
    %broadcast_in_dim3A_173 = arith.constant 10000 : i32
    %broadcast_in_dim3A_174 = vector.broadcast %broadcast_in_dim3A_173 : i32 to vector<16xi32>
    %swap3A_175 = arith.constant 10160 : index
    %swap3A_176 = tpu.vector_load %arg9[%swap3A_175] {strides = array<i32>} : memref<10240xi32, #tpu.memory_space<vmem>>, vector<16xi32>,
    %swap3A_177 = vector.shape_cast %swap3A_176 : vector<16xi32> to vector<16xi32>
    %swap3A_178 = vector.shape_cast %broadcast_in_dim3A_174 : vector<16xi32> to vector<16xi32>
    tpu.vector_store %arg9[%swap3A_175], %swap3A_178 {strides = array<i32>} : memref<10240xi32, #tpu.memory_space<vmem>>, vector<16xi32>,
    %broadcast_in_dim3A_179 = arith.constant 10000 : i32
    %broadcast_in_dim3A_180 = vector.broadcast %broadcast_in_dim3A_179 : i32 to vector<16xi32>
    %swap3A_181 = arith.constant 10176 : index
    %swap3A_182 = tpu.vector_load %arg9[%swap3A_181] {strides = array<i32>} : memref<10240xi32, #tpu.memory_space<vmem>>, vector<16xi32>,
    %swap3A_183 = vector.shape_cast %swap3A_182 : vector<16xi32> to vector<16xi32>
    %swap3A_184 = vector.shape_cast %broadcast_in_dim3A_180 : vector<16xi32> to vector<16xi32>
    tpu.vector_store %arg9[%swap3A_181], %swap3A_184 {strides = array<i32>} : memref<10240xi32, #tpu.memory_space<vmem>>, vector<16xi32>,
    %broadcast_in_dim3A_185 = arith.constant 10000 : i32
    %broadcast_in_dim3A_186 = vector.broadcast %broadcast_in_dim3A_185 : i32 to vector<16xi32>
    %swap3A_187 = arith.constant 10192 : index
    %swap3A_188 = tpu.vector_load %arg9[%swap3A_187] {strides = array<i32>} : memref<10240xi32, #tpu.memory_space<vmem>>, vector<16xi32>,
    %swap3A_189 = vector.shape_cast %swap3A_188 : vector<16xi32> to vector<16xi32>
    %swap3A_190 = vector.shape_cast %broadcast_in_dim3A_186 : vector<16xi32> to vector<16xi32>
    tpu.vector_store %arg9[%swap3A_187], %swap3A_190 {strides = array<i32>} : memref<10240xi32, #tpu.memory_space<vmem>>, vector<16xi32>,
    %broadcast_in_dim3A_191 = arith.constant 10000 : i32
    %broadcast_in_dim3A_192 = vector.broadcast %broadcast_in_dim3A_191 : i32 to vector<16xi32>
    %swap3A_193 = arith.constant 10208 : index
    %swap3A_194 = tpu.vector_load %arg9[%swap3A_193] {strides = array<i32>} : memref<10240xi32, #tpu.memory_space<vmem>>, vector<16xi32>,
    %swap3A_195 = vector.shape_cast %swap3A_194 : vector<16xi32> to vector<16xi32>
    %swap3A_196 = vector.shape_cast %broadcast_in_dim3A_192 : vector<16xi32> to vector<16xi32>
    tpu.vector_store %arg9[%swap3A_193], %swap3A_196 {strides = array<i32>} : memref<10240xi32, #tpu.memory_space<vmem>>, vector<16xi32>,
    %broadcast_in_dim3A_197 = arith.constant 10000 : i32
    %broadcast_in_dim3A_198 = vector.broadcast %broadcast_in_dim3A_197 : i32 to vector<16xi32>
    %swap3A_199 = arith.constant 10224 : index
    %swap3A_200 = tpu.vector_load %arg9[%swap3A_199] {strides = array<i32>} : memref<10240xi32, #tpu.memory_space<vmem>>, vector<16xi32>,
    %swap3A_201 = vector.shape_cast %swap3A_200 : vector<16xi32> to vector<16xi32>
    %swap3A_202 = vector.shape_cast %broadcast_in_dim3A_198 : vector<16xi32> to vector<16xi32>
    tpu.vector_store %arg9[%swap3A_199], %swap3A_202 {strides = array<i32>} : memref<10240xi32, #tpu.memory_space<vmem>>, vector<16xi32>,
    %dma_start3A = arith.constant 0 : i32
    %dma_start3A_203 = arith.constant 0 : i32
    %dma_start3A_204 = arith.constant 0 : i32
    %dma_start3A_205 = arith.constant 0 : i32
    %dma_start3A_206 = tpu.memref_slice %arg10[%dma_start3A, %dma_start3A_204, %dma_start3A_205] : memref<5x512x16xf32, #tpu.memory_space<vmem>> -> memref<1x512x16xf32, #tpu.memory_space<vmem>>
    %dma_start3A_207 = tpu.memref_squeeze %dma_start3A_206 : memref<1x512x16xf32, #tpu.memory_space<vmem>> -> memref<512x16xf32, #tpu.memory_space<vmem>>
    %dma_start3A_208 = arith.constant 0 : i32
    %dma_start3A_209 = tpu.memref_slice %arg8[%dma_start3A_208] : memref<10240xi32, #tpu.memory_space<vmem>> -> memref<512xi32, #tpu.memory_space<vmem>>
    %dma_start3A_210 = arith.constant 0 : i32
    %dma_start3A_211 = arith.constant 0 : i32
    %dma_start3A_212 = tpu.memref_slice %arg17[%dma_start3A_210, %dma_start3A_211] : memref<10112x16xf32, #tpu.memory_space<vmem_shared>> -> memref<10112x16xf32, #tpu.memory_space<vmem_shared>>
    %dma_start3A_213 = tpu.memref_slice %arg18[%dma_start3A_203] : memref<5x!tpu.dma_semaphore, #tpu.memory_space<semaphore_mem>> -> memref<1x!tpu.dma_semaphore, #tpu.memory_space<semaphore_mem>>
    %dma_start3A_214 = tpu.memref_squeeze %dma_start3A_213 : memref<1x!tpu.dma_semaphore, #tpu.memory_space<semaphore_mem>> -> memref<!tpu.dma_semaphore, #tpu.memory_space<semaphore_mem>>
    tpu.enqueue_indirect_dma source(%dma_start3A_212 : memref<10112x16xf32, #tpu.memory_space<vmem_shared>>) target(%dma_start3A_207 : memref<512x16xf32, #tpu.memory_space<vmem>>) offsets(%dma_start3A_209 : memref<512xi32, #tpu.memory_space<vmem>>) semaphore(%dma_start3A_214 : memref<!tpu.dma_semaphore, #tpu.memory_space<semaphore_mem>>)
    %dma_start3A_215 = arith.constant 1 : i32
    %dma_start3A_216 = arith.constant 1 : i32
    %dma_start3A_217 = arith.constant 0 : i32
    %dma_start3A_218 = arith.constant 0 : i32
    %dma_start3A_219 = tpu.memref_slice %arg10[%dma_start3A_215, %dma_start3A_217, %dma_start3A_218] : memref<5x512x16xf32, #tpu.memory_space<vmem>> -> memref<1x512x16xf32, #tpu.memory_space<vmem>>
    %dma_start3A_220 = tpu.memref_squeeze %dma_start3A_219 : memref<1x512x16xf32, #tpu.memory_space<vmem>> -> memref<512x16xf32, #tpu.memory_space<vmem>>
    %dma_start3A_221 = arith.constant 512 : i32
    %dma_start3A_222 = tpu.memref_slice %arg8[%dma_start3A_221] : memref<10240xi32, #tpu.memory_space<vmem>> -> memref<512xi32, #tpu.memory_space<vmem>>
    %dma_start3A_223 = arith.constant 0 : i32
    %dma_start3A_224 = arith.constant 0 : i32
    %dma_start3A_225 = tpu.memref_slice %arg17[%dma_start3A_223, %dma_start3A_224] : memref<10112x16xf32, #tpu.memory_space<vmem_shared>> -> memref<10112x16xf32, #tpu.memory_space<vmem_shared>>
    %dma_start3A_226 = tpu.memref_slice %arg18[%dma_start3A_216] : memref<5x!tpu.dma_semaphore, #tpu.memory_space<semaphore_mem>> -> memref<1x!tpu.dma_semaphore, #tpu.memory_space<semaphore_mem>>
    %dma_start3A_227 = tpu.memref_squeeze %dma_start3A_226 : memref<1x!tpu.dma_semaphore, #tpu.memory_space<semaphore_mem>> -> memref<!tpu.dma_semaphore, #tpu.memory_space<semaphore_mem>>
    tpu.enqueue_indirect_dma source(%dma_start3A_225 : memref<10112x16xf32, #tpu.memory_space<vmem_shared>>) target(%dma_start3A_220 : memref<512x16xf32, #tpu.memory_space<vmem>>) offsets(%dma_start3A_222 : memref<512xi32, #tpu.memory_space<vmem>>) semaphore(%dma_start3A_227 : memref<!tpu.dma_semaphore, #tpu.memory_space<semaphore_mem>>)
    %dma_start3A_228 = arith.constant 2 : i32
    %dma_start3A_229 = arith.constant 2 : i32
    %dma_start3A_230 = arith.constant 0 : i32
    %dma_start3A_231 = arith.constant 0 : i32
    %dma_start3A_232 = tpu.memref_slice %arg10[%dma_start3A_228, %dma_start3A_230, %dma_start3A_231] : memref<5x512x16xf32, #tpu.memory_space<vmem>> -> memref<1x512x16xf32, #tpu.memory_space<vmem>>
    %dma_start3A_233 = tpu.memref_squeeze %dma_start3A_232 : memref<1x512x16xf32, #tpu.memory_space<vmem>> -> memref<512x16xf32, #tpu.memory_space<vmem>>
    %dma_start3A_234 = arith.constant 1024 : i32
    %dma_start3A_235 = tpu.memref_slice %arg8[%dma_start3A_234] : memref<10240xi32, #tpu.memory_space<vmem>> -> memref<512xi32, #tpu.memory_space<vmem>>
    %dma_start3A_236 = arith.constant 0 : i32
    %dma_start3A_237 = arith.constant 0 : i32
    %dma_start3A_238 = tpu.memref_slice %arg17[%dma_start3A_236, %dma_start3A_237] : memref<10112x16xf32, #tpu.memory_space<vmem_shared>> -> memref<10112x16xf32, #tpu.memory_space<vmem_shared>>
    %dma_start3A_239 = tpu.memref_slice %arg18[%dma_start3A_229] : memref<5x!tpu.dma_semaphore, #tpu.memory_space<semaphore_mem>> -> memref<1x!tpu.dma_semaphore, #tpu.memory_space<semaphore_mem>>
    %dma_start3A_240 = tpu.memref_squeeze %dma_start3A_239 : memref<1x!tpu.dma_semaphore, #tpu.memory_space<semaphore_mem>> -> memref<!tpu.dma_semaphore, #tpu.memory_space<semaphore_mem>>
    tpu.enqueue_indirect_dma source(%dma_start3A_238 : memref<10112x16xf32, #tpu.memory_space<vmem_shared>>) target(%dma_start3A_233 : memref<512x16xf32, #tpu.memory_space<vmem>>) offsets(%dma_start3A_235 : memref<512xi32, #tpu.memory_space<vmem>>) semaphore(%dma_start3A_240 : memref<!tpu.dma_semaphore, #tpu.memory_space<semaphore_mem>>)
    %dma_start3A_241 = arith.constant 3 : i32
    %dma_start3A_242 = arith.constant 3 : i32
    %dma_start3A_243 = arith.constant 0 : i32
    %dma_start3A_244 = arith.constant 0 : i32
    %dma_start3A_245 = tpu.memref_slice %arg10[%dma_start3A_241, %dma_start3A_243, %dma_start3A_244] : memref<5x512x16xf32, #tpu.memory_space<vmem>> -> memref<1x512x16xf32, #tpu.memory_space<vmem>>
    %dma_start3A_246 = tpu.memref_squeeze %dma_start3A_245 : memref<1x512x16xf32, #tpu.memory_space<vmem>> -> memref<512x16xf32, #tpu.memory_space<vmem>>
    %dma_start3A_247 = arith.constant 1536 : i32
    %dma_start3A_248 = tpu.memref_slice %arg8[%dma_start3A_247] : memref<10240xi32, #tpu.memory_space<vmem>> -> memref<512xi32, #tpu.memory_space<vmem>>
    %dma_start3A_249 = arith.constant 0 : i32
    %dma_start3A_250 = arith.constant 0 : i32
    %dma_start3A_251 = tpu.memref_slice %arg17[%dma_start3A_249, %dma_start3A_250] : memref<10112x16xf32, #tpu.memory_space<vmem_shared>> -> memref<10112x16xf32, #tpu.memory_space<vmem_shared>>
    %dma_start3A_252 = tpu.memref_slice %arg18[%dma_start3A_242] : memref<5x!tpu.dma_semaphore, #tpu.memory_space<semaphore_mem>> -> memref<1x!tpu.dma_semaphore, #tpu.memory_space<semaphore_mem>>
    %dma_start3A_253 = tpu.memref_squeeze %dma_start3A_252 : memref<1x!tpu.dma_semaphore, #tpu.memory_space<semaphore_mem>> -> memref<!tpu.dma_semaphore, #tpu.memory_space<semaphore_mem>>
    tpu.enqueue_indirect_dma source(%dma_start3A_251 : memref<10112x16xf32, #tpu.memory_space<vmem_shared>>) target(%dma_start3A_246 : memref<512x16xf32, #tpu.memory_space<vmem>>) offsets(%dma_start3A_248 : memref<512xi32, #tpu.memory_space<vmem>>) semaphore(%dma_start3A_253 : memref<!tpu.dma_semaphore, #tpu.memory_space<semaphore_mem>>)
    %dma_start3A_254 = arith.constant 4 : i32
    %dma_start3A_255 = arith.constant 4 : i32
    %dma_start3A_256 = arith.constant 0 : i32
    %dma_start3A_257 = arith.constant 0 : i32
    %dma_start3A_258 = tpu.memref_slice %arg10[%dma_start3A_254, %dma_start3A_256, %dma_start3A_257] : memref<5x512x16xf32, #tpu.memory_space<vmem>> -> memref<1x512x16xf32, #tpu.memory_space<vmem>>
    %dma_start3A_259 = tpu.memref_squeeze %dma_start3A_258 : memref<1x512x16xf32, #tpu.memory_space<vmem>> -> memref<512x16xf32, #tpu.memory_space<vmem>>
    %dma_start3A_260 = arith.constant 2048 : i32
    %dma_start3A_261 = tpu.memref_slice %arg8[%dma_start3A_260] : memref<10240xi32, #tpu.memory_space<vmem>> -> memref<512xi32, #tpu.memory_space<vmem>>
    %dma_start3A_262 = arith.constant 0 : i32
    %dma_start3A_263 = arith.constant 0 : i32
    %dma_start3A_264 = tpu.memref_slice %arg17[%dma_start3A_262, %dma_start3A_263] : memref<10112x16xf32, #tpu.memory_space<vmem_shared>> -> memref<10112x16xf32, #tpu.memory_space<vmem_shared>>
    %dma_start3A_265 = tpu.memref_slice %arg18[%dma_start3A_255] : memref<5x!tpu.dma_semaphore, #tpu.memory_space<semaphore_mem>> -> memref<1x!tpu.dma_semaphore, #tpu.memory_space<semaphore_mem>>
    %dma_start3A_266 = tpu.memref_squeeze %dma_start3A_265 : memref<1x!tpu.dma_semaphore, #tpu.memory_space<semaphore_mem>> -> memref<!tpu.dma_semaphore, #tpu.memory_space<semaphore_mem>>
    tpu.enqueue_indirect_dma source(%dma_start3A_264 : memref<10112x16xf32, #tpu.memory_space<vmem_shared>>) target(%dma_start3A_259 : memref<512x16xf32, #tpu.memory_space<vmem>>) offsets(%dma_start3A_261 : memref<512xi32, #tpu.memory_space<vmem>>) semaphore(%dma_start3A_266 : memref<!tpu.dma_semaphore, #tpu.memory_space<semaphore_mem>>)
    %scan3A_267 = arith.constant 0 : i32
    %scan3A_268 = arith.constant 0 : i32
    %scan3A_269 = arith.constant 3 : i32
    %scan3A_270 = arith.addi %scan3A_268, %scan3A_269 : i32
    %scan3A_271 = arith.constant 1 : i32
    %scan3A_272 = scf.for %scan3A_478 = %scan3A_268 to %scan3A_270 step %scan3A_271 iter_args(%scan3A_479 = %scan3A_267) -> (i32)  : i32 {
      %mul3A_480 = arith.constant 5 : i32
      %mul3A_481 = arith.muli %scan3A_478, %mul3A_480 : i32
      %add3A_482 = arith.constant 0 : i32
      %add3A_483 = arith.addi %mul3A_481, %add3A_482 : i32
      %mul3A_484 = arith.constant 512 : i32
      %mul3A_485 = arith.muli %add3A_483, %mul3A_484 : i32
      %dma_wait3A_486 = arith.constant 0 : i32
      %dma_wait3A_487 = arith.constant 0 : i32
      %dma_wait3A_488 = arith.constant 0 : i32
      %dma_wait3A_489 = arith.constant 0 : i32
      %dma_wait3A_490 = tpu.memref_slice %arg10[%dma_wait3A_486, %dma_wait3A_488, %dma_wait3A_489] : memref<5x512x16xf32, #tpu.memory_space<vmem>> -> memref<1x512x16xf32, #tpu.memory_space<vmem>>
      %dma_wait3A_491 = tpu.memref_squeeze %dma_wait3A_490 : memref<1x512x16xf32, #tpu.memory_space<vmem>> -> memref<512x16xf32, #tpu.memory_space<vmem>>
      %dma_wait3A_492 = tpu.memref_slice %arg8[%mul3A_485] : memref<10240xi32, #tpu.memory_space<vmem>> -> memref<512xi32, #tpu.memory_space<vmem>>
      %dma_wait3A_493 = arith.constant 0 : i32
      %dma_wait3A_494 = arith.constant 0 : i32
      %dma_wait3A_495 = tpu.memref_slice %arg17[%dma_wait3A_493, %dma_wait3A_494] : memref<10112x16xf32, #tpu.memory_space<vmem_shared>> -> memref<10112x16xf32, #tpu.memory_space<vmem_shared>>
      %dma_wait3A_496 = tpu.memref_slice %arg18[%dma_wait3A_487] : memref<5x!tpu.dma_semaphore, #tpu.memory_space<semaphore_mem>> -> memref<1x!tpu.dma_semaphore, #tpu.memory_space<semaphore_mem>>
      %dma_wait3A_497 = tpu.memref_squeeze %dma_wait3A_496 : memref<1x!tpu.dma_semaphore, #tpu.memory_space<semaphore_mem>> -> memref<!tpu.dma_semaphore, #tpu.memory_space<semaphore_mem>>
      tpu.wait_indirect_dma semaphore(%dma_wait3A_497 : memref<!tpu.dma_semaphore, #tpu.memory_space<semaphore_mem>>) src(%dma_wait3A_495 : memref<10112x16xf32, #tpu.memory_space<vmem_shared>>) dst(%dma_wait3A_491 : memref<512x16xf32, #tpu.memory_space<vmem>>)
      %mul3A_498 = arith.constant 512 : i32
      %mul3A_499 = arith.muli %add3A_483, %mul3A_498 : i32
      %dma_start3A_500 = arith.constant 0 : i32
      %dma_start3A_501 = arith.constant 0 : i32
      %dma_start3A_502 = arith.constant 0 : i32
      %dma_start3A_503 = arith.constant 0 : i32
      %dma_start3A_504 = tpu.memref_slice %arg10[%dma_start3A_500, %dma_start3A_502, %dma_start3A_503] : memref<5x512x16xf32, #tpu.memory_space<vmem>> -> memref<1x512x16xf32, #tpu.memory_space<vmem>>
      %dma_start3A_505 = tpu.memref_squeeze %dma_start3A_504 : memref<1x512x16xf32, #tpu.memory_space<vmem>> -> memref<512x16xf32, #tpu.memory_space<vmem>>
      %dma_start3A_506 = tpu.memref_slice %arg9[%mul3A_499] : memref<10240xi32, #tpu.memory_space<vmem>> -> memref<512xi32, #tpu.memory_space<vmem>>
      %dma_start3A_507 = arith.constant 0 : i32
      %dma_start3A_508 = arith.constant 0 : i32
      %dma_start3A_509 = tpu.memref_slice %arg16[%dma_start3A_507, %dma_start3A_508] : memref<10112x16xf32, #tpu.memory_space<vmem_shared>> -> memref<10112x16xf32, #tpu.memory_space<vmem_shared>>
      %dma_start3A_510 = tpu.memref_slice %arg19[%dma_start3A_501] : memref<5x!tpu.dma_semaphore, #tpu.memory_space<semaphore_mem>> -> memref<1x!tpu.dma_semaphore, #tpu.memory_space<semaphore_mem>>
      %dma_start3A_511 = tpu.memref_squeeze %dma_start3A_510 : memref<1x!tpu.dma_semaphore, #tpu.memory_space<semaphore_mem>> -> memref<!tpu.dma_semaphore, #tpu.memory_space<semaphore_mem>>
      tpu.enqueue_indirect_dma source(%dma_start3A_505 : memref<512x16xf32, #tpu.memory_space<vmem>>) target(%dma_start3A_509 : memref<10112x16xf32, #tpu.memory_space<vmem_shared>>) offsets(%dma_start3A_506 : memref<512xi32, #tpu.memory_space<vmem>>) semaphore(%dma_start3A_511 : memref<!tpu.dma_semaphore, #tpu.memory_space<semaphore_mem>>) {add = true}
      %mul3A_512 = arith.constant 5 : i32
      %mul3A_513 = arith.muli %scan3A_478, %mul3A_512 : i32
      %add3A_514 = arith.constant 1 : i32
      %add3A_515 = arith.addi %mul3A_513, %add3A_514 : i32
      %mul3A_516 = arith.constant 512 : i32
      %mul3A_517 = arith.muli %add3A_515, %mul3A_516 : i32
      %dma_wait3A_518 = arith.constant 1 : i32
      %dma_wait3A_519 = arith.constant 1 : i32
      %dma_wait3A_520 = arith.constant 0 : i32
      %dma_wait3A_521 = arith.constant 0 : i32
      %dma_wait3A_522 = tpu.memref_slice %arg10[%dma_wait3A_518, %dma_wait3A_520, %dma_wait3A_521] : memref<5x512x16xf32, #tpu.memory_space<vmem>> -> memref<1x512x16xf32, #tpu.memory_space<vmem>>
      %dma_wait3A_523 = tpu.memref_squeeze %dma_wait3A_522 : memref<1x512x16xf32, #tpu.memory_space<vmem>> -> memref<512x16xf32, #tpu.memory_space<vmem>>
      %dma_wait3A_524 = tpu.memref_slice %arg8[%mul3A_517] : memref<10240xi32, #tpu.memory_space<vmem>> -> memref<512xi32, #tpu.memory_space<vmem>>
      %dma_wait3A_525 = arith.constant 0 : i32
      %dma_wait3A_526 = arith.constant 0 : i32
      %dma_wait3A_527 = tpu.memref_slice %arg17[%dma_wait3A_525, %dma_wait3A_526] : memref<10112x16xf32, #tpu.memory_space<vmem_shared>> -> memref<10112x16xf32, #tpu.memory_space<vmem_shared>>
      %dma_wait3A_528 = tpu.memref_slice %arg18[%dma_wait3A_519] : memref<5x!tpu.dma_semaphore, #tpu.memory_space<semaphore_mem>> -> memref<1x!tpu.dma_semaphore, #tpu.memory_space<semaphore_mem>>
      %dma_wait3A_529 = tpu.memref_squeeze %dma_wait3A_528 : memref<1x!tpu.dma_semaphore, #tpu.memory_space<semaphore_mem>> -> memref<!tpu.dma_semaphore, #tpu.memory_space<semaphore_mem>>
      tpu.wait_indirect_dma semaphore(%dma_wait3A_529 : memref<!tpu.dma_semaphore, #tpu.memory_space<semaphore_mem>>) src(%dma_wait3A_527 : memref<10112x16xf32, #tpu.memory_space<vmem_shared>>) dst(%dma_wait3A_523 : memref<512x16xf32, #tpu.memory_space<vmem>>)
      %mul3A_530 = arith.constant 512 : i32
      %mul3A_531 = arith.muli %add3A_515, %mul3A_530 : i32
      %dma_start3A_532 = arith.constant 1 : i32
      %dma_start3A_533 = arith.constant 1 : i32
      %dma_start3A_534 = arith.constant 0 : i32
      %dma_start3A_535 = arith.constant 0 : i32
      %dma_start3A_536 = tpu.memref_slice %arg10[%dma_start3A_532, %dma_start3A_534, %dma_start3A_535] : memref<5x512x16xf32, #tpu.memory_space<vmem>> -> memref<1x512x16xf32, #tpu.memory_space<vmem>>
      %dma_start3A_537 = tpu.memref_squeeze %dma_start3A_536 : memref<1x512x16xf32, #tpu.memory_space<vmem>> -> memref<512x16xf32, #tpu.memory_space<vmem>>
      %dma_start3A_538 = tpu.memref_slice %arg9[%mul3A_531] : memref<10240xi32, #tpu.memory_space<vmem>> -> memref<512xi32, #tpu.memory_space<vmem>>
      %dma_start3A_539 = arith.constant 0 : i32
      %dma_start3A_540 = arith.constant 0 : i32
      %dma_start3A_541 = tpu.memref_slice %arg16[%dma_start3A_539, %dma_start3A_540] : memref<10112x16xf32, #tpu.memory_space<vmem_shared>> -> memref<10112x16xf32, #tpu.memory_space<vmem_shared>>
      %dma_start3A_542 = tpu.memref_slice %arg19[%dma_start3A_533] : memref<5x!tpu.dma_semaphore, #tpu.memory_space<semaphore_mem>> -> memref<1x!tpu.dma_semaphore, #tpu.memory_space<semaphore_mem>>
      %dma_start3A_543 = tpu.memref_squeeze %dma_start3A_542 : memref<1x!tpu.dma_semaphore, #tpu.memory_space<semaphore_mem>> -> memref<!tpu.dma_semaphore, #tpu.memory_space<semaphore_mem>>
      tpu.enqueue_indirect_dma source(%dma_start3A_537 : memref<512x16xf32, #tpu.memory_space<vmem>>) target(%dma_start3A_541 : memref<10112x16xf32, #tpu.memory_space<vmem_shared>>) offsets(%dma_start3A_538 : memref<512xi32, #tpu.memory_space<vmem>>) semaphore(%dma_start3A_543 : memref<!tpu.dma_semaphore, #tpu.memory_space<semaphore_mem>>) {add = true}
      %mul3A_544 = arith.constant 5 : i32
      %mul3A_545 = arith.muli %scan3A_478, %mul3A_544 : i32
      %add3A_546 = arith.constant 2 : i32
      %add3A_547 = arith.addi %mul3A_545, %add3A_546 : i32
      %mul3A_548 = arith.constant 512 : i32
      %mul3A_549 = arith.muli %add3A_547, %mul3A_548 : i32
      %dma_wait3A_550 = arith.constant 2 : i32
      %dma_wait3A_551 = arith.constant 2 : i32
      %dma_wait3A_552 = arith.constant 0 : i32
      %dma_wait3A_553 = arith.constant 0 : i32
      %dma_wait3A_554 = tpu.memref_slice %arg10[%dma_wait3A_550, %dma_wait3A_552, %dma_wait3A_553] : memref<5x512x16xf32, #tpu.memory_space<vmem>> -> memref<1x512x16xf32, #tpu.memory_space<vmem>>
      %dma_wait3A_555 = tpu.memref_squeeze %dma_wait3A_554 : memref<1x512x16xf32, #tpu.memory_space<vmem>> -> memref<512x16xf32, #tpu.memory_space<vmem>>
      %dma_wait3A_556 = tpu.memref_slice %arg8[%mul3A_549] : memref<10240xi32, #tpu.memory_space<vmem>> -> memref<512xi32, #tpu.memory_space<vmem>>
      %dma_wait3A_557 = arith.constant 0 : i32
      %dma_wait3A_558 = arith.constant 0 : i32
      %dma_wait3A_559 = tpu.memref_slice %arg17[%dma_wait3A_557, %dma_wait3A_558] : memref<10112x16xf32, #tpu.memory_space<vmem_shared>> -> memref<10112x16xf32, #tpu.memory_space<vmem_shared>>
      %dma_wait3A_560 = tpu.memref_slice %arg18[%dma_wait3A_551] : memref<5x!tpu.dma_semaphore, #tpu.memory_space<semaphore_mem>> -> memref<1x!tpu.dma_semaphore, #tpu.memory_space<semaphore_mem>>
      %dma_wait3A_561 = tpu.memref_squeeze %dma_wait3A_560 : memref<1x!tpu.dma_semaphore, #tpu.memory_space<semaphore_mem>> -> memref<!tpu.dma_semaphore, #tpu.memory_space<semaphore_mem>>
      tpu.wait_indirect_dma semaphore(%dma_wait3A_561 : memref<!tpu.dma_semaphore, #tpu.memory_space<semaphore_mem>>) src(%dma_wait3A_559 : memref<10112x16xf32, #tpu.memory_space<vmem_shared>>) dst(%dma_wait3A_555 : memref<512x16xf32, #tpu.memory_space<vmem>>)
      %mul3A_562 = arith.constant 512 : i32
      %mul3A_563 = arith.muli %add3A_547, %mul3A_562 : i32
      %dma_start3A_564 = arith.constant 2 : i32
      %dma_start3A_565 = arith.constant 2 : i32
      %dma_start3A_566 = arith.constant 0 : i32
      %dma_start3A_567 = arith.constant 0 : i32
      %dma_start3A_568 = tpu.memref_slice %arg10[%dma_start3A_564, %dma_start3A_566, %dma_start3A_567] : memref<5x512x16xf32, #tpu.memory_space<vmem>> -> memref<1x512x16xf32, #tpu.memory_space<vmem>>
      %dma_start3A_569 = tpu.memref_squeeze %dma_start3A_568 : memref<1x512x16xf32, #tpu.memory_space<vmem>> -> memref<512x16xf32, #tpu.memory_space<vmem>>
      %dma_start3A_570 = tpu.memref_slice %arg9[%mul3A_563] : memref<10240xi32, #tpu.memory_space<vmem>> -> memref<512xi32, #tpu.memory_space<vmem>>
      %dma_start3A_571 = arith.constant 0 : i32
      %dma_start3A_572 = arith.constant 0 : i32
      %dma_start3A_573 = tpu.memref_slice %arg16[%dma_start3A_571, %dma_start3A_572] : memref<10112x16xf32, #tpu.memory_space<vmem_shared>> -> memref<10112x16xf32, #tpu.memory_space<vmem_shared>>
      %dma_start3A_574 = tpu.memref_slice %arg19[%dma_start3A_565] : memref<5x!tpu.dma_semaphore, #tpu.memory_space<semaphore_mem>> -> memref<1x!tpu.dma_semaphore, #tpu.memory_space<semaphore_mem>>
      %dma_start3A_575 = tpu.memref_squeeze %dma_start3A_574 : memref<1x!tpu.dma_semaphore, #tpu.memory_space<semaphore_mem>> -> memref<!tpu.dma_semaphore, #tpu.memory_space<semaphore_mem>>
      tpu.enqueue_indirect_dma source(%dma_start3A_569 : memref<512x16xf32, #tpu.memory_space<vmem>>) target(%dma_start3A_573 : memref<10112x16xf32, #tpu.memory_space<vmem_shared>>) offsets(%dma_start3A_570 : memref<512xi32, #tpu.memory_space<vmem>>) semaphore(%dma_start3A_575 : memref<!tpu.dma_semaphore, #tpu.memory_space<semaphore_mem>>) {add = true}
      %mul3A_576 = arith.constant 5 : i32
      %mul3A_577 = arith.muli %scan3A_478, %mul3A_576 : i32
      %add3A_578 = arith.constant 3 : i32
      %add3A_579 = arith.addi %mul3A_577, %add3A_578 : i32
      %mul3A_580 = arith.constant 512 : i32
      %mul3A_581 = arith.muli %add3A_579, %mul3A_580 : i32
      %dma_wait3A_582 = arith.constant 3 : i32
      %dma_wait3A_583 = arith.constant 3 : i32
      %dma_wait3A_584 = arith.constant 0 : i32
      %dma_wait3A_585 = arith.constant 0 : i32
      %dma_wait3A_586 = tpu.memref_slice %arg10[%dma_wait3A_582, %dma_wait3A_584, %dma_wait3A_585] : memref<5x512x16xf32, #tpu.memory_space<vmem>> -> memref<1x512x16xf32, #tpu.memory_space<vmem>>
      %dma_wait3A_587 = tpu.memref_squeeze %dma_wait3A_586 : memref<1x512x16xf32, #tpu.memory_space<vmem>> -> memref<512x16xf32, #tpu.memory_space<vmem>>
      %dma_wait3A_588 = tpu.memref_slice %arg8[%mul3A_581] : memref<10240xi32, #tpu.memory_space<vmem>> -> memref<512xi32, #tpu.memory_space<vmem>>
      %dma_wait3A_589 = arith.constant 0 : i32
      %dma_wait3A_590 = arith.constant 0 : i32
      %dma_wait3A_591 = tpu.memref_slice %arg17[%dma_wait3A_589, %dma_wait3A_590] : memref<10112x16xf32, #tpu.memory_space<vmem_shared>> -> memref<10112x16xf32, #tpu.memory_space<vmem_shared>>
      %dma_wait3A_592 = tpu.memref_slice %arg18[%dma_wait3A_583] : memref<5x!tpu.dma_semaphore, #tpu.memory_space<semaphore_mem>> -> memref<1x!tpu.dma_semaphore, #tpu.memory_space<semaphore_mem>>
      %dma_wait3A_593 = tpu.memref_squeeze %dma_wait3A_592 : memref<1x!tpu.dma_semaphore, #tpu.memory_space<semaphore_mem>> -> memref<!tpu.dma_semaphore, #tpu.memory_space<semaphore_mem>>
      tpu.wait_indirect_dma semaphore(%dma_wait3A_593 : memref<!tpu.dma_semaphore, #tpu.memory_space<semaphore_mem>>) src(%dma_wait3A_591 : memref<10112x16xf32, #tpu.memory_space<vmem_shared>>) dst(%dma_wait3A_587 : memref<512x16xf32, #tpu.memory_space<vmem>>)
      %mul3A_594 = arith.constant 512 : i32
      %mul3A_595 = arith.muli %add3A_579, %mul3A_594 : i32
      %dma_start3A_596 = arith.constant 3 : i32
      %dma_start3A_597 = arith.constant 3 : i32
      %dma_start3A_598 = arith.constant 0 : i32
      %dma_start3A_599 = arith.constant 0 : i32
      %dma_start3A_600 = tpu.memref_slice %arg10[%dma_start3A_596, %dma_start3A_598, %dma_start3A_599] : memref<5x512x16xf32, #tpu.memory_space<vmem>> -> memref<1x512x16xf32, #tpu.memory_space<vmem>>
      %dma_start3A_601 = tpu.memref_squeeze %dma_start3A_600 : memref<1x512x16xf32, #tpu.memory_space<vmem>> -> memref<512x16xf32, #tpu.memory_space<vmem>>
      %dma_start3A_602 = tpu.memref_slice %arg9[%mul3A_595] : memref<10240xi32, #tpu.memory_space<vmem>> -> memref<512xi32, #tpu.memory_space<vmem>>
      %dma_start3A_603 = arith.constant 0 : i32
      %dma_start3A_604 = arith.constant 0 : i32
      %dma_start3A_605 = tpu.memref_slice %arg16[%dma_start3A_603, %dma_start3A_604] : memref<10112x16xf32, #tpu.memory_space<vmem_shared>> -> memref<10112x16xf32, #tpu.memory_space<vmem_shared>>
      %dma_start3A_606 = tpu.memref_slice %arg19[%dma_start3A_597] : memref<5x!tpu.dma_semaphore, #tpu.memory_space<semaphore_mem>> -> memref<1x!tpu.dma_semaphore, #tpu.memory_space<semaphore_mem>>
      %dma_start3A_607 = tpu.memref_squeeze %dma_start3A_606 : memref<1x!tpu.dma_semaphore, #tpu.memory_space<semaphore_mem>> -> memref<!tpu.dma_semaphore, #tpu.memory_space<semaphore_mem>>
      tpu.enqueue_indirect_dma source(%dma_start3A_601 : memref<512x16xf32, #tpu.memory_space<vmem>>) target(%dma_start3A_605 : memref<10112x16xf32, #tpu.memory_space<vmem_shared>>) offsets(%dma_start3A_602 : memref<512xi32, #tpu.memory_space<vmem>>) semaphore(%dma_start3A_607 : memref<!tpu.dma_semaphore, #tpu.memory_space<semaphore_mem>>) {add = true}
      %mul3A_608 = arith.constant 5 : i32
      %mul3A_609 = arith.muli %scan3A_478, %mul3A_608 : i32
      %add3A_610 = arith.constant 4 : i32
      %add3A_611 = arith.addi %mul3A_609, %add3A_610 : i32
      %mul3A_612 = arith.constant 512 : i32
      %mul3A_613 = arith.muli %add3A_611, %mul3A_612 : i32
      %dma_wait3A_614 = arith.constant 4 : i32
      %dma_wait3A_615 = arith.constant 4 : i32
      %dma_wait3A_616 = arith.constant 0 : i32
      %dma_wait3A_617 = arith.constant 0 : i32
      %dma_wait3A_618 = tpu.memref_slice %arg10[%dma_wait3A_614, %dma_wait3A_616, %dma_wait3A_617] : memref<5x512x16xf32, #tpu.memory_space<vmem>> -> memref<1x512x16xf32, #tpu.memory_space<vmem>>
      %dma_wait3A_619 = tpu.memref_squeeze %dma_wait3A_618 : memref<1x512x16xf32, #tpu.memory_space<vmem>> -> memref<512x16xf32, #tpu.memory_space<vmem>>
      %dma_wait3A_620 = tpu.memref_slice %arg8[%mul3A_613] : memref<10240xi32, #tpu.memory_space<vmem>> -> memref<512xi32, #tpu.memory_space<vmem>>
      %dma_wait3A_621 = arith.constant 0 : i32
      %dma_wait3A_622 = arith.constant 0 : i32
      %dma_wait3A_623 = tpu.memref_slice %arg17[%dma_wait3A_621, %dma_wait3A_622] : memref<10112x16xf32, #tpu.memory_space<vmem_shared>> -> memref<10112x16xf32, #tpu.memory_space<vmem_shared>>
      %dma_wait3A_624 = tpu.memref_slice %arg18[%dma_wait3A_615] : memref<5x!tpu.dma_semaphore, #tpu.memory_space<semaphore_mem>> -> memref<1x!tpu.dma_semaphore, #tpu.memory_space<semaphore_mem>>
      %dma_wait3A_625 = tpu.memref_squeeze %dma_wait3A_624 : memref<1x!tpu.dma_semaphore, #tpu.memory_space<semaphore_mem>> -> memref<!tpu.dma_semaphore, #tpu.memory_space<semaphore_mem>>
      tpu.wait_indirect_dma semaphore(%dma_wait3A_625 : memref<!tpu.dma_semaphore, #tpu.memory_space<semaphore_mem>>) src(%dma_wait3A_623 : memref<10112x16xf32, #tpu.memory_space<vmem_shared>>) dst(%dma_wait3A_619 : memref<512x16xf32, #tpu.memory_space<vmem>>)
      %mul3A_626 = arith.constant 512 : i32
      %mul3A_627 = arith.muli %add3A_611, %mul3A_626 : i32
      %dma_start3A_628 = arith.constant 4 : i32
      %dma_start3A_629 = arith.constant 4 : i32
      %dma_start3A_630 = arith.constant 0 : i32
      %dma_start3A_631 = arith.constant 0 : i32
      %dma_start3A_632 = tpu.memref_slice %arg10[%dma_start3A_628, %dma_start3A_630, %dma_start3A_631] : memref<5x512x16xf32, #tpu.memory_space<vmem>> -> memref<1x512x16xf32, #tpu.memory_space<vmem>>
      %dma_start3A_633 = tpu.memref_squeeze %dma_start3A_632 : memref<1x512x16xf32, #tpu.memory_space<vmem>> -> memref<512x16xf32, #tpu.memory_space<vmem>>
      %dma_start3A_634 = tpu.memref_slice %arg9[%mul3A_627] : memref<10240xi32, #tpu.memory_space<vmem>> -> memref<512xi32, #tpu.memory_space<vmem>>
      %dma_start3A_635 = arith.constant 0 : i32
      %dma_start3A_636 = arith.constant 0 : i32
      %dma_start3A_637 = tpu.memref_slice %arg16[%dma_start3A_635, %dma_start3A_636] : memref<10112x16xf32, #tpu.memory_space<vmem_shared>> -> memref<10112x16xf32, #tpu.memory_space<vmem_shared>>
      %dma_start3A_638 = tpu.memref_slice %arg19[%dma_start3A_629] : memref<5x!tpu.dma_semaphore, #tpu.memory_space<semaphore_mem>> -> memref<1x!tpu.dma_semaphore, #tpu.memory_space<semaphore_mem>>
      %dma_start3A_639 = tpu.memref_squeeze %dma_start3A_638 : memref<1x!tpu.dma_semaphore, #tpu.memory_space<semaphore_mem>> -> memref<!tpu.dma_semaphore, #tpu.memory_space<semaphore_mem>>
      tpu.enqueue_indirect_dma source(%dma_start3A_633 : memref<512x16xf32, #tpu.memory_space<vmem>>) target(%dma_start3A_637 : memref<10112x16xf32, #tpu.memory_space<vmem_shared>>) offsets(%dma_start3A_634 : memref<512xi32, #tpu.memory_space<vmem>>) semaphore(%dma_start3A_639 : memref<!tpu.dma_semaphore, #tpu.memory_space<semaphore_mem>>) {add = true}
      %mul3A_640 = arith.constant 5 : i32
      %mul3A_641 = arith.muli %scan3A_478, %mul3A_640 : i32
      %add3A_642 = arith.constant 0 : i32
      %add3A_643 = arith.addi %mul3A_641, %add3A_642 : i32
      %mul3A_644 = arith.constant 512 : i32
      %mul3A_645 = arith.muli %add3A_643, %mul3A_644 : i32
      %dma_wait3A_646 = arith.constant 0 : i32
      %dma_wait3A_647 = arith.constant 0 : i32
      %dma_wait3A_648 = arith.constant 0 : i32
      %dma_wait3A_649 = arith.constant 0 : i32
      %dma_wait3A_650 = tpu.memref_slice %arg10[%dma_wait3A_646, %dma_wait3A_648, %dma_wait3A_649] : memref<5x512x16xf32, #tpu.memory_space<vmem>> -> memref<1x512x16xf32, #tpu.memory_space<vmem>>
      %dma_wait3A_651 = tpu.memref_squeeze %dma_wait3A_650 : memref<1x512x16xf32, #tpu.memory_space<vmem>> -> memref<512x16xf32, #tpu.memory_space<vmem>>
      %dma_wait3A_652 = tpu.memref_slice %arg9[%mul3A_645] : memref<10240xi32, #tpu.memory_space<vmem>> -> memref<512xi32, #tpu.memory_space<vmem>>
      %dma_wait3A_653 = arith.constant 0 : i32
      %dma_wait3A_654 = arith.constant 0 : i32
      %dma_wait3A_655 = tpu.memref_slice %arg16[%dma_wait3A_653, %dma_wait3A_654] : memref<10112x16xf32, #tpu.memory_space<vmem_shared>> -> memref<10112x16xf32, #tpu.memory_space<vmem_shared>>
      %dma_wait3A_656 = tpu.memref_slice %arg19[%dma_wait3A_647] : memref<5x!tpu.dma_semaphore, #tpu.memory_space<semaphore_mem>> -> memref<1x!tpu.dma_semaphore, #tpu.memory_space<semaphore_mem>>
      %dma_wait3A_657 = tpu.memref_squeeze %dma_wait3A_656 : memref<1x!tpu.dma_semaphore, #tpu.memory_space<semaphore_mem>> -> memref<!tpu.dma_semaphore, #tpu.memory_space<semaphore_mem>>
      tpu.wait_indirect_dma semaphore(%dma_wait3A_657 : memref<!tpu.dma_semaphore, #tpu.memory_space<semaphore_mem>>) src(%dma_wait3A_651 : memref<512x16xf32, #tpu.memory_space<vmem>>) dst(%dma_wait3A_655 : memref<10112x16xf32, #tpu.memory_space<vmem_shared>>)
      %add3A_658 = arith.constant 5 : i32
      %add3A_659 = arith.addi %add3A_643, %add3A_658 : i32
      %mul3A_660 = arith.constant 512 : i32
      %mul3A_661 = arith.muli %add3A_659, %mul3A_660 : i32
      %dma_start3A_662 = arith.constant 0 : i32
      %dma_start3A_663 = arith.constant 0 : i32
      %dma_start3A_664 = arith.constant 0 : i32
      %dma_start3A_665 = arith.constant 0 : i32
      %dma_start3A_666 = tpu.memref_slice %arg10[%dma_start3A_662, %dma_start3A_664, %dma_start3A_665] : memref<5x512x16xf32, #tpu.memory_space<vmem>> -> memref<1x512x16xf32, #tpu.memory_space<vmem>>
      %dma_start3A_667 = tpu.memref_squeeze %dma_start3A_666 : memref<1x512x16xf32, #tpu.memory_space<vmem>> -> memref<512x16xf32, #tpu.memory_space<vmem>>
      %dma_start3A_668 = tpu.memref_slice %arg8[%mul3A_661] : memref<10240xi32, #tpu.memory_space<vmem>> -> memref<512xi32, #tpu.memory_space<vmem>>
      %dma_start3A_669 = arith.constant 0 : i32
      %dma_start3A_670 = arith.constant 0 : i32
      %dma_start3A_671 = tpu.memref_slice %arg17[%dma_start3A_669, %dma_start3A_670] : memref<10112x16xf32, #tpu.memory_space<vmem_shared>> -> memref<10112x16xf32, #tpu.memory_space<vmem_shared>>
      %dma_start3A_672 = tpu.memref_slice %arg18[%dma_start3A_663] : memref<5x!tpu.dma_semaphore, #tpu.memory_space<semaphore_mem>> -> memref<1x!tpu.dma_semaphore, #tpu.memory_space<semaphore_mem>>
      %dma_start3A_673 = tpu.memref_squeeze %dma_start3A_672 : memref<1x!tpu.dma_semaphore, #tpu.memory_space<semaphore_mem>> -> memref<!tpu.dma_semaphore, #tpu.memory_space<semaphore_mem>>
      tpu.enqueue_indirect_dma source(%dma_start3A_671 : memref<10112x16xf32, #tpu.memory_space<vmem_shared>>) target(%dma_start3A_667 : memref<512x16xf32, #tpu.memory_space<vmem>>) offsets(%dma_start3A_668 : memref<512xi32, #tpu.memory_space<vmem>>) semaphore(%dma_start3A_673 : memref<!tpu.dma_semaphore, #tpu.memory_space<semaphore_mem>>)
      %mul3A_674 = arith.constant 5 : i32
      %mul3A_675 = arith.muli %scan3A_478, %mul3A_674 : i32
      %add3A_676 = arith.constant 1 : i32
      %add3A_677 = arith.addi %mul3A_675, %add3A_676 : i32
      %mul3A_678 = arith.constant 512 : i32
      %mul3A_679 = arith.muli %add3A_677, %mul3A_678 : i32
      %dma_wait3A_680 = arith.constant 1 : i32
      %dma_wait3A_681 = arith.constant 1 : i32
      %dma_wait3A_682 = arith.constant 0 : i32
      %dma_wait3A_683 = arith.constant 0 : i32
      %dma_wait3A_684 = tpu.memref_slice %arg10[%dma_wait3A_680, %dma_wait3A_682, %dma_wait3A_683] : memref<5x512x16xf32, #tpu.memory_space<vmem>> -> memref<1x512x16xf32, #tpu.memory_space<vmem>>
      %dma_wait3A_685 = tpu.memref_squeeze %dma_wait3A_684 : memref<1x512x16xf32, #tpu.memory_space<vmem>> -> memref<512x16xf32, #tpu.memory_space<vmem>>
      %dma_wait3A_686 = tpu.memref_slice %arg9[%mul3A_679] : memref<10240xi32, #tpu.memory_space<vmem>> -> memref<512xi32, #tpu.memory_space<vmem>>
      %dma_wait3A_687 = arith.constant 0 : i32
      %dma_wait3A_688 = arith.constant 0 : i32
      %dma_wait3A_689 = tpu.memref_slice %arg16[%dma_wait3A_687, %dma_wait3A_688] : memref<10112x16xf32, #tpu.memory_space<vmem_shared>> -> memref<10112x16xf32, #tpu.memory_space<vmem_shared>>
      %dma_wait3A_690 = tpu.memref_slice %arg19[%dma_wait3A_681] : memref<5x!tpu.dma_semaphore, #tpu.memory_space<semaphore_mem>> -> memref<1x!tpu.dma_semaphore, #tpu.memory_space<semaphore_mem>>
      %dma_wait3A_691 = tpu.memref_squeeze %dma_wait3A_690 : memref<1x!tpu.dma_semaphore, #tpu.memory_space<semaphore_mem>> -> memref<!tpu.dma_semaphore, #tpu.memory_space<semaphore_mem>>
      tpu.wait_indirect_dma semaphore(%dma_wait3A_691 : memref<!tpu.dma_semaphore, #tpu.memory_space<semaphore_mem>>) src(%dma_wait3A_685 : memref<512x16xf32, #tpu.memory_space<vmem>>) dst(%dma_wait3A_689 : memref<10112x16xf32, #tpu.memory_space<vmem_shared>>)
      %add3A_692 = arith.constant 5 : i32
      %add3A_693 = arith.addi %add3A_677, %add3A_692 : i32
      %mul3A_694 = arith.constant 512 : i32
      %mul3A_695 = arith.muli %add3A_693, %mul3A_694 : i32
      %dma_start3A_696 = arith.constant 1 : i32
      %dma_start3A_697 = arith.constant 1 : i32
      %dma_start3A_698 = arith.constant 0 : i32
      %dma_start3A_699 = arith.constant 0 : i32
      %dma_start3A_700 = tpu.memref_slice %arg10[%dma_start3A_696, %dma_start3A_698, %dma_start3A_699] : memref<5x512x16xf32, #tpu.memory_space<vmem>> -> memref<1x512x16xf32, #tpu.memory_space<vmem>>
      %dma_start3A_701 = tpu.memref_squeeze %dma_start3A_700 : memref<1x512x16xf32, #tpu.memory_space<vmem>> -> memref<512x16xf32, #tpu.memory_space<vmem>>
      %dma_start3A_702 = tpu.memref_slice %arg8[%mul3A_695] : memref<10240xi32, #tpu.memory_space<vmem>> -> memref<512xi32, #tpu.memory_space<vmem>>
      %dma_start3A_703 = arith.constant 0 : i32
      %dma_start3A_704 = arith.constant 0 : i32
      %dma_start3A_705 = tpu.memref_slice %arg17[%dma_start3A_703, %dma_start3A_704] : memref<10112x16xf32, #tpu.memory_space<vmem_shared>> -> memref<10112x16xf32, #tpu.memory_space<vmem_shared>>
      %dma_start3A_706 = tpu.memref_slice %arg18[%dma_start3A_697] : memref<5x!tpu.dma_semaphore, #tpu.memory_space<semaphore_mem>> -> memref<1x!tpu.dma_semaphore, #tpu.memory_space<semaphore_mem>>
      %dma_start3A_707 = tpu.memref_squeeze %dma_start3A_706 : memref<1x!tpu.dma_semaphore, #tpu.memory_space<semaphore_mem>> -> memref<!tpu.dma_semaphore, #tpu.memory_space<semaphore_mem>>
      tpu.enqueue_indirect_dma source(%dma_start3A_705 : memref<10112x16xf32, #tpu.memory_space<vmem_shared>>) target(%dma_start3A_701 : memref<512x16xf32, #tpu.memory_space<vmem>>) offsets(%dma_start3A_702 : memref<512xi32, #tpu.memory_space<vmem>>) semaphore(%dma_start3A_707 : memref<!tpu.dma_semaphore, #tpu.memory_space<semaphore_mem>>)
      %mul3A_708 = arith.constant 5 : i32
      %mul3A_709 = arith.muli %scan3A_478, %mul3A_708 : i32
      %add3A_710 = arith.constant 2 : i32
      %add3A_711 = arith.addi %mul3A_709, %add3A_710 : i32
      %mul3A_712 = arith.constant 512 : i32
      %mul3A_713 = arith.muli %add3A_711, %mul3A_712 : i32
      %dma_wait3A_714 = arith.constant 2 : i32
      %dma_wait3A_715 = arith.constant 2 : i32
      %dma_wait3A_716 = arith.constant 0 : i32
      %dma_wait3A_717 = arith.constant 0 : i32
      %dma_wait3A_718 = tpu.memref_slice %arg10[%dma_wait3A_714, %dma_wait3A_716, %dma_wait3A_717] : memref<5x512x16xf32, #tpu.memory_space<vmem>> -> memref<1x512x16xf32, #tpu.memory_space<vmem>>
      %dma_wait3A_719 = tpu.memref_squeeze %dma_wait3A_718 : memref<1x512x16xf32, #tpu.memory_space<vmem>> -> memref<512x16xf32, #tpu.memory_space<vmem>>
      %dma_wait3A_720 = tpu.memref_slice %arg9[%mul3A_713] : memref<10240xi32, #tpu.memory_space<vmem>> -> memref<512xi32, #tpu.memory_space<vmem>>
      %dma_wait3A_721 = arith.constant 0 : i32
      %dma_wait3A_722 = arith.constant 0 : i32
      %dma_wait3A_723 = tpu.memref_slice %arg16[%dma_wait3A_721, %dma_wait3A_722] : memref<10112x16xf32, #tpu.memory_space<vmem_shared>> -> memref<10112x16xf32, #tpu.memory_space<vmem_shared>>
      %dma_wait3A_724 = tpu.memref_slice %arg19[%dma_wait3A_715] : memref<5x!tpu.dma_semaphore, #tpu.memory_space<semaphore_mem>> -> memref<1x!tpu.dma_semaphore, #tpu.memory_space<semaphore_mem>>
      %dma_wait3A_725 = tpu.memref_squeeze %dma_wait3A_724 : memref<1x!tpu.dma_semaphore, #tpu.memory_space<semaphore_mem>> -> memref<!tpu.dma_semaphore, #tpu.memory_space<semaphore_mem>>
      tpu.wait_indirect_dma semaphore(%dma_wait3A_725 : memref<!tpu.dma_semaphore, #tpu.memory_space<semaphore_mem>>) src(%dma_wait3A_719 : memref<512x16xf32, #tpu.memory_space<vmem>>) dst(%dma_wait3A_723 : memref<10112x16xf32, #tpu.memory_space<vmem_shared>>)
      %add3A_726 = arith.constant 5 : i32
      %add3A_727 = arith.addi %add3A_711, %add3A_726 : i32
      %mul3A_728 = arith.constant 512 : i32
      %mul3A_729 = arith.muli %add3A_727, %mul3A_728 : i32
      %dma_start3A_730 = arith.constant 2 : i32
      %dma_start3A_731 = arith.constant 2 : i32
      %dma_start3A_732 = arith.constant 0 : i32
      %dma_start3A_733 = arith.constant 0 : i32
      %dma_start3A_734 = tpu.memref_slice %arg10[%dma_start3A_730, %dma_start3A_732, %dma_start3A_733] : memref<5x512x16xf32, #tpu.memory_space<vmem>> -> memref<1x512x16xf32, #tpu.memory_space<vmem>>
      %dma_start3A_735 = tpu.memref_squeeze %dma_start3A_734 : memref<1x512x16xf32, #tpu.memory_space<vmem>> -> memref<512x16xf32, #tpu.memory_space<vmem>>
      %dma_start3A_736 = tpu.memref_slice %arg8[%mul3A_729] : memref<10240xi32, #tpu.memory_space<vmem>> -> memref<512xi32, #tpu.memory_space<vmem>>
      %dma_start3A_737 = arith.constant 0 : i32
      %dma_start3A_738 = arith.constant 0 : i32
      %dma_start3A_739 = tpu.memref_slice %arg17[%dma_start3A_737, %dma_start3A_738] : memref<10112x16xf32, #tpu.memory_space<vmem_shared>> -> memref<10112x16xf32, #tpu.memory_space<vmem_shared>>
      %dma_start3A_740 = tpu.memref_slice %arg18[%dma_start3A_731] : memref<5x!tpu.dma_semaphore, #tpu.memory_space<semaphore_mem>> -> memref<1x!tpu.dma_semaphore, #tpu.memory_space<semaphore_mem>>
      %dma_start3A_741 = tpu.memref_squeeze %dma_start3A_740 : memref<1x!tpu.dma_semaphore, #tpu.memory_space<semaphore_mem>> -> memref<!tpu.dma_semaphore, #tpu.memory_space<semaphore_mem>>
      tpu.enqueue_indirect_dma source(%dma_start3A_739 : memref<10112x16xf32, #tpu.memory_space<vmem_shared>>) target(%dma_start3A_735 : memref<512x16xf32, #tpu.memory_space<vmem>>) offsets(%dma_start3A_736 : memref<512xi32, #tpu.memory_space<vmem>>) semaphore(%dma_start3A_741 : memref<!tpu.dma_semaphore, #tpu.memory_space<semaphore_mem>>)
      %mul3A_742 = arith.constant 5 : i32
      %mul3A_743 = arith.muli %scan3A_478, %mul3A_742 : i32
      %add3A_744 = arith.constant 3 : i32
      %add3A_745 = arith.addi %mul3A_743, %add3A_744 : i32
      %mul3A_746 = arith.constant 512 : i32
      %mul3A_747 = arith.muli %add3A_745, %mul3A_746 : i32
      %dma_wait3A_748 = arith.constant 3 : i32
      %dma_wait3A_749 = arith.constant 3 : i32
      %dma_wait3A_750 = arith.constant 0 : i32
      %dma_wait3A_751 = arith.constant 0 : i32
      %dma_wait3A_752 = tpu.memref_slice %arg10[%dma_wait3A_748, %dma_wait3A_750, %dma_wait3A_751] : memref<5x512x16xf32, #tpu.memory_space<vmem>> -> memref<1x512x16xf32, #tpu.memory_space<vmem>>
      %dma_wait3A_753 = tpu.memref_squeeze %dma_wait3A_752 : memref<1x512x16xf32, #tpu.memory_space<vmem>> -> memref<512x16xf32, #tpu.memory_space<vmem>>
      %dma_wait3A_754 = tpu.memref_slice %arg9[%mul3A_747] : memref<10240xi32, #tpu.memory_space<vmem>> -> memref<512xi32, #tpu.memory_space<vmem>>
      %dma_wait3A_755 = arith.constant 0 : i32
      %dma_wait3A_756 = arith.constant 0 : i32
      %dma_wait3A_757 = tpu.memref_slice %arg16[%dma_wait3A_755, %dma_wait3A_756] : memref<10112x16xf32, #tpu.memory_space<vmem_shared>> -> memref<10112x16xf32, #tpu.memory_space<vmem_shared>>
      %dma_wait3A_758 = tpu.memref_slice %arg19[%dma_wait3A_749] : memref<5x!tpu.dma_semaphore, #tpu.memory_space<semaphore_mem>> -> memref<1x!tpu.dma_semaphore, #tpu.memory_space<semaphore_mem>>
      %dma_wait3A_759 = tpu.memref_squeeze %dma_wait3A_758 : memref<1x!tpu.dma_semaphore, #tpu.memory_space<semaphore_mem>> -> memref<!tpu.dma_semaphore, #tpu.memory_space<semaphore_mem>>
      tpu.wait_indirect_dma semaphore(%dma_wait3A_759 : memref<!tpu.dma_semaphore, #tpu.memory_space<semaphore_mem>>) src(%dma_wait3A_753 : memref<512x16xf32, #tpu.memory_space<vmem>>) dst(%dma_wait3A_757 : memref<10112x16xf32, #tpu.memory_space<vmem_shared>>)
      %add3A_760 = arith.constant 5 : i32
      %add3A_761 = arith.addi %add3A_745, %add3A_760 : i32
      %mul3A_762 = arith.constant 512 : i32
      %mul3A_763 = arith.muli %add3A_761, %mul3A_762 : i32
      %dma_start3A_764 = arith.constant 3 : i32
      %dma_start3A_765 = arith.constant 3 : i32
      %dma_start3A_766 = arith.constant 0 : i32
      %dma_start3A_767 = arith.constant 0 : i32
      %dma_start3A_768 = tpu.memref_slice %arg10[%dma_start3A_764, %dma_start3A_766, %dma_start3A_767] : memref<5x512x16xf32, #tpu.memory_space<vmem>> -> memref<1x512x16xf32, #tpu.memory_space<vmem>>
      %dma_start3A_769 = tpu.memref_squeeze %dma_start3A_768 : memref<1x512x16xf32, #tpu.memory_space<vmem>> -> memref<512x16xf32, #tpu.memory_space<vmem>>
      %dma_start3A_770 = tpu.memref_slice %arg8[%mul3A_763] : memref<10240xi32, #tpu.memory_space<vmem>> -> memref<512xi32, #tpu.memory_space<vmem>>
      %dma_start3A_771 = arith.constant 0 : i32
      %dma_start3A_772 = arith.constant 0 : i32
      %dma_start3A_773 = tpu.memref_slice %arg17[%dma_start3A_771, %dma_start3A_772] : memref<10112x16xf32, #tpu.memory_space<vmem_shared>> -> memref<10112x16xf32, #tpu.memory_space<vmem_shared>>
      %dma_start3A_774 = tpu.memref_slice %arg18[%dma_start3A_765] : memref<5x!tpu.dma_semaphore, #tpu.memory_space<semaphore_mem>> -> memref<1x!tpu.dma_semaphore, #tpu.memory_space<semaphore_mem>>
      %dma_start3A_775 = tpu.memref_squeeze %dma_start3A_774 : memref<1x!tpu.dma_semaphore, #tpu.memory_space<semaphore_mem>> -> memref<!tpu.dma_semaphore, #tpu.memory_space<semaphore_mem>>
      tpu.enqueue_indirect_dma source(%dma_start3A_773 : memref<10112x16xf32, #tpu.memory_space<vmem_shared>>) target(%dma_start3A_769 : memref<512x16xf32, #tpu.memory_space<vmem>>) offsets(%dma_start3A_770 : memref<512xi32, #tpu.memory_space<vmem>>) semaphore(%dma_start3A_775 : memref<!tpu.dma_semaphore, #tpu.memory_space<semaphore_mem>>)
      %mul3A_776 = arith.constant 5 : i32
      %mul3A_777 = arith.muli %scan3A_478, %mul3A_776 : i32
      %add3A_778 = arith.constant 4 : i32
      %add3A_779 = arith.addi %mul3A_777, %add3A_778 : i32
      %mul3A_780 = arith.constant 512 : i32
      %mul3A_781 = arith.muli %add3A_779, %mul3A_780 : i32
      %dma_wait3A_782 = arith.constant 4 : i32
      %dma_wait3A_783 = arith.constant 4 : i32
      %dma_wait3A_784 = arith.constant 0 : i32
      %dma_wait3A_785 = arith.constant 0 : i32
      %dma_wait3A_786 = tpu.memref_slice %arg10[%dma_wait3A_782, %dma_wait3A_784, %dma_wait3A_785] : memref<5x512x16xf32, #tpu.memory_space<vmem>> -> memref<1x512x16xf32, #tpu.memory_space<vmem>>
      %dma_wait3A_787 = tpu.memref_squeeze %dma_wait3A_786 : memref<1x512x16xf32, #tpu.memory_space<vmem>> -> memref<512x16xf32, #tpu.memory_space<vmem>>
      %dma_wait3A_788 = tpu.memref_slice %arg9[%mul3A_781] : memref<10240xi32, #tpu.memory_space<vmem>> -> memref<512xi32, #tpu.memory_space<vmem>>
      %dma_wait3A_789 = arith.constant 0 : i32
      %dma_wait3A_790 = arith.constant 0 : i32
      %dma_wait3A_791 = tpu.memref_slice %arg16[%dma_wait3A_789, %dma_wait3A_790] : memref<10112x16xf32, #tpu.memory_space<vmem_shared>> -> memref<10112x16xf32, #tpu.memory_space<vmem_shared>>
      %dma_wait3A_792 = tpu.memref_slice %arg19[%dma_wait3A_783] : memref<5x!tpu.dma_semaphore, #tpu.memory_space<semaphore_mem>> -> memref<1x!tpu.dma_semaphore, #tpu.memory_space<semaphore_mem>>
      %dma_wait3A_793 = tpu.memref_squeeze %dma_wait3A_792 : memref<1x!tpu.dma_semaphore, #tpu.memory_space<semaphore_mem>> -> memref<!tpu.dma_semaphore, #tpu.memory_space<semaphore_mem>>
      tpu.wait_indirect_dma semaphore(%dma_wait3A_793 : memref<!tpu.dma_semaphore, #tpu.memory_space<semaphore_mem>>) src(%dma_wait3A_787 : memref<512x16xf32, #tpu.memory_space<vmem>>) dst(%dma_wait3A_791 : memref<10112x16xf32, #tpu.memory_space<vmem_shared>>)
      %add3A_794 = arith.constant 5 : i32
      %add3A_795 = arith.addi %add3A_779, %add3A_794 : i32
      %mul3A_796 = arith.constant 512 : i32
      %mul3A_797 = arith.muli %add3A_795, %mul3A_796 : i32
      %dma_start3A_798 = arith.constant 4 : i32
      %dma_start3A_799 = arith.constant 4 : i32
      %dma_start3A_800 = arith.constant 0 : i32
      %dma_start3A_801 = arith.constant 0 : i32
      %dma_start3A_802 = tpu.memref_slice %arg10[%dma_start3A_798, %dma_start3A_800, %dma_start3A_801] : memref<5x512x16xf32, #tpu.memory_space<vmem>> -> memref<1x512x16xf32, #tpu.memory_space<vmem>>
      %dma_start3A_803 = tpu.memref_squeeze %dma_start3A_802 : memref<1x512x16xf32, #tpu.memory_space<vmem>> -> memref<512x16xf32, #tpu.memory_space<vmem>>
      %dma_start3A_804 = tpu.memref_slice %arg8[%mul3A_797] : memref<10240xi32, #tpu.memory_space<vmem>> -> memref<512xi32, #tpu.memory_space<vmem>>
      %dma_start3A_805 = arith.constant 0 : i32
      %dma_start3A_806 = arith.constant 0 : i32
      %dma_start3A_807 = tpu.memref_slice %arg17[%dma_start3A_805, %dma_start3A_806] : memref<10112x16xf32, #tpu.memory_space<vmem_shared>> -> memref<10112x16xf32, #tpu.memory_space<vmem_shared>>
      %dma_start3A_808 = tpu.memref_slice %arg18[%dma_start3A_799] : memref<5x!tpu.dma_semaphore, #tpu.memory_space<semaphore_mem>> -> memref<1x!tpu.dma_semaphore, #tpu.memory_space<semaphore_mem>>
      %dma_start3A_809 = tpu.memref_squeeze %dma_start3A_808 : memref<1x!tpu.dma_semaphore, #tpu.memory_space<semaphore_mem>> -> memref<!tpu.dma_semaphore, #tpu.memory_space<semaphore_mem>>
      tpu.enqueue_indirect_dma source(%dma_start3A_807 : memref<10112x16xf32, #tpu.memory_space<vmem_shared>>) target(%dma_start3A_803 : memref<512x16xf32, #tpu.memory_space<vmem>>) offsets(%dma_start3A_804 : memref<512xi32, #tpu.memory_space<vmem>>) semaphore(%dma_start3A_809 : memref<!tpu.dma_semaphore, #tpu.memory_space<semaphore_mem>>)
      %scan3A_810 = arith.constant 0 : i32
      scf.yield %scan3A_810 : i32
    }
    %scan3A_273 = arith.constant 3 : i32
    %dma_wait3A = arith.constant 0 : i32
    %dma_wait3A_274 = arith.constant 0 : i32
    %dma_wait3A_275 = arith.constant 0 : i32
    %dma_wait3A_276 = arith.constant 0 : i32
    %dma_wait3A_277 = tpu.memref_slice %arg10[%dma_wait3A, %dma_wait3A_275, %dma_wait3A_276] : memref<5x512x16xf32, #tpu.memory_space<vmem>> -> memref<1x512x16xf32, #tpu.memory_space<vmem>>
    %dma_wait3A_278 = tpu.memref_squeeze %dma_wait3A_277 : memref<1x512x16xf32, #tpu.memory_space<vmem>> -> memref<512x16xf32, #tpu.memory_space<vmem>>
    %dma_wait3A_279 = arith.constant 7680 : i32
    %dma_wait3A_280 = tpu.memref_slice %arg8[%dma_wait3A_279] : memref<10240xi32, #tpu.memory_space<vmem>> -> memref<512xi32, #tpu.memory_space<vmem>>
    %dma_wait3A_281 = arith.constant 0 : i32
    %dma_wait3A_282 = arith.constant 0 : i32
    %dma_wait3A_283 = tpu.memref_slice %arg17[%dma_wait3A_281, %dma_wait3A_282] : memref<10112x16xf32, #tpu.memory_space<vmem_shared>> -> memref<10112x16xf32, #tpu.memory_space<vmem_shared>>
    %dma_wait3A_284 = tpu.memref_slice %arg18[%dma_wait3A_274] : memref<5x!tpu.dma_semaphore, #tpu.memory_space<semaphore_mem>> -> memref<1x!tpu.dma_semaphore, #tpu.memory_space<semaphore_mem>>
    %dma_wait3A_285 = tpu.memref_squeeze %dma_wait3A_284 : memref<1x!tpu.dma_semaphore, #tpu.memory_space<semaphore_mem>> -> memref<!tpu.dma_semaphore, #tpu.memory_space<semaphore_mem>>
    tpu.wait_indirect_dma semaphore(%dma_wait3A_285 : memref<!tpu.dma_semaphore, #tpu.memory_space<semaphore_mem>>) src(%dma_wait3A_283 : memref<10112x16xf32, #tpu.memory_space<vmem_shared>>) dst(%dma_wait3A_278 : memref<512x16xf32, #tpu.memory_space<vmem>>)
    %dma_start3A_286 = arith.constant 0 : i32
    %dma_start3A_287 = arith.constant 0 : i32
    %dma_start3A_288 = arith.constant 0 : i32
    %dma_start3A_289 = arith.constant 0 : i32
    %dma_start3A_290 = tpu.memref_slice %arg10[%dma_start3A_286, %dma_start3A_288, %dma_start3A_289] : memref<5x512x16xf32, #tpu.memory_space<vmem>> -> memref<1x512x16xf32, #tpu.memory_space<vmem>>
    %dma_start3A_291 = tpu.memref_squeeze %dma_start3A_290 : memref<1x512x16xf32, #tpu.memory_space<vmem>> -> memref<512x16xf32, #tpu.memory_space<vmem>>
    %dma_start3A_292 = arith.constant 7680 : i32
    %dma_start3A_293 = tpu.memref_slice %arg9[%dma_start3A_292] : memref<10240xi32, #tpu.memory_space<vmem>> -> memref<512xi32, #tpu.memory_space<vmem>>
    %dma_start3A_294 = arith.constant 0 : i32
    %dma_start3A_295 = arith.constant 0 : i32
    %dma_start3A_296 = tpu.memref_slice %arg16[%dma_start3A_294, %dma_start3A_295] : memref<10112x16xf32, #tpu.memory_space<vmem_shared>> -> memref<10112x16xf32, #tpu.memory_space<vmem_shared>>
    %dma_start3A_297 = tpu.memref_slice %arg19[%dma_start3A_287] : memref<5x!tpu.dma_semaphore, #tpu.memory_space<semaphore_mem>> -> memref<1x!tpu.dma_semaphore, #tpu.memory_space<semaphore_mem>>
    %dma_start3A_298 = tpu.memref_squeeze %dma_start3A_297 : memref<1x!tpu.dma_semaphore, #tpu.memory_space<semaphore_mem>> -> memref<!tpu.dma_semaphore, #tpu.memory_space<semaphore_mem>>
    tpu.enqueue_indirect_dma source(%dma_start3A_291 : memref<512x16xf32, #tpu.memory_space<vmem>>) target(%dma_start3A_296 : memref<10112x16xf32, #tpu.memory_space<vmem_shared>>) offsets(%dma_start3A_293 : memref<512xi32, #tpu.memory_space<vmem>>) semaphore(%dma_start3A_298 : memref<!tpu.dma_semaphore, #tpu.memory_space<semaphore_mem>>) {add = true}
    %dma_wait3A_299 = arith.constant 1 : i32
    %dma_wait3A_300 = arith.constant 1 : i32
    %dma_wait3A_301 = arith.constant 0 : i32
    %dma_wait3A_302 = arith.constant 0 : i32
    %dma_wait3A_303 = tpu.memref_slice %arg10[%dma_wait3A_299, %dma_wait3A_301, %dma_wait3A_302] : memref<5x512x16xf32, #tpu.memory_space<vmem>> -> memref<1x512x16xf32, #tpu.memory_space<vmem>>
    %dma_wait3A_304 = tpu.memref_squeeze %dma_wait3A_303 : memref<1x512x16xf32, #tpu.memory_space<vmem>> -> memref<512x16xf32, #tpu.memory_space<vmem>>
    %dma_wait3A_305 = arith.constant 8192 : i32
    %dma_wait3A_306 = tpu.memref_slice %arg8[%dma_wait3A_305] : memref<10240xi32, #tpu.memory_space<vmem>> -> memref<512xi32, #tpu.memory_space<vmem>>
    %dma_wait3A_307 = arith.constant 0 : i32
    %dma_wait3A_308 = arith.constant 0 : i32
    %dma_wait3A_309 = tpu.memref_slice %arg17[%dma_wait3A_307, %dma_wait3A_308] : memref<10112x16xf32, #tpu.memory_space<vmem_shared>> -> memref<10112x16xf32, #tpu.memory_space<vmem_shared>>
    %dma_wait3A_310 = tpu.memref_slice %arg18[%dma_wait3A_300] : memref<5x!tpu.dma_semaphore, #tpu.memory_space<semaphore_mem>> -> memref<1x!tpu.dma_semaphore, #tpu.memory_space<semaphore_mem>>
    %dma_wait3A_311 = tpu.memref_squeeze %dma_wait3A_310 : memref<1x!tpu.dma_semaphore, #tpu.memory_space<semaphore_mem>> -> memref<!tpu.dma_semaphore, #tpu.memory_space<semaphore_mem>>
    tpu.wait_indirect_dma semaphore(%dma_wait3A_311 : memref<!tpu.dma_semaphore, #tpu.memory_space<semaphore_mem>>) src(%dma_wait3A_309 : memref<10112x16xf32, #tpu.memory_space<vmem_shared>>) dst(%dma_wait3A_304 : memref<512x16xf32, #tpu.memory_space<vmem>>)
    %dma_start3A_312 = arith.constant 1 : i32
    %dma_start3A_313 = arith.constant 1 : i32
    %dma_start3A_314 = arith.constant 0 : i32
    %dma_start3A_315 = arith.constant 0 : i32
    %dma_start3A_316 = tpu.memref_slice %arg10[%dma_start3A_312, %dma_start3A_314, %dma_start3A_315] : memref<5x512x16xf32, #tpu.memory_space<vmem>> -> memref<1x512x16xf32, #tpu.memory_space<vmem>>
    %dma_start3A_317 = tpu.memref_squeeze %dma_start3A_316 : memref<1x512x16xf32, #tpu.memory_space<vmem>> -> memref<512x16xf32, #tpu.memory_space<vmem>>
    %dma_start3A_318 = arith.constant 8192 : i32
    %dma_start3A_319 = tpu.memref_slice %arg9[%dma_start3A_318] : memref<10240xi32, #tpu.memory_space<vmem>> -> memref<512xi32, #tpu.memory_space<vmem>>
    %dma_start3A_320 = arith.constant 0 : i32
    %dma_start3A_321 = arith.constant 0 : i32
    %dma_start3A_322 = tpu.memref_slice %arg16[%dma_start3A_320, %dma_start3A_321] : memref<10112x16xf32, #tpu.memory_space<vmem_shared>> -> memref<10112x16xf32, #tpu.memory_space<vmem_shared>>
    %dma_start3A_323 = tpu.memref_slice %arg19[%dma_start3A_313] : memref<5x!tpu.dma_semaphore, #tpu.memory_space<semaphore_mem>> -> memref<1x!tpu.dma_semaphore, #tpu.memory_space<semaphore_mem>>
    %dma_start3A_324 = tpu.memref_squeeze %dma_start3A_323 : memref<1x!tpu.dma_semaphore, #tpu.memory_space<semaphore_mem>> -> memref<!tpu.dma_semaphore, #tpu.memory_space<semaphore_mem>>
    tpu.enqueue_indirect_dma source(%dma_start3A_317 : memref<512x16xf32, #tpu.memory_space<vmem>>) target(%dma_start3A_322 : memref<10112x16xf32, #tpu.memory_space<vmem_shared>>) offsets(%dma_start3A_319 : memref<512xi32, #tpu.memory_space<vmem>>) semaphore(%dma_start3A_324 : memref<!tpu.dma_semaphore, #tpu.memory_space<semaphore_mem>>) {add = true}
    %dma_wait3A_325 = arith.constant 2 : i32
    %dma_wait3A_326 = arith.constant 2 : i32
    %dma_wait3A_327 = arith.constant 0 : i32
    %dma_wait3A_328 = arith.constant 0 : i32
    %dma_wait3A_329 = tpu.memref_slice %arg10[%dma_wait3A_325, %dma_wait3A_327, %dma_wait3A_328] : memref<5x512x16xf32, #tpu.memory_space<vmem>> -> memref<1x512x16xf32, #tpu.memory_space<vmem>>
    %dma_wait3A_330 = tpu.memref_squeeze %dma_wait3A_329 : memref<1x512x16xf32, #tpu.memory_space<vmem>> -> memref<512x16xf32, #tpu.memory_space<vmem>>
    %dma_wait3A_331 = arith.constant 8704 : i32
    %dma_wait3A_332 = tpu.memref_slice %arg8[%dma_wait3A_331] : memref<10240xi32, #tpu.memory_space<vmem>> -> memref<512xi32, #tpu.memory_space<vmem>>
    %dma_wait3A_333 = arith.constant 0 : i32
    %dma_wait3A_334 = arith.constant 0 : i32
    %dma_wait3A_335 = tpu.memref_slice %arg17[%dma_wait3A_333, %dma_wait3A_334] : memref<10112x16xf32, #tpu.memory_space<vmem_shared>> -> memref<10112x16xf32, #tpu.memory_space<vmem_shared>>
    %dma_wait3A_336 = tpu.memref_slice %arg18[%dma_wait3A_326] : memref<5x!tpu.dma_semaphore, #tpu.memory_space<semaphore_mem>> -> memref<1x!tpu.dma_semaphore, #tpu.memory_space<semaphore_mem>>
    %dma_wait3A_337 = tpu.memref_squeeze %dma_wait3A_336 : memref<1x!tpu.dma_semaphore, #tpu.memory_space<semaphore_mem>> -> memref<!tpu.dma_semaphore, #tpu.memory_space<semaphore_mem>>
    tpu.wait_indirect_dma semaphore(%dma_wait3A_337 : memref<!tpu.dma_semaphore, #tpu.memory_space<semaphore_mem>>) src(%dma_wait3A_335 : memref<10112x16xf32, #tpu.memory_space<vmem_shared>>) dst(%dma_wait3A_330 : memref<512x16xf32, #tpu.memory_space<vmem>>)
    %dma_start3A_338 = arith.constant 2 : i32
    %dma_start3A_339 = arith.constant 2 : i32
    %dma_start3A_340 = arith.constant 0 : i32
    %dma_start3A_341 = arith.constant 0 : i32
    %dma_start3A_342 = tpu.memref_slice %arg10[%dma_start3A_338, %dma_start3A_340, %dma_start3A_341] : memref<5x512x16xf32, #tpu.memory_space<vmem>> -> memref<1x512x16xf32, #tpu.memory_space<vmem>>
    %dma_start3A_343 = tpu.memref_squeeze %dma_start3A_342 : memref<1x512x16xf32, #tpu.memory_space<vmem>> -> memref<512x16xf32, #tpu.memory_space<vmem>>
    %dma_start3A_344 = arith.constant 8704 : i32
    %dma_start3A_345 = tpu.memref_slice %arg9[%dma_start3A_344] : memref<10240xi32, #tpu.memory_space<vmem>> -> memref<512xi32, #tpu.memory_space<vmem>>
    %dma_start3A_346 = arith.constant 0 : i32
    %dma_start3A_347 = arith.constant 0 : i32
    %dma_start3A_348 = tpu.memref_slice %arg16[%dma_start3A_346, %dma_start3A_347] : memref<10112x16xf32, #tpu.memory_space<vmem_shared>> -> memref<10112x16xf32, #tpu.memory_space<vmem_shared>>
    %dma_start3A_349 = tpu.memref_slice %arg19[%dma_start3A_339] : memref<5x!tpu.dma_semaphore, #tpu.memory_space<semaphore_mem>> -> memref<1x!tpu.dma_semaphore, #tpu.memory_space<semaphore_mem>>
    %dma_start3A_350 = tpu.memref_squeeze %dma_start3A_349 : memref<1x!tpu.dma_semaphore, #tpu.memory_space<semaphore_mem>> -> memref<!tpu.dma_semaphore, #tpu.memory_space<semaphore_mem>>
    tpu.enqueue_indirect_dma source(%dma_start3A_343 : memref<512x16xf32, #tpu.memory_space<vmem>>) target(%dma_start3A_348 : memref<10112x16xf32, #tpu.memory_space<vmem_shared>>) offsets(%dma_start3A_345 : memref<512xi32, #tpu.memory_space<vmem>>) semaphore(%dma_start3A_350 : memref<!tpu.dma_semaphore, #tpu.memory_space<semaphore_mem>>) {add = true}
    %dma_wait3A_351 = arith.constant 3 : i32
    %dma_wait3A_352 = arith.constant 3 : i32
    %dma_wait3A_353 = arith.constant 0 : i32
    %dma_wait3A_354 = arith.constant 0 : i32
    %dma_wait3A_355 = tpu.memref_slice %arg10[%dma_wait3A_351, %dma_wait3A_353, %dma_wait3A_354] : memref<5x512x16xf32, #tpu.memory_space<vmem>> -> memref<1x512x16xf32, #tpu.memory_space<vmem>>
    %dma_wait3A_356 = tpu.memref_squeeze %dma_wait3A_355 : memref<1x512x16xf32, #tpu.memory_space<vmem>> -> memref<512x16xf32, #tpu.memory_space<vmem>>
    %dma_wait3A_357 = arith.constant 9216 : i32
    %dma_wait3A_358 = tpu.memref_slice %arg8[%dma_wait3A_357] : memref<10240xi32, #tpu.memory_space<vmem>> -> memref<512xi32, #tpu.memory_space<vmem>>
    %dma_wait3A_359 = arith.constant 0 : i32
    %dma_wait3A_360 = arith.constant 0 : i32
    %dma_wait3A_361 = tpu.memref_slice %arg17[%dma_wait3A_359, %dma_wait3A_360] : memref<10112x16xf32, #tpu.memory_space<vmem_shared>> -> memref<10112x16xf32, #tpu.memory_space<vmem_shared>>
    %dma_wait3A_362 = tpu.memref_slice %arg18[%dma_wait3A_352] : memref<5x!tpu.dma_semaphore, #tpu.memory_space<semaphore_mem>> -> memref<1x!tpu.dma_semaphore, #tpu.memory_space<semaphore_mem>>
    %dma_wait3A_363 = tpu.memref_squeeze %dma_wait3A_362 : memref<1x!tpu.dma_semaphore, #tpu.memory_space<semaphore_mem>> -> memref<!tpu.dma_semaphore, #tpu.memory_space<semaphore_mem>>
    tpu.wait_indirect_dma semaphore(%dma_wait3A_363 : memref<!tpu.dma_semaphore, #tpu.memory_space<semaphore_mem>>) src(%dma_wait3A_361 : memref<10112x16xf32, #tpu.memory_space<vmem_shared>>) dst(%dma_wait3A_356 : memref<512x16xf32, #tpu.memory_space<vmem>>)
    %dma_start3A_364 = arith.constant 3 : i32
    %dma_start3A_365 = arith.constant 3 : i32
    %dma_start3A_366 = arith.constant 0 : i32
    %dma_start3A_367 = arith.constant 0 : i32
    %dma_start3A_368 = tpu.memref_slice %arg10[%dma_start3A_364, %dma_start3A_366, %dma_start3A_367] : memref<5x512x16xf32, #tpu.memory_space<vmem>> -> memref<1x512x16xf32, #tpu.memory_space<vmem>>
    %dma_start3A_369 = tpu.memref_squeeze %dma_start3A_368 : memref<1x512x16xf32, #tpu.memory_space<vmem>> -> memref<512x16xf32, #tpu.memory_space<vmem>>
    %dma_start3A_370 = arith.constant 9216 : i32
    %dma_start3A_371 = tpu.memref_slice %arg9[%dma_start3A_370] : memref<10240xi32, #tpu.memory_space<vmem>> -> memref<512xi32, #tpu.memory_space<vmem>>
    %dma_start3A_372 = arith.constant 0 : i32
    %dma_start3A_373 = arith.constant 0 : i32
    %dma_start3A_374 = tpu.memref_slice %arg16[%dma_start3A_372, %dma_start3A_373] : memref<10112x16xf32, #tpu.memory_space<vmem_shared>> -> memref<10112x16xf32, #tpu.memory_space<vmem_shared>>
    %dma_start3A_375 = tpu.memref_slice %arg19[%dma_start3A_365] : memref<5x!tpu.dma_semaphore, #tpu.memory_space<semaphore_mem>> -> memref<1x!tpu.dma_semaphore, #tpu.memory_space<semaphore_mem>>
    %dma_start3A_376 = tpu.memref_squeeze %dma_start3A_375 : memref<1x!tpu.dma_semaphore, #tpu.memory_space<semaphore_mem>> -> memref<!tpu.dma_semaphore, #tpu.memory_space<semaphore_mem>>
    tpu.enqueue_indirect_dma source(%dma_start3A_369 : memref<512x16xf32, #tpu.memory_space<vmem>>) target(%dma_start3A_374 : memref<10112x16xf32, #tpu.memory_space<vmem_shared>>) offsets(%dma_start3A_371 : memref<512xi32, #tpu.memory_space<vmem>>) semaphore(%dma_start3A_376 : memref<!tpu.dma_semaphore, #tpu.memory_space<semaphore_mem>>) {add = true}
    %dma_wait3A_377 = arith.constant 4 : i32
    %dma_wait3A_378 = arith.constant 4 : i32
    %dma_wait3A_379 = arith.constant 0 : i32
    %dma_wait3A_380 = arith.constant 0 : i32
    %dma_wait3A_381 = tpu.memref_slice %arg10[%dma_wait3A_377, %dma_wait3A_379, %dma_wait3A_380] : memref<5x512x16xf32, #tpu.memory_space<vmem>> -> memref<1x512x16xf32, #tpu.memory_space<vmem>>
    %dma_wait3A_382 = tpu.memref_squeeze %dma_wait3A_381 : memref<1x512x16xf32, #tpu.memory_space<vmem>> -> memref<512x16xf32, #tpu.memory_space<vmem>>
    %dma_wait3A_383 = arith.constant 9728 : i32
    %dma_wait3A_384 = tpu.memref_slice %arg8[%dma_wait3A_383] : memref<10240xi32, #tpu.memory_space<vmem>> -> memref<512xi32, #tpu.memory_space<vmem>>
    %dma_wait3A_385 = arith.constant 0 : i32
    %dma_wait3A_386 = arith.constant 0 : i32
    %dma_wait3A_387 = tpu.memref_slice %arg17[%dma_wait3A_385, %dma_wait3A_386] : memref<10112x16xf32, #tpu.memory_space<vmem_shared>> -> memref<10112x16xf32, #tpu.memory_space<vmem_shared>>
    %dma_wait3A_388 = tpu.memref_slice %arg18[%dma_wait3A_378] : memref<5x!tpu.dma_semaphore, #tpu.memory_space<semaphore_mem>> -> memref<1x!tpu.dma_semaphore, #tpu.memory_space<semaphore_mem>>
    %dma_wait3A_389 = tpu.memref_squeeze %dma_wait3A_388 : memref<1x!tpu.dma_semaphore, #tpu.memory_space<semaphore_mem>> -> memref<!tpu.dma_semaphore, #tpu.memory_space<semaphore_mem>>
    tpu.wait_indirect_dma semaphore(%dma_wait3A_389 : memref<!tpu.dma_semaphore, #tpu.memory_space<semaphore_mem>>) src(%dma_wait3A_387 : memref<10112x16xf32, #tpu.memory_space<vmem_shared>>) dst(%dma_wait3A_382 : memref<512x16xf32, #tpu.memory_space<vmem>>)
    %dma_start3A_390 = arith.constant 4 : i32
    %dma_start3A_391 = arith.constant 4 : i32
    %dma_start3A_392 = arith.constant 0 : i32
    %dma_start3A_393 = arith.constant 0 : i32
    %dma_start3A_394 = tpu.memref_slice %arg10[%dma_start3A_390, %dma_start3A_392, %dma_start3A_393] : memref<5x512x16xf32, #tpu.memory_space<vmem>> -> memref<1x512x16xf32, #tpu.memory_space<vmem>>
    %dma_start3A_395 = tpu.memref_squeeze %dma_start3A_394 : memref<1x512x16xf32, #tpu.memory_space<vmem>> -> memref<512x16xf32, #tpu.memory_space<vmem>>
    %dma_start3A_396 = arith.constant 9728 : i32
    %dma_start3A_397 = tpu.memref_slice %arg9[%dma_start3A_396] : memref<10240xi32, #tpu.memory_space<vmem>> -> memref<512xi32, #tpu.memory_space<vmem>>
    %dma_start3A_398 = arith.constant 0 : i32
    %dma_start3A_399 = arith.constant 0 : i32
    %dma_start3A_400 = tpu.memref_slice %arg16[%dma_start3A_398, %dma_start3A_399] : memref<10112x16xf32, #tpu.memory_space<vmem_shared>> -> memref<10112x16xf32, #tpu.memory_space<vmem_shared>>
    %dma_start3A_401 = tpu.memref_slice %arg19[%dma_start3A_391] : memref<5x!tpu.dma_semaphore, #tpu.memory_space<semaphore_mem>> -> memref<1x!tpu.dma_semaphore, #tpu.memory_space<semaphore_mem>>
    %dma_start3A_402 = tpu.memref_squeeze %dma_start3A_401 : memref<1x!tpu.dma_semaphore, #tpu.memory_space<semaphore_mem>> -> memref<!tpu.dma_semaphore, #tpu.memory_space<semaphore_mem>>
    tpu.enqueue_indirect_dma source(%dma_start3A_395 : memref<512x16xf32, #tpu.memory_space<vmem>>) target(%dma_start3A_400 : memref<10112x16xf32, #tpu.memory_space<vmem_shared>>) offsets(%dma_start3A_397 : memref<512xi32, #tpu.memory_space<vmem>>) semaphore(%dma_start3A_402 : memref<!tpu.dma_semaphore, #tpu.memory_space<semaphore_mem>>) {add = true}
    %dma_wait3A_403 = arith.constant 0 : i32
    %dma_wait3A_404 = arith.constant 0 : i32
    %dma_wait3A_405 = arith.constant 0 : i32
    %dma_wait3A_406 = arith.constant 0 : i32
    %dma_wait3A_407 = tpu.memref_slice %arg10[%dma_wait3A_403, %dma_wait3A_405, %dma_wait3A_406] : memref<5x512x16xf32, #tpu.memory_space<vmem>> -> memref<1x512x16xf32, #tpu.memory_space<vmem>>
    %dma_wait3A_408 = tpu.memref_squeeze %dma_wait3A_407 : memref<1x512x16xf32, #tpu.memory_space<vmem>> -> memref<512x16xf32, #tpu.memory_space<vmem>>
    %dma_wait3A_409 = arith.constant 7680 : i32
    %dma_wait3A_410 = tpu.memref_slice %arg9[%dma_wait3A_409] : memref<10240xi32, #tpu.memory_space<vmem>> -> memref<512xi32, #tpu.memory_space<vmem>>
    %dma_wait3A_411 = arith.constant 0 : i32
    %dma_wait3A_412 = arith.constant 0 : i32
    %dma_wait3A_413 = tpu.memref_slice %arg16[%dma_wait3A_411, %dma_wait3A_412] : memref<10112x16xf32, #tpu.memory_space<vmem_shared>> -> memref<10112x16xf32, #tpu.memory_space<vmem_shared>>
    %dma_wait3A_414 = tpu.memref_slice %arg19[%dma_wait3A_404] : memref<5x!tpu.dma_semaphore, #tpu.memory_space<semaphore_mem>> -> memref<1x!tpu.dma_semaphore, #tpu.memory_space<semaphore_mem>>
    %dma_wait3A_415 = tpu.memref_squeeze %dma_wait3A_414 : memref<1x!tpu.dma_semaphore, #tpu.memory_space<semaphore_mem>> -> memref<!tpu.dma_semaphore, #tpu.memory_space<semaphore_mem>>
    tpu.wait_indirect_dma semaphore(%dma_wait3A_415 : memref<!tpu.dma_semaphore, #tpu.memory_space<semaphore_mem>>) src(%dma_wait3A_408 : memref<512x16xf32, #tpu.memory_space<vmem>>) dst(%dma_wait3A_413 : memref<10112x16xf32, #tpu.memory_space<vmem_shared>>)
    %dma_wait3A_416 = arith.constant 1 : i32
    %dma_wait3A_417 = arith.constant 1 : i32
    %dma_wait3A_418 = arith.constant 0 : i32
    %dma_wait3A_419 = arith.constant 0 : i32
    %dma_wait3A_420 = tpu.memref_slice %arg10[%dma_wait3A_416, %dma_wait3A_418, %dma_wait3A_419] : memref<5x512x16xf32, #tpu.memory_space<vmem>> -> memref<1x512x16xf32, #tpu.memory_space<vmem>>
    %dma_wait3A_421 = tpu.memref_squeeze %dma_wait3A_420 : memref<1x512x16xf32, #tpu.memory_space<vmem>> -> memref<512x16xf32, #tpu.memory_space<vmem>>
    %dma_wait3A_422 = arith.constant 8192 : i32
    %dma_wait3A_423 = tpu.memref_slice %arg9[%dma_wait3A_422] : memref<10240xi32, #tpu.memory_space<vmem>> -> memref<512xi32, #tpu.memory_space<vmem>>
    %dma_wait3A_424 = arith.constant 0 : i32
    %dma_wait3A_425 = arith.constant 0 : i32
    %dma_wait3A_426 = tpu.memref_slice %arg16[%dma_wait3A_424, %dma_wait3A_425] : memref<10112x16xf32, #tpu.memory_space<vmem_shared>> -> memref<10112x16xf32, #tpu.memory_space<vmem_shared>>
    %dma_wait3A_427 = tpu.memref_slice %arg19[%dma_wait3A_417] : memref<5x!tpu.dma_semaphore, #tpu.memory_space<semaphore_mem>> -> memref<1x!tpu.dma_semaphore, #tpu.memory_space<semaphore_mem>>
    %dma_wait3A_428 = tpu.memref_squeeze %dma_wait3A_427 : memref<1x!tpu.dma_semaphore, #tpu.memory_space<semaphore_mem>> -> memref<!tpu.dma_semaphore, #tpu.memory_space<semaphore_mem>>
    tpu.wait_indirect_dma semaphore(%dma_wait3A_428 : memref<!tpu.dma_semaphore, #tpu.memory_space<semaphore_mem>>) src(%dma_wait3A_421 : memref<512x16xf32, #tpu.memory_space<vmem>>) dst(%dma_wait3A_426 : memref<10112x16xf32, #tpu.memory_space<vmem_shared>>)
    %dma_wait3A_429 = arith.constant 2 : i32
    %dma_wait3A_430 = arith.constant 2 : i32
    %dma_wait3A_431 = arith.constant 0 : i32
    %dma_wait3A_432 = arith.constant 0 : i32
    %dma_wait3A_433 = tpu.memref_slice %arg10[%dma_wait3A_429, %dma_wait3A_431, %dma_wait3A_432] : memref<5x512x16xf32, #tpu.memory_space<vmem>> -> memref<1x512x16xf32, #tpu.memory_space<vmem>>
    %dma_wait3A_434 = tpu.memref_squeeze %dma_wait3A_433 : memref<1x512x16xf32, #tpu.memory_space<vmem>> -> memref<512x16xf32, #tpu.memory_space<vmem>>
    %dma_wait3A_435 = arith.constant 8704 : i32
    %dma_wait3A_436 = tpu.memref_slice %arg9[%dma_wait3A_435] : memref<10240xi32, #tpu.memory_space<vmem>> -> memref<512xi32, #tpu.memory_space<vmem>>
    %dma_wait3A_437 = arith.constant 0 : i32
    %dma_wait3A_438 = arith.constant 0 : i32
    %dma_wait3A_439 = tpu.memref_slice %arg16[%dma_wait3A_437, %dma_wait3A_438] : memref<10112x16xf32, #tpu.memory_space<vmem_shared>> -> memref<10112x16xf32, #tpu.memory_space<vmem_shared>>
    %dma_wait3A_440 = tpu.memref_slice %arg19[%dma_wait3A_430] : memref<5x!tpu.dma_semaphore, #tpu.memory_space<semaphore_mem>> -> memref<1x!tpu.dma_semaphore, #tpu.memory_space<semaphore_mem>>
    %dma_wait3A_441 = tpu.memref_squeeze %dma_wait3A_440 : memref<1x!tpu.dma_semaphore, #tpu.memory_space<semaphore_mem>> -> memref<!tpu.dma_semaphore, #tpu.memory_space<semaphore_mem>>
    tpu.wait_indirect_dma semaphore(%dma_wait3A_441 : memref<!tpu.dma_semaphore, #tpu.memory_space<semaphore_mem>>) src(%dma_wait3A_434 : memref<512x16xf32, #tpu.memory_space<vmem>>) dst(%dma_wait3A_439 : memref<10112x16xf32, #tpu.memory_space<vmem_shared>>)
    %dma_wait3A_442 = arith.constant 3 : i32
    %dma_wait3A_443 = arith.constant 3 : i32
    %dma_wait3A_444 = arith.constant 0 : i32
    %dma_wait3A_445 = arith.constant 0 : i32
    %dma_wait3A_446 = tpu.memref_slice %arg10[%dma_wait3A_442, %dma_wait3A_444, %dma_wait3A_445] : memref<5x512x16xf32, #tpu.memory_space<vmem>> -> memref<1x512x16xf32, #tpu.memory_space<vmem>>
    %dma_wait3A_447 = tpu.memref_squeeze %dma_wait3A_446 : memref<1x512x16xf32, #tpu.memory_space<vmem>> -> memref<512x16xf32, #tpu.memory_space<vmem>>
    %dma_wait3A_448 = arith.constant 9216 : i32
    %dma_wait3A_449 = tpu.memref_slice %arg9[%dma_wait3A_448] : memref<10240xi32, #tpu.memory_space<vmem>> -> memref<512xi32, #tpu.memory_space<vmem>>
    %dma_wait3A_450 = arith.constant 0 : i32
    %dma_wait3A_451 = arith.constant 0 : i32
    %dma_wait3A_452 = tpu.memref_slice %arg16[%dma_wait3A_450, %dma_wait3A_451] : memref<10112x16xf32, #tpu.memory_space<vmem_shared>> -> memref<10112x16xf32, #tpu.memory_space<vmem_shared>>
    %dma_wait3A_453 = tpu.memref_slice %arg19[%dma_wait3A_443] : memref<5x!tpu.dma_semaphore, #tpu.memory_space<semaphore_mem>> -> memref<1x!tpu.dma_semaphore, #tpu.memory_space<semaphore_mem>>
    %dma_wait3A_454 = tpu.memref_squeeze %dma_wait3A_453 : memref<1x!tpu.dma_semaphore, #tpu.memory_space<semaphore_mem>> -> memref<!tpu.dma_semaphore, #tpu.memory_space<semaphore_mem>>
    tpu.wait_indirect_dma semaphore(%dma_wait3A_454 : memref<!tpu.dma_semaphore, #tpu.memory_space<semaphore_mem>>) src(%dma_wait3A_447 : memref<512x16xf32, #tpu.memory_space<vmem>>) dst(%dma_wait3A_452 : memref<10112x16xf32, #tpu.memory_space<vmem_shared>>)
    %dma_wait3A_455 = arith.constant 4 : i32
    %dma_wait3A_456 = arith.constant 4 : i32
    %dma_wait3A_457 = arith.constant 0 : i32
    %dma_wait3A_458 = arith.constant 0 : i32
    %dma_wait3A_459 = tpu.memref_slice %arg10[%dma_wait3A_455, %dma_wait3A_457, %dma_wait3A_458] : memref<5x512x16xf32, #tpu.memory_space<vmem>> -> memref<1x512x16xf32, #tpu.memory_space<vmem>>
    %dma_wait3A_460 = tpu.memref_squeeze %dma_wait3A_459 : memref<1x512x16xf32, #tpu.memory_space<vmem>> -> memref<512x16xf32, #tpu.memory_space<vmem>>
    %dma_wait3A_461 = arith.constant 9728 : i32
    %dma_wait3A_462 = tpu.memref_slice %arg9[%dma_wait3A_461] : memref<10240xi32, #tpu.memory_space<vmem>> -> memref<512xi32, #tpu.memory_space<vmem>>
    %dma_wait3A_463 = arith.constant 0 : i32
    %dma_wait3A_464 = arith.constant 0 : i32
    %dma_wait3A_465 = tpu.memref_slice %arg16[%dma_wait3A_463, %dma_wait3A_464] : memref<10112x16xf32, #tpu.memory_space<vmem_shared>> -> memref<10112x16xf32, #tpu.memory_space<vmem_shared>>
    %dma_wait3A_466 = tpu.memref_slice %arg19[%dma_wait3A_456] : memref<5x!tpu.dma_semaphore, #tpu.memory_space<semaphore_mem>> -> memref<1x!tpu.dma_semaphore, #tpu.memory_space<semaphore_mem>>
    %dma_wait3A_467 = tpu.memref_squeeze %dma_wait3A_466 : memref<1x!tpu.dma_semaphore, #tpu.memory_space<semaphore_mem>> -> memref<!tpu.dma_semaphore, #tpu.memory_space<semaphore_mem>>
    tpu.wait_indirect_dma semaphore(%dma_wait3A_467 : memref<!tpu.dma_semaphore, #tpu.memory_space<semaphore_mem>>) src(%dma_wait3A_460 : memref<512x16xf32, #tpu.memory_space<vmem>>) dst(%dma_wait3A_465 : memref<10112x16xf32, #tpu.memory_space<vmem_shared>>)
    %barrier3A_468 = arith.constant 0 : index
    tpu.barrier barrier_id(%barrier3A_468)
    "tpu.region"() ({
      %run_scoped3A_478 = tpu.sem_alloc : memref<!tpu.dma_semaphore, #tpu.memory_space<semaphore_mem>>
      %dma_start3A_479 = arith.constant 0 : i32
      %dma_start3A_480 = tpu.memref_slice %arg16[%mul3A_2, %dma_start3A_479] : memref<10112x16xf32, #tpu.memory_space<vmem_shared>> -> memref<632x16xf32, #tpu.memory_space<vmem_shared>>
      %dma_start3A_481 = arith.constant 0 : i32
      %dma_start3A_482 = tpu.memref_slice %arg16[%mul3A_2, %dma_start3A_481] : memref<10112x16xf32, #tpu.memory_space<vmem_shared>> -> memref<632x16xf32, #tpu.memory_space<vmem_shared>>
      tpu.enqueue_dma source(%dma_start3A_482 : memref<632x16xf32, #tpu.memory_space<vmem_shared>>) target(%arg11 : memref<632x16xf32, #tpu.memory_space<vmem>>) target_semaphore(%run_scoped3A_478 : memref<!tpu.dma_semaphore, #tpu.memory_space<semaphore_mem>>)
      %dma_wait3A_483 = arith.constant 0 : i32
      %dma_wait3A_484 = tpu.memref_slice %arg16[%mul3A_2, %dma_wait3A_483] : memref<10112x16xf32, #tpu.memory_space<vmem_shared>> -> memref<632x16xf32, #tpu.memory_space<vmem_shared>>
      %dma_wait3A_485 = arith.constant 0 : i32
      %dma_wait3A_486 = tpu.memref_slice %arg16[%mul3A_2, %dma_wait3A_485] : memref<10112x16xf32, #tpu.memory_space<vmem_shared>> -> memref<632x16xf32, #tpu.memory_space<vmem_shared>>
      tpu.wait_dma2 semaphore(%run_scoped3A_478 : memref<!tpu.dma_semaphore, #tpu.memory_space<semaphore_mem>>) src(%dma_wait3A_486 : memref<632x16xf32, #tpu.memory_space<vmem_shared>>) dst(%arg11 : memref<632x16xf32, #tpu.memory_space<vmem>>)
      tpu.yield
    }) : () -> ()
    %eq3A = arith.constant 1 : i32
    %eq3A_469 = arith.cmpi eq, %arg0, %eq3A : i32
    %jit3A = arith.constant 1.000000e+00 : f32
    %jit3A_470 = arith.constant 0.000000e+00 : f32
    %select_n3A = arith.select %eq3A_469, %jit3A, %jit3A_470 : f32
    %scan3A_471 = arith.constant 0 : i32
    %scan3A_472 = arith.constant 0 : i32
    %scan3A_473 = arith.constant 79 : i32
    %scan3A_474 = arith.addi %scan3A_472, %scan3A_473 : i32
    %scan3A_475 = arith.constant 1 : i32
    %scan3A_476 = scf.for %scan3A_478 = %scan3A_472 to %scan3A_474 step %scan3A_475 iter_args(%scan3A_479 = %scan3A_471) -> (i32)  : i32 {
      %mul3A_480 = arith.constant 8 : i32
      %mul3A_481 = arith.muli %scan3A_478, %mul3A_480 : i32
      %add3A_482 = arith.constant 0 : i32
      %add3A_483 = arith.addi %mul3A_481, %add3A_482 : i32
      %get3A = arith.index_cast %add3A_483 : i32 to index
      %get3A_484 = arith.constant 0 : index
      %get3A_485 = tpu.vector_load %arg13[%get3A, %get3A_484] {strides = array<i32>} : memref<632x16xf32, #tpu.memory_space<vmem>>, vector<1x16xf32>,
      %get3A_486 = vector.shape_cast %get3A_485 : vector<1x16xf32> to vector<16xf32>
      %get3A_487 = arith.index_cast %add3A_483 : i32 to index
      %get3A_488 = arith.constant 0 : index
      %get3A_489 = tpu.vector_load %arg11[%get3A_487, %get3A_488] {strides = array<i32>} : memref<632x16xf32, #tpu.memory_space<vmem>>, vector<1x16xf32>,
      %get3A_490 = vector.shape_cast %get3A_489 : vector<1x16xf32> to vector<16xf32>
      %get3A_491 = arith.index_cast %add3A_483 : i32 to index
      %get3A_492 = arith.constant 0 : index
      %get3A_493 = tpu.vector_load %arg14[%get3A_491, %get3A_492] {strides = array<i32>} : memref<632x16xf32, #tpu.memory_space<vmem>>, vector<1x16xf32>,
      %get3A_494 = vector.shape_cast %get3A_493 : vector<1x16xf32> to vector<16xf32>
      %mul3A_495 = vector.broadcast %select_n3A : f32 to vector<16xf32>
      %mul3A_496 = arith.mulf %mul3A_495, %get3A_494 : vector<16xf32>
      %add3A_497 = arith.addf %get3A_490, %mul3A_496 : vector<16xf32>
      %mul3A_498 = arith.mulf %get3A_486, %add3A_497 : vector<16xf32>
      %swap3A_499 = arith.index_cast %add3A_483 : i32 to index
      %swap3A_500 = arith.constant 0 : index
      %swap3A_501 = tpu.vector_load %arg11[%swap3A_499, %swap3A_500] {strides = array<i32>} : memref<632x16xf32, #tpu.memory_space<vmem>>, vector<1x16xf32>,
      %swap3A_502 = vector.shape_cast %swap3A_501 : vector<1x16xf32> to vector<16xf32>
      %swap3A_503 = vector.shape_cast %mul3A_498 : vector<16xf32> to vector<1x16xf32>
      tpu.vector_store %arg11[%swap3A_499, %swap3A_500], %swap3A_503 {strides = array<i32>} : memref<632x16xf32, #tpu.memory_space<vmem>>, vector<1x16xf32>,
      %mul3A_504 = arith.constant 8 : i32
      %mul3A_505 = arith.muli %scan3A_478, %mul3A_504 : i32
      %add3A_506 = arith.constant 1 : i32
      %add3A_507 = arith.addi %mul3A_505, %add3A_506 : i32
      %get3A_508 = arith.index_cast %add3A_507 : i32 to index
      %get3A_509 = arith.constant 0 : index
      %get3A_510 = tpu.vector_load %arg13[%get3A_508, %get3A_509] {strides = array<i32>} : memref<632x16xf32, #tpu.memory_space<vmem>>, vector<1x16xf32>,
      %get3A_511 = vector.shape_cast %get3A_510 : vector<1x16xf32> to vector<16xf32>
      %get3A_512 = arith.index_cast %add3A_507 : i32 to index
      %get3A_513 = arith.constant 0 : index
      %get3A_514 = tpu.vector_load %arg11[%get3A_512, %get3A_513] {strides = array<i32>} : memref<632x16xf32, #tpu.memory_space<vmem>>, vector<1x16xf32>,
      %get3A_515 = vector.shape_cast %get3A_514 : vector<1x16xf32> to vector<16xf32>
      %get3A_516 = arith.index_cast %add3A_507 : i32 to index
      %get3A_517 = arith.constant 0 : index
      %get3A_518 = tpu.vector_load %arg14[%get3A_516, %get3A_517] {strides = array<i32>} : memref<632x16xf32, #tpu.memory_space<vmem>>, vector<1x16xf32>,
      %get3A_519 = vector.shape_cast %get3A_518 : vector<1x16xf32> to vector<16xf32>
      %mul3A_520 = vector.broadcast %select_n3A : f32 to vector<16xf32>
      %mul3A_521 = arith.mulf %mul3A_520, %get3A_519 : vector<16xf32>
      %add3A_522 = arith.addf %get3A_515, %mul3A_521 : vector<16xf32>
      %mul3A_523 = arith.mulf %get3A_511, %add3A_522 : vector<16xf32>
      %swap3A_524 = arith.index_cast %add3A_507 : i32 to index
      %swap3A_525 = arith.constant 0 : index
      %swap3A_526 = tpu.vector_load %arg11[%swap3A_524, %swap3A_525] {strides = array<i32>} : memref<632x16xf32, #tpu.memory_space<vmem>>, vector<1x16xf32>,
      %swap3A_527 = vector.shape_cast %swap3A_526 : vector<1x16xf32> to vector<16xf32>
      %swap3A_528 = vector.shape_cast %mul3A_523 : vector<16xf32> to vector<1x16xf32>
      tpu.vector_store %arg11[%swap3A_524, %swap3A_525], %swap3A_528 {strides = array<i32>} : memref<632x16xf32, #tpu.memory_space<vmem>>, vector<1x16xf32>,
      %mul3A_529 = arith.constant 8 : i32
      %mul3A_530 = arith.muli %scan3A_478, %mul3A_529 : i32
      %add3A_531 = arith.constant 2 : i32
      %add3A_532 = arith.addi %mul3A_530, %add3A_531 : i32
      %get3A_533 = arith.index_cast %add3A_532 : i32 to index
      %get3A_534 = arith.constant 0 : index
      %get3A_535 = tpu.vector_load %arg13[%get3A_533, %get3A_534] {strides = array<i32>} : memref<632x16xf32, #tpu.memory_space<vmem>>, vector<1x16xf32>,
      %get3A_536 = vector.shape_cast %get3A_535 : vector<1x16xf32> to vector<16xf32>
      %get3A_537 = arith.index_cast %add3A_532 : i32 to index
      %get3A_538 = arith.constant 0 : index
      %get3A_539 = tpu.vector_load %arg11[%get3A_537, %get3A_538] {strides = array<i32>} : memref<632x16xf32, #tpu.memory_space<vmem>>, vector<1x16xf32>,
      %get3A_540 = vector.shape_cast %get3A_539 : vector<1x16xf32> to vector<16xf32>
      %get3A_541 = arith.index_cast %add3A_532 : i32 to index
      %get3A_542 = arith.constant 0 : index
      %get3A_543 = tpu.vector_load %arg14[%get3A_541, %get3A_542] {strides = array<i32>} : memref<632x16xf32, #tpu.memory_space<vmem>>, vector<1x16xf32>,
      %get3A_544 = vector.shape_cast %get3A_543 : vector<1x16xf32> to vector<16xf32>
      %mul3A_545 = vector.broadcast %select_n3A : f32 to vector<16xf32>
      %mul3A_546 = arith.mulf %mul3A_545, %get3A_544 : vector<16xf32>
      %add3A_547 = arith.addf %get3A_540, %mul3A_546 : vector<16xf32>
      %mul3A_548 = arith.mulf %get3A_536, %add3A_547 : vector<16xf32>
      %swap3A_549 = arith.index_cast %add3A_532 : i32 to index
      %swap3A_550 = arith.constant 0 : index
      %swap3A_551 = tpu.vector_load %arg11[%swap3A_549, %swap3A_550] {strides = array<i32>} : memref<632x16xf32, #tpu.memory_space<vmem>>, vector<1x16xf32>,
      %swap3A_552 = vector.shape_cast %swap3A_551 : vector<1x16xf32> to vector<16xf32>
      %swap3A_553 = vector.shape_cast %mul3A_548 : vector<16xf32> to vector<1x16xf32>
      tpu.vector_store %arg11[%swap3A_549, %swap3A_550], %swap3A_553 {strides = array<i32>} : memref<632x16xf32, #tpu.memory_space<vmem>>, vector<1x16xf32>,
      %mul3A_554 = arith.constant 8 : i32
      %mul3A_555 = arith.muli %scan3A_478, %mul3A_554 : i32
      %add3A_556 = arith.constant 3 : i32
      %add3A_557 = arith.addi %mul3A_555, %add3A_556 : i32
      %get3A_558 = arith.index_cast %add3A_557 : i32 to index
      %get3A_559 = arith.constant 0 : index
      %get3A_560 = tpu.vector_load %arg13[%get3A_558, %get3A_559] {strides = array<i32>} : memref<632x16xf32, #tpu.memory_space<vmem>>, vector<1x16xf32>,
      %get3A_561 = vector.shape_cast %get3A_560 : vector<1x16xf32> to vector<16xf32>
      %get3A_562 = arith.index_cast %add3A_557 : i32 to index
      %get3A_563 = arith.constant 0 : index
      %get3A_564 = tpu.vector_load %arg11[%get3A_562, %get3A_563] {strides = array<i32>} : memref<632x16xf32, #tpu.memory_space<vmem>>, vector<1x16xf32>,
      %get3A_565 = vector.shape_cast %get3A_564 : vector<1x16xf32> to vector<16xf32>
      %get3A_566 = arith.index_cast %add3A_557 : i32 to index
      %get3A_567 = arith.constant 0 : index
      %get3A_568 = tpu.vector_load %arg14[%get3A_566, %get3A_567] {strides = array<i32>} : memref<632x16xf32, #tpu.memory_space<vmem>>, vector<1x16xf32>,
      %get3A_569 = vector.shape_cast %get3A_568 : vector<1x16xf32> to vector<16xf32>
      %mul3A_570 = vector.broadcast %select_n3A : f32 to vector<16xf32>
      %mul3A_571 = arith.mulf %mul3A_570, %get3A_569 : vector<16xf32>
      %add3A_572 = arith.addf %get3A_565, %mul3A_571 : vector<16xf32>
      %mul3A_573 = arith.mulf %get3A_561, %add3A_572 : vector<16xf32>
      %swap3A_574 = arith.index_cast %add3A_557 : i32 to index
      %swap3A_575 = arith.constant 0 : index
      %swap3A_576 = tpu.vector_load %arg11[%swap3A_574, %swap3A_575] {strides = array<i32>} : memref<632x16xf32, #tpu.memory_space<vmem>>, vector<1x16xf32>,
      %swap3A_577 = vector.shape_cast %swap3A_576 : vector<1x16xf32> to vector<16xf32>
      %swap3A_578 = vector.shape_cast %mul3A_573 : vector<16xf32> to vector<1x16xf32>
      tpu.vector_store %arg11[%swap3A_574, %swap3A_575], %swap3A_578 {strides = array<i32>} : memref<632x16xf32, #tpu.memory_space<vmem>>, vector<1x16xf32>,
      %mul3A_579 = arith.constant 8 : i32
      %mul3A_580 = arith.muli %scan3A_478, %mul3A_579 : i32
      %add3A_581 = arith.constant 4 : i32
      %add3A_582 = arith.addi %mul3A_580, %add3A_581 : i32
      %get3A_583 = arith.index_cast %add3A_582 : i32 to index
      %get3A_584 = arith.constant 0 : index
      %get3A_585 = tpu.vector_load %arg13[%get3A_583, %get3A_584] {strides = array<i32>} : memref<632x16xf32, #tpu.memory_space<vmem>>, vector<1x16xf32>,
      %get3A_586 = vector.shape_cast %get3A_585 : vector<1x16xf32> to vector<16xf32>
      %get3A_587 = arith.index_cast %add3A_582 : i32 to index
      %get3A_588 = arith.constant 0 : index
      %get3A_589 = tpu.vector_load %arg11[%get3A_587, %get3A_588] {strides = array<i32>} : memref<632x16xf32, #tpu.memory_space<vmem>>, vector<1x16xf32>,
      %get3A_590 = vector.shape_cast %get3A_589 : vector<1x16xf32> to vector<16xf32>
      %get3A_591 = arith.index_cast %add3A_582 : i32 to index
      %get3A_592 = arith.constant 0 : index
      %get3A_593 = tpu.vector_load %arg14[%get3A_591, %get3A_592] {strides = array<i32>} : memref<632x16xf32, #tpu.memory_space<vmem>>, vector<1x16xf32>,
      %get3A_594 = vector.shape_cast %get3A_593 : vector<1x16xf32> to vector<16xf32>
      %mul3A_595 = vector.broadcast %select_n3A : f32 to vector<16xf32>
      %mul3A_596 = arith.mulf %mul3A_595, %get3A_594 : vector<16xf32>
      %add3A_597 = arith.addf %get3A_590, %mul3A_596 : vector<16xf32>
      %mul3A_598 = arith.mulf %get3A_586, %add3A_597 : vector<16xf32>
      %swap3A_599 = arith.index_cast %add3A_582 : i32 to index
      %swap3A_600 = arith.constant 0 : index
      %swap3A_601 = tpu.vector_load %arg11[%swap3A_599, %swap3A_600] {strides = array<i32>} : memref<632x16xf32, #tpu.memory_space<vmem>>, vector<1x16xf32>,
      %swap3A_602 = vector.shape_cast %swap3A_601 : vector<1x16xf32> to vector<16xf32>
      %swap3A_603 = vector.shape_cast %mul3A_598 : vector<16xf32> to vector<1x16xf32>
      tpu.vector_store %arg11[%swap3A_599, %swap3A_600], %swap3A_603 {strides = array<i32>} : memref<632x16xf32, #tpu.memory_space<vmem>>, vector<1x16xf32>,
      %mul3A_604 = arith.constant 8 : i32
      %mul3A_605 = arith.muli %scan3A_478, %mul3A_604 : i32
      %add3A_606 = arith.constant 5 : i32
      %add3A_607 = arith.addi %mul3A_605, %add3A_606 : i32
      %get3A_608 = arith.index_cast %add3A_607 : i32 to index
      %get3A_609 = arith.constant 0 : index
      %get3A_610 = tpu.vector_load %arg13[%get3A_608, %get3A_609] {strides = array<i32>} : memref<632x16xf32, #tpu.memory_space<vmem>>, vector<1x16xf32>,
      %get3A_611 = vector.shape_cast %get3A_610 : vector<1x16xf32> to vector<16xf32>
      %get3A_612 = arith.index_cast %add3A_607 : i32 to index
      %get3A_613 = arith.constant 0 : index
      %get3A_614 = tpu.vector_load %arg11[%get3A_612, %get3A_613] {strides = array<i32>} : memref<632x16xf32, #tpu.memory_space<vmem>>, vector<1x16xf32>,
      %get3A_615 = vector.shape_cast %get3A_614 : vector<1x16xf32> to vector<16xf32>
      %get3A_616 = arith.index_cast %add3A_607 : i32 to index
      %get3A_617 = arith.constant 0 : index
      %get3A_618 = tpu.vector_load %arg14[%get3A_616, %get3A_617] {strides = array<i32>} : memref<632x16xf32, #tpu.memory_space<vmem>>, vector<1x16xf32>,
      %get3A_619 = vector.shape_cast %get3A_618 : vector<1x16xf32> to vector<16xf32>
      %mul3A_620 = vector.broadcast %select_n3A : f32 to vector<16xf32>
      %mul3A_621 = arith.mulf %mul3A_620, %get3A_619 : vector<16xf32>
      %add3A_622 = arith.addf %get3A_615, %mul3A_621 : vector<16xf32>
      %mul3A_623 = arith.mulf %get3A_611, %add3A_622 : vector<16xf32>
      %swap3A_624 = arith.index_cast %add3A_607 : i32 to index
      %swap3A_625 = arith.constant 0 : index
      %swap3A_626 = tpu.vector_load %arg11[%swap3A_624, %swap3A_625] {strides = array<i32>} : memref<632x16xf32, #tpu.memory_space<vmem>>, vector<1x16xf32>,
      %swap3A_627 = vector.shape_cast %swap3A_626 : vector<1x16xf32> to vector<16xf32>
      %swap3A_628 = vector.shape_cast %mul3A_623 : vector<16xf32> to vector<1x16xf32>
      tpu.vector_store %arg11[%swap3A_624, %swap3A_625], %swap3A_628 {strides = array<i32>} : memref<632x16xf32, #tpu.memory_space<vmem>>, vector<1x16xf32>,
      %mul3A_629 = arith.constant 8 : i32
      %mul3A_630 = arith.muli %scan3A_478, %mul3A_629 : i32
      %add3A_631 = arith.constant 6 : i32
      %add3A_632 = arith.addi %mul3A_630, %add3A_631 : i32
      %get3A_633 = arith.index_cast %add3A_632 : i32 to index
      %get3A_634 = arith.constant 0 : index
      %get3A_635 = tpu.vector_load %arg13[%get3A_633, %get3A_634] {strides = array<i32>} : memref<632x16xf32, #tpu.memory_space<vmem>>, vector<1x16xf32>,
      %get3A_636 = vector.shape_cast %get3A_635 : vector<1x16xf32> to vector<16xf32>
      %get3A_637 = arith.index_cast %add3A_632 : i32 to index
      %get3A_638 = arith.constant 0 : index
      %get3A_639 = tpu.vector_load %arg11[%get3A_637, %get3A_638] {strides = array<i32>} : memref<632x16xf32, #tpu.memory_space<vmem>>, vector<1x16xf32>,
      %get3A_640 = vector.shape_cast %get3A_639 : vector<1x16xf32> to vector<16xf32>
      %get3A_641 = arith.index_cast %add3A_632 : i32 to index
      %get3A_642 = arith.constant 0 : index
      %get3A_643 = tpu.vector_load %arg14[%get3A_641, %get3A_642] {strides = array<i32>} : memref<632x16xf32, #tpu.memory_space<vmem>>, vector<1x16xf32>,
      %get3A_644 = vector.shape_cast %get3A_643 : vector<1x16xf32> to vector<16xf32>
      %mul3A_645 = vector.broadcast %select_n3A : f32 to vector<16xf32>
      %mul3A_646 = arith.mulf %mul3A_645, %get3A_644 : vector<16xf32>
      %add3A_647 = arith.addf %get3A_640, %mul3A_646 : vector<16xf32>
      %mul3A_648 = arith.mulf %get3A_636, %add3A_647 : vector<16xf32>
      %swap3A_649 = arith.index_cast %add3A_632 : i32 to index
      %swap3A_650 = arith.constant 0 : index
      %swap3A_651 = tpu.vector_load %arg11[%swap3A_649, %swap3A_650] {strides = array<i32>} : memref<632x16xf32, #tpu.memory_space<vmem>>, vector<1x16xf32>,
      %swap3A_652 = vector.shape_cast %swap3A_651 : vector<1x16xf32> to vector<16xf32>
      %swap3A_653 = vector.shape_cast %mul3A_648 : vector<16xf32> to vector<1x16xf32>
      tpu.vector_store %arg11[%swap3A_649, %swap3A_650], %swap3A_653 {strides = array<i32>} : memref<632x16xf32, #tpu.memory_space<vmem>>, vector<1x16xf32>,
      %mul3A_654 = arith.constant 8 : i32
      %mul3A_655 = arith.muli %scan3A_478, %mul3A_654 : i32
      %add3A_656 = arith.constant 7 : i32
      %add3A_657 = arith.addi %mul3A_655, %add3A_656 : i32
      %get3A_658 = arith.index_cast %add3A_657 : i32 to index
      %get3A_659 = arith.constant 0 : index
      %get3A_660 = tpu.vector_load %arg13[%get3A_658, %get3A_659] {strides = array<i32>} : memref<632x16xf32, #tpu.memory_space<vmem>>, vector<1x16xf32>,
      %get3A_661 = vector.shape_cast %get3A_660 : vector<1x16xf32> to vector<16xf32>
      %get3A_662 = arith.index_cast %add3A_657 : i32 to index
      %get3A_663 = arith.constant 0 : index
      %get3A_664 = tpu.vector_load %arg11[%get3A_662, %get3A_663] {strides = array<i32>} : memref<632x16xf32, #tpu.memory_space<vmem>>, vector<1x16xf32>,
      %get3A_665 = vector.shape_cast %get3A_664 : vector<1x16xf32> to vector<16xf32>
      %get3A_666 = arith.index_cast %add3A_657 : i32 to index
      %get3A_667 = arith.constant 0 : index
      %get3A_668 = tpu.vector_load %arg14[%get3A_666, %get3A_667] {strides = array<i32>} : memref<632x16xf32, #tpu.memory_space<vmem>>, vector<1x16xf32>,
      %get3A_669 = vector.shape_cast %get3A_668 : vector<1x16xf32> to vector<16xf32>
      %mul3A_670 = vector.broadcast %select_n3A : f32 to vector<16xf32>
      %mul3A_671 = arith.mulf %mul3A_670, %get3A_669 : vector<16xf32>
      %add3A_672 = arith.addf %get3A_665, %mul3A_671 : vector<16xf32>
      %mul3A_673 = arith.mulf %get3A_661, %add3A_672 : vector<16xf32>
      %swap3A_674 = arith.index_cast %add3A_657 : i32 to index
      %swap3A_675 = arith.constant 0 : index
      %swap3A_676 = tpu.vector_load %arg11[%swap3A_674, %swap3A_675] {strides = array<i32>} : memref<632x16xf32, #tpu.memory_space<vmem>>, vector<1x16xf32>,
      %swap3A_677 = vector.shape_cast %swap3A_676 : vector<1x16xf32> to vector<16xf32>
      %swap3A_678 = vector.shape_cast %mul3A_673 : vector<16xf32> to vector<1x16xf32>
      tpu.vector_store %arg11[%swap3A_674, %swap3A_675], %swap3A_678 {strides = array<i32>} : memref<632x16xf32, #tpu.memory_space<vmem>>, vector<1x16xf32>,
      %scan3A_679 = arith.constant 0 : i32
      scf.yield %scan3A_679 : i32
    }
    %scan3A_477 = arith.constant 79 : i32
    "tpu.region"() ({
      %run_scoped3A_478 = tpu.sem_alloc : memref<!tpu.dma_semaphore, #tpu.memory_space<semaphore_mem>>
      %dma_start3A_479 = arith.constant 0 : i32
      %dma_start3A_480 = tpu.memref_slice %arg7[%arg0, %mul3A_2, %dma_start3A_479] : memref<2x10112x16xf32, #tpu.memory_space<hbm>> -> memref<1x632x16xf32, #tpu.memory_space<hbm>>
      %dma_start3A_481 = tpu.memref_squeeze %dma_start3A_480 : memref<1x632x16xf32, #tpu.memory_space<hbm>> -> memref<632x16xf32, #tpu.memory_space<hbm>>
      %dma_start3A_482 = arith.constant 0 : i32
      %dma_start3A_483 = tpu.memref_slice %arg7[%arg0, %mul3A_2, %dma_start3A_482] : memref<2x10112x16xf32, #tpu.memory_space<hbm>> -> memref<1x632x16xf32, #tpu.memory_space<hbm>>
      %dma_start3A_484 = tpu.memref_squeeze %dma_start3A_483 : memref<1x632x16xf32, #tpu.memory_space<hbm>> -> memref<632x16xf32, #tpu.memory_space<hbm>>
      tpu.enqueue_dma source(%arg11 : memref<632x16xf32, #tpu.memory_space<vmem>>) target(%dma_start3A_484 : memref<632x16xf32, #tpu.memory_space<hbm>>) target_semaphore(%run_scoped3A_478 : memref<!tpu.dma_semaphore, #tpu.memory_space<semaphore_mem>>)
      %dma_wait3A_485 = arith.constant 0 : i32
      %dma_wait3A_486 = tpu.memref_slice %arg7[%arg0, %mul3A_2, %dma_wait3A_485] : memref<2x10112x16xf32, #tpu.memory_space<hbm>> -> memref<1x632x16xf32, #tpu.memory_space<hbm>>
      %dma_wait3A_487 = tpu.memref_squeeze %dma_wait3A_486 : memref<1x632x16xf32, #tpu.memory_space<hbm>> -> memref<632x16xf32, #tpu.memory_space<hbm>>
      %dma_wait3A_488 = arith.constant 0 : i32
      %dma_wait3A_489 = tpu.memref_slice %arg7[%arg0, %mul3A_2, %dma_wait3A_488] : memref<2x10112x16xf32, #tpu.memory_space<hbm>> -> memref<1x632x16xf32, #tpu.memory_space<hbm>>
      %dma_wait3A_490 = tpu.memref_squeeze %dma_wait3A_489 : memref<1x632x16xf32, #tpu.memory_space<hbm>> -> memref<632x16xf32, #tpu.memory_space<hbm>>
      tpu.wait_dma2 semaphore(%run_scoped3A_478 : memref<!tpu.dma_semaphore, #tpu.memory_space<semaphore_mem>>) src(%arg11 : memref<632x16xf32, #tpu.memory_space<vmem>>) dst(%dma_wait3A_490 : memref<632x16xf32, #tpu.memory_space<hbm>>)
      tpu.yield
    }) : () -> ()
    return
  }
}

#map = affine_map<(d0, d1) -> (0, 0)>
#map1 = affine_map<(d0, d1) -> (0, 0, 0)>
module attributes {stable_mosaic.version = 14 : i64} {
  func.func @_agg_kernel(%arg0: i32, %arg1: i32, %arg2: memref<10112x16xf32, #tpu.memory_space<hbm>>, %arg3: memref<2x320000xi32, #tpu.memory_space<hbm>>, %arg4: memref<2x10112x16xf32, #tpu.memory_space<hbm>>, %arg5: memref<10240xi32, #tpu.memory_space<vmem>>, %arg6: memref<10240xi32, #tpu.memory_space<vmem>>, %arg7: memref<5x512x16xf32, #tpu.memory_space<vmem>>, %arg8: memref<632x16xf32, #tpu.memory_space<vmem>>, %arg9: memref<10112x16xf32, #tpu.memory_space<vmem_shared>>, %arg10: memref<10112x16xf32, #tpu.memory_space<vmem_shared>>, %arg11: memref<5x!tpu.dma_semaphore, #tpu.memory_space<semaphore_mem>>, %arg12: memref<5x!tpu.dma_semaphore, #tpu.memory_space<semaphore_mem>>) attributes {dimension_semantics = [#tpu.dimension_semantics<core_parallel>, #tpu.dimension_semantics<subcore_parallel>], iteration_bounds = array<i64: 2, 16>, scalar_prefetch = 0 : i64, scratch_operands = 8 : i64, tpu.core_type = #tpu.core_type<sc_vector_subcore>, window_params = [{transform_indices = #map}, {transform_indices = #map}, {transform_indices = #map1}]} {
    %mul3A = arith.constant 16 : i32
    %mul3A_0 = arith.muli %arg0, %mul3A : i32
    %add3A = arith.addi %mul3A_0, %arg1 : i32
    %mul3A_1 = arith.constant 632 : i32
    %mul3A_2 = arith.muli %arg1, %mul3A_1 : i32
    %mul3A_3 = arith.constant 632 : i32
    %mul3A_4 = arith.muli %arg1, %mul3A_3 : i32
    "tpu.region"() ({
      %run_scoped3A_466 = tpu.sem_alloc : memref<!tpu.dma_semaphore, #tpu.memory_space<semaphore_mem>>
      %dma_start3A_467 = arith.constant 0 : i32
      %dma_start3A_468 = tpu.memref_slice %arg10[%mul3A_4, %dma_start3A_467] : memref<10112x16xf32, #tpu.memory_space<vmem_shared>> -> memref<632x16xf32, #tpu.memory_space<vmem_shared>>
      %dma_start3A_469 = arith.constant 0 : i32
      %dma_start3A_470 = tpu.memref_slice %arg2[%mul3A_2, %dma_start3A_469] : memref<10112x16xf32, #tpu.memory_space<hbm>> -> memref<632x16xf32, #tpu.memory_space<hbm>>
      tpu.enqueue_dma source(%dma_start3A_470 : memref<632x16xf32, #tpu.memory_space<hbm>>) target(%dma_start3A_468 : memref<632x16xf32, #tpu.memory_space<vmem_shared>>) target_semaphore(%run_scoped3A_466 : memref<!tpu.dma_semaphore, #tpu.memory_space<semaphore_mem>>)
      %dma_wait3A_471 = arith.constant 0 : i32
      %dma_wait3A_472 = tpu.memref_slice %arg10[%mul3A_4, %dma_wait3A_471] : memref<10112x16xf32, #tpu.memory_space<vmem_shared>> -> memref<632x16xf32, #tpu.memory_space<vmem_shared>>
      %dma_wait3A_473 = arith.constant 0 : i32
      %dma_wait3A_474 = tpu.memref_slice %arg2[%mul3A_2, %dma_wait3A_473] : memref<10112x16xf32, #tpu.memory_space<hbm>> -> memref<632x16xf32, #tpu.memory_space<hbm>>
      tpu.wait_dma2 semaphore(%run_scoped3A_466 : memref<!tpu.dma_semaphore, #tpu.memory_space<semaphore_mem>>) src(%dma_wait3A_474 : memref<632x16xf32, #tpu.memory_space<hbm>>) dst(%dma_wait3A_472 : memref<632x16xf32, #tpu.memory_space<vmem_shared>>)
      tpu.yield
    }) : () -> ()
    %scan3A = arith.constant 0 : i32
    %scan3A_5 = arith.constant 0 : i32
    %scan3A_6 = arith.constant 79 : i32
    %scan3A_7 = arith.addi %scan3A_5, %scan3A_6 : i32
    %scan3A_8 = arith.constant 1 : i32
    %scan3A_9 = scf.for %scan3A_466 = %scan3A_5 to %scan3A_7 step %scan3A_8 iter_args(%scan3A_467 = %scan3A) -> (i32)  : i32 {
      %broadcast_in_dim3A_468 = arith.constant 0.000000e+00 : f32
      %broadcast_in_dim3A_469 = vector.broadcast %broadcast_in_dim3A_468 : f32 to vector<16xf32>
      %mul3A_470 = arith.constant 8 : i32
      %mul3A_471 = arith.muli %scan3A_466, %mul3A_470 : i32
      %add3A_472 = arith.constant 0 : i32
      %add3A_473 = arith.addi %mul3A_471, %add3A_472 : i32
      %swap3A_474 = arith.index_cast %add3A_473 : i32 to index
      %swap3A_475 = arith.constant 0 : index
      %swap3A_476 = tpu.vector_load %arg8[%swap3A_474, %swap3A_475] {strides = array<i32>} : memref<632x16xf32, #tpu.memory_space<vmem>>, vector<1x16xf32>,
      %swap3A_477 = vector.shape_cast %swap3A_476 : vector<1x16xf32> to vector<16xf32>
      %swap3A_478 = vector.shape_cast %broadcast_in_dim3A_469 : vector<16xf32> to vector<1x16xf32>
      tpu.vector_store %arg8[%swap3A_474, %swap3A_475], %swap3A_478 {strides = array<i32>} : memref<632x16xf32, #tpu.memory_space<vmem>>, vector<1x16xf32>,
      %broadcast_in_dim3A_479 = arith.constant 0.000000e+00 : f32
      %broadcast_in_dim3A_480 = vector.broadcast %broadcast_in_dim3A_479 : f32 to vector<16xf32>
      %mul3A_481 = arith.constant 8 : i32
      %mul3A_482 = arith.muli %scan3A_466, %mul3A_481 : i32
      %add3A_483 = arith.constant 1 : i32
      %add3A_484 = arith.addi %mul3A_482, %add3A_483 : i32
      %swap3A_485 = arith.index_cast %add3A_484 : i32 to index
      %swap3A_486 = arith.constant 0 : index
      %swap3A_487 = tpu.vector_load %arg8[%swap3A_485, %swap3A_486] {strides = array<i32>} : memref<632x16xf32, #tpu.memory_space<vmem>>, vector<1x16xf32>,
      %swap3A_488 = vector.shape_cast %swap3A_487 : vector<1x16xf32> to vector<16xf32>
      %swap3A_489 = vector.shape_cast %broadcast_in_dim3A_480 : vector<16xf32> to vector<1x16xf32>
      tpu.vector_store %arg8[%swap3A_485, %swap3A_486], %swap3A_489 {strides = array<i32>} : memref<632x16xf32, #tpu.memory_space<vmem>>, vector<1x16xf32>,
      %broadcast_in_dim3A_490 = arith.constant 0.000000e+00 : f32
      %broadcast_in_dim3A_491 = vector.broadcast %broadcast_in_dim3A_490 : f32 to vector<16xf32>
      %mul3A_492 = arith.constant 8 : i32
      %mul3A_493 = arith.muli %scan3A_466, %mul3A_492 : i32
      %add3A_494 = arith.constant 2 : i32
      %add3A_495 = arith.addi %mul3A_493, %add3A_494 : i32
      %swap3A_496 = arith.index_cast %add3A_495 : i32 to index
      %swap3A_497 = arith.constant 0 : index
      %swap3A_498 = tpu.vector_load %arg8[%swap3A_496, %swap3A_497] {strides = array<i32>} : memref<632x16xf32, #tpu.memory_space<vmem>>, vector<1x16xf32>,
      %swap3A_499 = vector.shape_cast %swap3A_498 : vector<1x16xf32> to vector<16xf32>
      %swap3A_500 = vector.shape_cast %broadcast_in_dim3A_491 : vector<16xf32> to vector<1x16xf32>
      tpu.vector_store %arg8[%swap3A_496, %swap3A_497], %swap3A_500 {strides = array<i32>} : memref<632x16xf32, #tpu.memory_space<vmem>>, vector<1x16xf32>,
      %broadcast_in_dim3A_501 = arith.constant 0.000000e+00 : f32
      %broadcast_in_dim3A_502 = vector.broadcast %broadcast_in_dim3A_501 : f32 to vector<16xf32>
      %mul3A_503 = arith.constant 8 : i32
      %mul3A_504 = arith.muli %scan3A_466, %mul3A_503 : i32
      %add3A_505 = arith.constant 3 : i32
      %add3A_506 = arith.addi %mul3A_504, %add3A_505 : i32
      %swap3A_507 = arith.index_cast %add3A_506 : i32 to index
      %swap3A_508 = arith.constant 0 : index
      %swap3A_509 = tpu.vector_load %arg8[%swap3A_507, %swap3A_508] {strides = array<i32>} : memref<632x16xf32, #tpu.memory_space<vmem>>, vector<1x16xf32>,
      %swap3A_510 = vector.shape_cast %swap3A_509 : vector<1x16xf32> to vector<16xf32>
      %swap3A_511 = vector.shape_cast %broadcast_in_dim3A_502 : vector<16xf32> to vector<1x16xf32>
      tpu.vector_store %arg8[%swap3A_507, %swap3A_508], %swap3A_511 {strides = array<i32>} : memref<632x16xf32, #tpu.memory_space<vmem>>, vector<1x16xf32>,
      %broadcast_in_dim3A_512 = arith.constant 0.000000e+00 : f32
      %broadcast_in_dim3A_513 = vector.broadcast %broadcast_in_dim3A_512 : f32 to vector<16xf32>
      %mul3A_514 = arith.constant 8 : i32
      %mul3A_515 = arith.muli %scan3A_466, %mul3A_514 : i32
      %add3A_516 = arith.constant 4 : i32
      %add3A_517 = arith.addi %mul3A_515, %add3A_516 : i32
      %swap3A_518 = arith.index_cast %add3A_517 : i32 to index
      %swap3A_519 = arith.constant 0 : index
      %swap3A_520 = tpu.vector_load %arg8[%swap3A_518, %swap3A_519] {strides = array<i32>} : memref<632x16xf32, #tpu.memory_space<vmem>>, vector<1x16xf32>,
      %swap3A_521 = vector.shape_cast %swap3A_520 : vector<1x16xf32> to vector<16xf32>
      %swap3A_522 = vector.shape_cast %broadcast_in_dim3A_513 : vector<16xf32> to vector<1x16xf32>
      tpu.vector_store %arg8[%swap3A_518, %swap3A_519], %swap3A_522 {strides = array<i32>} : memref<632x16xf32, #tpu.memory_space<vmem>>, vector<1x16xf32>,
      %broadcast_in_dim3A_523 = arith.constant 0.000000e+00 : f32
      %broadcast_in_dim3A_524 = vector.broadcast %broadcast_in_dim3A_523 : f32 to vector<16xf32>
      %mul3A_525 = arith.constant 8 : i32
      %mul3A_526 = arith.muli %scan3A_466, %mul3A_525 : i32
      %add3A_527 = arith.constant 5 : i32
      %add3A_528 = arith.addi %mul3A_526, %add3A_527 : i32
      %swap3A_529 = arith.index_cast %add3A_528 : i32 to index
      %swap3A_530 = arith.constant 0 : index
      %swap3A_531 = tpu.vector_load %arg8[%swap3A_529, %swap3A_530] {strides = array<i32>} : memref<632x16xf32, #tpu.memory_space<vmem>>, vector<1x16xf32>,
      %swap3A_532 = vector.shape_cast %swap3A_531 : vector<1x16xf32> to vector<16xf32>
      %swap3A_533 = vector.shape_cast %broadcast_in_dim3A_524 : vector<16xf32> to vector<1x16xf32>
      tpu.vector_store %arg8[%swap3A_529, %swap3A_530], %swap3A_533 {strides = array<i32>} : memref<632x16xf32, #tpu.memory_space<vmem>>, vector<1x16xf32>,
      %broadcast_in_dim3A_534 = arith.constant 0.000000e+00 : f32
      %broadcast_in_dim3A_535 = vector.broadcast %broadcast_in_dim3A_534 : f32 to vector<16xf32>
      %mul3A_536 = arith.constant 8 : i32
      %mul3A_537 = arith.muli %scan3A_466, %mul3A_536 : i32
      %add3A_538 = arith.constant 6 : i32
      %add3A_539 = arith.addi %mul3A_537, %add3A_538 : i32
      %swap3A_540 = arith.index_cast %add3A_539 : i32 to index
      %swap3A_541 = arith.constant 0 : index
      %swap3A_542 = tpu.vector_load %arg8[%swap3A_540, %swap3A_541] {strides = array<i32>} : memref<632x16xf32, #tpu.memory_space<vmem>>, vector<1x16xf32>,
      %swap3A_543 = vector.shape_cast %swap3A_542 : vector<1x16xf32> to vector<16xf32>
      %swap3A_544 = vector.shape_cast %broadcast_in_dim3A_535 : vector<16xf32> to vector<1x16xf32>
      tpu.vector_store %arg8[%swap3A_540, %swap3A_541], %swap3A_544 {strides = array<i32>} : memref<632x16xf32, #tpu.memory_space<vmem>>, vector<1x16xf32>,
      %broadcast_in_dim3A_545 = arith.constant 0.000000e+00 : f32
      %broadcast_in_dim3A_546 = vector.broadcast %broadcast_in_dim3A_545 : f32 to vector<16xf32>
      %mul3A_547 = arith.constant 8 : i32
      %mul3A_548 = arith.muli %scan3A_466, %mul3A_547 : i32
      %add3A_549 = arith.constant 7 : i32
      %add3A_550 = arith.addi %mul3A_548, %add3A_549 : i32
      %swap3A_551 = arith.index_cast %add3A_550 : i32 to index
      %swap3A_552 = arith.constant 0 : index
      %swap3A_553 = tpu.vector_load %arg8[%swap3A_551, %swap3A_552] {strides = array<i32>} : memref<632x16xf32, #tpu.memory_space<vmem>>, vector<1x16xf32>,
      %swap3A_554 = vector.shape_cast %swap3A_553 : vector<1x16xf32> to vector<16xf32>
      %swap3A_555 = vector.shape_cast %broadcast_in_dim3A_546 : vector<16xf32> to vector<1x16xf32>
      tpu.vector_store %arg8[%swap3A_551, %swap3A_552], %swap3A_555 {strides = array<i32>} : memref<632x16xf32, #tpu.memory_space<vmem>>, vector<1x16xf32>,
      %scan3A_556 = arith.constant 0 : i32
      scf.yield %scan3A_556 : i32
    }
    %scan3A_10 = arith.constant 79 : i32
    %mul3A_11 = arith.constant 632 : i32
    %mul3A_12 = arith.muli %arg1, %mul3A_11 : i32
    "tpu.region"() ({
      %run_scoped3A_466 = tpu.sem_alloc : memref<!tpu.dma_semaphore, #tpu.memory_space<semaphore_mem>>
      %dma_start3A_467 = arith.constant 0 : i32
      %dma_start3A_468 = tpu.memref_slice %arg9[%mul3A_12, %dma_start3A_467] : memref<10112x16xf32, #tpu.memory_space<vmem_shared>> -> memref<632x16xf32, #tpu.memory_space<vmem_shared>>
      %dma_start3A_469 = arith.constant 0 : i32
      %dma_start3A_470 = tpu.memref_slice %arg9[%mul3A_12, %dma_start3A_469] : memref<10112x16xf32, #tpu.memory_space<vmem_shared>> -> memref<632x16xf32, #tpu.memory_space<vmem_shared>>
      tpu.enqueue_dma source(%arg8 : memref<632x16xf32, #tpu.memory_space<vmem>>) target(%dma_start3A_470 : memref<632x16xf32, #tpu.memory_space<vmem_shared>>) target_semaphore(%run_scoped3A_466 : memref<!tpu.dma_semaphore, #tpu.memory_space<semaphore_mem>>)
      %dma_wait3A_471 = arith.constant 0 : i32
      %dma_wait3A_472 = tpu.memref_slice %arg9[%mul3A_12, %dma_wait3A_471] : memref<10112x16xf32, #tpu.memory_space<vmem_shared>> -> memref<632x16xf32, #tpu.memory_space<vmem_shared>>
      %dma_wait3A_473 = arith.constant 0 : i32
      %dma_wait3A_474 = tpu.memref_slice %arg9[%mul3A_12, %dma_wait3A_473] : memref<10112x16xf32, #tpu.memory_space<vmem_shared>> -> memref<632x16xf32, #tpu.memory_space<vmem_shared>>
      tpu.wait_dma2 semaphore(%run_scoped3A_466 : memref<!tpu.dma_semaphore, #tpu.memory_space<semaphore_mem>>) src(%arg8 : memref<632x16xf32, #tpu.memory_space<vmem>>) dst(%dma_wait3A_474 : memref<632x16xf32, #tpu.memory_space<vmem_shared>>)
      tpu.yield
    }) : () -> ()
    %barrier3A = arith.constant 0 : index
    tpu.barrier barrier_id(%barrier3A)
    %mul3A_13 = arith.constant 10000 : i32
    %mul3A_14 = arith.muli %add3A, %mul3A_13 : i32
    %run_scoped3A = arith.constant 0 : i32
    "tpu.region"() ({
      %run_scoped3A_466 = tpu.sem_alloc : memref<!tpu.dma_semaphore, #tpu.memory_space<semaphore_mem>>
      %dma_start3A_467 = arith.constant 0 : i32
      %dma_start3A_468 = tpu.memref_slice %arg5[%dma_start3A_467] : memref<10240xi32, #tpu.memory_space<vmem>> -> memref<10000xi32, #tpu.memory_space<vmem>>
      %dma_start3A_469 = tpu.memref_slice %arg3[%run_scoped3A, %mul3A_14] : memref<2x320000xi32, #tpu.memory_space<hbm>> -> memref<1x10000xi32, #tpu.memory_space<hbm>>
      %dma_start3A_470 = tpu.memref_squeeze %dma_start3A_469 : memref<1x10000xi32, #tpu.memory_space<hbm>> -> memref<10000xi32, #tpu.memory_space<hbm>>
      %dma_start3A_471 = arith.constant 0 : i32
      %dma_start3A_472 = tpu.memref_slice %arg5[%dma_start3A_471] : memref<10240xi32, #tpu.memory_space<vmem>> -> memref<10000xi32, #tpu.memory_space<vmem>>
      %dma_start3A_473 = tpu.memref_slice %arg3[%run_scoped3A, %mul3A_14] : memref<2x320000xi32, #tpu.memory_space<hbm>> -> memref<1x10000xi32, #tpu.memory_space<hbm>>
      %dma_start3A_474 = tpu.memref_squeeze %dma_start3A_473 : memref<1x10000xi32, #tpu.memory_space<hbm>> -> memref<10000xi32, #tpu.memory_space<hbm>>
      tpu.enqueue_dma source(%dma_start3A_474 : memref<10000xi32, #tpu.memory_space<hbm>>) target(%dma_start3A_472 : memref<10000xi32, #tpu.memory_space<vmem>>) target_semaphore(%run_scoped3A_466 : memref<!tpu.dma_semaphore, #tpu.memory_space<semaphore_mem>>)
      %dma_wait3A_475 = arith.constant 0 : i32
      %dma_wait3A_476 = tpu.memref_slice %arg5[%dma_wait3A_475] : memref<10240xi32, #tpu.memory_space<vmem>> -> memref<10000xi32, #tpu.memory_space<vmem>>
      %dma_wait3A_477 = tpu.memref_slice %arg3[%run_scoped3A, %mul3A_14] : memref<2x320000xi32, #tpu.memory_space<hbm>> -> memref<1x10000xi32, #tpu.memory_space<hbm>>
      %dma_wait3A_478 = tpu.memref_squeeze %dma_wait3A_477 : memref<1x10000xi32, #tpu.memory_space<hbm>> -> memref<10000xi32, #tpu.memory_space<hbm>>
      %dma_wait3A_479 = arith.constant 0 : i32
      %dma_wait3A_480 = tpu.memref_slice %arg5[%dma_wait3A_479] : memref<10240xi32, #tpu.memory_space<vmem>> -> memref<10000xi32, #tpu.memory_space<vmem>>
      %dma_wait3A_481 = tpu.memref_slice %arg3[%run_scoped3A, %mul3A_14] : memref<2x320000xi32, #tpu.memory_space<hbm>> -> memref<1x10000xi32, #tpu.memory_space<hbm>>
      %dma_wait3A_482 = tpu.memref_squeeze %dma_wait3A_481 : memref<1x10000xi32, #tpu.memory_space<hbm>> -> memref<10000xi32, #tpu.memory_space<hbm>>
      tpu.wait_dma2 semaphore(%run_scoped3A_466 : memref<!tpu.dma_semaphore, #tpu.memory_space<semaphore_mem>>) src(%dma_wait3A_482 : memref<10000xi32, #tpu.memory_space<hbm>>) dst(%dma_wait3A_480 : memref<10000xi32, #tpu.memory_space<vmem>>)
      tpu.yield
    }) : () -> ()
    %mul3A_15 = arith.constant 10000 : i32
    %mul3A_16 = arith.muli %add3A, %mul3A_15 : i32
    %run_scoped3A_17 = arith.constant 1 : i32
    "tpu.region"() ({
      %run_scoped3A_466 = tpu.sem_alloc : memref<!tpu.dma_semaphore, #tpu.memory_space<semaphore_mem>>
      %dma_start3A_467 = arith.constant 0 : i32
      %dma_start3A_468 = tpu.memref_slice %arg6[%dma_start3A_467] : memref<10240xi32, #tpu.memory_space<vmem>> -> memref<10000xi32, #tpu.memory_space<vmem>>
      %dma_start3A_469 = tpu.memref_slice %arg3[%run_scoped3A_17, %mul3A_16] : memref<2x320000xi32, #tpu.memory_space<hbm>> -> memref<1x10000xi32, #tpu.memory_space<hbm>>
      %dma_start3A_470 = tpu.memref_squeeze %dma_start3A_469 : memref<1x10000xi32, #tpu.memory_space<hbm>> -> memref<10000xi32, #tpu.memory_space<hbm>>
      %dma_start3A_471 = arith.constant 0 : i32
      %dma_start3A_472 = tpu.memref_slice %arg6[%dma_start3A_471] : memref<10240xi32, #tpu.memory_space<vmem>> -> memref<10000xi32, #tpu.memory_space<vmem>>
      %dma_start3A_473 = tpu.memref_slice %arg3[%run_scoped3A_17, %mul3A_16] : memref<2x320000xi32, #tpu.memory_space<hbm>> -> memref<1x10000xi32, #tpu.memory_space<hbm>>
      %dma_start3A_474 = tpu.memref_squeeze %dma_start3A_473 : memref<1x10000xi32, #tpu.memory_space<hbm>> -> memref<10000xi32, #tpu.memory_space<hbm>>
      tpu.enqueue_dma source(%dma_start3A_474 : memref<10000xi32, #tpu.memory_space<hbm>>) target(%dma_start3A_472 : memref<10000xi32, #tpu.memory_space<vmem>>) target_semaphore(%run_scoped3A_466 : memref<!tpu.dma_semaphore, #tpu.memory_space<semaphore_mem>>)
      %dma_wait3A_475 = arith.constant 0 : i32
      %dma_wait3A_476 = tpu.memref_slice %arg6[%dma_wait3A_475] : memref<10240xi32, #tpu.memory_space<vmem>> -> memref<10000xi32, #tpu.memory_space<vmem>>
      %dma_wait3A_477 = tpu.memref_slice %arg3[%run_scoped3A_17, %mul3A_16] : memref<2x320000xi32, #tpu.memory_space<hbm>> -> memref<1x10000xi32, #tpu.memory_space<hbm>>
      %dma_wait3A_478 = tpu.memref_squeeze %dma_wait3A_477 : memref<1x10000xi32, #tpu.memory_space<hbm>> -> memref<10000xi32, #tpu.memory_space<hbm>>
      %dma_wait3A_479 = arith.constant 0 : i32
      %dma_wait3A_480 = tpu.memref_slice %arg6[%dma_wait3A_479] : memref<10240xi32, #tpu.memory_space<vmem>> -> memref<10000xi32, #tpu.memory_space<vmem>>
      %dma_wait3A_481 = tpu.memref_slice %arg3[%run_scoped3A_17, %mul3A_16] : memref<2x320000xi32, #tpu.memory_space<hbm>> -> memref<1x10000xi32, #tpu.memory_space<hbm>>
      %dma_wait3A_482 = tpu.memref_squeeze %dma_wait3A_481 : memref<1x10000xi32, #tpu.memory_space<hbm>> -> memref<10000xi32, #tpu.memory_space<hbm>>
      tpu.wait_dma2 semaphore(%run_scoped3A_466 : memref<!tpu.dma_semaphore, #tpu.memory_space<semaphore_mem>>) src(%dma_wait3A_482 : memref<10000xi32, #tpu.memory_space<hbm>>) dst(%dma_wait3A_480 : memref<10000xi32, #tpu.memory_space<vmem>>)
      tpu.yield
    }) : () -> ()
    %broadcast_in_dim3A = arith.constant 10000 : i32
    %broadcast_in_dim3A_18 = vector.broadcast %broadcast_in_dim3A : i32 to vector<16xi32>
    %swap3A = arith.constant 10000 : index
    %swap3A_19 = tpu.vector_load %arg5[%swap3A] {strides = array<i32>} : memref<10240xi32, #tpu.memory_space<vmem>>, vector<16xi32>,
    %swap3A_20 = vector.shape_cast %swap3A_19 : vector<16xi32> to vector<16xi32>
    %swap3A_21 = vector.shape_cast %broadcast_in_dim3A_18 : vector<16xi32> to vector<16xi32>
    tpu.vector_store %arg5[%swap3A], %swap3A_21 {strides = array<i32>} : memref<10240xi32, #tpu.memory_space<vmem>>, vector<16xi32>,
    %broadcast_in_dim3A_22 = arith.constant 10000 : i32
    %broadcast_in_dim3A_23 = vector.broadcast %broadcast_in_dim3A_22 : i32 to vector<16xi32>
    %swap3A_24 = arith.constant 10016 : index
    %swap3A_25 = tpu.vector_load %arg5[%swap3A_24] {strides = array<i32>} : memref<10240xi32, #tpu.memory_space<vmem>>, vector<16xi32>,
    %swap3A_26 = vector.shape_cast %swap3A_25 : vector<16xi32> to vector<16xi32>
    %swap3A_27 = vector.shape_cast %broadcast_in_dim3A_23 : vector<16xi32> to vector<16xi32>
    tpu.vector_store %arg5[%swap3A_24], %swap3A_27 {strides = array<i32>} : memref<10240xi32, #tpu.memory_space<vmem>>, vector<16xi32>,
    %broadcast_in_dim3A_28 = arith.constant 10000 : i32
    %broadcast_in_dim3A_29 = vector.broadcast %broadcast_in_dim3A_28 : i32 to vector<16xi32>
    %swap3A_30 = arith.constant 10032 : index
    %swap3A_31 = tpu.vector_load %arg5[%swap3A_30] {strides = array<i32>} : memref<10240xi32, #tpu.memory_space<vmem>>, vector<16xi32>,
    %swap3A_32 = vector.shape_cast %swap3A_31 : vector<16xi32> to vector<16xi32>
    %swap3A_33 = vector.shape_cast %broadcast_in_dim3A_29 : vector<16xi32> to vector<16xi32>
    tpu.vector_store %arg5[%swap3A_30], %swap3A_33 {strides = array<i32>} : memref<10240xi32, #tpu.memory_space<vmem>>, vector<16xi32>,
    %broadcast_in_dim3A_34 = arith.constant 10000 : i32
    %broadcast_in_dim3A_35 = vector.broadcast %broadcast_in_dim3A_34 : i32 to vector<16xi32>
    %swap3A_36 = arith.constant 10048 : index
    %swap3A_37 = tpu.vector_load %arg5[%swap3A_36] {strides = array<i32>} : memref<10240xi32, #tpu.memory_space<vmem>>, vector<16xi32>,
    %swap3A_38 = vector.shape_cast %swap3A_37 : vector<16xi32> to vector<16xi32>
    %swap3A_39 = vector.shape_cast %broadcast_in_dim3A_35 : vector<16xi32> to vector<16xi32>
    tpu.vector_store %arg5[%swap3A_36], %swap3A_39 {strides = array<i32>} : memref<10240xi32, #tpu.memory_space<vmem>>, vector<16xi32>,
    %broadcast_in_dim3A_40 = arith.constant 10000 : i32
    %broadcast_in_dim3A_41 = vector.broadcast %broadcast_in_dim3A_40 : i32 to vector<16xi32>
    %swap3A_42 = arith.constant 10064 : index
    %swap3A_43 = tpu.vector_load %arg5[%swap3A_42] {strides = array<i32>} : memref<10240xi32, #tpu.memory_space<vmem>>, vector<16xi32>,
    %swap3A_44 = vector.shape_cast %swap3A_43 : vector<16xi32> to vector<16xi32>
    %swap3A_45 = vector.shape_cast %broadcast_in_dim3A_41 : vector<16xi32> to vector<16xi32>
    tpu.vector_store %arg5[%swap3A_42], %swap3A_45 {strides = array<i32>} : memref<10240xi32, #tpu.memory_space<vmem>>, vector<16xi32>,
    %broadcast_in_dim3A_46 = arith.constant 10000 : i32
    %broadcast_in_dim3A_47 = vector.broadcast %broadcast_in_dim3A_46 : i32 to vector<16xi32>
    %swap3A_48 = arith.constant 10080 : index
    %swap3A_49 = tpu.vector_load %arg5[%swap3A_48] {strides = array<i32>} : memref<10240xi32, #tpu.memory_space<vmem>>, vector<16xi32>,
    %swap3A_50 = vector.shape_cast %swap3A_49 : vector<16xi32> to vector<16xi32>
    %swap3A_51 = vector.shape_cast %broadcast_in_dim3A_47 : vector<16xi32> to vector<16xi32>
    tpu.vector_store %arg5[%swap3A_48], %swap3A_51 {strides = array<i32>} : memref<10240xi32, #tpu.memory_space<vmem>>, vector<16xi32>,
    %broadcast_in_dim3A_52 = arith.constant 10000 : i32
    %broadcast_in_dim3A_53 = vector.broadcast %broadcast_in_dim3A_52 : i32 to vector<16xi32>
    %swap3A_54 = arith.constant 10096 : index
    %swap3A_55 = tpu.vector_load %arg5[%swap3A_54] {strides = array<i32>} : memref<10240xi32, #tpu.memory_space<vmem>>, vector<16xi32>,
    %swap3A_56 = vector.shape_cast %swap3A_55 : vector<16xi32> to vector<16xi32>
    %swap3A_57 = vector.shape_cast %broadcast_in_dim3A_53 : vector<16xi32> to vector<16xi32>
    tpu.vector_store %arg5[%swap3A_54], %swap3A_57 {strides = array<i32>} : memref<10240xi32, #tpu.memory_space<vmem>>, vector<16xi32>,
    %broadcast_in_dim3A_58 = arith.constant 10000 : i32
    %broadcast_in_dim3A_59 = vector.broadcast %broadcast_in_dim3A_58 : i32 to vector<16xi32>
    %swap3A_60 = arith.constant 10112 : index
    %swap3A_61 = tpu.vector_load %arg5[%swap3A_60] {strides = array<i32>} : memref<10240xi32, #tpu.memory_space<vmem>>, vector<16xi32>,
    %swap3A_62 = vector.shape_cast %swap3A_61 : vector<16xi32> to vector<16xi32>
    %swap3A_63 = vector.shape_cast %broadcast_in_dim3A_59 : vector<16xi32> to vector<16xi32>
    tpu.vector_store %arg5[%swap3A_60], %swap3A_63 {strides = array<i32>} : memref<10240xi32, #tpu.memory_space<vmem>>, vector<16xi32>,
    %broadcast_in_dim3A_64 = arith.constant 10000 : i32
    %broadcast_in_dim3A_65 = vector.broadcast %broadcast_in_dim3A_64 : i32 to vector<16xi32>
    %swap3A_66 = arith.constant 10128 : index
    %swap3A_67 = tpu.vector_load %arg5[%swap3A_66] {strides = array<i32>} : memref<10240xi32, #tpu.memory_space<vmem>>, vector<16xi32>,
    %swap3A_68 = vector.shape_cast %swap3A_67 : vector<16xi32> to vector<16xi32>
    %swap3A_69 = vector.shape_cast %broadcast_in_dim3A_65 : vector<16xi32> to vector<16xi32>
    tpu.vector_store %arg5[%swap3A_66], %swap3A_69 {strides = array<i32>} : memref<10240xi32, #tpu.memory_space<vmem>>, vector<16xi32>,
    %broadcast_in_dim3A_70 = arith.constant 10000 : i32
    %broadcast_in_dim3A_71 = vector.broadcast %broadcast_in_dim3A_70 : i32 to vector<16xi32>
    %swap3A_72 = arith.constant 10144 : index
    %swap3A_73 = tpu.vector_load %arg5[%swap3A_72] {strides = array<i32>} : memref<10240xi32, #tpu.memory_space<vmem>>, vector<16xi32>,
    %swap3A_74 = vector.shape_cast %swap3A_73 : vector<16xi32> to vector<16xi32>
    %swap3A_75 = vector.shape_cast %broadcast_in_dim3A_71 : vector<16xi32> to vector<16xi32>
    tpu.vector_store %arg5[%swap3A_72], %swap3A_75 {strides = array<i32>} : memref<10240xi32, #tpu.memory_space<vmem>>, vector<16xi32>,
    %broadcast_in_dim3A_76 = arith.constant 10000 : i32
    %broadcast_in_dim3A_77 = vector.broadcast %broadcast_in_dim3A_76 : i32 to vector<16xi32>
    %swap3A_78 = arith.constant 10160 : index
    %swap3A_79 = tpu.vector_load %arg5[%swap3A_78] {strides = array<i32>} : memref<10240xi32, #tpu.memory_space<vmem>>, vector<16xi32>,
    %swap3A_80 = vector.shape_cast %swap3A_79 : vector<16xi32> to vector<16xi32>
    %swap3A_81 = vector.shape_cast %broadcast_in_dim3A_77 : vector<16xi32> to vector<16xi32>
    tpu.vector_store %arg5[%swap3A_78], %swap3A_81 {strides = array<i32>} : memref<10240xi32, #tpu.memory_space<vmem>>, vector<16xi32>,
    %broadcast_in_dim3A_82 = arith.constant 10000 : i32
    %broadcast_in_dim3A_83 = vector.broadcast %broadcast_in_dim3A_82 : i32 to vector<16xi32>
    %swap3A_84 = arith.constant 10176 : index
    %swap3A_85 = tpu.vector_load %arg5[%swap3A_84] {strides = array<i32>} : memref<10240xi32, #tpu.memory_space<vmem>>, vector<16xi32>,
    %swap3A_86 = vector.shape_cast %swap3A_85 : vector<16xi32> to vector<16xi32>
    %swap3A_87 = vector.shape_cast %broadcast_in_dim3A_83 : vector<16xi32> to vector<16xi32>
    tpu.vector_store %arg5[%swap3A_84], %swap3A_87 {strides = array<i32>} : memref<10240xi32, #tpu.memory_space<vmem>>, vector<16xi32>,
    %broadcast_in_dim3A_88 = arith.constant 10000 : i32
    %broadcast_in_dim3A_89 = vector.broadcast %broadcast_in_dim3A_88 : i32 to vector<16xi32>
    %swap3A_90 = arith.constant 10192 : index
    %swap3A_91 = tpu.vector_load %arg5[%swap3A_90] {strides = array<i32>} : memref<10240xi32, #tpu.memory_space<vmem>>, vector<16xi32>,
    %swap3A_92 = vector.shape_cast %swap3A_91 : vector<16xi32> to vector<16xi32>
    %swap3A_93 = vector.shape_cast %broadcast_in_dim3A_89 : vector<16xi32> to vector<16xi32>
    tpu.vector_store %arg5[%swap3A_90], %swap3A_93 {strides = array<i32>} : memref<10240xi32, #tpu.memory_space<vmem>>, vector<16xi32>,
    %broadcast_in_dim3A_94 = arith.constant 10000 : i32
    %broadcast_in_dim3A_95 = vector.broadcast %broadcast_in_dim3A_94 : i32 to vector<16xi32>
    %swap3A_96 = arith.constant 10208 : index
    %swap3A_97 = tpu.vector_load %arg5[%swap3A_96] {strides = array<i32>} : memref<10240xi32, #tpu.memory_space<vmem>>, vector<16xi32>,
    %swap3A_98 = vector.shape_cast %swap3A_97 : vector<16xi32> to vector<16xi32>
    %swap3A_99 = vector.shape_cast %broadcast_in_dim3A_95 : vector<16xi32> to vector<16xi32>
    tpu.vector_store %arg5[%swap3A_96], %swap3A_99 {strides = array<i32>} : memref<10240xi32, #tpu.memory_space<vmem>>, vector<16xi32>,
    %broadcast_in_dim3A_100 = arith.constant 10000 : i32
    %broadcast_in_dim3A_101 = vector.broadcast %broadcast_in_dim3A_100 : i32 to vector<16xi32>
    %swap3A_102 = arith.constant 10224 : index
    %swap3A_103 = tpu.vector_load %arg5[%swap3A_102] {strides = array<i32>} : memref<10240xi32, #tpu.memory_space<vmem>>, vector<16xi32>,
    %swap3A_104 = vector.shape_cast %swap3A_103 : vector<16xi32> to vector<16xi32>
    %swap3A_105 = vector.shape_cast %broadcast_in_dim3A_101 : vector<16xi32> to vector<16xi32>
    tpu.vector_store %arg5[%swap3A_102], %swap3A_105 {strides = array<i32>} : memref<10240xi32, #tpu.memory_space<vmem>>, vector<16xi32>,
    %broadcast_in_dim3A_106 = arith.constant 10000 : i32
    %broadcast_in_dim3A_107 = vector.broadcast %broadcast_in_dim3A_106 : i32 to vector<16xi32>
    %swap3A_108 = arith.constant 10000 : index
    %swap3A_109 = tpu.vector_load %arg6[%swap3A_108] {strides = array<i32>} : memref<10240xi32, #tpu.memory_space<vmem>>, vector<16xi32>,
    %swap3A_110 = vector.shape_cast %swap3A_109 : vector<16xi32> to vector<16xi32>
    %swap3A_111 = vector.shape_cast %broadcast_in_dim3A_107 : vector<16xi32> to vector<16xi32>
    tpu.vector_store %arg6[%swap3A_108], %swap3A_111 {strides = array<i32>} : memref<10240xi32, #tpu.memory_space<vmem>>, vector<16xi32>,
    %broadcast_in_dim3A_112 = arith.constant 10000 : i32
    %broadcast_in_dim3A_113 = vector.broadcast %broadcast_in_dim3A_112 : i32 to vector<16xi32>
    %swap3A_114 = arith.constant 10016 : index
    %swap3A_115 = tpu.vector_load %arg6[%swap3A_114] {strides = array<i32>} : memref<10240xi32, #tpu.memory_space<vmem>>, vector<16xi32>,
    %swap3A_116 = vector.shape_cast %swap3A_115 : vector<16xi32> to vector<16xi32>
    %swap3A_117 = vector.shape_cast %broadcast_in_dim3A_113 : vector<16xi32> to vector<16xi32>
    tpu.vector_store %arg6[%swap3A_114], %swap3A_117 {strides = array<i32>} : memref<10240xi32, #tpu.memory_space<vmem>>, vector<16xi32>,
    %broadcast_in_dim3A_118 = arith.constant 10000 : i32
    %broadcast_in_dim3A_119 = vector.broadcast %broadcast_in_dim3A_118 : i32 to vector<16xi32>
    %swap3A_120 = arith.constant 10032 : index
    %swap3A_121 = tpu.vector_load %arg6[%swap3A_120] {strides = array<i32>} : memref<10240xi32, #tpu.memory_space<vmem>>, vector<16xi32>,
    %swap3A_122 = vector.shape_cast %swap3A_121 : vector<16xi32> to vector<16xi32>
    %swap3A_123 = vector.shape_cast %broadcast_in_dim3A_119 : vector<16xi32> to vector<16xi32>
    tpu.vector_store %arg6[%swap3A_120], %swap3A_123 {strides = array<i32>} : memref<10240xi32, #tpu.memory_space<vmem>>, vector<16xi32>,
    %broadcast_in_dim3A_124 = arith.constant 10000 : i32
    %broadcast_in_dim3A_125 = vector.broadcast %broadcast_in_dim3A_124 : i32 to vector<16xi32>
    %swap3A_126 = arith.constant 10048 : index
    %swap3A_127 = tpu.vector_load %arg6[%swap3A_126] {strides = array<i32>} : memref<10240xi32, #tpu.memory_space<vmem>>, vector<16xi32>,
    %swap3A_128 = vector.shape_cast %swap3A_127 : vector<16xi32> to vector<16xi32>
    %swap3A_129 = vector.shape_cast %broadcast_in_dim3A_125 : vector<16xi32> to vector<16xi32>
    tpu.vector_store %arg6[%swap3A_126], %swap3A_129 {strides = array<i32>} : memref<10240xi32, #tpu.memory_space<vmem>>, vector<16xi32>,
    %broadcast_in_dim3A_130 = arith.constant 10000 : i32
    %broadcast_in_dim3A_131 = vector.broadcast %broadcast_in_dim3A_130 : i32 to vector<16xi32>
    %swap3A_132 = arith.constant 10064 : index
    %swap3A_133 = tpu.vector_load %arg6[%swap3A_132] {strides = array<i32>} : memref<10240xi32, #tpu.memory_space<vmem>>, vector<16xi32>,
    %swap3A_134 = vector.shape_cast %swap3A_133 : vector<16xi32> to vector<16xi32>
    %swap3A_135 = vector.shape_cast %broadcast_in_dim3A_131 : vector<16xi32> to vector<16xi32>
    tpu.vector_store %arg6[%swap3A_132], %swap3A_135 {strides = array<i32>} : memref<10240xi32, #tpu.memory_space<vmem>>, vector<16xi32>,
    %broadcast_in_dim3A_136 = arith.constant 10000 : i32
    %broadcast_in_dim3A_137 = vector.broadcast %broadcast_in_dim3A_136 : i32 to vector<16xi32>
    %swap3A_138 = arith.constant 10080 : index
    %swap3A_139 = tpu.vector_load %arg6[%swap3A_138] {strides = array<i32>} : memref<10240xi32, #tpu.memory_space<vmem>>, vector<16xi32>,
    %swap3A_140 = vector.shape_cast %swap3A_139 : vector<16xi32> to vector<16xi32>
    %swap3A_141 = vector.shape_cast %broadcast_in_dim3A_137 : vector<16xi32> to vector<16xi32>
    tpu.vector_store %arg6[%swap3A_138], %swap3A_141 {strides = array<i32>} : memref<10240xi32, #tpu.memory_space<vmem>>, vector<16xi32>,
    %broadcast_in_dim3A_142 = arith.constant 10000 : i32
    %broadcast_in_dim3A_143 = vector.broadcast %broadcast_in_dim3A_142 : i32 to vector<16xi32>
    %swap3A_144 = arith.constant 10096 : index
    %swap3A_145 = tpu.vector_load %arg6[%swap3A_144] {strides = array<i32>} : memref<10240xi32, #tpu.memory_space<vmem>>, vector<16xi32>,
    %swap3A_146 = vector.shape_cast %swap3A_145 : vector<16xi32> to vector<16xi32>
    %swap3A_147 = vector.shape_cast %broadcast_in_dim3A_143 : vector<16xi32> to vector<16xi32>
    tpu.vector_store %arg6[%swap3A_144], %swap3A_147 {strides = array<i32>} : memref<10240xi32, #tpu.memory_space<vmem>>, vector<16xi32>,
    %broadcast_in_dim3A_148 = arith.constant 10000 : i32
    %broadcast_in_dim3A_149 = vector.broadcast %broadcast_in_dim3A_148 : i32 to vector<16xi32>
    %swap3A_150 = arith.constant 10112 : index
    %swap3A_151 = tpu.vector_load %arg6[%swap3A_150] {strides = array<i32>} : memref<10240xi32, #tpu.memory_space<vmem>>, vector<16xi32>,
    %swap3A_152 = vector.shape_cast %swap3A_151 : vector<16xi32> to vector<16xi32>
    %swap3A_153 = vector.shape_cast %broadcast_in_dim3A_149 : vector<16xi32> to vector<16xi32>
    tpu.vector_store %arg6[%swap3A_150], %swap3A_153 {strides = array<i32>} : memref<10240xi32, #tpu.memory_space<vmem>>, vector<16xi32>,
    %broadcast_in_dim3A_154 = arith.constant 10000 : i32
    %broadcast_in_dim3A_155 = vector.broadcast %broadcast_in_dim3A_154 : i32 to vector<16xi32>
    %swap3A_156 = arith.constant 10128 : index
    %swap3A_157 = tpu.vector_load %arg6[%swap3A_156] {strides = array<i32>} : memref<10240xi32, #tpu.memory_space<vmem>>, vector<16xi32>,
    %swap3A_158 = vector.shape_cast %swap3A_157 : vector<16xi32> to vector<16xi32>
    %swap3A_159 = vector.shape_cast %broadcast_in_dim3A_155 : vector<16xi32> to vector<16xi32>
    tpu.vector_store %arg6[%swap3A_156], %swap3A_159 {strides = array<i32>} : memref<10240xi32, #tpu.memory_space<vmem>>, vector<16xi32>,
    %broadcast_in_dim3A_160 = arith.constant 10000 : i32
    %broadcast_in_dim3A_161 = vector.broadcast %broadcast_in_dim3A_160 : i32 to vector<16xi32>
    %swap3A_162 = arith.constant 10144 : index
    %swap3A_163 = tpu.vector_load %arg6[%swap3A_162] {strides = array<i32>} : memref<10240xi32, #tpu.memory_space<vmem>>, vector<16xi32>,
    %swap3A_164 = vector.shape_cast %swap3A_163 : vector<16xi32> to vector<16xi32>
    %swap3A_165 = vector.shape_cast %broadcast_in_dim3A_161 : vector<16xi32> to vector<16xi32>
    tpu.vector_store %arg6[%swap3A_162], %swap3A_165 {strides = array<i32>} : memref<10240xi32, #tpu.memory_space<vmem>>, vector<16xi32>,
    %broadcast_in_dim3A_166 = arith.constant 10000 : i32
    %broadcast_in_dim3A_167 = vector.broadcast %broadcast_in_dim3A_166 : i32 to vector<16xi32>
    %swap3A_168 = arith.constant 10160 : index
    %swap3A_169 = tpu.vector_load %arg6[%swap3A_168] {strides = array<i32>} : memref<10240xi32, #tpu.memory_space<vmem>>, vector<16xi32>,
    %swap3A_170 = vector.shape_cast %swap3A_169 : vector<16xi32> to vector<16xi32>
    %swap3A_171 = vector.shape_cast %broadcast_in_dim3A_167 : vector<16xi32> to vector<16xi32>
    tpu.vector_store %arg6[%swap3A_168], %swap3A_171 {strides = array<i32>} : memref<10240xi32, #tpu.memory_space<vmem>>, vector<16xi32>,
    %broadcast_in_dim3A_172 = arith.constant 10000 : i32
    %broadcast_in_dim3A_173 = vector.broadcast %broadcast_in_dim3A_172 : i32 to vector<16xi32>
    %swap3A_174 = arith.constant 10176 : index
    %swap3A_175 = tpu.vector_load %arg6[%swap3A_174] {strides = array<i32>} : memref<10240xi32, #tpu.memory_space<vmem>>, vector<16xi32>,
    %swap3A_176 = vector.shape_cast %swap3A_175 : vector<16xi32> to vector<16xi32>
    %swap3A_177 = vector.shape_cast %broadcast_in_dim3A_173 : vector<16xi32> to vector<16xi32>
    tpu.vector_store %arg6[%swap3A_174], %swap3A_177 {strides = array<i32>} : memref<10240xi32, #tpu.memory_space<vmem>>, vector<16xi32>,
    %broadcast_in_dim3A_178 = arith.constant 10000 : i32
    %broadcast_in_dim3A_179 = vector.broadcast %broadcast_in_dim3A_178 : i32 to vector<16xi32>
    %swap3A_180 = arith.constant 10192 : index
    %swap3A_181 = tpu.vector_load %arg6[%swap3A_180] {strides = array<i32>} : memref<10240xi32, #tpu.memory_space<vmem>>, vector<16xi32>,
    %swap3A_182 = vector.shape_cast %swap3A_181 : vector<16xi32> to vector<16xi32>
    %swap3A_183 = vector.shape_cast %broadcast_in_dim3A_179 : vector<16xi32> to vector<16xi32>
    tpu.vector_store %arg6[%swap3A_180], %swap3A_183 {strides = array<i32>} : memref<10240xi32, #tpu.memory_space<vmem>>, vector<16xi32>,
    %broadcast_in_dim3A_184 = arith.constant 10000 : i32
    %broadcast_in_dim3A_185 = vector.broadcast %broadcast_in_dim3A_184 : i32 to vector<16xi32>
    %swap3A_186 = arith.constant 10208 : index
    %swap3A_187 = tpu.vector_load %arg6[%swap3A_186] {strides = array<i32>} : memref<10240xi32, #tpu.memory_space<vmem>>, vector<16xi32>,
    %swap3A_188 = vector.shape_cast %swap3A_187 : vector<16xi32> to vector<16xi32>
    %swap3A_189 = vector.shape_cast %broadcast_in_dim3A_185 : vector<16xi32> to vector<16xi32>
    tpu.vector_store %arg6[%swap3A_186], %swap3A_189 {strides = array<i32>} : memref<10240xi32, #tpu.memory_space<vmem>>, vector<16xi32>,
    %broadcast_in_dim3A_190 = arith.constant 10000 : i32
    %broadcast_in_dim3A_191 = vector.broadcast %broadcast_in_dim3A_190 : i32 to vector<16xi32>
    %swap3A_192 = arith.constant 10224 : index
    %swap3A_193 = tpu.vector_load %arg6[%swap3A_192] {strides = array<i32>} : memref<10240xi32, #tpu.memory_space<vmem>>, vector<16xi32>,
    %swap3A_194 = vector.shape_cast %swap3A_193 : vector<16xi32> to vector<16xi32>
    %swap3A_195 = vector.shape_cast %broadcast_in_dim3A_191 : vector<16xi32> to vector<16xi32>
    tpu.vector_store %arg6[%swap3A_192], %swap3A_195 {strides = array<i32>} : memref<10240xi32, #tpu.memory_space<vmem>>, vector<16xi32>,
    %dma_start3A = arith.constant 0 : i32
    %dma_start3A_196 = arith.constant 0 : i32
    %dma_start3A_197 = arith.constant 0 : i32
    %dma_start3A_198 = arith.constant 0 : i32
    %dma_start3A_199 = tpu.memref_slice %arg7[%dma_start3A, %dma_start3A_197, %dma_start3A_198] : memref<5x512x16xf32, #tpu.memory_space<vmem>> -> memref<1x512x16xf32, #tpu.memory_space<vmem>>
    %dma_start3A_200 = tpu.memref_squeeze %dma_start3A_199 : memref<1x512x16xf32, #tpu.memory_space<vmem>> -> memref<512x16xf32, #tpu.memory_space<vmem>>
    %dma_start3A_201 = arith.constant 0 : i32
    %dma_start3A_202 = tpu.memref_slice %arg5[%dma_start3A_201] : memref<10240xi32, #tpu.memory_space<vmem>> -> memref<512xi32, #tpu.memory_space<vmem>>
    %dma_start3A_203 = arith.constant 0 : i32
    %dma_start3A_204 = arith.constant 0 : i32
    %dma_start3A_205 = tpu.memref_slice %arg10[%dma_start3A_203, %dma_start3A_204] : memref<10112x16xf32, #tpu.memory_space<vmem_shared>> -> memref<10112x16xf32, #tpu.memory_space<vmem_shared>>
    %dma_start3A_206 = tpu.memref_slice %arg11[%dma_start3A_196] : memref<5x!tpu.dma_semaphore, #tpu.memory_space<semaphore_mem>> -> memref<1x!tpu.dma_semaphore, #tpu.memory_space<semaphore_mem>>
    %dma_start3A_207 = tpu.memref_squeeze %dma_start3A_206 : memref<1x!tpu.dma_semaphore, #tpu.memory_space<semaphore_mem>> -> memref<!tpu.dma_semaphore, #tpu.memory_space<semaphore_mem>>
    tpu.enqueue_indirect_dma source(%dma_start3A_205 : memref<10112x16xf32, #tpu.memory_space<vmem_shared>>) target(%dma_start3A_200 : memref<512x16xf32, #tpu.memory_space<vmem>>) offsets(%dma_start3A_202 : memref<512xi32, #tpu.memory_space<vmem>>) semaphore(%dma_start3A_207 : memref<!tpu.dma_semaphore, #tpu.memory_space<semaphore_mem>>)
    %dma_start3A_208 = arith.constant 1 : i32
    %dma_start3A_209 = arith.constant 1 : i32
    %dma_start3A_210 = arith.constant 0 : i32
    %dma_start3A_211 = arith.constant 0 : i32
    %dma_start3A_212 = tpu.memref_slice %arg7[%dma_start3A_208, %dma_start3A_210, %dma_start3A_211] : memref<5x512x16xf32, #tpu.memory_space<vmem>> -> memref<1x512x16xf32, #tpu.memory_space<vmem>>
    %dma_start3A_213 = tpu.memref_squeeze %dma_start3A_212 : memref<1x512x16xf32, #tpu.memory_space<vmem>> -> memref<512x16xf32, #tpu.memory_space<vmem>>
    %dma_start3A_214 = arith.constant 512 : i32
    %dma_start3A_215 = tpu.memref_slice %arg5[%dma_start3A_214] : memref<10240xi32, #tpu.memory_space<vmem>> -> memref<512xi32, #tpu.memory_space<vmem>>
    %dma_start3A_216 = arith.constant 0 : i32
    %dma_start3A_217 = arith.constant 0 : i32
    %dma_start3A_218 = tpu.memref_slice %arg10[%dma_start3A_216, %dma_start3A_217] : memref<10112x16xf32, #tpu.memory_space<vmem_shared>> -> memref<10112x16xf32, #tpu.memory_space<vmem_shared>>
    %dma_start3A_219 = tpu.memref_slice %arg11[%dma_start3A_209] : memref<5x!tpu.dma_semaphore, #tpu.memory_space<semaphore_mem>> -> memref<1x!tpu.dma_semaphore, #tpu.memory_space<semaphore_mem>>
    %dma_start3A_220 = tpu.memref_squeeze %dma_start3A_219 : memref<1x!tpu.dma_semaphore, #tpu.memory_space<semaphore_mem>> -> memref<!tpu.dma_semaphore, #tpu.memory_space<semaphore_mem>>
    tpu.enqueue_indirect_dma source(%dma_start3A_218 : memref<10112x16xf32, #tpu.memory_space<vmem_shared>>) target(%dma_start3A_213 : memref<512x16xf32, #tpu.memory_space<vmem>>) offsets(%dma_start3A_215 : memref<512xi32, #tpu.memory_space<vmem>>) semaphore(%dma_start3A_220 : memref<!tpu.dma_semaphore, #tpu.memory_space<semaphore_mem>>)
    %dma_start3A_221 = arith.constant 2 : i32
    %dma_start3A_222 = arith.constant 2 : i32
    %dma_start3A_223 = arith.constant 0 : i32
    %dma_start3A_224 = arith.constant 0 : i32
    %dma_start3A_225 = tpu.memref_slice %arg7[%dma_start3A_221, %dma_start3A_223, %dma_start3A_224] : memref<5x512x16xf32, #tpu.memory_space<vmem>> -> memref<1x512x16xf32, #tpu.memory_space<vmem>>
    %dma_start3A_226 = tpu.memref_squeeze %dma_start3A_225 : memref<1x512x16xf32, #tpu.memory_space<vmem>> -> memref<512x16xf32, #tpu.memory_space<vmem>>
    %dma_start3A_227 = arith.constant 1024 : i32
    %dma_start3A_228 = tpu.memref_slice %arg5[%dma_start3A_227] : memref<10240xi32, #tpu.memory_space<vmem>> -> memref<512xi32, #tpu.memory_space<vmem>>
    %dma_start3A_229 = arith.constant 0 : i32
    %dma_start3A_230 = arith.constant 0 : i32
    %dma_start3A_231 = tpu.memref_slice %arg10[%dma_start3A_229, %dma_start3A_230] : memref<10112x16xf32, #tpu.memory_space<vmem_shared>> -> memref<10112x16xf32, #tpu.memory_space<vmem_shared>>
    %dma_start3A_232 = tpu.memref_slice %arg11[%dma_start3A_222] : memref<5x!tpu.dma_semaphore, #tpu.memory_space<semaphore_mem>> -> memref<1x!tpu.dma_semaphore, #tpu.memory_space<semaphore_mem>>
    %dma_start3A_233 = tpu.memref_squeeze %dma_start3A_232 : memref<1x!tpu.dma_semaphore, #tpu.memory_space<semaphore_mem>> -> memref<!tpu.dma_semaphore, #tpu.memory_space<semaphore_mem>>
    tpu.enqueue_indirect_dma source(%dma_start3A_231 : memref<10112x16xf32, #tpu.memory_space<vmem_shared>>) target(%dma_start3A_226 : memref<512x16xf32, #tpu.memory_space<vmem>>) offsets(%dma_start3A_228 : memref<512xi32, #tpu.memory_space<vmem>>) semaphore(%dma_start3A_233 : memref<!tpu.dma_semaphore, #tpu.memory_space<semaphore_mem>>)
    %dma_start3A_234 = arith.constant 3 : i32
    %dma_start3A_235 = arith.constant 3 : i32
    %dma_start3A_236 = arith.constant 0 : i32
    %dma_start3A_237 = arith.constant 0 : i32
    %dma_start3A_238 = tpu.memref_slice %arg7[%dma_start3A_234, %dma_start3A_236, %dma_start3A_237] : memref<5x512x16xf32, #tpu.memory_space<vmem>> -> memref<1x512x16xf32, #tpu.memory_space<vmem>>
    %dma_start3A_239 = tpu.memref_squeeze %dma_start3A_238 : memref<1x512x16xf32, #tpu.memory_space<vmem>> -> memref<512x16xf32, #tpu.memory_space<vmem>>
    %dma_start3A_240 = arith.constant 1536 : i32
    %dma_start3A_241 = tpu.memref_slice %arg5[%dma_start3A_240] : memref<10240xi32, #tpu.memory_space<vmem>> -> memref<512xi32, #tpu.memory_space<vmem>>
    %dma_start3A_242 = arith.constant 0 : i32
    %dma_start3A_243 = arith.constant 0 : i32
    %dma_start3A_244 = tpu.memref_slice %arg10[%dma_start3A_242, %dma_start3A_243] : memref<10112x16xf32, #tpu.memory_space<vmem_shared>> -> memref<10112x16xf32, #tpu.memory_space<vmem_shared>>
    %dma_start3A_245 = tpu.memref_slice %arg11[%dma_start3A_235] : memref<5x!tpu.dma_semaphore, #tpu.memory_space<semaphore_mem>> -> memref<1x!tpu.dma_semaphore, #tpu.memory_space<semaphore_mem>>
    %dma_start3A_246 = tpu.memref_squeeze %dma_start3A_245 : memref<1x!tpu.dma_semaphore, #tpu.memory_space<semaphore_mem>> -> memref<!tpu.dma_semaphore, #tpu.memory_space<semaphore_mem>>
    tpu.enqueue_indirect_dma source(%dma_start3A_244 : memref<10112x16xf32, #tpu.memory_space<vmem_shared>>) target(%dma_start3A_239 : memref<512x16xf32, #tpu.memory_space<vmem>>) offsets(%dma_start3A_241 : memref<512xi32, #tpu.memory_space<vmem>>) semaphore(%dma_start3A_246 : memref<!tpu.dma_semaphore, #tpu.memory_space<semaphore_mem>>)
    %dma_start3A_247 = arith.constant 4 : i32
    %dma_start3A_248 = arith.constant 4 : i32
    %dma_start3A_249 = arith.constant 0 : i32
    %dma_start3A_250 = arith.constant 0 : i32
    %dma_start3A_251 = tpu.memref_slice %arg7[%dma_start3A_247, %dma_start3A_249, %dma_start3A_250] : memref<5x512x16xf32, #tpu.memory_space<vmem>> -> memref<1x512x16xf32, #tpu.memory_space<vmem>>
    %dma_start3A_252 = tpu.memref_squeeze %dma_start3A_251 : memref<1x512x16xf32, #tpu.memory_space<vmem>> -> memref<512x16xf32, #tpu.memory_space<vmem>>
    %dma_start3A_253 = arith.constant 2048 : i32
    %dma_start3A_254 = tpu.memref_slice %arg5[%dma_start3A_253] : memref<10240xi32, #tpu.memory_space<vmem>> -> memref<512xi32, #tpu.memory_space<vmem>>
    %dma_start3A_255 = arith.constant 0 : i32
    %dma_start3A_256 = arith.constant 0 : i32
    %dma_start3A_257 = tpu.memref_slice %arg10[%dma_start3A_255, %dma_start3A_256] : memref<10112x16xf32, #tpu.memory_space<vmem_shared>> -> memref<10112x16xf32, #tpu.memory_space<vmem_shared>>
    %dma_start3A_258 = tpu.memref_slice %arg11[%dma_start3A_248] : memref<5x!tpu.dma_semaphore, #tpu.memory_space<semaphore_mem>> -> memref<1x!tpu.dma_semaphore, #tpu.memory_space<semaphore_mem>>
    %dma_start3A_259 = tpu.memref_squeeze %dma_start3A_258 : memref<1x!tpu.dma_semaphore, #tpu.memory_space<semaphore_mem>> -> memref<!tpu.dma_semaphore, #tpu.memory_space<semaphore_mem>>
    tpu.enqueue_indirect_dma source(%dma_start3A_257 : memref<10112x16xf32, #tpu.memory_space<vmem_shared>>) target(%dma_start3A_252 : memref<512x16xf32, #tpu.memory_space<vmem>>) offsets(%dma_start3A_254 : memref<512xi32, #tpu.memory_space<vmem>>) semaphore(%dma_start3A_259 : memref<!tpu.dma_semaphore, #tpu.memory_space<semaphore_mem>>)
    %scan3A_260 = arith.constant 0 : i32
    %scan3A_261 = arith.constant 0 : i32
    %scan3A_262 = arith.constant 3 : i32
    %scan3A_263 = arith.addi %scan3A_261, %scan3A_262 : i32
    %scan3A_264 = arith.constant 1 : i32
    %scan3A_265 = scf.for %scan3A_466 = %scan3A_261 to %scan3A_263 step %scan3A_264 iter_args(%scan3A_467 = %scan3A_260) -> (i32)  : i32 {
      %mul3A_468 = arith.constant 5 : i32
      %mul3A_469 = arith.muli %scan3A_466, %mul3A_468 : i32
      %add3A_470 = arith.constant 0 : i32
      %add3A_471 = arith.addi %mul3A_469, %add3A_470 : i32
      %mul3A_472 = arith.constant 512 : i32
      %mul3A_473 = arith.muli %add3A_471, %mul3A_472 : i32
      %dma_wait3A_474 = arith.constant 0 : i32
      %dma_wait3A_475 = arith.constant 0 : i32
      %dma_wait3A_476 = arith.constant 0 : i32
      %dma_wait3A_477 = arith.constant 0 : i32
      %dma_wait3A_478 = tpu.memref_slice %arg7[%dma_wait3A_474, %dma_wait3A_476, %dma_wait3A_477] : memref<5x512x16xf32, #tpu.memory_space<vmem>> -> memref<1x512x16xf32, #tpu.memory_space<vmem>>
      %dma_wait3A_479 = tpu.memref_squeeze %dma_wait3A_478 : memref<1x512x16xf32, #tpu.memory_space<vmem>> -> memref<512x16xf32, #tpu.memory_space<vmem>>
      %dma_wait3A_480 = tpu.memref_slice %arg5[%mul3A_473] : memref<10240xi32, #tpu.memory_space<vmem>> -> memref<512xi32, #tpu.memory_space<vmem>>
      %dma_wait3A_481 = arith.constant 0 : i32
      %dma_wait3A_482 = arith.constant 0 : i32
      %dma_wait3A_483 = tpu.memref_slice %arg10[%dma_wait3A_481, %dma_wait3A_482] : memref<10112x16xf32, #tpu.memory_space<vmem_shared>> -> memref<10112x16xf32, #tpu.memory_space<vmem_shared>>
      %dma_wait3A_484 = tpu.memref_slice %arg11[%dma_wait3A_475] : memref<5x!tpu.dma_semaphore, #tpu.memory_space<semaphore_mem>> -> memref<1x!tpu.dma_semaphore, #tpu.memory_space<semaphore_mem>>
      %dma_wait3A_485 = tpu.memref_squeeze %dma_wait3A_484 : memref<1x!tpu.dma_semaphore, #tpu.memory_space<semaphore_mem>> -> memref<!tpu.dma_semaphore, #tpu.memory_space<semaphore_mem>>
      tpu.wait_indirect_dma semaphore(%dma_wait3A_485 : memref<!tpu.dma_semaphore, #tpu.memory_space<semaphore_mem>>) src(%dma_wait3A_483 : memref<10112x16xf32, #tpu.memory_space<vmem_shared>>) dst(%dma_wait3A_479 : memref<512x16xf32, #tpu.memory_space<vmem>>)
      %mul3A_486 = arith.constant 512 : i32
      %mul3A_487 = arith.muli %add3A_471, %mul3A_486 : i32
      %dma_start3A_488 = arith.constant 0 : i32
      %dma_start3A_489 = arith.constant 0 : i32
      %dma_start3A_490 = arith.constant 0 : i32
      %dma_start3A_491 = arith.constant 0 : i32
      %dma_start3A_492 = tpu.memref_slice %arg7[%dma_start3A_488, %dma_start3A_490, %dma_start3A_491] : memref<5x512x16xf32, #tpu.memory_space<vmem>> -> memref<1x512x16xf32, #tpu.memory_space<vmem>>
      %dma_start3A_493 = tpu.memref_squeeze %dma_start3A_492 : memref<1x512x16xf32, #tpu.memory_space<vmem>> -> memref<512x16xf32, #tpu.memory_space<vmem>>
      %dma_start3A_494 = tpu.memref_slice %arg6[%mul3A_487] : memref<10240xi32, #tpu.memory_space<vmem>> -> memref<512xi32, #tpu.memory_space<vmem>>
      %dma_start3A_495 = arith.constant 0 : i32
      %dma_start3A_496 = arith.constant 0 : i32
      %dma_start3A_497 = tpu.memref_slice %arg9[%dma_start3A_495, %dma_start3A_496] : memref<10112x16xf32, #tpu.memory_space<vmem_shared>> -> memref<10112x16xf32, #tpu.memory_space<vmem_shared>>
      %dma_start3A_498 = tpu.memref_slice %arg12[%dma_start3A_489] : memref<5x!tpu.dma_semaphore, #tpu.memory_space<semaphore_mem>> -> memref<1x!tpu.dma_semaphore, #tpu.memory_space<semaphore_mem>>
      %dma_start3A_499 = tpu.memref_squeeze %dma_start3A_498 : memref<1x!tpu.dma_semaphore, #tpu.memory_space<semaphore_mem>> -> memref<!tpu.dma_semaphore, #tpu.memory_space<semaphore_mem>>
      tpu.enqueue_indirect_dma source(%dma_start3A_493 : memref<512x16xf32, #tpu.memory_space<vmem>>) target(%dma_start3A_497 : memref<10112x16xf32, #tpu.memory_space<vmem_shared>>) offsets(%dma_start3A_494 : memref<512xi32, #tpu.memory_space<vmem>>) semaphore(%dma_start3A_499 : memref<!tpu.dma_semaphore, #tpu.memory_space<semaphore_mem>>) {add = true}
      %mul3A_500 = arith.constant 5 : i32
      %mul3A_501 = arith.muli %scan3A_466, %mul3A_500 : i32
      %add3A_502 = arith.constant 1 : i32
      %add3A_503 = arith.addi %mul3A_501, %add3A_502 : i32
      %mul3A_504 = arith.constant 512 : i32
      %mul3A_505 = arith.muli %add3A_503, %mul3A_504 : i32
      %dma_wait3A_506 = arith.constant 1 : i32
      %dma_wait3A_507 = arith.constant 1 : i32
      %dma_wait3A_508 = arith.constant 0 : i32
      %dma_wait3A_509 = arith.constant 0 : i32
      %dma_wait3A_510 = tpu.memref_slice %arg7[%dma_wait3A_506, %dma_wait3A_508, %dma_wait3A_509] : memref<5x512x16xf32, #tpu.memory_space<vmem>> -> memref<1x512x16xf32, #tpu.memory_space<vmem>>
      %dma_wait3A_511 = tpu.memref_squeeze %dma_wait3A_510 : memref<1x512x16xf32, #tpu.memory_space<vmem>> -> memref<512x16xf32, #tpu.memory_space<vmem>>
      %dma_wait3A_512 = tpu.memref_slice %arg5[%mul3A_505] : memref<10240xi32, #tpu.memory_space<vmem>> -> memref<512xi32, #tpu.memory_space<vmem>>
      %dma_wait3A_513 = arith.constant 0 : i32
      %dma_wait3A_514 = arith.constant 0 : i32
      %dma_wait3A_515 = tpu.memref_slice %arg10[%dma_wait3A_513, %dma_wait3A_514] : memref<10112x16xf32, #tpu.memory_space<vmem_shared>> -> memref<10112x16xf32, #tpu.memory_space<vmem_shared>>
      %dma_wait3A_516 = tpu.memref_slice %arg11[%dma_wait3A_507] : memref<5x!tpu.dma_semaphore, #tpu.memory_space<semaphore_mem>> -> memref<1x!tpu.dma_semaphore, #tpu.memory_space<semaphore_mem>>
      %dma_wait3A_517 = tpu.memref_squeeze %dma_wait3A_516 : memref<1x!tpu.dma_semaphore, #tpu.memory_space<semaphore_mem>> -> memref<!tpu.dma_semaphore, #tpu.memory_space<semaphore_mem>>
      tpu.wait_indirect_dma semaphore(%dma_wait3A_517 : memref<!tpu.dma_semaphore, #tpu.memory_space<semaphore_mem>>) src(%dma_wait3A_515 : memref<10112x16xf32, #tpu.memory_space<vmem_shared>>) dst(%dma_wait3A_511 : memref<512x16xf32, #tpu.memory_space<vmem>>)
      %mul3A_518 = arith.constant 512 : i32
      %mul3A_519 = arith.muli %add3A_503, %mul3A_518 : i32
      %dma_start3A_520 = arith.constant 1 : i32
      %dma_start3A_521 = arith.constant 1 : i32
      %dma_start3A_522 = arith.constant 0 : i32
      %dma_start3A_523 = arith.constant 0 : i32
      %dma_start3A_524 = tpu.memref_slice %arg7[%dma_start3A_520, %dma_start3A_522, %dma_start3A_523] : memref<5x512x16xf32, #tpu.memory_space<vmem>> -> memref<1x512x16xf32, #tpu.memory_space<vmem>>
      %dma_start3A_525 = tpu.memref_squeeze %dma_start3A_524 : memref<1x512x16xf32, #tpu.memory_space<vmem>> -> memref<512x16xf32, #tpu.memory_space<vmem>>
      %dma_start3A_526 = tpu.memref_slice %arg6[%mul3A_519] : memref<10240xi32, #tpu.memory_space<vmem>> -> memref<512xi32, #tpu.memory_space<vmem>>
      %dma_start3A_527 = arith.constant 0 : i32
      %dma_start3A_528 = arith.constant 0 : i32
      %dma_start3A_529 = tpu.memref_slice %arg9[%dma_start3A_527, %dma_start3A_528] : memref<10112x16xf32, #tpu.memory_space<vmem_shared>> -> memref<10112x16xf32, #tpu.memory_space<vmem_shared>>
      %dma_start3A_530 = tpu.memref_slice %arg12[%dma_start3A_521] : memref<5x!tpu.dma_semaphore, #tpu.memory_space<semaphore_mem>> -> memref<1x!tpu.dma_semaphore, #tpu.memory_space<semaphore_mem>>
      %dma_start3A_531 = tpu.memref_squeeze %dma_start3A_530 : memref<1x!tpu.dma_semaphore, #tpu.memory_space<semaphore_mem>> -> memref<!tpu.dma_semaphore, #tpu.memory_space<semaphore_mem>>
      tpu.enqueue_indirect_dma source(%dma_start3A_525 : memref<512x16xf32, #tpu.memory_space<vmem>>) target(%dma_start3A_529 : memref<10112x16xf32, #tpu.memory_space<vmem_shared>>) offsets(%dma_start3A_526 : memref<512xi32, #tpu.memory_space<vmem>>) semaphore(%dma_start3A_531 : memref<!tpu.dma_semaphore, #tpu.memory_space<semaphore_mem>>) {add = true}
      %mul3A_532 = arith.constant 5 : i32
      %mul3A_533 = arith.muli %scan3A_466, %mul3A_532 : i32
      %add3A_534 = arith.constant 2 : i32
      %add3A_535 = arith.addi %mul3A_533, %add3A_534 : i32
      %mul3A_536 = arith.constant 512 : i32
      %mul3A_537 = arith.muli %add3A_535, %mul3A_536 : i32
      %dma_wait3A_538 = arith.constant 2 : i32
      %dma_wait3A_539 = arith.constant 2 : i32
      %dma_wait3A_540 = arith.constant 0 : i32
      %dma_wait3A_541 = arith.constant 0 : i32
      %dma_wait3A_542 = tpu.memref_slice %arg7[%dma_wait3A_538, %dma_wait3A_540, %dma_wait3A_541] : memref<5x512x16xf32, #tpu.memory_space<vmem>> -> memref<1x512x16xf32, #tpu.memory_space<vmem>>
      %dma_wait3A_543 = tpu.memref_squeeze %dma_wait3A_542 : memref<1x512x16xf32, #tpu.memory_space<vmem>> -> memref<512x16xf32, #tpu.memory_space<vmem>>
      %dma_wait3A_544 = tpu.memref_slice %arg5[%mul3A_537] : memref<10240xi32, #tpu.memory_space<vmem>> -> memref<512xi32, #tpu.memory_space<vmem>>
      %dma_wait3A_545 = arith.constant 0 : i32
      %dma_wait3A_546 = arith.constant 0 : i32
      %dma_wait3A_547 = tpu.memref_slice %arg10[%dma_wait3A_545, %dma_wait3A_546] : memref<10112x16xf32, #tpu.memory_space<vmem_shared>> -> memref<10112x16xf32, #tpu.memory_space<vmem_shared>>
      %dma_wait3A_548 = tpu.memref_slice %arg11[%dma_wait3A_539] : memref<5x!tpu.dma_semaphore, #tpu.memory_space<semaphore_mem>> -> memref<1x!tpu.dma_semaphore, #tpu.memory_space<semaphore_mem>>
      %dma_wait3A_549 = tpu.memref_squeeze %dma_wait3A_548 : memref<1x!tpu.dma_semaphore, #tpu.memory_space<semaphore_mem>> -> memref<!tpu.dma_semaphore, #tpu.memory_space<semaphore_mem>>
      tpu.wait_indirect_dma semaphore(%dma_wait3A_549 : memref<!tpu.dma_semaphore, #tpu.memory_space<semaphore_mem>>) src(%dma_wait3A_547 : memref<10112x16xf32, #tpu.memory_space<vmem_shared>>) dst(%dma_wait3A_543 : memref<512x16xf32, #tpu.memory_space<vmem>>)
      %mul3A_550 = arith.constant 512 : i32
      %mul3A_551 = arith.muli %add3A_535, %mul3A_550 : i32
      %dma_start3A_552 = arith.constant 2 : i32
      %dma_start3A_553 = arith.constant 2 : i32
      %dma_start3A_554 = arith.constant 0 : i32
      %dma_start3A_555 = arith.constant 0 : i32
      %dma_start3A_556 = tpu.memref_slice %arg7[%dma_start3A_552, %dma_start3A_554, %dma_start3A_555] : memref<5x512x16xf32, #tpu.memory_space<vmem>> -> memref<1x512x16xf32, #tpu.memory_space<vmem>>
      %dma_start3A_557 = tpu.memref_squeeze %dma_start3A_556 : memref<1x512x16xf32, #tpu.memory_space<vmem>> -> memref<512x16xf32, #tpu.memory_space<vmem>>
      %dma_start3A_558 = tpu.memref_slice %arg6[%mul3A_551] : memref<10240xi32, #tpu.memory_space<vmem>> -> memref<512xi32, #tpu.memory_space<vmem>>
      %dma_start3A_559 = arith.constant 0 : i32
      %dma_start3A_560 = arith.constant 0 : i32
      %dma_start3A_561 = tpu.memref_slice %arg9[%dma_start3A_559, %dma_start3A_560] : memref<10112x16xf32, #tpu.memory_space<vmem_shared>> -> memref<10112x16xf32, #tpu.memory_space<vmem_shared>>
      %dma_start3A_562 = tpu.memref_slice %arg12[%dma_start3A_553] : memref<5x!tpu.dma_semaphore, #tpu.memory_space<semaphore_mem>> -> memref<1x!tpu.dma_semaphore, #tpu.memory_space<semaphore_mem>>
      %dma_start3A_563 = tpu.memref_squeeze %dma_start3A_562 : memref<1x!tpu.dma_semaphore, #tpu.memory_space<semaphore_mem>> -> memref<!tpu.dma_semaphore, #tpu.memory_space<semaphore_mem>>
      tpu.enqueue_indirect_dma source(%dma_start3A_557 : memref<512x16xf32, #tpu.memory_space<vmem>>) target(%dma_start3A_561 : memref<10112x16xf32, #tpu.memory_space<vmem_shared>>) offsets(%dma_start3A_558 : memref<512xi32, #tpu.memory_space<vmem>>) semaphore(%dma_start3A_563 : memref<!tpu.dma_semaphore, #tpu.memory_space<semaphore_mem>>) {add = true}
      %mul3A_564 = arith.constant 5 : i32
      %mul3A_565 = arith.muli %scan3A_466, %mul3A_564 : i32
      %add3A_566 = arith.constant 3 : i32
      %add3A_567 = arith.addi %mul3A_565, %add3A_566 : i32
      %mul3A_568 = arith.constant 512 : i32
      %mul3A_569 = arith.muli %add3A_567, %mul3A_568 : i32
      %dma_wait3A_570 = arith.constant 3 : i32
      %dma_wait3A_571 = arith.constant 3 : i32
      %dma_wait3A_572 = arith.constant 0 : i32
      %dma_wait3A_573 = arith.constant 0 : i32
      %dma_wait3A_574 = tpu.memref_slice %arg7[%dma_wait3A_570, %dma_wait3A_572, %dma_wait3A_573] : memref<5x512x16xf32, #tpu.memory_space<vmem>> -> memref<1x512x16xf32, #tpu.memory_space<vmem>>
      %dma_wait3A_575 = tpu.memref_squeeze %dma_wait3A_574 : memref<1x512x16xf32, #tpu.memory_space<vmem>> -> memref<512x16xf32, #tpu.memory_space<vmem>>
      %dma_wait3A_576 = tpu.memref_slice %arg5[%mul3A_569] : memref<10240xi32, #tpu.memory_space<vmem>> -> memref<512xi32, #tpu.memory_space<vmem>>
      %dma_wait3A_577 = arith.constant 0 : i32
      %dma_wait3A_578 = arith.constant 0 : i32
      %dma_wait3A_579 = tpu.memref_slice %arg10[%dma_wait3A_577, %dma_wait3A_578] : memref<10112x16xf32, #tpu.memory_space<vmem_shared>> -> memref<10112x16xf32, #tpu.memory_space<vmem_shared>>
      %dma_wait3A_580 = tpu.memref_slice %arg11[%dma_wait3A_571] : memref<5x!tpu.dma_semaphore, #tpu.memory_space<semaphore_mem>> -> memref<1x!tpu.dma_semaphore, #tpu.memory_space<semaphore_mem>>
      %dma_wait3A_581 = tpu.memref_squeeze %dma_wait3A_580 : memref<1x!tpu.dma_semaphore, #tpu.memory_space<semaphore_mem>> -> memref<!tpu.dma_semaphore, #tpu.memory_space<semaphore_mem>>
      tpu.wait_indirect_dma semaphore(%dma_wait3A_581 : memref<!tpu.dma_semaphore, #tpu.memory_space<semaphore_mem>>) src(%dma_wait3A_579 : memref<10112x16xf32, #tpu.memory_space<vmem_shared>>) dst(%dma_wait3A_575 : memref<512x16xf32, #tpu.memory_space<vmem>>)
      %mul3A_582 = arith.constant 512 : i32
      %mul3A_583 = arith.muli %add3A_567, %mul3A_582 : i32
      %dma_start3A_584 = arith.constant 3 : i32
      %dma_start3A_585 = arith.constant 3 : i32
      %dma_start3A_586 = arith.constant 0 : i32
      %dma_start3A_587 = arith.constant 0 : i32
      %dma_start3A_588 = tpu.memref_slice %arg7[%dma_start3A_584, %dma_start3A_586, %dma_start3A_587] : memref<5x512x16xf32, #tpu.memory_space<vmem>> -> memref<1x512x16xf32, #tpu.memory_space<vmem>>
      %dma_start3A_589 = tpu.memref_squeeze %dma_start3A_588 : memref<1x512x16xf32, #tpu.memory_space<vmem>> -> memref<512x16xf32, #tpu.memory_space<vmem>>
      %dma_start3A_590 = tpu.memref_slice %arg6[%mul3A_583] : memref<10240xi32, #tpu.memory_space<vmem>> -> memref<512xi32, #tpu.memory_space<vmem>>
      %dma_start3A_591 = arith.constant 0 : i32
      %dma_start3A_592 = arith.constant 0 : i32
      %dma_start3A_593 = tpu.memref_slice %arg9[%dma_start3A_591, %dma_start3A_592] : memref<10112x16xf32, #tpu.memory_space<vmem_shared>> -> memref<10112x16xf32, #tpu.memory_space<vmem_shared>>
      %dma_start3A_594 = tpu.memref_slice %arg12[%dma_start3A_585] : memref<5x!tpu.dma_semaphore, #tpu.memory_space<semaphore_mem>> -> memref<1x!tpu.dma_semaphore, #tpu.memory_space<semaphore_mem>>
      %dma_start3A_595 = tpu.memref_squeeze %dma_start3A_594 : memref<1x!tpu.dma_semaphore, #tpu.memory_space<semaphore_mem>> -> memref<!tpu.dma_semaphore, #tpu.memory_space<semaphore_mem>>
      tpu.enqueue_indirect_dma source(%dma_start3A_589 : memref<512x16xf32, #tpu.memory_space<vmem>>) target(%dma_start3A_593 : memref<10112x16xf32, #tpu.memory_space<vmem_shared>>) offsets(%dma_start3A_590 : memref<512xi32, #tpu.memory_space<vmem>>) semaphore(%dma_start3A_595 : memref<!tpu.dma_semaphore, #tpu.memory_space<semaphore_mem>>) {add = true}
      %mul3A_596 = arith.constant 5 : i32
      %mul3A_597 = arith.muli %scan3A_466, %mul3A_596 : i32
      %add3A_598 = arith.constant 4 : i32
      %add3A_599 = arith.addi %mul3A_597, %add3A_598 : i32
      %mul3A_600 = arith.constant 512 : i32
      %mul3A_601 = arith.muli %add3A_599, %mul3A_600 : i32
      %dma_wait3A_602 = arith.constant 4 : i32
      %dma_wait3A_603 = arith.constant 4 : i32
      %dma_wait3A_604 = arith.constant 0 : i32
      %dma_wait3A_605 = arith.constant 0 : i32
      %dma_wait3A_606 = tpu.memref_slice %arg7[%dma_wait3A_602, %dma_wait3A_604, %dma_wait3A_605] : memref<5x512x16xf32, #tpu.memory_space<vmem>> -> memref<1x512x16xf32, #tpu.memory_space<vmem>>
      %dma_wait3A_607 = tpu.memref_squeeze %dma_wait3A_606 : memref<1x512x16xf32, #tpu.memory_space<vmem>> -> memref<512x16xf32, #tpu.memory_space<vmem>>
      %dma_wait3A_608 = tpu.memref_slice %arg5[%mul3A_601] : memref<10240xi32, #tpu.memory_space<vmem>> -> memref<512xi32, #tpu.memory_space<vmem>>
      %dma_wait3A_609 = arith.constant 0 : i32
      %dma_wait3A_610 = arith.constant 0 : i32
      %dma_wait3A_611 = tpu.memref_slice %arg10[%dma_wait3A_609, %dma_wait3A_610] : memref<10112x16xf32, #tpu.memory_space<vmem_shared>> -> memref<10112x16xf32, #tpu.memory_space<vmem_shared>>
      %dma_wait3A_612 = tpu.memref_slice %arg11[%dma_wait3A_603] : memref<5x!tpu.dma_semaphore, #tpu.memory_space<semaphore_mem>> -> memref<1x!tpu.dma_semaphore, #tpu.memory_space<semaphore_mem>>
      %dma_wait3A_613 = tpu.memref_squeeze %dma_wait3A_612 : memref<1x!tpu.dma_semaphore, #tpu.memory_space<semaphore_mem>> -> memref<!tpu.dma_semaphore, #tpu.memory_space<semaphore_mem>>
      tpu.wait_indirect_dma semaphore(%dma_wait3A_613 : memref<!tpu.dma_semaphore, #tpu.memory_space<semaphore_mem>>) src(%dma_wait3A_611 : memref<10112x16xf32, #tpu.memory_space<vmem_shared>>) dst(%dma_wait3A_607 : memref<512x16xf32, #tpu.memory_space<vmem>>)
      %mul3A_614 = arith.constant 512 : i32
      %mul3A_615 = arith.muli %add3A_599, %mul3A_614 : i32
      %dma_start3A_616 = arith.constant 4 : i32
      %dma_start3A_617 = arith.constant 4 : i32
      %dma_start3A_618 = arith.constant 0 : i32
      %dma_start3A_619 = arith.constant 0 : i32
      %dma_start3A_620 = tpu.memref_slice %arg7[%dma_start3A_616, %dma_start3A_618, %dma_start3A_619] : memref<5x512x16xf32, #tpu.memory_space<vmem>> -> memref<1x512x16xf32, #tpu.memory_space<vmem>>
      %dma_start3A_621 = tpu.memref_squeeze %dma_start3A_620 : memref<1x512x16xf32, #tpu.memory_space<vmem>> -> memref<512x16xf32, #tpu.memory_space<vmem>>
      %dma_start3A_622 = tpu.memref_slice %arg6[%mul3A_615] : memref<10240xi32, #tpu.memory_space<vmem>> -> memref<512xi32, #tpu.memory_space<vmem>>
      %dma_start3A_623 = arith.constant 0 : i32
      %dma_start3A_624 = arith.constant 0 : i32
      %dma_start3A_625 = tpu.memref_slice %arg9[%dma_start3A_623, %dma_start3A_624] : memref<10112x16xf32, #tpu.memory_space<vmem_shared>> -> memref<10112x16xf32, #tpu.memory_space<vmem_shared>>
      %dma_start3A_626 = tpu.memref_slice %arg12[%dma_start3A_617] : memref<5x!tpu.dma_semaphore, #tpu.memory_space<semaphore_mem>> -> memref<1x!tpu.dma_semaphore, #tpu.memory_space<semaphore_mem>>
      %dma_start3A_627 = tpu.memref_squeeze %dma_start3A_626 : memref<1x!tpu.dma_semaphore, #tpu.memory_space<semaphore_mem>> -> memref<!tpu.dma_semaphore, #tpu.memory_space<semaphore_mem>>
      tpu.enqueue_indirect_dma source(%dma_start3A_621 : memref<512x16xf32, #tpu.memory_space<vmem>>) target(%dma_start3A_625 : memref<10112x16xf32, #tpu.memory_space<vmem_shared>>) offsets(%dma_start3A_622 : memref<512xi32, #tpu.memory_space<vmem>>) semaphore(%dma_start3A_627 : memref<!tpu.dma_semaphore, #tpu.memory_space<semaphore_mem>>) {add = true}
      %mul3A_628 = arith.constant 5 : i32
      %mul3A_629 = arith.muli %scan3A_466, %mul3A_628 : i32
      %add3A_630 = arith.constant 0 : i32
      %add3A_631 = arith.addi %mul3A_629, %add3A_630 : i32
      %mul3A_632 = arith.constant 512 : i32
      %mul3A_633 = arith.muli %add3A_631, %mul3A_632 : i32
      %dma_wait3A_634 = arith.constant 0 : i32
      %dma_wait3A_635 = arith.constant 0 : i32
      %dma_wait3A_636 = arith.constant 0 : i32
      %dma_wait3A_637 = arith.constant 0 : i32
      %dma_wait3A_638 = tpu.memref_slice %arg7[%dma_wait3A_634, %dma_wait3A_636, %dma_wait3A_637] : memref<5x512x16xf32, #tpu.memory_space<vmem>> -> memref<1x512x16xf32, #tpu.memory_space<vmem>>
      %dma_wait3A_639 = tpu.memref_squeeze %dma_wait3A_638 : memref<1x512x16xf32, #tpu.memory_space<vmem>> -> memref<512x16xf32, #tpu.memory_space<vmem>>
      %dma_wait3A_640 = tpu.memref_slice %arg6[%mul3A_633] : memref<10240xi32, #tpu.memory_space<vmem>> -> memref<512xi32, #tpu.memory_space<vmem>>
      %dma_wait3A_641 = arith.constant 0 : i32
      %dma_wait3A_642 = arith.constant 0 : i32
      %dma_wait3A_643 = tpu.memref_slice %arg9[%dma_wait3A_641, %dma_wait3A_642] : memref<10112x16xf32, #tpu.memory_space<vmem_shared>> -> memref<10112x16xf32, #tpu.memory_space<vmem_shared>>
      %dma_wait3A_644 = tpu.memref_slice %arg12[%dma_wait3A_635] : memref<5x!tpu.dma_semaphore, #tpu.memory_space<semaphore_mem>> -> memref<1x!tpu.dma_semaphore, #tpu.memory_space<semaphore_mem>>
      %dma_wait3A_645 = tpu.memref_squeeze %dma_wait3A_644 : memref<1x!tpu.dma_semaphore, #tpu.memory_space<semaphore_mem>> -> memref<!tpu.dma_semaphore, #tpu.memory_space<semaphore_mem>>
      tpu.wait_indirect_dma semaphore(%dma_wait3A_645 : memref<!tpu.dma_semaphore, #tpu.memory_space<semaphore_mem>>) src(%dma_wait3A_639 : memref<512x16xf32, #tpu.memory_space<vmem>>) dst(%dma_wait3A_643 : memref<10112x16xf32, #tpu.memory_space<vmem_shared>>)
      %add3A_646 = arith.constant 5 : i32
      %add3A_647 = arith.addi %add3A_631, %add3A_646 : i32
      %mul3A_648 = arith.constant 512 : i32
      %mul3A_649 = arith.muli %add3A_647, %mul3A_648 : i32
      %dma_start3A_650 = arith.constant 0 : i32
      %dma_start3A_651 = arith.constant 0 : i32
      %dma_start3A_652 = arith.constant 0 : i32
      %dma_start3A_653 = arith.constant 0 : i32
      %dma_start3A_654 = tpu.memref_slice %arg7[%dma_start3A_650, %dma_start3A_652, %dma_start3A_653] : memref<5x512x16xf32, #tpu.memory_space<vmem>> -> memref<1x512x16xf32, #tpu.memory_space<vmem>>
      %dma_start3A_655 = tpu.memref_squeeze %dma_start3A_654 : memref<1x512x16xf32, #tpu.memory_space<vmem>> -> memref<512x16xf32, #tpu.memory_space<vmem>>
      %dma_start3A_656 = tpu.memref_slice %arg5[%mul3A_649] : memref<10240xi32, #tpu.memory_space<vmem>> -> memref<512xi32, #tpu.memory_space<vmem>>
      %dma_start3A_657 = arith.constant 0 : i32
      %dma_start3A_658 = arith.constant 0 : i32
      %dma_start3A_659 = tpu.memref_slice %arg10[%dma_start3A_657, %dma_start3A_658] : memref<10112x16xf32, #tpu.memory_space<vmem_shared>> -> memref<10112x16xf32, #tpu.memory_space<vmem_shared>>
      %dma_start3A_660 = tpu.memref_slice %arg11[%dma_start3A_651] : memref<5x!tpu.dma_semaphore, #tpu.memory_space<semaphore_mem>> -> memref<1x!tpu.dma_semaphore, #tpu.memory_space<semaphore_mem>>
      %dma_start3A_661 = tpu.memref_squeeze %dma_start3A_660 : memref<1x!tpu.dma_semaphore, #tpu.memory_space<semaphore_mem>> -> memref<!tpu.dma_semaphore, #tpu.memory_space<semaphore_mem>>
      tpu.enqueue_indirect_dma source(%dma_start3A_659 : memref<10112x16xf32, #tpu.memory_space<vmem_shared>>) target(%dma_start3A_655 : memref<512x16xf32, #tpu.memory_space<vmem>>) offsets(%dma_start3A_656 : memref<512xi32, #tpu.memory_space<vmem>>) semaphore(%dma_start3A_661 : memref<!tpu.dma_semaphore, #tpu.memory_space<semaphore_mem>>)
      %mul3A_662 = arith.constant 5 : i32
      %mul3A_663 = arith.muli %scan3A_466, %mul3A_662 : i32
      %add3A_664 = arith.constant 1 : i32
      %add3A_665 = arith.addi %mul3A_663, %add3A_664 : i32
      %mul3A_666 = arith.constant 512 : i32
      %mul3A_667 = arith.muli %add3A_665, %mul3A_666 : i32
      %dma_wait3A_668 = arith.constant 1 : i32
      %dma_wait3A_669 = arith.constant 1 : i32
      %dma_wait3A_670 = arith.constant 0 : i32
      %dma_wait3A_671 = arith.constant 0 : i32
      %dma_wait3A_672 = tpu.memref_slice %arg7[%dma_wait3A_668, %dma_wait3A_670, %dma_wait3A_671] : memref<5x512x16xf32, #tpu.memory_space<vmem>> -> memref<1x512x16xf32, #tpu.memory_space<vmem>>
      %dma_wait3A_673 = tpu.memref_squeeze %dma_wait3A_672 : memref<1x512x16xf32, #tpu.memory_space<vmem>> -> memref<512x16xf32, #tpu.memory_space<vmem>>
      %dma_wait3A_674 = tpu.memref_slice %arg6[%mul3A_667] : memref<10240xi32, #tpu.memory_space<vmem>> -> memref<512xi32, #tpu.memory_space<vmem>>
      %dma_wait3A_675 = arith.constant 0 : i32
      %dma_wait3A_676 = arith.constant 0 : i32
      %dma_wait3A_677 = tpu.memref_slice %arg9[%dma_wait3A_675, %dma_wait3A_676] : memref<10112x16xf32, #tpu.memory_space<vmem_shared>> -> memref<10112x16xf32, #tpu.memory_space<vmem_shared>>
      %dma_wait3A_678 = tpu.memref_slice %arg12[%dma_wait3A_669] : memref<5x!tpu.dma_semaphore, #tpu.memory_space<semaphore_mem>> -> memref<1x!tpu.dma_semaphore, #tpu.memory_space<semaphore_mem>>
      %dma_wait3A_679 = tpu.memref_squeeze %dma_wait3A_678 : memref<1x!tpu.dma_semaphore, #tpu.memory_space<semaphore_mem>> -> memref<!tpu.dma_semaphore, #tpu.memory_space<semaphore_mem>>
      tpu.wait_indirect_dma semaphore(%dma_wait3A_679 : memref<!tpu.dma_semaphore, #tpu.memory_space<semaphore_mem>>) src(%dma_wait3A_673 : memref<512x16xf32, #tpu.memory_space<vmem>>) dst(%dma_wait3A_677 : memref<10112x16xf32, #tpu.memory_space<vmem_shared>>)
      %add3A_680 = arith.constant 5 : i32
      %add3A_681 = arith.addi %add3A_665, %add3A_680 : i32
      %mul3A_682 = arith.constant 512 : i32
      %mul3A_683 = arith.muli %add3A_681, %mul3A_682 : i32
      %dma_start3A_684 = arith.constant 1 : i32
      %dma_start3A_685 = arith.constant 1 : i32
      %dma_start3A_686 = arith.constant 0 : i32
      %dma_start3A_687 = arith.constant 0 : i32
      %dma_start3A_688 = tpu.memref_slice %arg7[%dma_start3A_684, %dma_start3A_686, %dma_start3A_687] : memref<5x512x16xf32, #tpu.memory_space<vmem>> -> memref<1x512x16xf32, #tpu.memory_space<vmem>>
      %dma_start3A_689 = tpu.memref_squeeze %dma_start3A_688 : memref<1x512x16xf32, #tpu.memory_space<vmem>> -> memref<512x16xf32, #tpu.memory_space<vmem>>
      %dma_start3A_690 = tpu.memref_slice %arg5[%mul3A_683] : memref<10240xi32, #tpu.memory_space<vmem>> -> memref<512xi32, #tpu.memory_space<vmem>>
      %dma_start3A_691 = arith.constant 0 : i32
      %dma_start3A_692 = arith.constant 0 : i32
      %dma_start3A_693 = tpu.memref_slice %arg10[%dma_start3A_691, %dma_start3A_692] : memref<10112x16xf32, #tpu.memory_space<vmem_shared>> -> memref<10112x16xf32, #tpu.memory_space<vmem_shared>>
      %dma_start3A_694 = tpu.memref_slice %arg11[%dma_start3A_685] : memref<5x!tpu.dma_semaphore, #tpu.memory_space<semaphore_mem>> -> memref<1x!tpu.dma_semaphore, #tpu.memory_space<semaphore_mem>>
      %dma_start3A_695 = tpu.memref_squeeze %dma_start3A_694 : memref<1x!tpu.dma_semaphore, #tpu.memory_space<semaphore_mem>> -> memref<!tpu.dma_semaphore, #tpu.memory_space<semaphore_mem>>
      tpu.enqueue_indirect_dma source(%dma_start3A_693 : memref<10112x16xf32, #tpu.memory_space<vmem_shared>>) target(%dma_start3A_689 : memref<512x16xf32, #tpu.memory_space<vmem>>) offsets(%dma_start3A_690 : memref<512xi32, #tpu.memory_space<vmem>>) semaphore(%dma_start3A_695 : memref<!tpu.dma_semaphore, #tpu.memory_space<semaphore_mem>>)
      %mul3A_696 = arith.constant 5 : i32
      %mul3A_697 = arith.muli %scan3A_466, %mul3A_696 : i32
      %add3A_698 = arith.constant 2 : i32
      %add3A_699 = arith.addi %mul3A_697, %add3A_698 : i32
      %mul3A_700 = arith.constant 512 : i32
      %mul3A_701 = arith.muli %add3A_699, %mul3A_700 : i32
      %dma_wait3A_702 = arith.constant 2 : i32
      %dma_wait3A_703 = arith.constant 2 : i32
      %dma_wait3A_704 = arith.constant 0 : i32
      %dma_wait3A_705 = arith.constant 0 : i32
      %dma_wait3A_706 = tpu.memref_slice %arg7[%dma_wait3A_702, %dma_wait3A_704, %dma_wait3A_705] : memref<5x512x16xf32, #tpu.memory_space<vmem>> -> memref<1x512x16xf32, #tpu.memory_space<vmem>>
      %dma_wait3A_707 = tpu.memref_squeeze %dma_wait3A_706 : memref<1x512x16xf32, #tpu.memory_space<vmem>> -> memref<512x16xf32, #tpu.memory_space<vmem>>
      %dma_wait3A_708 = tpu.memref_slice %arg6[%mul3A_701] : memref<10240xi32, #tpu.memory_space<vmem>> -> memref<512xi32, #tpu.memory_space<vmem>>
      %dma_wait3A_709 = arith.constant 0 : i32
      %dma_wait3A_710 = arith.constant 0 : i32
      %dma_wait3A_711 = tpu.memref_slice %arg9[%dma_wait3A_709, %dma_wait3A_710] : memref<10112x16xf32, #tpu.memory_space<vmem_shared>> -> memref<10112x16xf32, #tpu.memory_space<vmem_shared>>
      %dma_wait3A_712 = tpu.memref_slice %arg12[%dma_wait3A_703] : memref<5x!tpu.dma_semaphore, #tpu.memory_space<semaphore_mem>> -> memref<1x!tpu.dma_semaphore, #tpu.memory_space<semaphore_mem>>
      %dma_wait3A_713 = tpu.memref_squeeze %dma_wait3A_712 : memref<1x!tpu.dma_semaphore, #tpu.memory_space<semaphore_mem>> -> memref<!tpu.dma_semaphore, #tpu.memory_space<semaphore_mem>>
      tpu.wait_indirect_dma semaphore(%dma_wait3A_713 : memref<!tpu.dma_semaphore, #tpu.memory_space<semaphore_mem>>) src(%dma_wait3A_707 : memref<512x16xf32, #tpu.memory_space<vmem>>) dst(%dma_wait3A_711 : memref<10112x16xf32, #tpu.memory_space<vmem_shared>>)
      %add3A_714 = arith.constant 5 : i32
      %add3A_715 = arith.addi %add3A_699, %add3A_714 : i32
      %mul3A_716 = arith.constant 512 : i32
      %mul3A_717 = arith.muli %add3A_715, %mul3A_716 : i32
      %dma_start3A_718 = arith.constant 2 : i32
      %dma_start3A_719 = arith.constant 2 : i32
      %dma_start3A_720 = arith.constant 0 : i32
      %dma_start3A_721 = arith.constant 0 : i32
      %dma_start3A_722 = tpu.memref_slice %arg7[%dma_start3A_718, %dma_start3A_720, %dma_start3A_721] : memref<5x512x16xf32, #tpu.memory_space<vmem>> -> memref<1x512x16xf32, #tpu.memory_space<vmem>>
      %dma_start3A_723 = tpu.memref_squeeze %dma_start3A_722 : memref<1x512x16xf32, #tpu.memory_space<vmem>> -> memref<512x16xf32, #tpu.memory_space<vmem>>
      %dma_start3A_724 = tpu.memref_slice %arg5[%mul3A_717] : memref<10240xi32, #tpu.memory_space<vmem>> -> memref<512xi32, #tpu.memory_space<vmem>>
      %dma_start3A_725 = arith.constant 0 : i32
      %dma_start3A_726 = arith.constant 0 : i32
      %dma_start3A_727 = tpu.memref_slice %arg10[%dma_start3A_725, %dma_start3A_726] : memref<10112x16xf32, #tpu.memory_space<vmem_shared>> -> memref<10112x16xf32, #tpu.memory_space<vmem_shared>>
      %dma_start3A_728 = tpu.memref_slice %arg11[%dma_start3A_719] : memref<5x!tpu.dma_semaphore, #tpu.memory_space<semaphore_mem>> -> memref<1x!tpu.dma_semaphore, #tpu.memory_space<semaphore_mem>>
      %dma_start3A_729 = tpu.memref_squeeze %dma_start3A_728 : memref<1x!tpu.dma_semaphore, #tpu.memory_space<semaphore_mem>> -> memref<!tpu.dma_semaphore, #tpu.memory_space<semaphore_mem>>
      tpu.enqueue_indirect_dma source(%dma_start3A_727 : memref<10112x16xf32, #tpu.memory_space<vmem_shared>>) target(%dma_start3A_723 : memref<512x16xf32, #tpu.memory_space<vmem>>) offsets(%dma_start3A_724 : memref<512xi32, #tpu.memory_space<vmem>>) semaphore(%dma_start3A_729 : memref<!tpu.dma_semaphore, #tpu.memory_space<semaphore_mem>>)
      %mul3A_730 = arith.constant 5 : i32
      %mul3A_731 = arith.muli %scan3A_466, %mul3A_730 : i32
      %add3A_732 = arith.constant 3 : i32
      %add3A_733 = arith.addi %mul3A_731, %add3A_732 : i32
      %mul3A_734 = arith.constant 512 : i32
      %mul3A_735 = arith.muli %add3A_733, %mul3A_734 : i32
      %dma_wait3A_736 = arith.constant 3 : i32
      %dma_wait3A_737 = arith.constant 3 : i32
      %dma_wait3A_738 = arith.constant 0 : i32
      %dma_wait3A_739 = arith.constant 0 : i32
      %dma_wait3A_740 = tpu.memref_slice %arg7[%dma_wait3A_736, %dma_wait3A_738, %dma_wait3A_739] : memref<5x512x16xf32, #tpu.memory_space<vmem>> -> memref<1x512x16xf32, #tpu.memory_space<vmem>>
      %dma_wait3A_741 = tpu.memref_squeeze %dma_wait3A_740 : memref<1x512x16xf32, #tpu.memory_space<vmem>> -> memref<512x16xf32, #tpu.memory_space<vmem>>
      %dma_wait3A_742 = tpu.memref_slice %arg6[%mul3A_735] : memref<10240xi32, #tpu.memory_space<vmem>> -> memref<512xi32, #tpu.memory_space<vmem>>
      %dma_wait3A_743 = arith.constant 0 : i32
      %dma_wait3A_744 = arith.constant 0 : i32
      %dma_wait3A_745 = tpu.memref_slice %arg9[%dma_wait3A_743, %dma_wait3A_744] : memref<10112x16xf32, #tpu.memory_space<vmem_shared>> -> memref<10112x16xf32, #tpu.memory_space<vmem_shared>>
      %dma_wait3A_746 = tpu.memref_slice %arg12[%dma_wait3A_737] : memref<5x!tpu.dma_semaphore, #tpu.memory_space<semaphore_mem>> -> memref<1x!tpu.dma_semaphore, #tpu.memory_space<semaphore_mem>>
      %dma_wait3A_747 = tpu.memref_squeeze %dma_wait3A_746 : memref<1x!tpu.dma_semaphore, #tpu.memory_space<semaphore_mem>> -> memref<!tpu.dma_semaphore, #tpu.memory_space<semaphore_mem>>
      tpu.wait_indirect_dma semaphore(%dma_wait3A_747 : memref<!tpu.dma_semaphore, #tpu.memory_space<semaphore_mem>>) src(%dma_wait3A_741 : memref<512x16xf32, #tpu.memory_space<vmem>>) dst(%dma_wait3A_745 : memref<10112x16xf32, #tpu.memory_space<vmem_shared>>)
      %add3A_748 = arith.constant 5 : i32
      %add3A_749 = arith.addi %add3A_733, %add3A_748 : i32
      %mul3A_750 = arith.constant 512 : i32
      %mul3A_751 = arith.muli %add3A_749, %mul3A_750 : i32
      %dma_start3A_752 = arith.constant 3 : i32
      %dma_start3A_753 = arith.constant 3 : i32
      %dma_start3A_754 = arith.constant 0 : i32
      %dma_start3A_755 = arith.constant 0 : i32
      %dma_start3A_756 = tpu.memref_slice %arg7[%dma_start3A_752, %dma_start3A_754, %dma_start3A_755] : memref<5x512x16xf32, #tpu.memory_space<vmem>> -> memref<1x512x16xf32, #tpu.memory_space<vmem>>
      %dma_start3A_757 = tpu.memref_squeeze %dma_start3A_756 : memref<1x512x16xf32, #tpu.memory_space<vmem>> -> memref<512x16xf32, #tpu.memory_space<vmem>>
      %dma_start3A_758 = tpu.memref_slice %arg5[%mul3A_751] : memref<10240xi32, #tpu.memory_space<vmem>> -> memref<512xi32, #tpu.memory_space<vmem>>
      %dma_start3A_759 = arith.constant 0 : i32
      %dma_start3A_760 = arith.constant 0 : i32
      %dma_start3A_761 = tpu.memref_slice %arg10[%dma_start3A_759, %dma_start3A_760] : memref<10112x16xf32, #tpu.memory_space<vmem_shared>> -> memref<10112x16xf32, #tpu.memory_space<vmem_shared>>
      %dma_start3A_762 = tpu.memref_slice %arg11[%dma_start3A_753] : memref<5x!tpu.dma_semaphore, #tpu.memory_space<semaphore_mem>> -> memref<1x!tpu.dma_semaphore, #tpu.memory_space<semaphore_mem>>
      %dma_start3A_763 = tpu.memref_squeeze %dma_start3A_762 : memref<1x!tpu.dma_semaphore, #tpu.memory_space<semaphore_mem>> -> memref<!tpu.dma_semaphore, #tpu.memory_space<semaphore_mem>>
      tpu.enqueue_indirect_dma source(%dma_start3A_761 : memref<10112x16xf32, #tpu.memory_space<vmem_shared>>) target(%dma_start3A_757 : memref<512x16xf32, #tpu.memory_space<vmem>>) offsets(%dma_start3A_758 : memref<512xi32, #tpu.memory_space<vmem>>) semaphore(%dma_start3A_763 : memref<!tpu.dma_semaphore, #tpu.memory_space<semaphore_mem>>)
      %mul3A_764 = arith.constant 5 : i32
      %mul3A_765 = arith.muli %scan3A_466, %mul3A_764 : i32
      %add3A_766 = arith.constant 4 : i32
      %add3A_767 = arith.addi %mul3A_765, %add3A_766 : i32
      %mul3A_768 = arith.constant 512 : i32
      %mul3A_769 = arith.muli %add3A_767, %mul3A_768 : i32
      %dma_wait3A_770 = arith.constant 4 : i32
      %dma_wait3A_771 = arith.constant 4 : i32
      %dma_wait3A_772 = arith.constant 0 : i32
      %dma_wait3A_773 = arith.constant 0 : i32
      %dma_wait3A_774 = tpu.memref_slice %arg7[%dma_wait3A_770, %dma_wait3A_772, %dma_wait3A_773] : memref<5x512x16xf32, #tpu.memory_space<vmem>> -> memref<1x512x16xf32, #tpu.memory_space<vmem>>
      %dma_wait3A_775 = tpu.memref_squeeze %dma_wait3A_774 : memref<1x512x16xf32, #tpu.memory_space<vmem>> -> memref<512x16xf32, #tpu.memory_space<vmem>>
      %dma_wait3A_776 = tpu.memref_slice %arg6[%mul3A_769] : memref<10240xi32, #tpu.memory_space<vmem>> -> memref<512xi32, #tpu.memory_space<vmem>>
      %dma_wait3A_777 = arith.constant 0 : i32
      %dma_wait3A_778 = arith.constant 0 : i32
      %dma_wait3A_779 = tpu.memref_slice %arg9[%dma_wait3A_777, %dma_wait3A_778] : memref<10112x16xf32, #tpu.memory_space<vmem_shared>> -> memref<10112x16xf32, #tpu.memory_space<vmem_shared>>
      %dma_wait3A_780 = tpu.memref_slice %arg12[%dma_wait3A_771] : memref<5x!tpu.dma_semaphore, #tpu.memory_space<semaphore_mem>> -> memref<1x!tpu.dma_semaphore, #tpu.memory_space<semaphore_mem>>
      %dma_wait3A_781 = tpu.memref_squeeze %dma_wait3A_780 : memref<1x!tpu.dma_semaphore, #tpu.memory_space<semaphore_mem>> -> memref<!tpu.dma_semaphore, #tpu.memory_space<semaphore_mem>>
      tpu.wait_indirect_dma semaphore(%dma_wait3A_781 : memref<!tpu.dma_semaphore, #tpu.memory_space<semaphore_mem>>) src(%dma_wait3A_775 : memref<512x16xf32, #tpu.memory_space<vmem>>) dst(%dma_wait3A_779 : memref<10112x16xf32, #tpu.memory_space<vmem_shared>>)
      %add3A_782 = arith.constant 5 : i32
      %add3A_783 = arith.addi %add3A_767, %add3A_782 : i32
      %mul3A_784 = arith.constant 512 : i32
      %mul3A_785 = arith.muli %add3A_783, %mul3A_784 : i32
      %dma_start3A_786 = arith.constant 4 : i32
      %dma_start3A_787 = arith.constant 4 : i32
      %dma_start3A_788 = arith.constant 0 : i32
      %dma_start3A_789 = arith.constant 0 : i32
      %dma_start3A_790 = tpu.memref_slice %arg7[%dma_start3A_786, %dma_start3A_788, %dma_start3A_789] : memref<5x512x16xf32, #tpu.memory_space<vmem>> -> memref<1x512x16xf32, #tpu.memory_space<vmem>>
      %dma_start3A_791 = tpu.memref_squeeze %dma_start3A_790 : memref<1x512x16xf32, #tpu.memory_space<vmem>> -> memref<512x16xf32, #tpu.memory_space<vmem>>
      %dma_start3A_792 = tpu.memref_slice %arg5[%mul3A_785] : memref<10240xi32, #tpu.memory_space<vmem>> -> memref<512xi32, #tpu.memory_space<vmem>>
      %dma_start3A_793 = arith.constant 0 : i32
      %dma_start3A_794 = arith.constant 0 : i32
      %dma_start3A_795 = tpu.memref_slice %arg10[%dma_start3A_793, %dma_start3A_794] : memref<10112x16xf32, #tpu.memory_space<vmem_shared>> -> memref<10112x16xf32, #tpu.memory_space<vmem_shared>>
      %dma_start3A_796 = tpu.memref_slice %arg11[%dma_start3A_787] : memref<5x!tpu.dma_semaphore, #tpu.memory_space<semaphore_mem>> -> memref<1x!tpu.dma_semaphore, #tpu.memory_space<semaphore_mem>>
      %dma_start3A_797 = tpu.memref_squeeze %dma_start3A_796 : memref<1x!tpu.dma_semaphore, #tpu.memory_space<semaphore_mem>> -> memref<!tpu.dma_semaphore, #tpu.memory_space<semaphore_mem>>
      tpu.enqueue_indirect_dma source(%dma_start3A_795 : memref<10112x16xf32, #tpu.memory_space<vmem_shared>>) target(%dma_start3A_791 : memref<512x16xf32, #tpu.memory_space<vmem>>) offsets(%dma_start3A_792 : memref<512xi32, #tpu.memory_space<vmem>>) semaphore(%dma_start3A_797 : memref<!tpu.dma_semaphore, #tpu.memory_space<semaphore_mem>>)
      %scan3A_798 = arith.constant 0 : i32
      scf.yield %scan3A_798 : i32
    }
    %scan3A_266 = arith.constant 3 : i32
    %dma_wait3A = arith.constant 0 : i32
    %dma_wait3A_267 = arith.constant 0 : i32
    %dma_wait3A_268 = arith.constant 0 : i32
    %dma_wait3A_269 = arith.constant 0 : i32
    %dma_wait3A_270 = tpu.memref_slice %arg7[%dma_wait3A, %dma_wait3A_268, %dma_wait3A_269] : memref<5x512x16xf32, #tpu.memory_space<vmem>> -> memref<1x512x16xf32, #tpu.memory_space<vmem>>
    %dma_wait3A_271 = tpu.memref_squeeze %dma_wait3A_270 : memref<1x512x16xf32, #tpu.memory_space<vmem>> -> memref<512x16xf32, #tpu.memory_space<vmem>>
    %dma_wait3A_272 = arith.constant 7680 : i32
    %dma_wait3A_273 = tpu.memref_slice %arg5[%dma_wait3A_272] : memref<10240xi32, #tpu.memory_space<vmem>> -> memref<512xi32, #tpu.memory_space<vmem>>
    %dma_wait3A_274 = arith.constant 0 : i32
    %dma_wait3A_275 = arith.constant 0 : i32
    %dma_wait3A_276 = tpu.memref_slice %arg10[%dma_wait3A_274, %dma_wait3A_275] : memref<10112x16xf32, #tpu.memory_space<vmem_shared>> -> memref<10112x16xf32, #tpu.memory_space<vmem_shared>>
    %dma_wait3A_277 = tpu.memref_slice %arg11[%dma_wait3A_267] : memref<5x!tpu.dma_semaphore, #tpu.memory_space<semaphore_mem>> -> memref<1x!tpu.dma_semaphore, #tpu.memory_space<semaphore_mem>>
    %dma_wait3A_278 = tpu.memref_squeeze %dma_wait3A_277 : memref<1x!tpu.dma_semaphore, #tpu.memory_space<semaphore_mem>> -> memref<!tpu.dma_semaphore, #tpu.memory_space<semaphore_mem>>
    tpu.wait_indirect_dma semaphore(%dma_wait3A_278 : memref<!tpu.dma_semaphore, #tpu.memory_space<semaphore_mem>>) src(%dma_wait3A_276 : memref<10112x16xf32, #tpu.memory_space<vmem_shared>>) dst(%dma_wait3A_271 : memref<512x16xf32, #tpu.memory_space<vmem>>)
    %dma_start3A_279 = arith.constant 0 : i32
    %dma_start3A_280 = arith.constant 0 : i32
    %dma_start3A_281 = arith.constant 0 : i32
    %dma_start3A_282 = arith.constant 0 : i32
    %dma_start3A_283 = tpu.memref_slice %arg7[%dma_start3A_279, %dma_start3A_281, %dma_start3A_282] : memref<5x512x16xf32, #tpu.memory_space<vmem>> -> memref<1x512x16xf32, #tpu.memory_space<vmem>>
    %dma_start3A_284 = tpu.memref_squeeze %dma_start3A_283 : memref<1x512x16xf32, #tpu.memory_space<vmem>> -> memref<512x16xf32, #tpu.memory_space<vmem>>
    %dma_start3A_285 = arith.constant 7680 : i32
    %dma_start3A_286 = tpu.memref_slice %arg6[%dma_start3A_285] : memref<10240xi32, #tpu.memory_space<vmem>> -> memref<512xi32, #tpu.memory_space<vmem>>
    %dma_start3A_287 = arith.constant 0 : i32
    %dma_start3A_288 = arith.constant 0 : i32
    %dma_start3A_289 = tpu.memref_slice %arg9[%dma_start3A_287, %dma_start3A_288] : memref<10112x16xf32, #tpu.memory_space<vmem_shared>> -> memref<10112x16xf32, #tpu.memory_space<vmem_shared>>
    %dma_start3A_290 = tpu.memref_slice %arg12[%dma_start3A_280] : memref<5x!tpu.dma_semaphore, #tpu.memory_space<semaphore_mem>> -> memref<1x!tpu.dma_semaphore, #tpu.memory_space<semaphore_mem>>
    %dma_start3A_291 = tpu.memref_squeeze %dma_start3A_290 : memref<1x!tpu.dma_semaphore, #tpu.memory_space<semaphore_mem>> -> memref<!tpu.dma_semaphore, #tpu.memory_space<semaphore_mem>>
    tpu.enqueue_indirect_dma source(%dma_start3A_284 : memref<512x16xf32, #tpu.memory_space<vmem>>) target(%dma_start3A_289 : memref<10112x16xf32, #tpu.memory_space<vmem_shared>>) offsets(%dma_start3A_286 : memref<512xi32, #tpu.memory_space<vmem>>) semaphore(%dma_start3A_291 : memref<!tpu.dma_semaphore, #tpu.memory_space<semaphore_mem>>) {add = true}
    %dma_wait3A_292 = arith.constant 1 : i32
    %dma_wait3A_293 = arith.constant 1 : i32
    %dma_wait3A_294 = arith.constant 0 : i32
    %dma_wait3A_295 = arith.constant 0 : i32
    %dma_wait3A_296 = tpu.memref_slice %arg7[%dma_wait3A_292, %dma_wait3A_294, %dma_wait3A_295] : memref<5x512x16xf32, #tpu.memory_space<vmem>> -> memref<1x512x16xf32, #tpu.memory_space<vmem>>
    %dma_wait3A_297 = tpu.memref_squeeze %dma_wait3A_296 : memref<1x512x16xf32, #tpu.memory_space<vmem>> -> memref<512x16xf32, #tpu.memory_space<vmem>>
    %dma_wait3A_298 = arith.constant 8192 : i32
    %dma_wait3A_299 = tpu.memref_slice %arg5[%dma_wait3A_298] : memref<10240xi32, #tpu.memory_space<vmem>> -> memref<512xi32, #tpu.memory_space<vmem>>
    %dma_wait3A_300 = arith.constant 0 : i32
    %dma_wait3A_301 = arith.constant 0 : i32
    %dma_wait3A_302 = tpu.memref_slice %arg10[%dma_wait3A_300, %dma_wait3A_301] : memref<10112x16xf32, #tpu.memory_space<vmem_shared>> -> memref<10112x16xf32, #tpu.memory_space<vmem_shared>>
    %dma_wait3A_303 = tpu.memref_slice %arg11[%dma_wait3A_293] : memref<5x!tpu.dma_semaphore, #tpu.memory_space<semaphore_mem>> -> memref<1x!tpu.dma_semaphore, #tpu.memory_space<semaphore_mem>>
    %dma_wait3A_304 = tpu.memref_squeeze %dma_wait3A_303 : memref<1x!tpu.dma_semaphore, #tpu.memory_space<semaphore_mem>> -> memref<!tpu.dma_semaphore, #tpu.memory_space<semaphore_mem>>
    tpu.wait_indirect_dma semaphore(%dma_wait3A_304 : memref<!tpu.dma_semaphore, #tpu.memory_space<semaphore_mem>>) src(%dma_wait3A_302 : memref<10112x16xf32, #tpu.memory_space<vmem_shared>>) dst(%dma_wait3A_297 : memref<512x16xf32, #tpu.memory_space<vmem>>)
    %dma_start3A_305 = arith.constant 1 : i32
    %dma_start3A_306 = arith.constant 1 : i32
    %dma_start3A_307 = arith.constant 0 : i32
    %dma_start3A_308 = arith.constant 0 : i32
    %dma_start3A_309 = tpu.memref_slice %arg7[%dma_start3A_305, %dma_start3A_307, %dma_start3A_308] : memref<5x512x16xf32, #tpu.memory_space<vmem>> -> memref<1x512x16xf32, #tpu.memory_space<vmem>>
    %dma_start3A_310 = tpu.memref_squeeze %dma_start3A_309 : memref<1x512x16xf32, #tpu.memory_space<vmem>> -> memref<512x16xf32, #tpu.memory_space<vmem>>
    %dma_start3A_311 = arith.constant 8192 : i32
    %dma_start3A_312 = tpu.memref_slice %arg6[%dma_start3A_311] : memref<10240xi32, #tpu.memory_space<vmem>> -> memref<512xi32, #tpu.memory_space<vmem>>
    %dma_start3A_313 = arith.constant 0 : i32
    %dma_start3A_314 = arith.constant 0 : i32
    %dma_start3A_315 = tpu.memref_slice %arg9[%dma_start3A_313, %dma_start3A_314] : memref<10112x16xf32, #tpu.memory_space<vmem_shared>> -> memref<10112x16xf32, #tpu.memory_space<vmem_shared>>
    %dma_start3A_316 = tpu.memref_slice %arg12[%dma_start3A_306] : memref<5x!tpu.dma_semaphore, #tpu.memory_space<semaphore_mem>> -> memref<1x!tpu.dma_semaphore, #tpu.memory_space<semaphore_mem>>
    %dma_start3A_317 = tpu.memref_squeeze %dma_start3A_316 : memref<1x!tpu.dma_semaphore, #tpu.memory_space<semaphore_mem>> -> memref<!tpu.dma_semaphore, #tpu.memory_space<semaphore_mem>>
    tpu.enqueue_indirect_dma source(%dma_start3A_310 : memref<512x16xf32, #tpu.memory_space<vmem>>) target(%dma_start3A_315 : memref<10112x16xf32, #tpu.memory_space<vmem_shared>>) offsets(%dma_start3A_312 : memref<512xi32, #tpu.memory_space<vmem>>) semaphore(%dma_start3A_317 : memref<!tpu.dma_semaphore, #tpu.memory_space<semaphore_mem>>) {add = true}
    %dma_wait3A_318 = arith.constant 2 : i32
    %dma_wait3A_319 = arith.constant 2 : i32
    %dma_wait3A_320 = arith.constant 0 : i32
    %dma_wait3A_321 = arith.constant 0 : i32
    %dma_wait3A_322 = tpu.memref_slice %arg7[%dma_wait3A_318, %dma_wait3A_320, %dma_wait3A_321] : memref<5x512x16xf32, #tpu.memory_space<vmem>> -> memref<1x512x16xf32, #tpu.memory_space<vmem>>
    %dma_wait3A_323 = tpu.memref_squeeze %dma_wait3A_322 : memref<1x512x16xf32, #tpu.memory_space<vmem>> -> memref<512x16xf32, #tpu.memory_space<vmem>>
    %dma_wait3A_324 = arith.constant 8704 : i32
    %dma_wait3A_325 = tpu.memref_slice %arg5[%dma_wait3A_324] : memref<10240xi32, #tpu.memory_space<vmem>> -> memref<512xi32, #tpu.memory_space<vmem>>
    %dma_wait3A_326 = arith.constant 0 : i32
    %dma_wait3A_327 = arith.constant 0 : i32
    %dma_wait3A_328 = tpu.memref_slice %arg10[%dma_wait3A_326, %dma_wait3A_327] : memref<10112x16xf32, #tpu.memory_space<vmem_shared>> -> memref<10112x16xf32, #tpu.memory_space<vmem_shared>>
    %dma_wait3A_329 = tpu.memref_slice %arg11[%dma_wait3A_319] : memref<5x!tpu.dma_semaphore, #tpu.memory_space<semaphore_mem>> -> memref<1x!tpu.dma_semaphore, #tpu.memory_space<semaphore_mem>>
    %dma_wait3A_330 = tpu.memref_squeeze %dma_wait3A_329 : memref<1x!tpu.dma_semaphore, #tpu.memory_space<semaphore_mem>> -> memref<!tpu.dma_semaphore, #tpu.memory_space<semaphore_mem>>
    tpu.wait_indirect_dma semaphore(%dma_wait3A_330 : memref<!tpu.dma_semaphore, #tpu.memory_space<semaphore_mem>>) src(%dma_wait3A_328 : memref<10112x16xf32, #tpu.memory_space<vmem_shared>>) dst(%dma_wait3A_323 : memref<512x16xf32, #tpu.memory_space<vmem>>)
    %dma_start3A_331 = arith.constant 2 : i32
    %dma_start3A_332 = arith.constant 2 : i32
    %dma_start3A_333 = arith.constant 0 : i32
    %dma_start3A_334 = arith.constant 0 : i32
    %dma_start3A_335 = tpu.memref_slice %arg7[%dma_start3A_331, %dma_start3A_333, %dma_start3A_334] : memref<5x512x16xf32, #tpu.memory_space<vmem>> -> memref<1x512x16xf32, #tpu.memory_space<vmem>>
    %dma_start3A_336 = tpu.memref_squeeze %dma_start3A_335 : memref<1x512x16xf32, #tpu.memory_space<vmem>> -> memref<512x16xf32, #tpu.memory_space<vmem>>
    %dma_start3A_337 = arith.constant 8704 : i32
    %dma_start3A_338 = tpu.memref_slice %arg6[%dma_start3A_337] : memref<10240xi32, #tpu.memory_space<vmem>> -> memref<512xi32, #tpu.memory_space<vmem>>
    %dma_start3A_339 = arith.constant 0 : i32
    %dma_start3A_340 = arith.constant 0 : i32
    %dma_start3A_341 = tpu.memref_slice %arg9[%dma_start3A_339, %dma_start3A_340] : memref<10112x16xf32, #tpu.memory_space<vmem_shared>> -> memref<10112x16xf32, #tpu.memory_space<vmem_shared>>
    %dma_start3A_342 = tpu.memref_slice %arg12[%dma_start3A_332] : memref<5x!tpu.dma_semaphore, #tpu.memory_space<semaphore_mem>> -> memref<1x!tpu.dma_semaphore, #tpu.memory_space<semaphore_mem>>
    %dma_start3A_343 = tpu.memref_squeeze %dma_start3A_342 : memref<1x!tpu.dma_semaphore, #tpu.memory_space<semaphore_mem>> -> memref<!tpu.dma_semaphore, #tpu.memory_space<semaphore_mem>>
    tpu.enqueue_indirect_dma source(%dma_start3A_336 : memref<512x16xf32, #tpu.memory_space<vmem>>) target(%dma_start3A_341 : memref<10112x16xf32, #tpu.memory_space<vmem_shared>>) offsets(%dma_start3A_338 : memref<512xi32, #tpu.memory_space<vmem>>) semaphore(%dma_start3A_343 : memref<!tpu.dma_semaphore, #tpu.memory_space<semaphore_mem>>) {add = true}
    %dma_wait3A_344 = arith.constant 3 : i32
    %dma_wait3A_345 = arith.constant 3 : i32
    %dma_wait3A_346 = arith.constant 0 : i32
    %dma_wait3A_347 = arith.constant 0 : i32
    %dma_wait3A_348 = tpu.memref_slice %arg7[%dma_wait3A_344, %dma_wait3A_346, %dma_wait3A_347] : memref<5x512x16xf32, #tpu.memory_space<vmem>> -> memref<1x512x16xf32, #tpu.memory_space<vmem>>
    %dma_wait3A_349 = tpu.memref_squeeze %dma_wait3A_348 : memref<1x512x16xf32, #tpu.memory_space<vmem>> -> memref<512x16xf32, #tpu.memory_space<vmem>>
    %dma_wait3A_350 = arith.constant 9216 : i32
    %dma_wait3A_351 = tpu.memref_slice %arg5[%dma_wait3A_350] : memref<10240xi32, #tpu.memory_space<vmem>> -> memref<512xi32, #tpu.memory_space<vmem>>
    %dma_wait3A_352 = arith.constant 0 : i32
    %dma_wait3A_353 = arith.constant 0 : i32
    %dma_wait3A_354 = tpu.memref_slice %arg10[%dma_wait3A_352, %dma_wait3A_353] : memref<10112x16xf32, #tpu.memory_space<vmem_shared>> -> memref<10112x16xf32, #tpu.memory_space<vmem_shared>>
    %dma_wait3A_355 = tpu.memref_slice %arg11[%dma_wait3A_345] : memref<5x!tpu.dma_semaphore, #tpu.memory_space<semaphore_mem>> -> memref<1x!tpu.dma_semaphore, #tpu.memory_space<semaphore_mem>>
    %dma_wait3A_356 = tpu.memref_squeeze %dma_wait3A_355 : memref<1x!tpu.dma_semaphore, #tpu.memory_space<semaphore_mem>> -> memref<!tpu.dma_semaphore, #tpu.memory_space<semaphore_mem>>
    tpu.wait_indirect_dma semaphore(%dma_wait3A_356 : memref<!tpu.dma_semaphore, #tpu.memory_space<semaphore_mem>>) src(%dma_wait3A_354 : memref<10112x16xf32, #tpu.memory_space<vmem_shared>>) dst(%dma_wait3A_349 : memref<512x16xf32, #tpu.memory_space<vmem>>)
    %dma_start3A_357 = arith.constant 3 : i32
    %dma_start3A_358 = arith.constant 3 : i32
    %dma_start3A_359 = arith.constant 0 : i32
    %dma_start3A_360 = arith.constant 0 : i32
    %dma_start3A_361 = tpu.memref_slice %arg7[%dma_start3A_357, %dma_start3A_359, %dma_start3A_360] : memref<5x512x16xf32, #tpu.memory_space<vmem>> -> memref<1x512x16xf32, #tpu.memory_space<vmem>>
    %dma_start3A_362 = tpu.memref_squeeze %dma_start3A_361 : memref<1x512x16xf32, #tpu.memory_space<vmem>> -> memref<512x16xf32, #tpu.memory_space<vmem>>
    %dma_start3A_363 = arith.constant 9216 : i32
    %dma_start3A_364 = tpu.memref_slice %arg6[%dma_start3A_363] : memref<10240xi32, #tpu.memory_space<vmem>> -> memref<512xi32, #tpu.memory_space<vmem>>
    %dma_start3A_365 = arith.constant 0 : i32
    %dma_start3A_366 = arith.constant 0 : i32
    %dma_start3A_367 = tpu.memref_slice %arg9[%dma_start3A_365, %dma_start3A_366] : memref<10112x16xf32, #tpu.memory_space<vmem_shared>> -> memref<10112x16xf32, #tpu.memory_space<vmem_shared>>
    %dma_start3A_368 = tpu.memref_slice %arg12[%dma_start3A_358] : memref<5x!tpu.dma_semaphore, #tpu.memory_space<semaphore_mem>> -> memref<1x!tpu.dma_semaphore, #tpu.memory_space<semaphore_mem>>
    %dma_start3A_369 = tpu.memref_squeeze %dma_start3A_368 : memref<1x!tpu.dma_semaphore, #tpu.memory_space<semaphore_mem>> -> memref<!tpu.dma_semaphore, #tpu.memory_space<semaphore_mem>>
    tpu.enqueue_indirect_dma source(%dma_start3A_362 : memref<512x16xf32, #tpu.memory_space<vmem>>) target(%dma_start3A_367 : memref<10112x16xf32, #tpu.memory_space<vmem_shared>>) offsets(%dma_start3A_364 : memref<512xi32, #tpu.memory_space<vmem>>) semaphore(%dma_start3A_369 : memref<!tpu.dma_semaphore, #tpu.memory_space<semaphore_mem>>) {add = true}
    %dma_wait3A_370 = arith.constant 4 : i32
    %dma_wait3A_371 = arith.constant 4 : i32
    %dma_wait3A_372 = arith.constant 0 : i32
    %dma_wait3A_373 = arith.constant 0 : i32
    %dma_wait3A_374 = tpu.memref_slice %arg7[%dma_wait3A_370, %dma_wait3A_372, %dma_wait3A_373] : memref<5x512x16xf32, #tpu.memory_space<vmem>> -> memref<1x512x16xf32, #tpu.memory_space<vmem>>
    %dma_wait3A_375 = tpu.memref_squeeze %dma_wait3A_374 : memref<1x512x16xf32, #tpu.memory_space<vmem>> -> memref<512x16xf32, #tpu.memory_space<vmem>>
    %dma_wait3A_376 = arith.constant 9728 : i32
    %dma_wait3A_377 = tpu.memref_slice %arg5[%dma_wait3A_376] : memref<10240xi32, #tpu.memory_space<vmem>> -> memref<512xi32, #tpu.memory_space<vmem>>
    %dma_wait3A_378 = arith.constant 0 : i32
    %dma_wait3A_379 = arith.constant 0 : i32
    %dma_wait3A_380 = tpu.memref_slice %arg10[%dma_wait3A_378, %dma_wait3A_379] : memref<10112x16xf32, #tpu.memory_space<vmem_shared>> -> memref<10112x16xf32, #tpu.memory_space<vmem_shared>>
    %dma_wait3A_381 = tpu.memref_slice %arg11[%dma_wait3A_371] : memref<5x!tpu.dma_semaphore, #tpu.memory_space<semaphore_mem>> -> memref<1x!tpu.dma_semaphore, #tpu.memory_space<semaphore_mem>>
    %dma_wait3A_382 = tpu.memref_squeeze %dma_wait3A_381 : memref<1x!tpu.dma_semaphore, #tpu.memory_space<semaphore_mem>> -> memref<!tpu.dma_semaphore, #tpu.memory_space<semaphore_mem>>
    tpu.wait_indirect_dma semaphore(%dma_wait3A_382 : memref<!tpu.dma_semaphore, #tpu.memory_space<semaphore_mem>>) src(%dma_wait3A_380 : memref<10112x16xf32, #tpu.memory_space<vmem_shared>>) dst(%dma_wait3A_375 : memref<512x16xf32, #tpu.memory_space<vmem>>)
    %dma_start3A_383 = arith.constant 4 : i32
    %dma_start3A_384 = arith.constant 4 : i32
    %dma_start3A_385 = arith.constant 0 : i32
    %dma_start3A_386 = arith.constant 0 : i32
    %dma_start3A_387 = tpu.memref_slice %arg7[%dma_start3A_383, %dma_start3A_385, %dma_start3A_386] : memref<5x512x16xf32, #tpu.memory_space<vmem>> -> memref<1x512x16xf32, #tpu.memory_space<vmem>>
    %dma_start3A_388 = tpu.memref_squeeze %dma_start3A_387 : memref<1x512x16xf32, #tpu.memory_space<vmem>> -> memref<512x16xf32, #tpu.memory_space<vmem>>
    %dma_start3A_389 = arith.constant 9728 : i32
    %dma_start3A_390 = tpu.memref_slice %arg6[%dma_start3A_389] : memref<10240xi32, #tpu.memory_space<vmem>> -> memref<512xi32, #tpu.memory_space<vmem>>
    %dma_start3A_391 = arith.constant 0 : i32
    %dma_start3A_392 = arith.constant 0 : i32
    %dma_start3A_393 = tpu.memref_slice %arg9[%dma_start3A_391, %dma_start3A_392] : memref<10112x16xf32, #tpu.memory_space<vmem_shared>> -> memref<10112x16xf32, #tpu.memory_space<vmem_shared>>
    %dma_start3A_394 = tpu.memref_slice %arg12[%dma_start3A_384] : memref<5x!tpu.dma_semaphore, #tpu.memory_space<semaphore_mem>> -> memref<1x!tpu.dma_semaphore, #tpu.memory_space<semaphore_mem>>
    %dma_start3A_395 = tpu.memref_squeeze %dma_start3A_394 : memref<1x!tpu.dma_semaphore, #tpu.memory_space<semaphore_mem>> -> memref<!tpu.dma_semaphore, #tpu.memory_space<semaphore_mem>>
    tpu.enqueue_indirect_dma source(%dma_start3A_388 : memref<512x16xf32, #tpu.memory_space<vmem>>) target(%dma_start3A_393 : memref<10112x16xf32, #tpu.memory_space<vmem_shared>>) offsets(%dma_start3A_390 : memref<512xi32, #tpu.memory_space<vmem>>) semaphore(%dma_start3A_395 : memref<!tpu.dma_semaphore, #tpu.memory_space<semaphore_mem>>) {add = true}
    %dma_wait3A_396 = arith.constant 0 : i32
    %dma_wait3A_397 = arith.constant 0 : i32
    %dma_wait3A_398 = arith.constant 0 : i32
    %dma_wait3A_399 = arith.constant 0 : i32
    %dma_wait3A_400 = tpu.memref_slice %arg7[%dma_wait3A_396, %dma_wait3A_398, %dma_wait3A_399] : memref<5x512x16xf32, #tpu.memory_space<vmem>> -> memref<1x512x16xf32, #tpu.memory_space<vmem>>
    %dma_wait3A_401 = tpu.memref_squeeze %dma_wait3A_400 : memref<1x512x16xf32, #tpu.memory_space<vmem>> -> memref<512x16xf32, #tpu.memory_space<vmem>>
    %dma_wait3A_402 = arith.constant 7680 : i32
    %dma_wait3A_403 = tpu.memref_slice %arg6[%dma_wait3A_402] : memref<10240xi32, #tpu.memory_space<vmem>> -> memref<512xi32, #tpu.memory_space<vmem>>
    %dma_wait3A_404 = arith.constant 0 : i32
    %dma_wait3A_405 = arith.constant 0 : i32
    %dma_wait3A_406 = tpu.memref_slice %arg9[%dma_wait3A_404, %dma_wait3A_405] : memref<10112x16xf32, #tpu.memory_space<vmem_shared>> -> memref<10112x16xf32, #tpu.memory_space<vmem_shared>>
    %dma_wait3A_407 = tpu.memref_slice %arg12[%dma_wait3A_397] : memref<5x!tpu.dma_semaphore, #tpu.memory_space<semaphore_mem>> -> memref<1x!tpu.dma_semaphore, #tpu.memory_space<semaphore_mem>>
    %dma_wait3A_408 = tpu.memref_squeeze %dma_wait3A_407 : memref<1x!tpu.dma_semaphore, #tpu.memory_space<semaphore_mem>> -> memref<!tpu.dma_semaphore, #tpu.memory_space<semaphore_mem>>
    tpu.wait_indirect_dma semaphore(%dma_wait3A_408 : memref<!tpu.dma_semaphore, #tpu.memory_space<semaphore_mem>>) src(%dma_wait3A_401 : memref<512x16xf32, #tpu.memory_space<vmem>>) dst(%dma_wait3A_406 : memref<10112x16xf32, #tpu.memory_space<vmem_shared>>)
    %dma_wait3A_409 = arith.constant 1 : i32
    %dma_wait3A_410 = arith.constant 1 : i32
    %dma_wait3A_411 = arith.constant 0 : i32
    %dma_wait3A_412 = arith.constant 0 : i32
    %dma_wait3A_413 = tpu.memref_slice %arg7[%dma_wait3A_409, %dma_wait3A_411, %dma_wait3A_412] : memref<5x512x16xf32, #tpu.memory_space<vmem>> -> memref<1x512x16xf32, #tpu.memory_space<vmem>>
    %dma_wait3A_414 = tpu.memref_squeeze %dma_wait3A_413 : memref<1x512x16xf32, #tpu.memory_space<vmem>> -> memref<512x16xf32, #tpu.memory_space<vmem>>
    %dma_wait3A_415 = arith.constant 8192 : i32
    %dma_wait3A_416 = tpu.memref_slice %arg6[%dma_wait3A_415] : memref<10240xi32, #tpu.memory_space<vmem>> -> memref<512xi32, #tpu.memory_space<vmem>>
    %dma_wait3A_417 = arith.constant 0 : i32
    %dma_wait3A_418 = arith.constant 0 : i32
    %dma_wait3A_419 = tpu.memref_slice %arg9[%dma_wait3A_417, %dma_wait3A_418] : memref<10112x16xf32, #tpu.memory_space<vmem_shared>> -> memref<10112x16xf32, #tpu.memory_space<vmem_shared>>
    %dma_wait3A_420 = tpu.memref_slice %arg12[%dma_wait3A_410] : memref<5x!tpu.dma_semaphore, #tpu.memory_space<semaphore_mem>> -> memref<1x!tpu.dma_semaphore, #tpu.memory_space<semaphore_mem>>
    %dma_wait3A_421 = tpu.memref_squeeze %dma_wait3A_420 : memref<1x!tpu.dma_semaphore, #tpu.memory_space<semaphore_mem>> -> memref<!tpu.dma_semaphore, #tpu.memory_space<semaphore_mem>>
    tpu.wait_indirect_dma semaphore(%dma_wait3A_421 : memref<!tpu.dma_semaphore, #tpu.memory_space<semaphore_mem>>) src(%dma_wait3A_414 : memref<512x16xf32, #tpu.memory_space<vmem>>) dst(%dma_wait3A_419 : memref<10112x16xf32, #tpu.memory_space<vmem_shared>>)
    %dma_wait3A_422 = arith.constant 2 : i32
    %dma_wait3A_423 = arith.constant 2 : i32
    %dma_wait3A_424 = arith.constant 0 : i32
    %dma_wait3A_425 = arith.constant 0 : i32
    %dma_wait3A_426 = tpu.memref_slice %arg7[%dma_wait3A_422, %dma_wait3A_424, %dma_wait3A_425] : memref<5x512x16xf32, #tpu.memory_space<vmem>> -> memref<1x512x16xf32, #tpu.memory_space<vmem>>
    %dma_wait3A_427 = tpu.memref_squeeze %dma_wait3A_426 : memref<1x512x16xf32, #tpu.memory_space<vmem>> -> memref<512x16xf32, #tpu.memory_space<vmem>>
    %dma_wait3A_428 = arith.constant 8704 : i32
    %dma_wait3A_429 = tpu.memref_slice %arg6[%dma_wait3A_428] : memref<10240xi32, #tpu.memory_space<vmem>> -> memref<512xi32, #tpu.memory_space<vmem>>
    %dma_wait3A_430 = arith.constant 0 : i32
    %dma_wait3A_431 = arith.constant 0 : i32
    %dma_wait3A_432 = tpu.memref_slice %arg9[%dma_wait3A_430, %dma_wait3A_431] : memref<10112x16xf32, #tpu.memory_space<vmem_shared>> -> memref<10112x16xf32, #tpu.memory_space<vmem_shared>>
    %dma_wait3A_433 = tpu.memref_slice %arg12[%dma_wait3A_423] : memref<5x!tpu.dma_semaphore, #tpu.memory_space<semaphore_mem>> -> memref<1x!tpu.dma_semaphore, #tpu.memory_space<semaphore_mem>>
    %dma_wait3A_434 = tpu.memref_squeeze %dma_wait3A_433 : memref<1x!tpu.dma_semaphore, #tpu.memory_space<semaphore_mem>> -> memref<!tpu.dma_semaphore, #tpu.memory_space<semaphore_mem>>
    tpu.wait_indirect_dma semaphore(%dma_wait3A_434 : memref<!tpu.dma_semaphore, #tpu.memory_space<semaphore_mem>>) src(%dma_wait3A_427 : memref<512x16xf32, #tpu.memory_space<vmem>>) dst(%dma_wait3A_432 : memref<10112x16xf32, #tpu.memory_space<vmem_shared>>)
    %dma_wait3A_435 = arith.constant 3 : i32
    %dma_wait3A_436 = arith.constant 3 : i32
    %dma_wait3A_437 = arith.constant 0 : i32
    %dma_wait3A_438 = arith.constant 0 : i32
    %dma_wait3A_439 = tpu.memref_slice %arg7[%dma_wait3A_435, %dma_wait3A_437, %dma_wait3A_438] : memref<5x512x16xf32, #tpu.memory_space<vmem>> -> memref<1x512x16xf32, #tpu.memory_space<vmem>>
    %dma_wait3A_440 = tpu.memref_squeeze %dma_wait3A_439 : memref<1x512x16xf32, #tpu.memory_space<vmem>> -> memref<512x16xf32, #tpu.memory_space<vmem>>
    %dma_wait3A_441 = arith.constant 9216 : i32
    %dma_wait3A_442 = tpu.memref_slice %arg6[%dma_wait3A_441] : memref<10240xi32, #tpu.memory_space<vmem>> -> memref<512xi32, #tpu.memory_space<vmem>>
    %dma_wait3A_443 = arith.constant 0 : i32
    %dma_wait3A_444 = arith.constant 0 : i32
    %dma_wait3A_445 = tpu.memref_slice %arg9[%dma_wait3A_443, %dma_wait3A_444] : memref<10112x16xf32, #tpu.memory_space<vmem_shared>> -> memref<10112x16xf32, #tpu.memory_space<vmem_shared>>
    %dma_wait3A_446 = tpu.memref_slice %arg12[%dma_wait3A_436] : memref<5x!tpu.dma_semaphore, #tpu.memory_space<semaphore_mem>> -> memref<1x!tpu.dma_semaphore, #tpu.memory_space<semaphore_mem>>
    %dma_wait3A_447 = tpu.memref_squeeze %dma_wait3A_446 : memref<1x!tpu.dma_semaphore, #tpu.memory_space<semaphore_mem>> -> memref<!tpu.dma_semaphore, #tpu.memory_space<semaphore_mem>>
    tpu.wait_indirect_dma semaphore(%dma_wait3A_447 : memref<!tpu.dma_semaphore, #tpu.memory_space<semaphore_mem>>) src(%dma_wait3A_440 : memref<512x16xf32, #tpu.memory_space<vmem>>) dst(%dma_wait3A_445 : memref<10112x16xf32, #tpu.memory_space<vmem_shared>>)
    %dma_wait3A_448 = arith.constant 4 : i32
    %dma_wait3A_449 = arith.constant 4 : i32
    %dma_wait3A_450 = arith.constant 0 : i32
    %dma_wait3A_451 = arith.constant 0 : i32
    %dma_wait3A_452 = tpu.memref_slice %arg7[%dma_wait3A_448, %dma_wait3A_450, %dma_wait3A_451] : memref<5x512x16xf32, #tpu.memory_space<vmem>> -> memref<1x512x16xf32, #tpu.memory_space<vmem>>
    %dma_wait3A_453 = tpu.memref_squeeze %dma_wait3A_452 : memref<1x512x16xf32, #tpu.memory_space<vmem>> -> memref<512x16xf32, #tpu.memory_space<vmem>>
    %dma_wait3A_454 = arith.constant 9728 : i32
    %dma_wait3A_455 = tpu.memref_slice %arg6[%dma_wait3A_454] : memref<10240xi32, #tpu.memory_space<vmem>> -> memref<512xi32, #tpu.memory_space<vmem>>
    %dma_wait3A_456 = arith.constant 0 : i32
    %dma_wait3A_457 = arith.constant 0 : i32
    %dma_wait3A_458 = tpu.memref_slice %arg9[%dma_wait3A_456, %dma_wait3A_457] : memref<10112x16xf32, #tpu.memory_space<vmem_shared>> -> memref<10112x16xf32, #tpu.memory_space<vmem_shared>>
    %dma_wait3A_459 = tpu.memref_slice %arg12[%dma_wait3A_449] : memref<5x!tpu.dma_semaphore, #tpu.memory_space<semaphore_mem>> -> memref<1x!tpu.dma_semaphore, #tpu.memory_space<semaphore_mem>>
    %dma_wait3A_460 = tpu.memref_squeeze %dma_wait3A_459 : memref<1x!tpu.dma_semaphore, #tpu.memory_space<semaphore_mem>> -> memref<!tpu.dma_semaphore, #tpu.memory_space<semaphore_mem>>
    tpu.wait_indirect_dma semaphore(%dma_wait3A_460 : memref<!tpu.dma_semaphore, #tpu.memory_space<semaphore_mem>>) src(%dma_wait3A_453 : memref<512x16xf32, #tpu.memory_space<vmem>>) dst(%dma_wait3A_458 : memref<10112x16xf32, #tpu.memory_space<vmem_shared>>)
    %barrier3A_461 = arith.constant 0 : index
    tpu.barrier barrier_id(%barrier3A_461)
    %mul3A_462 = arith.constant 632 : i32
    %mul3A_463 = arith.muli %arg1, %mul3A_462 : i32
    %mul3A_464 = arith.constant 632 : i32
    %mul3A_465 = arith.muli %arg1, %mul3A_464 : i32
    "tpu.region"() ({
      %run_scoped3A_466 = tpu.sem_alloc : memref<!tpu.dma_semaphore, #tpu.memory_space<semaphore_mem>>
      %dma_start3A_467 = arith.constant 0 : i32
      %dma_start3A_468 = tpu.memref_slice %arg4[%arg0, %mul3A_465, %dma_start3A_467] : memref<2x10112x16xf32, #tpu.memory_space<hbm>> -> memref<1x632x16xf32, #tpu.memory_space<hbm>>
      %dma_start3A_469 = tpu.memref_squeeze %dma_start3A_468 : memref<1x632x16xf32, #tpu.memory_space<hbm>> -> memref<632x16xf32, #tpu.memory_space<hbm>>
      %dma_start3A_470 = arith.constant 0 : i32
      %dma_start3A_471 = tpu.memref_slice %arg9[%mul3A_463, %dma_start3A_470] : memref<10112x16xf32, #tpu.memory_space<vmem_shared>> -> memref<632x16xf32, #tpu.memory_space<vmem_shared>>
      tpu.enqueue_dma source(%dma_start3A_471 : memref<632x16xf32, #tpu.memory_space<vmem_shared>>) target(%dma_start3A_469 : memref<632x16xf32, #tpu.memory_space<hbm>>) target_semaphore(%run_scoped3A_466 : memref<!tpu.dma_semaphore, #tpu.memory_space<semaphore_mem>>)
      %dma_wait3A_472 = arith.constant 0 : i32
      %dma_wait3A_473 = tpu.memref_slice %arg4[%arg0, %mul3A_465, %dma_wait3A_472] : memref<2x10112x16xf32, #tpu.memory_space<hbm>> -> memref<1x632x16xf32, #tpu.memory_space<hbm>>
      %dma_wait3A_474 = tpu.memref_squeeze %dma_wait3A_473 : memref<1x632x16xf32, #tpu.memory_space<hbm>> -> memref<632x16xf32, #tpu.memory_space<hbm>>
      %dma_wait3A_475 = arith.constant 0 : i32
      %dma_wait3A_476 = tpu.memref_slice %arg9[%mul3A_463, %dma_wait3A_475] : memref<10112x16xf32, #tpu.memory_space<vmem_shared>> -> memref<632x16xf32, #tpu.memory_space<vmem_shared>>
      tpu.wait_dma2 semaphore(%run_scoped3A_466 : memref<!tpu.dma_semaphore, #tpu.memory_space<semaphore_mem>>) src(%dma_wait3A_476 : memref<632x16xf32, #tpu.memory_space<vmem_shared>>) dst(%dma_wait3A_474 : memref<632x16xf32, #tpu.memory_space<hbm>>)
      tpu.yield
    }) : () -> ()
    return
  }
}

#map = affine_map<(d0, d1) -> (0, 0)>
#map1 = affine_map<(d0, d1) -> (0, 0, 0)>
module attributes {stable_mosaic.version = 14 : i64} {
  func.func @_deg_kernel(%arg0: i32, %arg1: i32, %arg2: memref<2x320000xi32, #tpu.memory_space<hbm>>, %arg3: memref<2x10112x16xf32, #tpu.memory_space<hbm>>, %arg4: memref<10240xi32, #tpu.memory_space<vmem>>, %arg5: memref<512x16xf32, #tpu.memory_space<vmem>>, %arg6: memref<632x16xf32, #tpu.memory_space<vmem>>, %arg7: memref<10112x16xf32, #tpu.memory_space<vmem_shared>>, %arg8: memref<!tpu.dma_semaphore, #tpu.memory_space<semaphore_mem>>) attributes {dimension_semantics = [#tpu.dimension_semantics<core_parallel>, #tpu.dimension_semantics<subcore_parallel>], iteration_bounds = array<i64: 2, 16>, scalar_prefetch = 0 : i64, scratch_operands = 5 : i64, tpu.core_type = #tpu.core_type<sc_vector_subcore>, window_params = [{transform_indices = #map}, {transform_indices = #map1}]} {
    %mul3A = arith.constant 16 : i32
    %mul3A_0 = arith.muli %arg0, %mul3A : i32
    %add3A = arith.addi %mul3A_0, %arg1 : i32
    %scan3A = arith.constant 0 : i32
    %scan3A_1 = arith.constant 0 : i32
    %scan3A_2 = arith.constant 64 : i32
    %scan3A_3 = arith.addi %scan3A_1, %scan3A_2 : i32
    %scan3A_4 = arith.constant 1 : i32
    %scan3A_5 = scf.for %scan3A_125 = %scan3A_1 to %scan3A_3 step %scan3A_4 iter_args(%scan3A_126 = %scan3A) -> (i32)  : i32 {
      %broadcast_in_dim3A_127 = arith.constant 1.000000e+00 : f32
      %broadcast_in_dim3A_128 = vector.broadcast %broadcast_in_dim3A_127 : f32 to vector<16xf32>
      %mul3A_129 = arith.constant 8 : i32
      %mul3A_130 = arith.muli %scan3A_125, %mul3A_129 : i32
      %add3A_131 = arith.constant 0 : i32
      %add3A_132 = arith.addi %mul3A_130, %add3A_131 : i32
      %swap3A_133 = arith.index_cast %add3A_132 : i32 to index
      %swap3A_134 = arith.constant 0 : index
      %swap3A_135 = tpu.vector_load %arg5[%swap3A_133, %swap3A_134] {strides = array<i32>} : memref<512x16xf32, #tpu.memory_space<vmem>>, vector<1x16xf32>,
      %swap3A_136 = vector.shape_cast %swap3A_135 : vector<1x16xf32> to vector<16xf32>
      %swap3A_137 = vector.shape_cast %broadcast_in_dim3A_128 : vector<16xf32> to vector<1x16xf32>
      tpu.vector_store %arg5[%swap3A_133, %swap3A_134], %swap3A_137 {strides = array<i32>} : memref<512x16xf32, #tpu.memory_space<vmem>>, vector<1x16xf32>,
      %broadcast_in_dim3A_138 = arith.constant 1.000000e+00 : f32
      %broadcast_in_dim3A_139 = vector.broadcast %broadcast_in_dim3A_138 : f32 to vector<16xf32>
      %mul3A_140 = arith.constant 8 : i32
      %mul3A_141 = arith.muli %scan3A_125, %mul3A_140 : i32
      %add3A_142 = arith.constant 1 : i32
      %add3A_143 = arith.addi %mul3A_141, %add3A_142 : i32
      %swap3A_144 = arith.index_cast %add3A_143 : i32 to index
      %swap3A_145 = arith.constant 0 : index
      %swap3A_146 = tpu.vector_load %arg5[%swap3A_144, %swap3A_145] {strides = array<i32>} : memref<512x16xf32, #tpu.memory_space<vmem>>, vector<1x16xf32>,
      %swap3A_147 = vector.shape_cast %swap3A_146 : vector<1x16xf32> to vector<16xf32>
      %swap3A_148 = vector.shape_cast %broadcast_in_dim3A_139 : vector<16xf32> to vector<1x16xf32>
      tpu.vector_store %arg5[%swap3A_144, %swap3A_145], %swap3A_148 {strides = array<i32>} : memref<512x16xf32, #tpu.memory_space<vmem>>, vector<1x16xf32>,
      %broadcast_in_dim3A_149 = arith.constant 1.000000e+00 : f32
      %broadcast_in_dim3A_150 = vector.broadcast %broadcast_in_dim3A_149 : f32 to vector<16xf32>
      %mul3A_151 = arith.constant 8 : i32
      %mul3A_152 = arith.muli %scan3A_125, %mul3A_151 : i32
      %add3A_153 = arith.constant 2 : i32
      %add3A_154 = arith.addi %mul3A_152, %add3A_153 : i32
      %swap3A_155 = arith.index_cast %add3A_154 : i32 to index
      %swap3A_156 = arith.constant 0 : index
      %swap3A_157 = tpu.vector_load %arg5[%swap3A_155, %swap3A_156] {strides = array<i32>} : memref<512x16xf32, #tpu.memory_space<vmem>>, vector<1x16xf32>,
      %swap3A_158 = vector.shape_cast %swap3A_157 : vector<1x16xf32> to vector<16xf32>
      %swap3A_159 = vector.shape_cast %broadcast_in_dim3A_150 : vector<16xf32> to vector<1x16xf32>
      tpu.vector_store %arg5[%swap3A_155, %swap3A_156], %swap3A_159 {strides = array<i32>} : memref<512x16xf32, #tpu.memory_space<vmem>>, vector<1x16xf32>,
      %broadcast_in_dim3A_160 = arith.constant 1.000000e+00 : f32
      %broadcast_in_dim3A_161 = vector.broadcast %broadcast_in_dim3A_160 : f32 to vector<16xf32>
      %mul3A_162 = arith.constant 8 : i32
      %mul3A_163 = arith.muli %scan3A_125, %mul3A_162 : i32
      %add3A_164 = arith.constant 3 : i32
      %add3A_165 = arith.addi %mul3A_163, %add3A_164 : i32
      %swap3A_166 = arith.index_cast %add3A_165 : i32 to index
      %swap3A_167 = arith.constant 0 : index
      %swap3A_168 = tpu.vector_load %arg5[%swap3A_166, %swap3A_167] {strides = array<i32>} : memref<512x16xf32, #tpu.memory_space<vmem>>, vector<1x16xf32>,
      %swap3A_169 = vector.shape_cast %swap3A_168 : vector<1x16xf32> to vector<16xf32>
      %swap3A_170 = vector.shape_cast %broadcast_in_dim3A_161 : vector<16xf32> to vector<1x16xf32>
      tpu.vector_store %arg5[%swap3A_166, %swap3A_167], %swap3A_170 {strides = array<i32>} : memref<512x16xf32, #tpu.memory_space<vmem>>, vector<1x16xf32>,
      %broadcast_in_dim3A_171 = arith.constant 1.000000e+00 : f32
      %broadcast_in_dim3A_172 = vector.broadcast %broadcast_in_dim3A_171 : f32 to vector<16xf32>
      %mul3A_173 = arith.constant 8 : i32
      %mul3A_174 = arith.muli %scan3A_125, %mul3A_173 : i32
      %add3A_175 = arith.constant 4 : i32
      %add3A_176 = arith.addi %mul3A_174, %add3A_175 : i32
      %swap3A_177 = arith.index_cast %add3A_176 : i32 to index
      %swap3A_178 = arith.constant 0 : index
      %swap3A_179 = tpu.vector_load %arg5[%swap3A_177, %swap3A_178] {strides = array<i32>} : memref<512x16xf32, #tpu.memory_space<vmem>>, vector<1x16xf32>,
      %swap3A_180 = vector.shape_cast %swap3A_179 : vector<1x16xf32> to vector<16xf32>
      %swap3A_181 = vector.shape_cast %broadcast_in_dim3A_172 : vector<16xf32> to vector<1x16xf32>
      tpu.vector_store %arg5[%swap3A_177, %swap3A_178], %swap3A_181 {strides = array<i32>} : memref<512x16xf32, #tpu.memory_space<vmem>>, vector<1x16xf32>,
      %broadcast_in_dim3A_182 = arith.constant 1.000000e+00 : f32
      %broadcast_in_dim3A_183 = vector.broadcast %broadcast_in_dim3A_182 : f32 to vector<16xf32>
      %mul3A_184 = arith.constant 8 : i32
      %mul3A_185 = arith.muli %scan3A_125, %mul3A_184 : i32
      %add3A_186 = arith.constant 5 : i32
      %add3A_187 = arith.addi %mul3A_185, %add3A_186 : i32
      %swap3A_188 = arith.index_cast %add3A_187 : i32 to index
      %swap3A_189 = arith.constant 0 : index
      %swap3A_190 = tpu.vector_load %arg5[%swap3A_188, %swap3A_189] {strides = array<i32>} : memref<512x16xf32, #tpu.memory_space<vmem>>, vector<1x16xf32>,
      %swap3A_191 = vector.shape_cast %swap3A_190 : vector<1x16xf32> to vector<16xf32>
      %swap3A_192 = vector.shape_cast %broadcast_in_dim3A_183 : vector<16xf32> to vector<1x16xf32>
      tpu.vector_store %arg5[%swap3A_188, %swap3A_189], %swap3A_192 {strides = array<i32>} : memref<512x16xf32, #tpu.memory_space<vmem>>, vector<1x16xf32>,
      %broadcast_in_dim3A_193 = arith.constant 1.000000e+00 : f32
      %broadcast_in_dim3A_194 = vector.broadcast %broadcast_in_dim3A_193 : f32 to vector<16xf32>
      %mul3A_195 = arith.constant 8 : i32
      %mul3A_196 = arith.muli %scan3A_125, %mul3A_195 : i32
      %add3A_197 = arith.constant 6 : i32
      %add3A_198 = arith.addi %mul3A_196, %add3A_197 : i32
      %swap3A_199 = arith.index_cast %add3A_198 : i32 to index
      %swap3A_200 = arith.constant 0 : index
      %swap3A_201 = tpu.vector_load %arg5[%swap3A_199, %swap3A_200] {strides = array<i32>} : memref<512x16xf32, #tpu.memory_space<vmem>>, vector<1x16xf32>,
      %swap3A_202 = vector.shape_cast %swap3A_201 : vector<1x16xf32> to vector<16xf32>
      %swap3A_203 = vector.shape_cast %broadcast_in_dim3A_194 : vector<16xf32> to vector<1x16xf32>
      tpu.vector_store %arg5[%swap3A_199, %swap3A_200], %swap3A_203 {strides = array<i32>} : memref<512x16xf32, #tpu.memory_space<vmem>>, vector<1x16xf32>,
      %broadcast_in_dim3A_204 = arith.constant 1.000000e+00 : f32
      %broadcast_in_dim3A_205 = vector.broadcast %broadcast_in_dim3A_204 : f32 to vector<16xf32>
      %mul3A_206 = arith.constant 8 : i32
      %mul3A_207 = arith.muli %scan3A_125, %mul3A_206 : i32
      %add3A_208 = arith.constant 7 : i32
      %add3A_209 = arith.addi %mul3A_207, %add3A_208 : i32
      %swap3A_210 = arith.index_cast %add3A_209 : i32 to index
      %swap3A_211 = arith.constant 0 : index
      %swap3A_212 = tpu.vector_load %arg5[%swap3A_210, %swap3A_211] {strides = array<i32>} : memref<512x16xf32, #tpu.memory_space<vmem>>, vector<1x16xf32>,
      %swap3A_213 = vector.shape_cast %swap3A_212 : vector<1x16xf32> to vector<16xf32>
      %swap3A_214 = vector.shape_cast %broadcast_in_dim3A_205 : vector<16xf32> to vector<1x16xf32>
      tpu.vector_store %arg5[%swap3A_210, %swap3A_211], %swap3A_214 {strides = array<i32>} : memref<512x16xf32, #tpu.memory_space<vmem>>, vector<1x16xf32>,
      %scan3A_215 = arith.constant 0 : i32
      scf.yield %scan3A_215 : i32
    }
    %scan3A_6 = arith.constant 64 : i32
    %scan3A_7 = arith.constant 0 : i32
    %scan3A_8 = arith.constant 0 : i32
    %scan3A_9 = arith.constant 79 : i32
    %scan3A_10 = arith.addi %scan3A_8, %scan3A_9 : i32
    %scan3A_11 = arith.constant 1 : i32
    %scan3A_12 = scf.for %scan3A_125 = %scan3A_8 to %scan3A_10 step %scan3A_11 iter_args(%scan3A_126 = %scan3A_7) -> (i32)  : i32 {
      %broadcast_in_dim3A_127 = arith.constant 0.000000e+00 : f32
      %broadcast_in_dim3A_128 = vector.broadcast %broadcast_in_dim3A_127 : f32 to vector<16xf32>
      %mul3A_129 = arith.constant 8 : i32
      %mul3A_130 = arith.muli %scan3A_125, %mul3A_129 : i32
      %add3A_131 = arith.constant 0 : i32
      %add3A_132 = arith.addi %mul3A_130, %add3A_131 : i32
      %swap3A_133 = arith.index_cast %add3A_132 : i32 to index
      %swap3A_134 = arith.constant 0 : index
      %swap3A_135 = tpu.vector_load %arg6[%swap3A_133, %swap3A_134] {strides = array<i32>} : memref<632x16xf32, #tpu.memory_space<vmem>>, vector<1x16xf32>,
      %swap3A_136 = vector.shape_cast %swap3A_135 : vector<1x16xf32> to vector<16xf32>
      %swap3A_137 = vector.shape_cast %broadcast_in_dim3A_128 : vector<16xf32> to vector<1x16xf32>
      tpu.vector_store %arg6[%swap3A_133, %swap3A_134], %swap3A_137 {strides = array<i32>} : memref<632x16xf32, #tpu.memory_space<vmem>>, vector<1x16xf32>,
      %broadcast_in_dim3A_138 = arith.constant 0.000000e+00 : f32
      %broadcast_in_dim3A_139 = vector.broadcast %broadcast_in_dim3A_138 : f32 to vector<16xf32>
      %mul3A_140 = arith.constant 8 : i32
      %mul3A_141 = arith.muli %scan3A_125, %mul3A_140 : i32
      %add3A_142 = arith.constant 1 : i32
      %add3A_143 = arith.addi %mul3A_141, %add3A_142 : i32
      %swap3A_144 = arith.index_cast %add3A_143 : i32 to index
      %swap3A_145 = arith.constant 0 : index
      %swap3A_146 = tpu.vector_load %arg6[%swap3A_144, %swap3A_145] {strides = array<i32>} : memref<632x16xf32, #tpu.memory_space<vmem>>, vector<1x16xf32>,
      %swap3A_147 = vector.shape_cast %swap3A_146 : vector<1x16xf32> to vector<16xf32>
      %swap3A_148 = vector.shape_cast %broadcast_in_dim3A_139 : vector<16xf32> to vector<1x16xf32>
      tpu.vector_store %arg6[%swap3A_144, %swap3A_145], %swap3A_148 {strides = array<i32>} : memref<632x16xf32, #tpu.memory_space<vmem>>, vector<1x16xf32>,
      %broadcast_in_dim3A_149 = arith.constant 0.000000e+00 : f32
      %broadcast_in_dim3A_150 = vector.broadcast %broadcast_in_dim3A_149 : f32 to vector<16xf32>
      %mul3A_151 = arith.constant 8 : i32
      %mul3A_152 = arith.muli %scan3A_125, %mul3A_151 : i32
      %add3A_153 = arith.constant 2 : i32
      %add3A_154 = arith.addi %mul3A_152, %add3A_153 : i32
      %swap3A_155 = arith.index_cast %add3A_154 : i32 to index
      %swap3A_156 = arith.constant 0 : index
      %swap3A_157 = tpu.vector_load %arg6[%swap3A_155, %swap3A_156] {strides = array<i32>} : memref<632x16xf32, #tpu.memory_space<vmem>>, vector<1x16xf32>,
      %swap3A_158 = vector.shape_cast %swap3A_157 : vector<1x16xf32> to vector<16xf32>
      %swap3A_159 = vector.shape_cast %broadcast_in_dim3A_150 : vector<16xf32> to vector<1x16xf32>
      tpu.vector_store %arg6[%swap3A_155, %swap3A_156], %swap3A_159 {strides = array<i32>} : memref<632x16xf32, #tpu.memory_space<vmem>>, vector<1x16xf32>,
      %broadcast_in_dim3A_160 = arith.constant 0.000000e+00 : f32
      %broadcast_in_dim3A_161 = vector.broadcast %broadcast_in_dim3A_160 : f32 to vector<16xf32>
      %mul3A_162 = arith.constant 8 : i32
      %mul3A_163 = arith.muli %scan3A_125, %mul3A_162 : i32
      %add3A_164 = arith.constant 3 : i32
      %add3A_165 = arith.addi %mul3A_163, %add3A_164 : i32
      %swap3A_166 = arith.index_cast %add3A_165 : i32 to index
      %swap3A_167 = arith.constant 0 : index
      %swap3A_168 = tpu.vector_load %arg6[%swap3A_166, %swap3A_167] {strides = array<i32>} : memref<632x16xf32, #tpu.memory_space<vmem>>, vector<1x16xf32>,
      %swap3A_169 = vector.shape_cast %swap3A_168 : vector<1x16xf32> to vector<16xf32>
      %swap3A_170 = vector.shape_cast %broadcast_in_dim3A_161 : vector<16xf32> to vector<1x16xf32>
      tpu.vector_store %arg6[%swap3A_166, %swap3A_167], %swap3A_170 {strides = array<i32>} : memref<632x16xf32, #tpu.memory_space<vmem>>, vector<1x16xf32>,
      %broadcast_in_dim3A_171 = arith.constant 0.000000e+00 : f32
      %broadcast_in_dim3A_172 = vector.broadcast %broadcast_in_dim3A_171 : f32 to vector<16xf32>
      %mul3A_173 = arith.constant 8 : i32
      %mul3A_174 = arith.muli %scan3A_125, %mul3A_173 : i32
      %add3A_175 = arith.constant 4 : i32
      %add3A_176 = arith.addi %mul3A_174, %add3A_175 : i32
      %swap3A_177 = arith.index_cast %add3A_176 : i32 to index
      %swap3A_178 = arith.constant 0 : index
      %swap3A_179 = tpu.vector_load %arg6[%swap3A_177, %swap3A_178] {strides = array<i32>} : memref<632x16xf32, #tpu.memory_space<vmem>>, vector<1x16xf32>,
      %swap3A_180 = vector.shape_cast %swap3A_179 : vector<1x16xf32> to vector<16xf32>
      %swap3A_181 = vector.shape_cast %broadcast_in_dim3A_172 : vector<16xf32> to vector<1x16xf32>
      tpu.vector_store %arg6[%swap3A_177, %swap3A_178], %swap3A_181 {strides = array<i32>} : memref<632x16xf32, #tpu.memory_space<vmem>>, vector<1x16xf32>,
      %broadcast_in_dim3A_182 = arith.constant 0.000000e+00 : f32
      %broadcast_in_dim3A_183 = vector.broadcast %broadcast_in_dim3A_182 : f32 to vector<16xf32>
      %mul3A_184 = arith.constant 8 : i32
      %mul3A_185 = arith.muli %scan3A_125, %mul3A_184 : i32
      %add3A_186 = arith.constant 5 : i32
      %add3A_187 = arith.addi %mul3A_185, %add3A_186 : i32
      %swap3A_188 = arith.index_cast %add3A_187 : i32 to index
      %swap3A_189 = arith.constant 0 : index
      %swap3A_190 = tpu.vector_load %arg6[%swap3A_188, %swap3A_189] {strides = array<i32>} : memref<632x16xf32, #tpu.memory_space<vmem>>, vector<1x16xf32>,
      %swap3A_191 = vector.shape_cast %swap3A_190 : vector<1x16xf32> to vector<16xf32>
      %swap3A_192 = vector.shape_cast %broadcast_in_dim3A_183 : vector<16xf32> to vector<1x16xf32>
      tpu.vector_store %arg6[%swap3A_188, %swap3A_189], %swap3A_192 {strides = array<i32>} : memref<632x16xf32, #tpu.memory_space<vmem>>, vector<1x16xf32>,
      %broadcast_in_dim3A_193 = arith.constant 0.000000e+00 : f32
      %broadcast_in_dim3A_194 = vector.broadcast %broadcast_in_dim3A_193 : f32 to vector<16xf32>
      %mul3A_195 = arith.constant 8 : i32
      %mul3A_196 = arith.muli %scan3A_125, %mul3A_195 : i32
      %add3A_197 = arith.constant 6 : i32
      %add3A_198 = arith.addi %mul3A_196, %add3A_197 : i32
      %swap3A_199 = arith.index_cast %add3A_198 : i32 to index
      %swap3A_200 = arith.constant 0 : index
      %swap3A_201 = tpu.vector_load %arg6[%swap3A_199, %swap3A_200] {strides = array<i32>} : memref<632x16xf32, #tpu.memory_space<vmem>>, vector<1x16xf32>,
      %swap3A_202 = vector.shape_cast %swap3A_201 : vector<1x16xf32> to vector<16xf32>
      %swap3A_203 = vector.shape_cast %broadcast_in_dim3A_194 : vector<16xf32> to vector<1x16xf32>
      tpu.vector_store %arg6[%swap3A_199, %swap3A_200], %swap3A_203 {strides = array<i32>} : memref<632x16xf32, #tpu.memory_space<vmem>>, vector<1x16xf32>,
      %broadcast_in_dim3A_204 = arith.constant 0.000000e+00 : f32
      %broadcast_in_dim3A_205 = vector.broadcast %broadcast_in_dim3A_204 : f32 to vector<16xf32>
      %mul3A_206 = arith.constant 8 : i32
      %mul3A_207 = arith.muli %scan3A_125, %mul3A_206 : i32
      %add3A_208 = arith.constant 7 : i32
      %add3A_209 = arith.addi %mul3A_207, %add3A_208 : i32
      %swap3A_210 = arith.index_cast %add3A_209 : i32 to index
      %swap3A_211 = arith.constant 0 : index
      %swap3A_212 = tpu.vector_load %arg6[%swap3A_210, %swap3A_211] {strides = array<i32>} : memref<632x16xf32, #tpu.memory_space<vmem>>, vector<1x16xf32>,
      %swap3A_213 = vector.shape_cast %swap3A_212 : vector<1x16xf32> to vector<16xf32>
      %swap3A_214 = vector.shape_cast %broadcast_in_dim3A_205 : vector<16xf32> to vector<1x16xf32>
      tpu.vector_store %arg6[%swap3A_210, %swap3A_211], %swap3A_214 {strides = array<i32>} : memref<632x16xf32, #tpu.memory_space<vmem>>, vector<1x16xf32>,
      %scan3A_215 = arith.constant 0 : i32
      scf.yield %scan3A_215 : i32
    }
    %scan3A_13 = arith.constant 79 : i32
    %mul3A_14 = arith.constant 632 : i32
    %mul3A_15 = arith.muli %arg1, %mul3A_14 : i32
    "tpu.region"() ({
      %run_scoped3A_125 = tpu.sem_alloc : memref<!tpu.dma_semaphore, #tpu.memory_space<semaphore_mem>>
      %dma_start3A = arith.constant 0 : i32
      %dma_start3A_126 = tpu.memref_slice %arg7[%mul3A_15, %dma_start3A] : memref<10112x16xf32, #tpu.memory_space<vmem_shared>> -> memref<632x16xf32, #tpu.memory_space<vmem_shared>>
      %dma_start3A_127 = arith.constant 0 : i32
      %dma_start3A_128 = tpu.memref_slice %arg7[%mul3A_15, %dma_start3A_127] : memref<10112x16xf32, #tpu.memory_space<vmem_shared>> -> memref<632x16xf32, #tpu.memory_space<vmem_shared>>
      tpu.enqueue_dma source(%arg6 : memref<632x16xf32, #tpu.memory_space<vmem>>) target(%dma_start3A_128 : memref<632x16xf32, #tpu.memory_space<vmem_shared>>) target_semaphore(%run_scoped3A_125 : memref<!tpu.dma_semaphore, #tpu.memory_space<semaphore_mem>>)
      %dma_wait3A = arith.constant 0 : i32
      %dma_wait3A_129 = tpu.memref_slice %arg7[%mul3A_15, %dma_wait3A] : memref<10112x16xf32, #tpu.memory_space<vmem_shared>> -> memref<632x16xf32, #tpu.memory_space<vmem_shared>>
      %dma_wait3A_130 = arith.constant 0 : i32
      %dma_wait3A_131 = tpu.memref_slice %arg7[%mul3A_15, %dma_wait3A_130] : memref<10112x16xf32, #tpu.memory_space<vmem_shared>> -> memref<632x16xf32, #tpu.memory_space<vmem_shared>>
      tpu.wait_dma2 semaphore(%run_scoped3A_125 : memref<!tpu.dma_semaphore, #tpu.memory_space<semaphore_mem>>) src(%arg6 : memref<632x16xf32, #tpu.memory_space<vmem>>) dst(%dma_wait3A_131 : memref<632x16xf32, #tpu.memory_space<vmem_shared>>)
      tpu.yield
    }) : () -> ()
    %barrier3A = arith.constant 0 : index
    tpu.barrier barrier_id(%barrier3A)
    %mul3A_16 = arith.constant 10000 : i32
    %mul3A_17 = arith.muli %add3A, %mul3A_16 : i32
    %run_scoped3A = arith.constant 1 : i32
    "tpu.region"() ({
      %run_scoped3A_125 = tpu.sem_alloc : memref<!tpu.dma_semaphore, #tpu.memory_space<semaphore_mem>>
      %dma_start3A = arith.constant 0 : i32
      %dma_start3A_126 = tpu.memref_slice %arg4[%dma_start3A] : memref<10240xi32, #tpu.memory_space<vmem>> -> memref<10000xi32, #tpu.memory_space<vmem>>
      %dma_start3A_127 = tpu.memref_slice %arg2[%run_scoped3A, %mul3A_17] : memref<2x320000xi32, #tpu.memory_space<hbm>> -> memref<1x10000xi32, #tpu.memory_space<hbm>>
      %dma_start3A_128 = tpu.memref_squeeze %dma_start3A_127 : memref<1x10000xi32, #tpu.memory_space<hbm>> -> memref<10000xi32, #tpu.memory_space<hbm>>
      %dma_start3A_129 = arith.constant 0 : i32
      %dma_start3A_130 = tpu.memref_slice %arg4[%dma_start3A_129] : memref<10240xi32, #tpu.memory_space<vmem>> -> memref<10000xi32, #tpu.memory_space<vmem>>
      %dma_start3A_131 = tpu.memref_slice %arg2[%run_scoped3A, %mul3A_17] : memref<2x320000xi32, #tpu.memory_space<hbm>> -> memref<1x10000xi32, #tpu.memory_space<hbm>>
      %dma_start3A_132 = tpu.memref_squeeze %dma_start3A_131 : memref<1x10000xi32, #tpu.memory_space<hbm>> -> memref<10000xi32, #tpu.memory_space<hbm>>
      tpu.enqueue_dma source(%dma_start3A_132 : memref<10000xi32, #tpu.memory_space<hbm>>) target(%dma_start3A_130 : memref<10000xi32, #tpu.memory_space<vmem>>) target_semaphore(%run_scoped3A_125 : memref<!tpu.dma_semaphore, #tpu.memory_space<semaphore_mem>>)
      %dma_wait3A = arith.constant 0 : i32
      %dma_wait3A_133 = tpu.memref_slice %arg4[%dma_wait3A] : memref<10240xi32, #tpu.memory_space<vmem>> -> memref<10000xi32, #tpu.memory_space<vmem>>
      %dma_wait3A_134 = tpu.memref_slice %arg2[%run_scoped3A, %mul3A_17] : memref<2x320000xi32, #tpu.memory_space<hbm>> -> memref<1x10000xi32, #tpu.memory_space<hbm>>
      %dma_wait3A_135 = tpu.memref_squeeze %dma_wait3A_134 : memref<1x10000xi32, #tpu.memory_space<hbm>> -> memref<10000xi32, #tpu.memory_space<hbm>>
      %dma_wait3A_136 = arith.constant 0 : i32
      %dma_wait3A_137 = tpu.memref_slice %arg4[%dma_wait3A_136] : memref<10240xi32, #tpu.memory_space<vmem>> -> memref<10000xi32, #tpu.memory_space<vmem>>
      %dma_wait3A_138 = tpu.memref_slice %arg2[%run_scoped3A, %mul3A_17] : memref<2x320000xi32, #tpu.memory_space<hbm>> -> memref<1x10000xi32, #tpu.memory_space<hbm>>
      %dma_wait3A_139 = tpu.memref_squeeze %dma_wait3A_138 : memref<1x10000xi32, #tpu.memory_space<hbm>> -> memref<10000xi32, #tpu.memory_space<hbm>>
      tpu.wait_dma2 semaphore(%run_scoped3A_125 : memref<!tpu.dma_semaphore, #tpu.memory_space<semaphore_mem>>) src(%dma_wait3A_139 : memref<10000xi32, #tpu.memory_space<hbm>>) dst(%dma_wait3A_137 : memref<10000xi32, #tpu.memory_space<vmem>>)
      tpu.yield
    }) : () -> ()
    %broadcast_in_dim3A = arith.constant 10000 : i32
    %broadcast_in_dim3A_18 = vector.broadcast %broadcast_in_dim3A : i32 to vector<16xi32>
    %swap3A = arith.constant 10000 : index
    %swap3A_19 = tpu.vector_load %arg4[%swap3A] {strides = array<i32>} : memref<10240xi32, #tpu.memory_space<vmem>>, vector<16xi32>,
    %swap3A_20 = vector.shape_cast %swap3A_19 : vector<16xi32> to vector<16xi32>
    %swap3A_21 = vector.shape_cast %broadcast_in_dim3A_18 : vector<16xi32> to vector<16xi32>
    tpu.vector_store %arg4[%swap3A], %swap3A_21 {strides = array<i32>} : memref<10240xi32, #tpu.memory_space<vmem>>, vector<16xi32>,
    %broadcast_in_dim3A_22 = arith.constant 10000 : i32
    %broadcast_in_dim3A_23 = vector.broadcast %broadcast_in_dim3A_22 : i32 to vector<16xi32>
    %swap3A_24 = arith.constant 10016 : index
    %swap3A_25 = tpu.vector_load %arg4[%swap3A_24] {strides = array<i32>} : memref<10240xi32, #tpu.memory_space<vmem>>, vector<16xi32>,
    %swap3A_26 = vector.shape_cast %swap3A_25 : vector<16xi32> to vector<16xi32>
    %swap3A_27 = vector.shape_cast %broadcast_in_dim3A_23 : vector<16xi32> to vector<16xi32>
    tpu.vector_store %arg4[%swap3A_24], %swap3A_27 {strides = array<i32>} : memref<10240xi32, #tpu.memory_space<vmem>>, vector<16xi32>,
    %broadcast_in_dim3A_28 = arith.constant 10000 : i32
    %broadcast_in_dim3A_29 = vector.broadcast %broadcast_in_dim3A_28 : i32 to vector<16xi32>
    %swap3A_30 = arith.constant 10032 : index
    %swap3A_31 = tpu.vector_load %arg4[%swap3A_30] {strides = array<i32>} : memref<10240xi32, #tpu.memory_space<vmem>>, vector<16xi32>,
    %swap3A_32 = vector.shape_cast %swap3A_31 : vector<16xi32> to vector<16xi32>
    %swap3A_33 = vector.shape_cast %broadcast_in_dim3A_29 : vector<16xi32> to vector<16xi32>
    tpu.vector_store %arg4[%swap3A_30], %swap3A_33 {strides = array<i32>} : memref<10240xi32, #tpu.memory_space<vmem>>, vector<16xi32>,
    %broadcast_in_dim3A_34 = arith.constant 10000 : i32
    %broadcast_in_dim3A_35 = vector.broadcast %broadcast_in_dim3A_34 : i32 to vector<16xi32>
    %swap3A_36 = arith.constant 10048 : index
    %swap3A_37 = tpu.vector_load %arg4[%swap3A_36] {strides = array<i32>} : memref<10240xi32, #tpu.memory_space<vmem>>, vector<16xi32>,
    %swap3A_38 = vector.shape_cast %swap3A_37 : vector<16xi32> to vector<16xi32>
    %swap3A_39 = vector.shape_cast %broadcast_in_dim3A_35 : vector<16xi32> to vector<16xi32>
    tpu.vector_store %arg4[%swap3A_36], %swap3A_39 {strides = array<i32>} : memref<10240xi32, #tpu.memory_space<vmem>>, vector<16xi32>,
    %broadcast_in_dim3A_40 = arith.constant 10000 : i32
    %broadcast_in_dim3A_41 = vector.broadcast %broadcast_in_dim3A_40 : i32 to vector<16xi32>
    %swap3A_42 = arith.constant 10064 : index
    %swap3A_43 = tpu.vector_load %arg4[%swap3A_42] {strides = array<i32>} : memref<10240xi32, #tpu.memory_space<vmem>>, vector<16xi32>,
    %swap3A_44 = vector.shape_cast %swap3A_43 : vector<16xi32> to vector<16xi32>
    %swap3A_45 = vector.shape_cast %broadcast_in_dim3A_41 : vector<16xi32> to vector<16xi32>
    tpu.vector_store %arg4[%swap3A_42], %swap3A_45 {strides = array<i32>} : memref<10240xi32, #tpu.memory_space<vmem>>, vector<16xi32>,
    %broadcast_in_dim3A_46 = arith.constant 10000 : i32
    %broadcast_in_dim3A_47 = vector.broadcast %broadcast_in_dim3A_46 : i32 to vector<16xi32>
    %swap3A_48 = arith.constant 10080 : index
    %swap3A_49 = tpu.vector_load %arg4[%swap3A_48] {strides = array<i32>} : memref<10240xi32, #tpu.memory_space<vmem>>, vector<16xi32>,
    %swap3A_50 = vector.shape_cast %swap3A_49 : vector<16xi32> to vector<16xi32>
    %swap3A_51 = vector.shape_cast %broadcast_in_dim3A_47 : vector<16xi32> to vector<16xi32>
    tpu.vector_store %arg4[%swap3A_48], %swap3A_51 {strides = array<i32>} : memref<10240xi32, #tpu.memory_space<vmem>>, vector<16xi32>,
    %broadcast_in_dim3A_52 = arith.constant 10000 : i32
    %broadcast_in_dim3A_53 = vector.broadcast %broadcast_in_dim3A_52 : i32 to vector<16xi32>
    %swap3A_54 = arith.constant 10096 : index
    %swap3A_55 = tpu.vector_load %arg4[%swap3A_54] {strides = array<i32>} : memref<10240xi32, #tpu.memory_space<vmem>>, vector<16xi32>,
    %swap3A_56 = vector.shape_cast %swap3A_55 : vector<16xi32> to vector<16xi32>
    %swap3A_57 = vector.shape_cast %broadcast_in_dim3A_53 : vector<16xi32> to vector<16xi32>
    tpu.vector_store %arg4[%swap3A_54], %swap3A_57 {strides = array<i32>} : memref<10240xi32, #tpu.memory_space<vmem>>, vector<16xi32>,
    %broadcast_in_dim3A_58 = arith.constant 10000 : i32
    %broadcast_in_dim3A_59 = vector.broadcast %broadcast_in_dim3A_58 : i32 to vector<16xi32>
    %swap3A_60 = arith.constant 10112 : index
    %swap3A_61 = tpu.vector_load %arg4[%swap3A_60] {strides = array<i32>} : memref<10240xi32, #tpu.memory_space<vmem>>, vector<16xi32>,
    %swap3A_62 = vector.shape_cast %swap3A_61 : vector<16xi32> to vector<16xi32>
    %swap3A_63 = vector.shape_cast %broadcast_in_dim3A_59 : vector<16xi32> to vector<16xi32>
    tpu.vector_store %arg4[%swap3A_60], %swap3A_63 {strides = array<i32>} : memref<10240xi32, #tpu.memory_space<vmem>>, vector<16xi32>,
    %broadcast_in_dim3A_64 = arith.constant 10000 : i32
    %broadcast_in_dim3A_65 = vector.broadcast %broadcast_in_dim3A_64 : i32 to vector<16xi32>
    %swap3A_66 = arith.constant 10128 : index
    %swap3A_67 = tpu.vector_load %arg4[%swap3A_66] {strides = array<i32>} : memref<10240xi32, #tpu.memory_space<vmem>>, vector<16xi32>,
    %swap3A_68 = vector.shape_cast %swap3A_67 : vector<16xi32> to vector<16xi32>
    %swap3A_69 = vector.shape_cast %broadcast_in_dim3A_65 : vector<16xi32> to vector<16xi32>
    tpu.vector_store %arg4[%swap3A_66], %swap3A_69 {strides = array<i32>} : memref<10240xi32, #tpu.memory_space<vmem>>, vector<16xi32>,
    %broadcast_in_dim3A_70 = arith.constant 10000 : i32
    %broadcast_in_dim3A_71 = vector.broadcast %broadcast_in_dim3A_70 : i32 to vector<16xi32>
    %swap3A_72 = arith.constant 10144 : index
    %swap3A_73 = tpu.vector_load %arg4[%swap3A_72] {strides = array<i32>} : memref<10240xi32, #tpu.memory_space<vmem>>, vector<16xi32>,
    %swap3A_74 = vector.shape_cast %swap3A_73 : vector<16xi32> to vector<16xi32>
    %swap3A_75 = vector.shape_cast %broadcast_in_dim3A_71 : vector<16xi32> to vector<16xi32>
    tpu.vector_store %arg4[%swap3A_72], %swap3A_75 {strides = array<i32>} : memref<10240xi32, #tpu.memory_space<vmem>>, vector<16xi32>,
    %broadcast_in_dim3A_76 = arith.constant 10000 : i32
    %broadcast_in_dim3A_77 = vector.broadcast %broadcast_in_dim3A_76 : i32 to vector<16xi32>
    %swap3A_78 = arith.constant 10160 : index
    %swap3A_79 = tpu.vector_load %arg4[%swap3A_78] {strides = array<i32>} : memref<10240xi32, #tpu.memory_space<vmem>>, vector<16xi32>,
    %swap3A_80 = vector.shape_cast %swap3A_79 : vector<16xi32> to vector<16xi32>
    %swap3A_81 = vector.shape_cast %broadcast_in_dim3A_77 : vector<16xi32> to vector<16xi32>
    tpu.vector_store %arg4[%swap3A_78], %swap3A_81 {strides = array<i32>} : memref<10240xi32, #tpu.memory_space<vmem>>, vector<16xi32>,
    %broadcast_in_dim3A_82 = arith.constant 10000 : i32
    %broadcast_in_dim3A_83 = vector.broadcast %broadcast_in_dim3A_82 : i32 to vector<16xi32>
    %swap3A_84 = arith.constant 10176 : index
    %swap3A_85 = tpu.vector_load %arg4[%swap3A_84] {strides = array<i32>} : memref<10240xi32, #tpu.memory_space<vmem>>, vector<16xi32>,
    %swap3A_86 = vector.shape_cast %swap3A_85 : vector<16xi32> to vector<16xi32>
    %swap3A_87 = vector.shape_cast %broadcast_in_dim3A_83 : vector<16xi32> to vector<16xi32>
    tpu.vector_store %arg4[%swap3A_84], %swap3A_87 {strides = array<i32>} : memref<10240xi32, #tpu.memory_space<vmem>>, vector<16xi32>,
    %broadcast_in_dim3A_88 = arith.constant 10000 : i32
    %broadcast_in_dim3A_89 = vector.broadcast %broadcast_in_dim3A_88 : i32 to vector<16xi32>
    %swap3A_90 = arith.constant 10192 : index
    %swap3A_91 = tpu.vector_load %arg4[%swap3A_90] {strides = array<i32>} : memref<10240xi32, #tpu.memory_space<vmem>>, vector<16xi32>,
    %swap3A_92 = vector.shape_cast %swap3A_91 : vector<16xi32> to vector<16xi32>
    %swap3A_93 = vector.shape_cast %broadcast_in_dim3A_89 : vector<16xi32> to vector<16xi32>
    tpu.vector_store %arg4[%swap3A_90], %swap3A_93 {strides = array<i32>} : memref<10240xi32, #tpu.memory_space<vmem>>, vector<16xi32>,
    %broadcast_in_dim3A_94 = arith.constant 10000 : i32
    %broadcast_in_dim3A_95 = vector.broadcast %broadcast_in_dim3A_94 : i32 to vector<16xi32>
    %swap3A_96 = arith.constant 10208 : index
    %swap3A_97 = tpu.vector_load %arg4[%swap3A_96] {strides = array<i32>} : memref<10240xi32, #tpu.memory_space<vmem>>, vector<16xi32>,
    %swap3A_98 = vector.shape_cast %swap3A_97 : vector<16xi32> to vector<16xi32>
    %swap3A_99 = vector.shape_cast %broadcast_in_dim3A_95 : vector<16xi32> to vector<16xi32>
    tpu.vector_store %arg4[%swap3A_96], %swap3A_99 {strides = array<i32>} : memref<10240xi32, #tpu.memory_space<vmem>>, vector<16xi32>,
    %broadcast_in_dim3A_100 = arith.constant 10000 : i32
    %broadcast_in_dim3A_101 = vector.broadcast %broadcast_in_dim3A_100 : i32 to vector<16xi32>
    %swap3A_102 = arith.constant 10224 : index
    %swap3A_103 = tpu.vector_load %arg4[%swap3A_102] {strides = array<i32>} : memref<10240xi32, #tpu.memory_space<vmem>>, vector<16xi32>,
    %swap3A_104 = vector.shape_cast %swap3A_103 : vector<16xi32> to vector<16xi32>
    %swap3A_105 = vector.shape_cast %broadcast_in_dim3A_101 : vector<16xi32> to vector<16xi32>
    tpu.vector_store %arg4[%swap3A_102], %swap3A_105 {strides = array<i32>} : memref<10240xi32, #tpu.memory_space<vmem>>, vector<16xi32>,
    %scan3A_106 = arith.constant 0 : i32
    %scan3A_107 = arith.constant 0 : i32
    %scan3A_108 = arith.constant 20 : i32
    %scan3A_109 = arith.addi %scan3A_107, %scan3A_108 : i32
    %scan3A_110 = arith.constant 1 : i32
    %scan3A_111 = scf.for %scan3A_125 = %scan3A_107 to %scan3A_109 step %scan3A_110 iter_args(%scan3A_126 = %scan3A_106) -> (i32)  : i32 {
      %mul3A_127 = arith.constant 512 : i32
      %mul3A_128 = arith.muli %scan3A_125, %mul3A_127 : i32
      %dma_start3A = tpu.memref_slice %arg4[%mul3A_128] : memref<10240xi32, #tpu.memory_space<vmem>> -> memref<512xi32, #tpu.memory_space<vmem>>
      %dma_start3A_129 = arith.constant 0 : i32
      %dma_start3A_130 = arith.constant 0 : i32
      %dma_start3A_131 = tpu.memref_slice %arg7[%dma_start3A_129, %dma_start3A_130] : memref<10112x16xf32, #tpu.memory_space<vmem_shared>> -> memref<10112x16xf32, #tpu.memory_space<vmem_shared>>
      tpu.enqueue_indirect_dma source(%arg5 : memref<512x16xf32, #tpu.memory_space<vmem>>) target(%dma_start3A_131 : memref<10112x16xf32, #tpu.memory_space<vmem_shared>>) offsets(%dma_start3A : memref<512xi32, #tpu.memory_space<vmem>>) semaphore(%arg8 : memref<!tpu.dma_semaphore, #tpu.memory_space<semaphore_mem>>) {add = true}
      %scan3A_132 = arith.constant 0 : i32
      scf.yield %scan3A_132 : i32
    }
    %scan3A_112 = arith.constant 20 : i32
    %scan3A_113 = arith.constant 0 : i32
    %scan3A_114 = arith.constant 0 : i32
    %scan3A_115 = arith.constant 20 : i32
    %scan3A_116 = arith.addi %scan3A_114, %scan3A_115 : i32
    %scan3A_117 = arith.constant 1 : i32
    %scan3A_118 = scf.for %scan3A_125 = %scan3A_114 to %scan3A_116 step %scan3A_117 iter_args(%scan3A_126 = %scan3A_113) -> (i32)  : i32 {
      %mul3A_127 = arith.constant 512 : i32
      %mul3A_128 = arith.muli %scan3A_125, %mul3A_127 : i32
      %dma_wait3A = tpu.memref_slice %arg4[%mul3A_128] : memref<10240xi32, #tpu.memory_space<vmem>> -> memref<512xi32, #tpu.memory_space<vmem>>
      %dma_wait3A_129 = arith.constant 0 : i32
      %dma_wait3A_130 = arith.constant 0 : i32
      %dma_wait3A_131 = tpu.memref_slice %arg7[%dma_wait3A_129, %dma_wait3A_130] : memref<10112x16xf32, #tpu.memory_space<vmem_shared>> -> memref<10112x16xf32, #tpu.memory_space<vmem_shared>>
      tpu.wait_indirect_dma semaphore(%arg8 : memref<!tpu.dma_semaphore, #tpu.memory_space<semaphore_mem>>) src(%arg5 : memref<512x16xf32, #tpu.memory_space<vmem>>) dst(%dma_wait3A_131 : memref<10112x16xf32, #tpu.memory_space<vmem_shared>>)
      %scan3A_132 = arith.constant 0 : i32
      scf.yield %scan3A_132 : i32
    }
    %scan3A_119 = arith.constant 20 : i32
    %barrier3A_120 = arith.constant 0 : index
    tpu.barrier barrier_id(%barrier3A_120)
    %mul3A_121 = arith.constant 632 : i32
    %mul3A_122 = arith.muli %arg1, %mul3A_121 : i32
    %mul3A_123 = arith.constant 632 : i32
    %mul3A_124 = arith.muli %arg1, %mul3A_123 : i32
    "tpu.region"() ({
      %run_scoped3A_125 = tpu.sem_alloc : memref<!tpu.dma_semaphore, #tpu.memory_space<semaphore_mem>>
      %dma_start3A = arith.constant 0 : i32
      %dma_start3A_126 = tpu.memref_slice %arg3[%arg0, %mul3A_124, %dma_start3A] : memref<2x10112x16xf32, #tpu.memory_space<hbm>> -> memref<1x632x16xf32, #tpu.memory_space<hbm>>
      %dma_start3A_127 = tpu.memref_squeeze %dma_start3A_126 : memref<1x632x16xf32, #tpu.memory_space<hbm>> -> memref<632x16xf32, #tpu.memory_space<hbm>>
      %dma_start3A_128 = arith.constant 0 : i32
      %dma_start3A_129 = tpu.memref_slice %arg7[%mul3A_122, %dma_start3A_128] : memref<10112x16xf32, #tpu.memory_space<vmem_shared>> -> memref<632x16xf32, #tpu.memory_space<vmem_shared>>
      tpu.enqueue_dma source(%dma_start3A_129 : memref<632x16xf32, #tpu.memory_space<vmem_shared>>) target(%dma_start3A_127 : memref<632x16xf32, #tpu.memory_space<hbm>>) target_semaphore(%run_scoped3A_125 : memref<!tpu.dma_semaphore, #tpu.memory_space<semaphore_mem>>)
      %dma_wait3A = arith.constant 0 : i32
      %dma_wait3A_130 = tpu.memref_slice %arg3[%arg0, %mul3A_124, %dma_wait3A] : memref<2x10112x16xf32, #tpu.memory_space<hbm>> -> memref<1x632x16xf32, #tpu.memory_space<hbm>>
      %dma_wait3A_131 = tpu.memref_squeeze %dma_wait3A_130 : memref<1x632x16xf32, #tpu.memory_space<hbm>> -> memref<632x16xf32, #tpu.memory_space<hbm>>
      %dma_wait3A_132 = arith.constant 0 : i32
      %dma_wait3A_133 = tpu.memref_slice %arg7[%mul3A_122, %dma_wait3A_132] : memref<10112x16xf32, #tpu.memory_space<vmem_shared>> -> memref<632x16xf32, #tpu.memory_space<vmem_shared>>
      tpu.wait_dma2 semaphore(%run_scoped3A_125 : memref<!tpu.dma_semaphore, #tpu.memory_space<semaphore_mem>>) src(%dma_wait3A_133 : memref<632x16xf32, #tpu.memory_space<vmem_shared>>) dst(%dma_wait3A_131 : memref<632x16xf32, #tpu.memory_space<hbm>>)
      tpu.yield
    }) : () -> ()
    return
  }
}

module attributes {stable_mosaic.version = 14 : i64} {
  func.func @_tc1_body(%arg0: memref<2x10112x16xf32, #tpu.memory_space<vmem>>, %arg1: memref<10000x128xf32, #tpu.memory_space<vmem>>, %arg2: memref<128x16xf32, #tpu.memory_space<vmem>>, %arg3: memref<10112x16xf32, #tpu.memory_space<vmem>>, %arg4: memref<10112x16xf32, #tpu.memory_space<vmem>>) attributes {dimension_semantics = [], scalar_prefetch = 0 : i64, scratch_operands = 0 : i64, tpu.core_type = #tpu.core_type<tc>} {
    %get3A = arith.constant 0 : index
    %get3A_0 = arith.constant 0 : index
    %get3A_1 = arith.constant 0 : index
    %get3A_2 = vector.load %arg0[%get3A, %get3A_0, %get3A_1] : memref<2x10112x16xf32, #tpu.memory_space<vmem>>, vector<1x10112x16xf32>
    %get3A_3 = vector.shape_cast %get3A_2 : vector<1x10112x16xf32> to vector<10112x16xf32>
    %get3A_4 = arith.constant 1 : index
    %get3A_5 = arith.constant 0 : index
    %get3A_6 = arith.constant 0 : index
    %get3A_7 = vector.load %arg0[%get3A_4, %get3A_5, %get3A_6] : memref<2x10112x16xf32, #tpu.memory_space<vmem>>, vector<1x10112x16xf32>
    %get3A_8 = vector.shape_cast %get3A_7 : vector<1x10112x16xf32> to vector<10112x16xf32>
    %add3A = arith.addf %get3A_3, %get3A_8 : vector<10112x16xf32>
    %add3A_9 = arith.constant 1.000000e+00 : f32
    %add3A_10 = vector.broadcast %add3A_9 : f32 to vector<10112x16xf32>
    %add3A_11 = arith.addf %add3A, %add3A_10 : vector<10112x16xf32>
    %rsqrt3A = math.rsqrt %add3A_11 : vector<10112x16xf32>
    %get3A_12 = arith.constant 0 : index
    %get3A_13 = arith.constant 0 : index
    %get3A_14 = vector.load %arg1[%get3A_12, %get3A_13] : memref<10000x128xf32, #tpu.memory_space<vmem>>, vector<10000x128xf32>
    %get3A_15 = arith.constant 0 : index
    %get3A_16 = arith.constant 0 : index
    %get3A_17 = vector.load %arg2[%get3A_15, %get3A_16] : memref<128x16xf32, #tpu.memory_space<vmem>>, vector<128x16xf32>
    %dot_general3A = arith.constant dense<0.000000e+00> : vector<10000x16xf32>
    %dot_general3A_18 = tpu.matmul %get3A_14, %get3A_17, %dot_general3A {dimension_numbers = #tpu.dot_dimension_numbers<[1], [0], [0], [1], [0, 0, 1, 1], [], []>, transpose_lhs_hint = false} : vector<10000x128xf32>, vector<128x16xf32>, vector<10000x16xf32> -> vector<10000x16xf32>
    %slice3A = vector.extract_strided_slice %rsqrt3A {offsets = [0, 0], sizes = [10000, 16], strides = [1, 1]} : vector<10112x16xf32> to vector<10000x16xf32>
    %mul3A = arith.mulf %dot_general3A_18, %slice3A : vector<10000x16xf32>
    %swap3A = arith.constant 0 : index
    %swap3A_19 = arith.constant 0 : index
    %swap3A_20 = vector.load %arg3[%swap3A, %swap3A_19] : memref<10112x16xf32, #tpu.memory_space<vmem>>, vector<10000x16xf32>
    tpu.vector_store %arg3[%swap3A, %swap3A_19], %mul3A {strides = array<i32>} : memref<10112x16xf32, #tpu.memory_space<vmem>>, vector<10000x16xf32>,
    %broadcast_in_dim3A = arith.constant 0.000000e+00 : f32
    %broadcast_in_dim3A_21 = vector.broadcast %broadcast_in_dim3A : f32 to vector<112x16xf32>
    %swap3A_22 = arith.constant 10000 : index
    %swap3A_23 = arith.constant 0 : index
    %swap3A_24 = vector.load %arg3[%swap3A_22, %swap3A_23] : memref<10112x16xf32, #tpu.memory_space<vmem>>, vector<112x16xf32>
    tpu.vector_store %arg3[%swap3A_22, %swap3A_23], %broadcast_in_dim3A_21 {strides = array<i32>} : memref<10112x16xf32, #tpu.memory_space<vmem>>, vector<112x16xf32>,
    %swap3A_25 = arith.constant 0 : index
    %swap3A_26 = arith.constant 0 : index
    %swap3A_27 = vector.load %arg4[%swap3A_25, %swap3A_26] : memref<10112x16xf32, #tpu.memory_space<vmem>>, vector<10112x16xf32>
    tpu.vector_store %arg4[%swap3A_25, %swap3A_26], %rsqrt3A {strides = array<i32>} : memref<10112x16xf32, #tpu.memory_space<vmem>>, vector<10112x16xf32>,
    return
  }
}

module attributes {stable_mosaic.version = 14 : i64} {
  func.func @_tc3_body(%arg0: memref<2x10112x16xf32, #tpu.memory_space<vmem>>, %arg1: memref<16x128xf32, #tpu.memory_space<vmem>>, %arg2: memref<1x128xf32, #tpu.memory_space<vmem>>, %arg3: memref<10000x128xf32, #tpu.memory_space<vmem>>) attributes {dimension_semantics = [], scalar_prefetch = 0 : i64, scratch_operands = 0 : i64, tpu.core_type = #tpu.core_type<tc>} {
    %get3A = arith.constant 0 : index
    %get3A_0 = arith.constant 0 : index
    %get3A_1 = arith.constant 0 : index
    %get3A_2 = vector.load %arg0[%get3A, %get3A_0, %get3A_1] : memref<2x10112x16xf32, #tpu.memory_space<vmem>>, vector<1x10000x16xf32>
    %get3A_3 = vector.shape_cast %get3A_2 : vector<1x10000x16xf32> to vector<10000x16xf32>
    %get3A_4 = arith.constant 1 : index
    %get3A_5 = arith.constant 0 : index
    %get3A_6 = arith.constant 0 : index
    %get3A_7 = vector.load %arg0[%get3A_4, %get3A_5, %get3A_6] : memref<2x10112x16xf32, #tpu.memory_space<vmem>>, vector<1x10000x16xf32>
    %get3A_8 = vector.shape_cast %get3A_7 : vector<1x10000x16xf32> to vector<10000x16xf32>
    %add3A = arith.addf %get3A_3, %get3A_8 : vector<10000x16xf32>
    %get3A_9 = arith.constant 0 : index
    %get3A_10 = arith.constant 0 : index
    %get3A_11 = vector.load %arg1[%get3A_9, %get3A_10] : memref<16x128xf32, #tpu.memory_space<vmem>>, vector<16x128xf32>
    %dot_general3A = arith.constant dense<0.000000e+00> : vector<10000x128xf32>
    %dot_general3A_12 = tpu.matmul %add3A, %get3A_11, %dot_general3A {dimension_numbers = #tpu.dot_dimension_numbers<[1], [0], [0], [1], [0, 0, 1, 1], [], []>, transpose_lhs_hint = false} : vector<10000x16xf32>, vector<16x128xf32>, vector<10000x128xf32> -> vector<10000x128xf32>
    %get3A_13 = arith.constant 0 : index
    %get3A_14 = arith.constant 0 : index
    %get3A_15 = vector.load %arg2[%get3A_13, %get3A_14] : memref<1x128xf32, #tpu.memory_space<vmem>>, vector<1x128xf32>
    %add3A_16 = vector.broadcast %get3A_15 : vector<1x128xf32> to vector<10000x128xf32>
    %add3A_17 = arith.addf %dot_general3A_12, %add3A_16 : vector<10000x128xf32>
    %swap3A = arith.constant 0 : index
    %swap3A_18 = arith.constant 0 : index
    %swap3A_19 = vector.load %arg3[%swap3A, %swap3A_18] : memref<10000x128xf32, #tpu.memory_space<vmem>>, vector<10000x128xf32>
    tpu.vector_store %arg3[%swap3A, %swap3A_18], %add3A_17 {strides = array<i32>} : memref<10000x128xf32, #tpu.memory_space<vmem>>, vector<10000x128xf32>,
    return
  }
}

</mosaic_0001>

<sc_bundles>
// kernel: kernel.10.cloned.1.call-start
scs
__scs_entry_jumppad:
0x0: {  	(pc) =	sbr.rel $0x88, $3  }
0x1: {  	(tag) =	ssettag $0x0;
	lr =	simm.s32 $0x1  }
0x2: {  	[smem:$0x3F9B] =	sst lr;
	_ =	strace $0xD0000000  }
0x3: {  	_ = 	snop  }
0x4: {  	_ = 	snop  }
0x5: {  	_ = 	snop  }
0x6: {  	_ = 	snop  }
0x7: {  	_ = 	snop  }
__scs_overlays_trampoline_lowered:
0x8: {  	[smem:$0x3FAA] =	sst s0  }
0x9: {  	[smem:$0x3FAB] =	sst s1  }
0xa: {  	[smem:$0x3FAC] =	sst s2  }
0xb: {  	[smem:$0x3FAD] =	sst s3  }
0xc: {  	[smem:$0x3FAE] =	sst s4  }
0xd: {  	[smem:$0x3FAF] =	sst s5  }
0xe: {  	[smem:$0x3FB0] =	sst s6  }
0xf: {  	[smem:$0x3FB1] =	sst s7  }
0x10: {  	[smem:$0x3FB2] =	sst s8  }
0x11: {  	[smem:$0x3FB3] =	sst s9;
	s0 =	simm.s32 @!p0 $0x0  }
0x12: {  	s1 =	sld [smem:$0x3F99];
	s0 =	simm.s32 @p0 $0x1  }
0x13: {  	[smem:$0x3FB4] =	sst s0;
	s0 =	simm.s32 @!p1 $0x0  }
0x14: {  	s2 =	sld [smem:$0x3F98];
	s0 =	simm.s32 @p1 $0x1  }
0x15: {  	[smem:$0x3FB5] =	sst s0;
	s0 =	simm.s32 @!p2 $0x0  }
0x16: {  	s3 =	sld [smem:$0x3FDB];
	s0 =	simm.s32 @p2 $0x1  }
0x17: {  	s4 =	simm.s32 $0x1BF5;
	[smem:$0x3FB7] =	sst s0  }
0x18: {  	s0 =	sld [smem:$0x3F9A];
	_ =	swait.ge [sflag:s4], $0x0  }
0x19: {  	s7 =	sld [smem:$0x3F9B]  }
0x1a: {  	s8 =	sadd.s32 $0xFFFFE003, lr  }
0x1b: {  	s9 =	sadd.s32 $0xFFFFFEF7, lr;
	s5 =	simm.s32 $0xFFFFFFFF;
	p2 =	slt.u32 s8, $0xFFFFF086  }
0x1c: {  	p1 =	slt.u32 s9, $0xF7A;
	s5 =	simm.s32 @!p2 $0x0  }
0x1d: {  	s5 =	simm.s32 @p1 $0x1;
	p0 =	seq.s32 s7, s2  }
0x1e: {  	s7 =	smul.u32 @!p0 $0xF7A, s2;
	p2 =	seq.s32 @!p0 s5, $0x0  }
0x1f: {  	s9 =	smul.u32 $0xF7A, s1;
	s8 =	simm.s32 @!p0 $0x1BF5;
	p2 =	por !p2, p0  }
0x20: {  	[sflag:s8] =	ssyncset.s32 @!p0 $0xFFFFF086;
	s6 =	sadd.s32 @!p0 s3, s7;
	s7 =	simm.s32 @!p0 $0x108  }
0x21: {  	s3 =	sadd.s32 s3, s9;
	s6 =	sadd.s32 @!p0 $0x88, s6;
	s7 =	simm.s32 @p2 $0x1082  }
0x22: {  	[simem:s7], [sflag:s8] =	dma.local @!p0 [hbm:s6], $0xF7A  }
0x23: {  	s9 =	sor.u32 $0xD0000000, s2;
	s6 =	simm.s32 $0x108;
	_ =	swait.ge @!p0 [sflag:s8], $0x0  }
0x24: {  	s3 =	sadd.s32 $0x88, s3;
	s6 =	simm.s32 @!p1 $0x1082;
	[sflag:s4] =	ssyncset.s32 $0xFFFFF086  }
0x25: {  	[simem:s6], [sflag:s4] =	dma.local [hbm:s3], $0xF7A  }
0x26: {  	[smem:$0x3F9B] =	sst s1;
	(tag) =	ssettag s2;
	_ =	strace s9  }
0x27: {  	s1 =	sld [smem:$0x3FAB]  }
0x28: {  	s2 =	sld [smem:$0x3FAC]  }
0x29: {  	s4 =	sld [smem:$0x3FAE]  }
0x2a: {  	p0 =	seq.s32 s5, $0x0;
	s5 =	sld [smem:$0x3FAF]  }
0x2b: {  	s6 =	sld [smem:$0x3FB0]  }
0x2c: {  	s7 =	sld [smem:$0x3FB1]  }
0x2d: {  	s3 =	simm.s32 $0x108;
	s8 =	sld [smem:$0x3FB2]  }
0x2e: {  	s3 =	simm.s32 @!p0 $0x1082;
	s9 =	sld [smem:$0x3FB3]  }
0x2f: {  	lr =	sadd.s32 s0, s3;
	s0 =	sld [smem:$0x3FAA]  }
0x30: {  	s3 =	sld [smem:$0x3FAD]  }
0x31: {  	[smem:$0x3FB6] =	sst s10  }
0x32: {  	s10 =	sld [smem:$0x3FB4];
	_ =	sdelay $0x3  }
0x33: {  	p0 =	seq.s32 s10, $0x1;
	s10 =	sld [smem:$0x3FB6];
	_ =	sdelay $0x3  }
0x34: {  	[smem:$0x3FB6] =	sst s10  }
0x35: {  	s10 =	sld [smem:$0x3FB5];
	_ =	sdelay $0x3  }
0x36: {  	p1 =	seq.s32 s10, $0x1;
	s10 =	sld [smem:$0x3FB6];
	_ =	sdelay $0x3  }
0x37: {  	[smem:$0x3FB6] =	sst s10  }
0x38: {  	s10 =	sld [smem:$0x3FB7]  }
0x39: {  	_ = 	snop;
	(pc) =	sbr.ind lr, $3  }
0x3a: {  	_ = 	snop  }
0x3b: {  	_ = 	snop  }
0x3c: {  	p2 =	seq.s32 s10, $0x1;
	s10 =	sld [smem:$0x3FB6]  }
0x3d: {  	_ =	shalt  }
0x3e: {  	_ =	shalt  }
0x3f: {  	_ =	shalt  }
0x40: {  	_ =	shalt  }
0x41: {  	_ =	shalt  }
0x42: {  	_ =	shalt  }
0x43: {  	_ =	shalt  }
0x44: {  	_ =	shalt  }
0x45: {  	_ =	shalt  }
0x46: {  	_ =	shalt  }
0x47: {  	_ =	shalt  }
0x48: {  	_ =	shalt  }
0x49: {  	_ =	shalt  }
0x4a: {  	_ =	shalt  }
0x4b: {  	_ =	shalt  }
0x4c: {  	_ =	shalt  }
0x4d: {  	_ =	shalt  }
0x4e: {  	_ =	shalt  }
0x4f: {  	_ =	shalt  }
0x50: {  	_ =	shalt  }
0x51: {  	_ =	shalt  }
0x52: {  	_ =	shalt  }
0x53: {  	_ =	shalt  }
0x54: {  	_ =	shalt  }
0x55: {  	_ =	shalt  }
0x56: {  	_ =	shalt  }
0x57: {  	_ =	shalt  }
0x58: {  	_ =	shalt  }
0x59: {  	_ =	shalt  }
0x5a: {  	_ =	shalt  }
0x5b: {  	_ =	shalt  }
0x5c: {  	_ =	shalt  }
0x5d: {  	_ =	shalt  }
0x5e: {  	_ =	shalt  }
0x5f: {  	_ =	shalt  }
0x60: {  	_ =	shalt  }
0x61: {  	_ =	shalt  }
0x62: {  	_ =	shalt  }
0x63: {  	_ =	shalt  }
0x64: {  	_ =	shalt  }
0x65: {  	_ =	shalt  }
0x66: {  	_ =	shalt  }
0x67: {  	_ =	shalt  }
0x68: {  	_ =	shalt  }
0x69: {  	_ =	shalt  }
0x6a: {  	_ =	shalt  }
0x6b: {  	_ =	shalt  }
0x6c: {  	_ =	shalt  }
0x6d: {  	_ =	shalt  }
0x6e: {  	_ =	shalt  }
0x6f: {  	_ =	shalt  }
0x70: {  	_ =	shalt  }
0x71: {  	_ =	shalt  }
0x72: {  	_ =	shalt  }
0x73: {  	_ =	shalt  }
0x74: {  	_ =	shalt  }
0x75: {  	_ =	shalt  }
0x76: {  	_ =	shalt  }
0x77: {  	_ =	shalt  }
0x78: {  	_ =	shalt  }
0x79: {  	_ =	shalt  }
0x7a: {  	_ =	shalt  }
0x7b: {  	_ =	shalt  }
0x7c: {  	_ =	shalt  }
0x7d: {  	_ =	shalt  }
0x7e: {  	_ =	shalt  }
0x7f: {  	_ =	shalt  }
0x80: {  	_ =	shalt  }
0x81: {  	_ =	shalt  }
0x82: {  	_ =	shalt  }
0x83: {  	_ =	shalt  }
0x84: {  	_ =	shalt  }
0x85: {  	_ =	shalt  }
0x86: {  	_ =	shalt  }
0x87: {  	_ =	shalt  }
.Lfunc_end0:
.L_simem_size_0:
called_computation.1_lowered:
.L_overlay_start_0:
0x88: {  	s2 =	sld [smem:$0x3FD9]  }
0x89: {  	s3 =	sld [smem:$0x3FFE];
	_ =	sdelay $0x1  }
0x8a: {  	s1 =	srdreg.scid  }
0x8b: {  	s0 =	sand.u32 $0x1, s1  }
0x8c: {  	s17 =	sshll.u32 s0, $0xA;
	s2 =	sadd.s32 s3, s2  }
0x8d: {  	s2 =	sadd.s32 s2, s17  }
0x8e: {  	[smem:$0x3FC2] =	sst s2  }
0x8f: {  	_ = 	snop  }
0x90: {  	s2 =	sld [smem:$0x3FD0];
	(tm) =	ssettm $0x1  }
0x91: {  	s18 =	sld [smem:$0x3FFB];
	_ =	sdelay $0x3  }
0x92: {  	_ =	strace s18  }
0x93: {  	s3 =	sld [smem:$0x3FFC];
	_ =	sdelay $0x3  }
0x94: {  	_ =	strace s3  }
0x95: {  	s3 =	sld [smem:$0x3FFD];
	_ =	sdelay $0x3  }
0x96: {  	_ =	strace s3  }
0x97: {  	_ =	strace $0x8FFFFFFF  }
0x98: {  	s19 =	sld [smem:$0x3FDB];
	_ =	sdelay $0x1  }
0x99: {  	s4 =	simm.s32 $_scs_section_size  }
0x9a: {  	s5 =	simm.s32 $_size__tile_overlayer_lowered;
	s6 =	simm.s32 $_tile_overlayer_lowered  }
0x9b: {  	s22 =	simm.s32 $0x1BFF;
	s21 =	sshll.u32 s6, $0x1;
	s3 =	sadd.s32 s4, s19  }
0x9c: {  	s7 =	simm.s32 $0x0;
	s20 =	sshll.u32 s5, $0x1;
	s5 =	sadd.s32 s21, s3  }
0x9d: {  	[timem:s7], [sflag:s22] =	dma.local [hbm:s5], s20  }
0x9e: {  	_ =	swait.ge [sflag:s22], s20  }
0x9f: {  	s4 =	ssub.s32 $0x0, s20;
	[sflag:s22] =	ssyncset.done $0x0  }
0xa0: {  	[sflag:s22] =	ssyncadd.s32 s4;
	_ =	sdelay $0x1  }
0xa1: {  	s23 =	simm.s32 $0x1B8B  }
0xa2: {  	_ =	swait.ge [sflag:s23], $0x1  }
0xa3: {  	[sflag:s23] =	ssyncset.done $0x0  }
0xa4: {  	s25 =	simm.s32 $0x1B8E;
	s24 =	sld [smem:$0x3FFE];
	[sflag:s23] =	ssyncadd.s32 $0xFFFFFFFF  }
0xa5: {  	s26 =	simm.s32 $execute0_lowered;
	[smem:$0x3FD2] =	sst s25  }
0xa6: {  	s5 =	sshll.u32 s26, $0x1;
	_ =	strace $0x80000049;
	[dreg:$0x1] =	wrdreg $0xFFFFFFFF  }
0xa7: {  	s28 =	simm.s32 $_size_execute0_lowered;
	s3 =	sadd.s32 s3, s5;
	[dreg:$0x0] =	wrdreg $0x0  }
0xa8: {  	s5 =	sshll.u32 s28, $0x1;
	[dreg:$0x2] =	wrdreg s3  }
0xa9: {  	[dreg:$0x3] =	wrdreg s5  }
0xaa: {  	[dreg:$0x4] =	wrdreg $0xC0  }
0xab: {  	_ =	task [dreg:s7], $0x5FFFF  }
0xac: {  	[dreg:$0x1] =	wrdreg $0xFFFFFFFF  }
0xad: {  	[dreg:$0x0] =	wrdreg $0x60  }
0xae: {  	[dreg:$0x2] =	wrdreg s24  }
0xaf: {  	[dreg:$0x3] =	wrdreg s2  }
0xb0: {  	[dreg:$0x4] =	wrdreg $0x13F000  }
0xb1: {  	[dreg:$0x5] =	wrdreg $0x117800  }
0xb2: {  	[dreg:$0x6] =	wrdreg $0x9  }
0xb3: {  	_ =	task.clear_ibuf [dreg:s7], $0x7FFFF;
	_ =	strace $0x90000049  }
0xb4: {  	s29 =	simm.s32 $0x9;
	_ =	strace $0x8000004B  }
0xb5: {  	_ =	swait.ge [sflag:s29], $0x1  }
0xb6: {  	[sflag:s29] =	ssyncadd.s32 $0xFFFFFFFF  }
0xb7: {  	_ =	strace $0x9000004B  }
0xb8: {  	_ =	sfence  }
0xb9: {  	s30 =	sld [smem:$0x0];
	_ =	sdelay $0x2  }
0xba: {  	s31 =	sshll.u32 s1, $0xD;
	s1 =	sshrl.u32 s1, $0x2  }
0xbb: {  	s3 =	sand.u32 $0x4000, s31;
	s1 =	sadd.s32 s1, s30  }
0xbc: {  	s0 =	sor.u32 s3, s0;
	s1 =	sshll.u32 s1, $0x11  }
0xbd: {  	s0 =	sor.u32 s1, s0  }
0xbe: {  	s0 =	sadd.s32 $0x8F2B, s0  }
0xbf: {  	[sflag:s0] =	ssyncadd.remote.s32 $0x1  }
0xc0: {  	_ =	sfence.sel $0xFFFF  }
0xc1: {  	[dreg:$0x0] =	wrdreg $0xFFFFFFFF;
	(pc) =	sbr.abs _section_cstart, $3  }
0xc2: {  	[dreg:$0x1] =	wrdreg $0xFFFFFFFF  }
0xc3: {  	_ =	task.clear_ibuf [dreg:s7], $0x2FFFF;
	_ =	strace $0x9FFFFFFF  }
0xc4: {  	(tm) =	ssettm $0x7FFFFFFF  }
0xc5: {  	_ =	shalt  }
tec
execute0_lowered:
.L_overlay_start_1:
0x0: {  	(tag) =	ssettag $0x1  }
0x1: {  	s0 =	rddreg [dreg:$0x0]  }
0x2: {  	s1 =	rddreg [dreg:$0x1]  }
0x3: {  	s2 =	rddreg [dreg:$0x2]  }
0x4: {  	s3 =	rddreg [dreg:$0x3]  }
0x5: {  	s10 =	stileid.u32;
	s5 =	srdreg.scid  }
0x6: {  	s4 =	simm.s32 $0x0;
	s13 =	simm.s32 $0xB;
	s15 =	simm.s32 $0x2800  }
0x7: {  	s16 =	simm.s32 $0x200;
	s17 =	simm.s32 $0x5000;
	s18 =	simm.s32 $0x7000  }
0x8: {  	s20 =	simm.s32 $0x9000;
	s22 =	simm.s32 $0xB000;
	s29 =	simm.s32 $0x3  }
0x9: {  	s31 =	simm.s32 $0x4;
	s19 =	simm.s32 $0x6;
	s30 =	simm.s32 $0x8  }
0xa: {  	s14 =	simm.s32 $0x9;
	s28 =	simm.s32 $0xA;
	s8 =	smul.u32 $0x2780, s10  }
0xb: {  	s5 =	sand.u32 $0x1, s5;
	[smem:$0x7FF] =	sst s4;
	s26 =	sshll.u32 s10, $0x6  }
0xc: {  	s6 =	smul.u32 $0x27800, s5;
	_ =	strace $0x8000004A;
	s7 =	sshll.u32 s5, $0x4  }
0xd: {  	s5 =	ssub.s32 $0x2, s5;
	s9 =	sshrl.u32 s8, $0x3;
	s7 =	sor.u32 s10, s7  }
0xe: {  	s23 =	sshrl.u32 s5, $0x1;
	s12 =	sadd.s32 s8, s2;
	s6 =	sadd.s32 s8, s6  }
0xf: {  	s7 =	smul.u32 $0x2710, s7;
	s9 =	sadd.s32 s9, s0;
	s5 =	ssub.s32 s5, s23  }
0x10: {  	s8 =	sadd.s32 s8, s3;
	s12 =	sshrl.u32 s12, $0x3;
	s23 =	simm.s32 $0x7  }
0x11: {  	s6 =	sshrl.u32 s6, $0x3;
	s25 =	sadd.s32 $0x1C00, s9;
	s11 =	smax.u32 s5, $0x1  }
0x12: {  	s0 =	sadd.s32 s6, s0;
	s24 =	sshrl.u32 s7, $0x3;
	[dreg:$0x5] =	wrdreg s25  }
0x13: {  	s7 =	sor.u32 $0x1C0B, s26;
	s25 =	simm.s32 $0x1;
	s26 =	simm.s32 $0x2  }
0x14: {  	s6 =	sadd.s32 s1, s24;
	s10 =	sadd.s32 $0x6C00, s0;
	s24 =	simm.s32 $0xD000  }
0x15: {  	v0 =	vimm.f32 $0.0e+00;
	v1 =	vimm.s32 $0x2710;
	s1 =	simm.s32 $0x5;
	s0 =	simm.s32 $0x0;
	s9 =	sadd.s32 $0x9C40, s6  }
.LBB2_1:
0x16: {  	s5 =	rddreg [dreg:$0x5]  }
0x17: {  	[spmem:s12], [sflag:s7] =	dma.local [hbm:s5], $0x4F0  }
0x18: {  	_ =	swait.ge [sflag:s13], $0x4F0  }
0x19: {  	[sflag:s13] =	ssyncset.done $0x0  }
0x1a: {  	s21 =	simm.s32 $0x0;
	s5 =	simm.s32 $0x200;
	[sflag:s13] =	ssyncadd.s32 $0xFFFFFB10  }
.LBB2_2:
0x1b: {  	p0 =	sne.s32 s5, $0x9C00;
	[tilespmem:s21+$0xF070] =	vst v0  }
0x1c: {  	[tilespmem:s21+$0xF000] =	vst v0  }
0x1d: {  	[tilespmem:s21+$0xF010] =	vst v0  }
.Ltmp0:
0x1e: {  	[tilespmem:s21+$0xF020] =	vst v0;
	(pc) =	sbr.rel @p0 .LBB2_2-.Ltmp0, $4  }
0x1f: {  	[tilespmem:s21+$0xF030] =	vst v0  }
0x20: {  	[tilespmem:s21+$0xF040] =	vst v0  }
0x21: {  	[tilespmem:s21+$0xF050] =	vst v0  }
0x22: {  	[tilespmem:s21+$0xF060] =	vst v0;
	s21 =	sshra.s32 s5, $0x2;
	s5 =	sadd.s32 $0x200, s5  }
0x23: {  	[tilespmem:s21+$0xF070] =	vst v0  }
0x24: {  	[tilespmem:s21+$0xF000] =	vst v0  }
0x25: {  	[tilespmem:s21+$0xF010] =	vst v0  }
0x26: {  	[tilespmem:s21+$0xF020] =	vst v0  }
0x27: {  	[tilespmem:s21+$0xF030] =	vst v0  }
0x28: {  	[tilespmem:s21+$0xF040] =	vst v0  }
0x29: {  	[tilespmem:s21+$0xF050] =	vst v0  }
0x2a: {  	[tilespmem:s21+$0xF060] =	vst v0;
	s5 =	simm.s32 $0xF000  }
0x2b: {  	[spmem:s8] =	stream.linear.scatter [tilespmem:s5], [sflag:$0xB], $0x2780, $0x38;
	[tilespmem:$0x16680] =	vst v63  }
0x2c: {  	_ =	swait.ge [sflag:s13], $0x2780  }
0x2d: {  	[sflag:s13] =	ssyncset.done $0x0  }
0x2e: {  	[sflag:s13] =	ssyncadd.s32 $0xFFFFD880  }
0x2f: {  	[bflag:$0x0] =	sbarrier.arrive $0xFFFF  }
0x30: {  	[tilespmem:s4], [sflag:$0xB] =	stream.linear.gather [hbm4b:s6+s4], $0x2710, $0x38;
	[tilespmem:$0x16680] =	vst v63  }
0x31: {  	_ =	swait.ge [sflag:s13], $0x2710  }
0x32: {  	[sflag:s13] =	ssyncset.done $0x0  }
0x33: {  	[sflag:s13] =	ssyncadd.s32 $0xFFFFD8F0  }
0x34: {  	[tilespmem:s15], [sflag:$0xB] =	stream.linear.gather [hbm4b:s9+s4], $0x2710, $0x38;
	[tilespmem:$0x16680] =	vst v63  }
0x35: {  	_ =	swait.ge [sflag:s13], $0x2710  }
0x36: {  	[sflag:s13] =	ssyncset.done $0x0  }
0x37: {  	[sflag:s13] =	ssyncadd.s32 $0xFFFFD8F0  }
0x38: {  	[tilespmem:$0x2710] =	vst v1  }
0x39: {  	[tilespmem:$0x2720] =	vst v1  }
0x3a: {  	[tilespmem:$0x2730] =	vst v1  }
0x3b: {  	[tilespmem:$0x2740] =	vst v1  }
0x3c: {  	[tilespmem:$0x2750] =	vst v1  }
0x3d: {  	[tilespmem:$0x2760] =	vst v1  }
0x3e: {  	[tilespmem:$0x2770] =	vst v1  }
0x3f: {  	[tilespmem:$0x2780] =	vst v1  }
0x40: {  	[tilespmem:$0x2790] =	vst v1  }
0x41: {  	[tilespmem:$0x27A0] =	vst v1  }
0x42: {  	[tilespmem:$0x27B0] =	vst v1  }
0x43: {  	[tilespmem:$0x27C0] =	vst v1  }
0x44: {  	[tilespmem:$0x27D0] =	vst v1  }
0x45: {  	[tilespmem:$0x27E0] =	vst v1  }
0x46: {  	[tilespmem:$0x27F0] =	vst v1  }
0x47: {  	[tilespmem:$0x4F10] =	vst v1  }
0x48: {  	[tilespmem:$0x4F20] =	vst v1  }
0x49: {  	[tilespmem:$0x4F30] =	vst v1  }
0x4a: {  	[tilespmem:$0x4F40] =	vst v1  }
0x4b: {  	[tilespmem:$0x4F50] =	vst v1  }
0x4c: {  	[tilespmem:$0x4F60] =	vst v1  }
0x4d: {  	[tilespmem:$0x4F70] =	vst v1  }
0x4e: {  	[tilespmem:$0x4F80] =	vst v1  }
0x4f: {  	[tilespmem:$0x4F90] =	vst v1  }
0x50: {  	[tilespmem:$0x4FA0] =	vst v1  }
0x51: {  	[tilespmem:$0x4FB0] =	vst v1  }
0x52: {  	[tilespmem:$0x4FC0] =	vst v1  }
0x53: {  	[tilespmem:$0x4FD0] =	vst v1  }
0x54: {  	[tilespmem:$0x4FE0] =	vst v1  }
0x55: {  	[tilespmem:$0x4FF0] =	vst v1  }
0x56: {  	[tilespmem:s17], [sflag:$0x1] =	stream.indirect.gather [spmem:s2], $0x10, s4, s16, $0xb8;
	[tilespmem:$0x16680] =	vst v63  }
0x57: {  	_ = 	snop  }
0x58: {  	[tilespmem:s18], [sflag:$0x2] =	stream.indirect.gather [spmem:s2], $0x10, s16, s16, $0xb8;
	[tilespmem:$0x16680] =	vst v63  }
0x59: {  	s21 =	simm.s32 $0x400  }
0x5a: {  	[tilespmem:s20], [sflag:$0x3] =	stream.indirect.gather [spmem:s2], $0x10, s21, s16, $0xb8;
	[tilespmem:$0x16680] =	vst v63  }
0x5b: {  	s21 =	simm.s32 $0x600  }
0x5c: {  	[tilespmem:s22], [sflag:$0x4] =	stream.indirect.gather [spmem:s2], $0x10, s21, s16, $0xb8;
	[tilespmem:$0x16680] =	vst v63  }
0x5d: {  	s21 =	simm.s32 $0x800  }
0x5e: {  	[tilespmem:s24], [sflag:$0x5] =	stream.indirect.gather [spmem:s2], $0x10, s21, s16, $0xb8;
	[tilespmem:$0x16680] =	vst v63  }
0x5f: {  	_ =	swait.ge [sflag:s25], $0x2000  }
0x60: {  	[sflag:s25] =	ssyncset.done $0x0  }
0x61: {  	[sflag:s25] =	ssyncadd.s32 $0xFFFFE000  }
0x62: {  	[spmem:s3] =	stream.indirect.scatter.add.f32 [tilespmem:s17], [sflag:$0x6], $0x10, s15, s16, $0xb8;
	[tilespmem:$0x16680] =	vst v63  }
0x63: {  	_ =	swait.ge [sflag:s26], $0x2000  }
0x64: {  	[sflag:s26] =	ssyncset.done $0x0  }
0x65: {  	s21 =	simm.s32 $0x2A00;
	[sflag:s26] =	ssyncadd.s32 $0xFFFFE000  }
0x66: {  	[spmem:s3] =	stream.indirect.scatter.add.f32 [tilespmem:s18], [sflag:$0x7], $0x10, s21, s16, $0xb8;
	[tilespmem:$0x16680] =	vst v63  }
0x67: {  	_ =	swait.ge [sflag:s29], $0x2000  }
0x68: {  	[sflag:s29] =	ssyncset.done $0x0  }
0x69: {  	s21 =	simm.s32 $0x2C00;
	[sflag:s29] =	ssyncadd.s32 $0xFFFFE000  }
0x6a: {  	[spmem:s3] =	stream.indirect.scatter.add.f32 [tilespmem:s20], [sflag:$0x8], $0x10, s21, s16, $0xb8;
	[tilespmem:$0x16680] =	vst v63  }
0x6b: {  	_ =	swait.ge [sflag:s31], $0x2000  }
0x6c: {  	[sflag:s31] =	ssyncset.done $0x0  }
0x6d: {  	s21 =	simm.s32 $0x2E00;
	[sflag:s31] =	ssyncadd.s32 $0xFFFFE000  }
0x6e: {  	[spmem:s3] =	stream.indirect.scatter.add.f32 [tilespmem:s22], [sflag:$0x9], $0x10, s21, s16, $0xb8;
	[tilespmem:$0x16680] =	vst v63  }
0x6f: {  	_ =	swait.ge [sflag:s1], $0x2000  }
0x70: {  	[sflag:s1] =	ssyncset.done $0x0  }
0x71: {  	s21 =	simm.s32 $0x3000;
	[sflag:s1] =	ssyncadd.s32 $0xFFFFE000  }
0x72: {  	[spmem:s3] =	stream.indirect.scatter.add.f32 [tilespmem:s24], [sflag:$0xA], $0x10, s21, s16, $0xb8;
	[tilespmem:$0x16680] =	vst v63  }
0x73: {  	_ =	swait.ge [sflag:s19], $0x2000  }
0x74: {  	[sflag:s19] =	ssyncset.done $0x0  }
0x75: {  	s21 =	simm.s32 $0xA00;
	[sflag:s19] =	ssyncadd.s32 $0xFFFFE000  }
0x76: {  	[tilespmem:s17], [sflag:$0x1] =	stream.indirect.gather [spmem:s2], $0x10, s21, s16, $0xb8;
	[tilespmem:$0x16680] =	vst v63  }
0x77: {  	_ =	swait.ge [sflag:s23], $0x2000  }
0x78: {  	[sflag:s23] =	ssyncset.done $0x0  }
0x79: {  	s21 =	simm.s32 $0xC00;
	[sflag:s23] =	ssyncadd.s32 $0xFFFFE000  }
0x7a: {  	[tilespmem:s18], [sflag:$0x2] =	stream.indirect.gather [spmem:s2], $0x10, s21, s16, $0xb8;
	[tilespmem:$0x16680] =	vst v63  }
0x7b: {  	_ =	swait.ge [sflag:s30], $0x2000  }
0x7c: {  	[sflag:s30] =	ssyncset.done $0x0  }
0x7d: {  	s21 =	simm.s32 $0xE00;
	[sflag:s30] =	ssyncadd.s32 $0xFFFFE000  }
0x7e: {  	[tilespmem:s20], [sflag:$0x3] =	stream.indirect.gather [spmem:s2], $0x10, s21, s16, $0xb8;
	[tilespmem:$0x16680] =	vst v63  }
0x7f: {  	_ =	swait.ge [sflag:s14], $0x2000  }
0x80: {  	[sflag:s14] =	ssyncset.done $0x0  }
0x81: {  	s21 =	simm.s32 $0x1000;
	[sflag:s14] =	ssyncadd.s32 $0xFFFFE000  }
0x82: {  	[tilespmem:s22], [sflag:$0x4] =	stream.indirect.gather [spmem:s2], $0x10, s21, s16, $0xb8;
	[tilespmem:$0x16680] =	vst v63  }
0x83: {  	_ =	swait.ge [sflag:s28], $0x2000  }
0x84: {  	[sflag:s28] =	ssyncset.done $0x0  }
0x85: {  	s21 =	simm.s32 $0x1200;
	[sflag:s28] =	ssyncadd.s32 $0xFFFFE000  }
0x86: {  	[tilespmem:s24], [sflag:$0x5] =	stream.indirect.gather [spmem:s2], $0x10, s21, s16, $0xb8;
	[tilespmem:$0x16680] =	vst v63  }
0x87: {  	_ =	swait.ge [sflag:s25], $0x2000  }
0x88: {  	[sflag:s25] =	ssyncset.done $0x0  }
0x89: {  	s21 =	simm.s32 $0x3200;
	[sflag:s25] =	ssyncadd.s32 $0xFFFFE000  }
0x8a: {  	[spmem:s3] =	stream.indirect.scatter.add.f32 [tilespmem:s17], [sflag:$0x6], $0x10, s21, s16, $0xb8;
	[tilespmem:$0x16680] =	vst v63  }
0x8b: {  	_ =	swait.ge [sflag:s26], $0x2000  }
0x8c: {  	[sflag:s26] =	ssyncset.done $0x0  }
0x8d: {  	s21 =	simm.s32 $0x3400;
	[sflag:s26] =	ssyncadd.s32 $0xFFFFE000  }
0x8e: {  	[spmem:s3] =	stream.indirect.scatter.add.f32 [tilespmem:s18], [sflag:$0x7], $0x10, s21, s16, $0xb8;
	[tilespmem:$0x16680] =	vst v63  }
0x8f: {  	_ =	swait.ge [sflag:s29], $0x2000  }
0x90: {  	[sflag:s29] =	ssyncset.done $0x0  }
0x91: {  	s21 =	simm.s32 $0x3600;
	[sflag:s29] =	ssyncadd.s32 $0xFFFFE000  }
0x92: {  	[spmem:s3] =	stream.indirect.scatter.add.f32 [tilespmem:s20], [sflag:$0x8], $0x10, s21, s16, $0xb8;
	[tilespmem:$0x16680] =	vst v63  }
0x93: {  	_ =	swait.ge [sflag:s31], $0x2000  }
0x94: {  	[sflag:s31] =	ssyncset.done $0x0  }
0x95: {  	s21 =	simm.s32 $0x3800;
	[sflag:s31] =	ssyncadd.s32 $0xFFFFE000  }
0x96: {  	[spmem:s3] =	stream.indirect.scatter.add.f32 [tilespmem:s22], [sflag:$0x9], $0x10, s21, s16, $0xb8;
	[tilespmem:$0x16680] =	vst v63  }
0x97: {  	_ =	swait.ge [sflag:s1], $0x2000  }
0x98: {  	[sflag:s1] =	ssyncset.done $0x0  }
0x99: {  	s21 =	simm.s32 $0x3A00;
	[sflag:s1] =	ssyncadd.s32 $0xFFFFE000  }
0x9a: {  	[spmem:s3] =	stream.indirect.scatter.add.f32 [tilespmem:s24], [sflag:$0xA], $0x10, s21, s16, $0xb8;
	[tilespmem:$0x16680] =	vst v63  }
0x9b: {  	_ =	swait.ge [sflag:s19], $0x2000  }
0x9c: {  	[sflag:s19] =	ssyncset.done $0x0  }
0x9d: {  	s21 =	simm.s32 $0x1400;
	[sflag:s19] =	ssyncadd.s32 $0xFFFFE000  }
0x9e: {  	[tilespmem:s17], [sflag:$0x1] =	stream.indirect.gather [spmem:s2], $0x10, s21, s16, $0xb8;
	[tilespmem:$0x16680] =	vst v63  }
0x9f: {  	_ =	swait.ge [sflag:s23], $0x2000  }
0xa0: {  	[sflag:s23] =	ssyncset.done $0x0  }
0xa1: {  	s21 =	simm.s32 $0x1600;
	[sflag:s23] =	ssyncadd.s32 $0xFFFFE000  }
0xa2: {  	[tilespmem:s18], [sflag:$0x2] =	stream.indirect.gather [spmem:s2], $0x10, s21, s16, $0xb8;
	[tilespmem:$0x16680] =	vst v63  }
0xa3: {  	_ =	swait.ge [sflag:s30], $0x2000  }
0xa4: {  	[sflag:s30] =	ssyncset.done $0x0  }
0xa5: {  	s21 =	simm.s32 $0x1800;
	[sflag:s30] =	ssyncadd.s32 $0xFFFFE000  }
0xa6: {  	[tilespmem:s20], [sflag:$0x3] =	stream.indirect.gather [spmem:s2], $0x10, s21, s16, $0xb8;
	[tilespmem:$0x16680] =	vst v63  }
0xa7: {  	_ =	swait.ge [sflag:s14], $0x2000  }
0xa8: {  	[sflag:s14] =	ssyncset.done $0x0  }
0xa9: {  	s21 =	simm.s32 $0x1A00;
	[sflag:s14] =	ssyncadd.s32 $0xFFFFE000  }
0xaa: {  	[tilespmem:s22], [sflag:$0x4] =	stream.indirect.gather [spmem:s2], $0x10, s21, s16, $0xb8;
	[tilespmem:$0x16680] =	vst v63  }
0xab: {  	_ =	swait.ge [sflag:s28], $0x2000  }
0xac: {  	[sflag:s28] =	ssyncset.done $0x0  }
0xad: {  	s21 =	simm.s32 $0x1C00;
	[sflag:s28] =	ssyncadd.s32 $0xFFFFE000  }
0xae: {  	[tilespmem:s24], [sflag:$0x5] =	stream.indirect.gather [spmem:s2], $0x10, s21, s16, $0xb8;
	[tilespmem:$0x16680] =	vst v63  }
0xaf: {  	_ =	swait.ge [sflag:s25], $0x2000  }
0xb0: {  	[sflag:s25] =	ssyncset.done $0x0  }
0xb1: {  	s21 =	simm.s32 $0x3C00;
	[sflag:s25] =	ssyncadd.s32 $0xFFFFE000  }
0xb2: {  	[spmem:s3] =	stream.indirect.scatter.add.f32 [tilespmem:s17], [sflag:$0x6], $0x10, s21, s16, $0xb8;
	[tilespmem:$0x16680] =	vst v63  }
0xb3: {  	_ =	swait.ge [sflag:s26], $0x2000  }
0xb4: {  	[sflag:s26] =	ssyncset.done $0x0  }
0xb5: {  	s21 =	simm.s32 $0x3E00;
	[sflag:s26] =	ssyncadd.s32 $0xFFFFE000  }
0xb6: {  	[spmem:s3] =	stream.indirect.scatter.add.f32 [tilespmem:s18], [sflag:$0x7], $0x10, s21, s16, $0xb8;
	[tilespmem:$0x16680] =	vst v63  }
0xb7: {  	_ =	swait.ge [sflag:s29], $0x2000  }
0xb8: {  	[sflag:s29] =	ssyncset.done $0x0  }
0xb9: {  	s21 =	simm.s32 $0x4000;
	[sflag:s29] =	ssyncadd.s32 $0xFFFFE000  }
0xba: {  	[spmem:s3] =	stream.indirect.scatter.add.f32 [tilespmem:s20], [sflag:$0x8], $0x10, s21, s16, $0xb8;
	[tilespmem:$0x16680] =	vst v63  }
0xbb: {  	_ =	swait.ge [sflag:s31], $0x2000  }
0xbc: {  	[sflag:s31] =	ssyncset.done $0x0  }
0xbd: {  	s21 =	simm.s32 $0x4200;
	[sflag:s31] =	ssyncadd.s32 $0xFFFFE000  }
0xbe: {  	[spmem:s3] =	stream.indirect.scatter.add.f32 [tilespmem:s22], [sflag:$0x9], $0x10, s21, s16, $0xb8;
	[tilespmem:$0x16680] =	vst v63  }
0xbf: {  	_ =	swait.ge [sflag:s1], $0x2000  }
0xc0: {  	[sflag:s1] =	ssyncset.done $0x0  }
0xc1: {  	s21 =	simm.s32 $0x4400;
	[sflag:s1] =	ssyncadd.s32 $0xFFFFE000  }
0xc2: {  	[spmem:s3] =	stream.indirect.scatter.add.f32 [tilespmem:s24], [sflag:$0xA], $0x10, s21, s16, $0xb8;
	[tilespmem:$0x16680] =	vst v63  }
0xc3: {  	_ =	swait.ge [sflag:s19], $0x2000  }
0xc4: {  	[sflag:s19] =	ssyncset.done $0x0  }
0xc5: {  	s21 =	simm.s32 $0x1E00;
	[sflag:s19] =	ssyncadd.s32 $0xFFFFE000  }
0xc6: {  	[tilespmem:s17], [sflag:$0x1] =	stream.indirect.gather [spmem:s2], $0x10, s21, s16, $0xb8;
	[tilespmem:$0x16680] =	vst v63  }
0xc7: {  	_ =	swait.ge [sflag:s23], $0x2000  }
0xc8: {  	[sflag:s23] =	ssyncset.done $0x0  }
0xc9: {  	s21 =	simm.s32 $0x2000;
	[sflag:s23] =	ssyncadd.s32 $0xFFFFE000  }
0xca: {  	[tilespmem:s18], [sflag:$0x2] =	stream.indirect.gather [spmem:s2], $0x10, s21, s16, $0xb8;
	[tilespmem:$0x16680] =	vst v63  }
0xcb: {  	_ =	swait.ge [sflag:s30], $0x2000  }
0xcc: {  	[sflag:s30] =	ssyncset.done $0x0  }
0xcd: {  	s21 =	simm.s32 $0x2200;
	[sflag:s30] =	ssyncadd.s32 $0xFFFFE000  }
0xce: {  	[tilespmem:s20], [sflag:$0x3] =	stream.indirect.gather [spmem:s2], $0x10, s21, s16, $0xb8;
	[tilespmem:$0x16680] =	vst v63  }
0xcf: {  	_ =	swait.ge [sflag:s14], $0x2000  }
0xd0: {  	[sflag:s14] =	ssyncset.done $0x0  }
0xd1: {  	s21 =	simm.s32 $0x2400;
	[sflag:s14] =	ssyncadd.s32 $0xFFFFE000  }
0xd2: {  	[tilespmem:s22], [sflag:$0x4] =	stream.indirect.gather [spmem:s2], $0x10, s21, s16, $0xb8;
	[tilespmem:$0x16680] =	vst v63  }
0xd3: {  	_ =	swait.ge [sflag:s28], $0x2000  }
0xd4: {  	[sflag:s28] =	ssyncset.done $0x0  }
0xd5: {  	s21 =	simm.s32 $0x2600;
	[sflag:s28] =	ssyncadd.s32 $0xFFFFE000  }
0xd6: {  	[tilespmem:s24], [sflag:$0x5] =	stream.indirect.gather [spmem:s2], $0x10, s21, s16, $0xb8;
	[tilespmem:$0x16680] =	vst v63  }
0xd7: {  	_ =	swait.ge [sflag:s25], $0x2000  }
0xd8: {  	[sflag:s25] =	ssyncset.done $0x0  }
0xd9: {  	s21 =	simm.s32 $0x4600;
	[sflag:s25] =	ssyncadd.s32 $0xFFFFE000  }
0xda: {  	[spmem:s3] =	stream.indirect.scatter.add.f32 [tilespmem:s17], [sflag:$0x6], $0x10, s21, s16, $0xb8;
	[tilespmem:$0x16680] =	vst v63  }
0xdb: {  	_ =	swait.ge [sflag:s26], $0x2000  }
0xdc: {  	[sflag:s26] =	ssyncset.done $0x0  }
0xdd: {  	s21 =	simm.s32 $0x4800;
	[sflag:s26] =	ssyncadd.s32 $0xFFFFE000  }
0xde: {  	[spmem:s3] =	stream.indirect.scatter.add.f32 [tilespmem:s18], [sflag:$0x7], $0x10, s21, s16, $0xb8;
	[tilespmem:$0x16680] =	vst v63  }
0xdf: {  	_ =	swait.ge [sflag:s29], $0x2000  }
0xe0: {  	[sflag:s29] =	ssyncset.done $0x0  }
0xe1: {  	s21 =	simm.s32 $0x4A00;
	[sflag:s29] =	ssyncadd.s32 $0xFFFFE000  }
0xe2: {  	[spmem:s3] =	stream.indirect.scatter.add.f32 [tilespmem:s20], [sflag:$0x8], $0x10, s21, s16, $0xb8;
	[tilespmem:$0x16680] =	vst v63  }
0xe3: {  	_ =	swait.ge [sflag:s31], $0x2000  }
0xe4: {  	[sflag:s31] =	ssyncset.done $0x0  }
0xe5: {  	s21 =	simm.s32 $0x4C00;
	[sflag:s31] =	ssyncadd.s32 $0xFFFFE000  }
0xe6: {  	[spmem:s3] =	stream.indirect.scatter.add.f32 [tilespmem:s22], [sflag:$0x9], $0x10, s21, s16, $0xb8;
	[tilespmem:$0x16680] =	vst v63  }
0xe7: {  	_ =	swait.ge [sflag:s1], $0x2000  }
0xe8: {  	[sflag:s1] =	ssyncset.done $0x0  }
0xe9: {  	s21 =	simm.s32 $0x4E00;
	[sflag:s1] =	ssyncadd.s32 $0xFFFFE000  }
0xea: {  	[spmem:s3] =	stream.indirect.scatter.add.f32 [tilespmem:s24], [sflag:$0xA], $0x10, s21, s16, $0xb8;
	[tilespmem:$0x16680] =	vst v63  }
0xeb: {  	_ =	swait.ge [sflag:s19], $0x2000  }
0xec: {  	[sflag:s19] =	ssyncset.done $0x0  }
0xed: {  	[sflag:s19] =	ssyncadd.s32 $0xFFFFE000  }
0xee: {  	_ =	swait.ge [sflag:s23], $0x2000  }
0xef: {  	[sflag:s23] =	ssyncset.done $0x0  }
0xf0: {  	[sflag:s23] =	ssyncadd.s32 $0xFFFFE000  }
0xf1: {  	_ =	swait.ge [sflag:s30], $0x2000  }
0xf2: {  	[sflag:s30] =	ssyncset.done $0x0  }
0xf3: {  	[sflag:s30] =	ssyncadd.s32 $0xFFFFE000  }
0xf4: {  	_ =	swait.ge [sflag:s14], $0x2000  }
0xf5: {  	[sflag:s14] =	ssyncset.done $0x0  }
0xf6: {  	[sflag:s14] =	ssyncadd.s32 $0xFFFFE000  }
0xf7: {  	_ =	swait.ge [sflag:s28], $0x2000  }
0xf8: {  	s0 =	sadd.s32 $0x1, s0;
	[sflag:s28] =	ssyncset.done $0x0  }
0xf9: {  	p0 =	sne.s32 s0, s11;
	[sflag:s28] =	ssyncadd.s32 $0xFFFFE000  }
.Ltmp1:
0xfa: {  	s21 =	sshrl.u32 s8, $0x3;
	[bflag:$0x0] =	sbarrier.arrive $0xFFFF;
	(pc) =	sbr.rel @p0 .LBB2_1-.Ltmp1, $4  }
0xfb: {  	[hbm:s10], [sflag:s7] =	dma.local [spmem:s21], $0x4F0  }
0xfc: {  	_ =	swait.ge [sflag:s13], $0x4F0  }
0xfd: {  	[sflag:s13] =	ssyncset.done $0x0  }
0xfe: {  	[sflag:s13] =	ssyncadd.s32 $0xFFFFFB10  }
0xff: {  	_ =	sfence.sel $0x180000  }
0x100: {  	[bflag:$0x0] =	sbarrier.arrive $0xFFFF  }
0x101: {  	_ =	strace $0x9000004A  }
0x102: {  	s0 =	stileid.u32;
	[bflag:$0x2] =	sbarrier.arrive $0xFFFF  }
0x103: {  	p0 =	sne.s32 s0, $0x0;
	s0 =	rddreg [dreg:$0x4]  }
0x104: {  	s0 =	sadd.s32 @!p0 $0x100000, s0  }
0x105: {  	[sflag:s0] =	ssyncadd.tile.s32 @!p0 $0x1;
	_ =	shalt  }
.Lfunc_end2:
_tile_overlayer_lowered:
.L_overlay_start_2:
0x106: {  	(tag) =	ssettag $0x2  }
0x107: {  	s0 =	rddreg [dreg:$0x0];
	s2 =	stileid.u32  }
0x108: {  	s1 =	rddreg [dreg:$0x1];
	p0 =	sne.s32 s2, $0x0  }
0x109: {  	s3 =	rddreg [dreg:$0x2];
	[bflag:$0x3] =	sbarrier.arrive $0xFFFF;
	s2 =	simm.s32 @!p0 $0x1C0B  }
0x10a: {  	[timem:s3], [sflag:s2] =	dma.local @!p0 [hbm:s0], s1  }
0x10b: {  	s0 =	simm.s32 @!p0 $0xB  }
0x10c: {  	_ =	swait.ge @!p0 [sflag:s0], s1  }
0x10d: {  	s1 =	ssub.s32 @!p0 $0x0, s1;
	[sflag:s0] =	ssyncset.done @!p0 $0x0  }
0x10e: {  	[sflag:s0] =	ssyncadd.s32 @!p0 s1  }
0x10f: {  	[bflag:$0x3] =	sbarrier.arrive $0xFFFF  }
0x110: {  	_ =	shalt  }

// kernel: kernel.13.cloned.1.call-start
scs
__scs_entry_jumppad:
0x0: {  	(pc) =	sbr.rel $0x88, $3  }
0x1: {  	(tag) =	ssettag $0x0;
	lr =	simm.s32 $0x1  }
0x2: {  	[smem:$0x3F9B] =	sst lr;
	_ =	strace $0xD0000000  }
0x3: {  	_ = 	snop  }
0x4: {  	_ = 	snop  }
0x5: {  	_ = 	snop  }
0x6: {  	_ = 	snop  }
0x7: {  	_ = 	snop  }
__scs_overlays_trampoline_lowered:
0x8: {  	[smem:$0x3FAA] =	sst s0  }
0x9: {  	[smem:$0x3FAB] =	sst s1  }
0xa: {  	[smem:$0x3FAC] =	sst s2  }
0xb: {  	[smem:$0x3FAD] =	sst s3  }
0xc: {  	[smem:$0x3FAE] =	sst s4  }
0xd: {  	[smem:$0x3FAF] =	sst s5  }
0xe: {  	[smem:$0x3FB0] =	sst s6  }
0xf: {  	[smem:$0x3FB1] =	sst s7  }
0x10: {  	[smem:$0x3FB2] =	sst s8  }
0x11: {  	[smem:$0x3FB3] =	sst s9;
	s0 =	simm.s32 @!p0 $0x0  }
0x12: {  	s1 =	sld [smem:$0x3F99];
	s0 =	simm.s32 @p0 $0x1  }
0x13: {  	[smem:$0x3FB4] =	sst s0;
	s0 =	simm.s32 @!p1 $0x0  }
0x14: {  	s2 =	sld [smem:$0x3F98];
	s0 =	simm.s32 @p1 $0x1  }
0x15: {  	[smem:$0x3FB5] =	sst s0;
	s0 =	simm.s32 @!p2 $0x0  }
0x16: {  	s3 =	sld [smem:$0x3FDB];
	s0 =	simm.s32 @p2 $0x1  }
0x17: {  	s4 =	simm.s32 $0x1BF5;
	[smem:$0x3FB7] =	sst s0  }
0x18: {  	s0 =	sld [smem:$0x3F9A];
	_ =	swait.ge [sflag:s4], $0x0  }
0x19: {  	s7 =	sld [smem:$0x3F9B]  }
0x1a: {  	s8 =	sadd.s32 $0xFFFFE003, lr  }
0x1b: {  	s9 =	sadd.s32 $0xFFFFFEF7, lr;
	s5 =	simm.s32 $0xFFFFFFFF;
	p2 =	slt.u32 s8, $0xFFFFF086  }
0x1c: {  	p1 =	slt.u32 s9, $0xF7A;
	s5 =	simm.s32 @!p2 $0x0  }
0x1d: {  	s5 =	simm.s32 @p1 $0x1;
	p0 =	seq.s32 s7, s2  }
0x1e: {  	s7 =	smul.u32 @!p0 $0xF7A, s2;
	p2 =	seq.s32 @!p0 s5, $0x0  }
0x1f: {  	s9 =	smul.u32 $0xF7A, s1;
	s8 =	simm.s32 @!p0 $0x1BF5;
	p2 =	por !p2, p0  }
0x20: {  	[sflag:s8] =	ssyncset.s32 @!p0 $0xFFFFF086;
	s6 =	sadd.s32 @!p0 s3, s7;
	s7 =	simm.s32 @!p0 $0x108  }
0x21: {  	s3 =	sadd.s32 s3, s9;
	s6 =	sadd.s32 @!p0 $0x88, s6;
	s7 =	simm.s32 @p2 $0x1082  }
0x22: {  	[simem:s7], [sflag:s8] =	dma.local @!p0 [hbm:s6], $0xF7A  }
0x23: {  	s9 =	sor.u32 $0xD0000000, s2;
	s6 =	simm.s32 $0x108;
	_ =	swait.ge @!p0 [sflag:s8], $0x0  }
0x24: {  	s3 =	sadd.s32 $0x88, s3;
	s6 =	simm.s32 @!p1 $0x1082;
	[sflag:s4] =	ssyncset.s32 $0xFFFFF086  }
0x25: {  	[simem:s6], [sflag:s4] =	dma.local [hbm:s3], $0xF7A  }
0x26: {  	[smem:$0x3F9B] =	sst s1;
	(tag) =	ssettag s2;
	_ =	strace s9  }
0x27: {  	s1 =	sld [smem:$0x3FAB]  }
0x28: {  	s2 =	sld [smem:$0x3FAC]  }
0x29: {  	s4 =	sld [smem:$0x3FAE]  }
0x2a: {  	p0 =	seq.s32 s5, $0x0;
	s5 =	sld [smem:$0x3FAF]  }
0x2b: {  	s6 =	sld [smem:$0x3FB0]  }
0x2c: {  	s7 =	sld [smem:$0x3FB1]  }
0x2d: {  	s3 =	simm.s32 $0x108;
	s8 =	sld [smem:$0x3FB2]  }
0x2e: {  	s3 =	simm.s32 @!p0 $0x1082;
	s9 =	sld [smem:$0x3FB3]  }
0x2f: {  	lr =	sadd.s32 s0, s3;
	s0 =	sld [smem:$0x3FAA]  }
0x30: {  	s3 =	sld [smem:$0x3FAD]  }
0x31: {  	[smem:$0x3FB6] =	sst s10  }
0x32: {  	s10 =	sld [smem:$0x3FB4];
	_ =	sdelay $0x3  }
0x33: {  	p0 =	seq.s32 s10, $0x1;
	s10 =	sld [smem:$0x3FB6];
	_ =	sdelay $0x3  }
0x34: {  	[smem:$0x3FB6] =	sst s10  }
0x35: {  	s10 =	sld [smem:$0x3FB5];
	_ =	sdelay $0x3  }
0x36: {  	p1 =	seq.s32 s10, $0x1;
	s10 =	sld [smem:$0x3FB6];
	_ =	sdelay $0x3  }
0x37: {  	[smem:$0x3FB6] =	sst s10  }
0x38: {  	s10 =	sld [smem:$0x3FB7]  }
0x39: {  	_ = 	snop;
	(pc) =	sbr.ind lr, $3  }
0x3a: {  	_ = 	snop  }
0x3b: {  	_ = 	snop  }
0x3c: {  	p2 =	seq.s32 s10, $0x1;
	s10 =	sld [smem:$0x3FB6]  }
0x3d: {  	_ =	shalt  }
0x3e: {  	_ =	shalt  }
0x3f: {  	_ =	shalt  }
0x40: {  	_ =	shalt  }
0x41: {  	_ =	shalt  }
0x42: {  	_ =	shalt  }
0x43: {  	_ =	shalt  }
0x44: {  	_ =	shalt  }
0x45: {  	_ =	shalt  }
0x46: {  	_ =	shalt  }
0x47: {  	_ =	shalt  }
0x48: {  	_ =	shalt  }
0x49: {  	_ =	shalt  }
0x4a: {  	_ =	shalt  }
0x4b: {  	_ =	shalt  }
0x4c: {  	_ =	shalt  }
0x4d: {  	_ =	shalt  }
0x4e: {  	_ =	shalt  }
0x4f: {  	_ =	shalt  }
0x50: {  	_ =	shalt  }
0x51: {  	_ =	shalt  }
0x52: {  	_ =	shalt  }
0x53: {  	_ =	shalt  }
0x54: {  	_ =	shalt  }
0x55: {  	_ =	shalt  }
0x56: {  	_ =	shalt  }
0x57: {  	_ =	shalt  }
0x58: {  	_ =	shalt  }
0x59: {  	_ =	shalt  }
0x5a: {  	_ =	shalt  }
0x5b: {  	_ =	shalt  }
0x5c: {  	_ =	shalt  }
0x5d: {  	_ =	shalt  }
0x5e: {  	_ =	shalt  }
0x5f: {  	_ =	shalt  }
0x60: {  	_ =	shalt  }
0x61: {  	_ =	shalt  }
0x62: {  	_ =	shalt  }
0x63: {  	_ =	shalt  }
0x64: {  	_ =	shalt  }
0x65: {  	_ =	shalt  }
0x66: {  	_ =	shalt  }
0x67: {  	_ =	shalt  }
0x68: {  	_ =	shalt  }
0x69: {  	_ =	shalt  }
0x6a: {  	_ =	shalt  }
0x6b: {  	_ =	shalt  }
0x6c: {  	_ =	shalt  }
0x6d: {  	_ =	shalt  }
0x6e: {  	_ =	shalt  }
0x6f: {  	_ =	shalt  }
0x70: {  	_ =	shalt  }
0x71: {  	_ =	shalt  }
0x72: {  	_ =	shalt  }
0x73: {  	_ =	shalt  }
0x74: {  	_ =	shalt  }
0x75: {  	_ =	shalt  }
0x76: {  	_ =	shalt  }
0x77: {  	_ =	shalt  }
0x78: {  	_ =	shalt  }
0x79: {  	_ =	shalt  }
0x7a: {  	_ =	shalt  }
0x7b: {  	_ =	shalt  }
0x7c: {  	_ =	shalt  }
0x7d: {  	_ =	shalt  }
0x7e: {  	_ =	shalt  }
0x7f: {  	_ =	shalt  }
0x80: {  	_ =	shalt  }
0x81: {  	_ =	shalt  }
0x82: {  	_ =	shalt  }
0x83: {  	_ =	shalt  }
0x84: {  	_ =	shalt  }
0x85: {  	_ =	shalt  }
0x86: {  	_ =	shalt  }
0x87: {  	_ =	shalt  }
.Lfunc_end0:
.L_simem_size_0:
called_computation.2_lowered:
.L_overlay_start_0:
0x88: {  	s2 =	sld [smem:$0x3FD9]  }
0x89: {  	s3 =	sld [smem:$0x3FFE];
	_ =	sdelay $0x1  }
0x8a: {  	s1 =	srdreg.scid  }
0x8b: {  	s0 =	sand.u32 $0x1, s1  }
0x8c: {  	s17 =	sshll.u32 s0, $0xA;
	s2 =	sadd.s32 s3, s2  }
0x8d: {  	s2 =	sadd.s32 s2, s17  }
0x8e: {  	[smem:$0x3FC2] =	sst s2  }
0x8f: {  	_ = 	snop  }
0x90: {  	s2 =	sld [smem:$0x3FC6]  }
0x91: {  	s18 =	sld [smem:$0x3FD0];
	(tm) =	ssettm $0x1  }
0x92: {  	s4 =	sld [smem:$0x3FFB];
	_ =	sdelay $0x3  }
0x93: {  	_ =	strace s4  }
0x94: {  	s4 =	sld [smem:$0x3FFC];
	_ =	sdelay $0x3  }
0x95: {  	_ =	strace s4  }
0x96: {  	s4 =	sld [smem:$0x3FFD];
	_ =	sdelay $0x3  }
0x97: {  	_ =	strace s4  }
0x98: {  	_ =	strace $0x8FFFFFFF  }
0x99: {  	s19 =	sld [smem:$0x3FDB];
	_ =	sdelay $0x1  }
0x9a: {  	s5 =	simm.s32 $_scs_section_size  }
0x9b: {  	s6 =	simm.s32 $_size__tile_overlayer_lowered;
	s7 =	simm.s32 $_tile_overlayer_lowered  }
0x9c: {  	s22 =	simm.s32 $0x1BFF;
	s21 =	sshll.u32 s7, $0x1;
	s4 =	sadd.s32 s5, s19  }
0x9d: {  	s8 =	simm.s32 $0x0;
	s20 =	sshll.u32 s6, $0x1;
	s6 =	sadd.s32 s21, s4  }
0x9e: {  	[timem:s8], [sflag:s22] =	dma.local [hbm:s6], s20  }
0x9f: {  	_ =	swait.ge [sflag:s22], s20  }
0xa0: {  	s5 =	ssub.s32 $0x0, s20;
	[sflag:s22] =	ssyncset.done $0x0  }
0xa1: {  	[sflag:s22] =	ssyncadd.s32 s5;
	_ =	sdelay $0x1  }
0xa2: {  	s23 =	simm.s32 $0x1B8B  }
0xa3: {  	_ =	swait.ge [sflag:s23], $0x1  }
0xa4: {  	[sflag:s23] =	ssyncset.done $0x0  }
0xa5: {  	s25 =	simm.s32 $0x1B8E;
	s24 =	sld [smem:$0x3FFE];
	[sflag:s23] =	ssyncadd.s32 $0xFFFFFFFF  }
0xa6: {  	s26 =	simm.s32 $execute0_lowered;
	[smem:$0x3FD2] =	sst s25  }
0xa7: {  	s6 =	sshll.u32 s26, $0x1;
	_ =	strace $0x8000004C;
	[dreg:$0x1] =	wrdreg $0xFFFFFFFF  }
0xa8: {  	s28 =	simm.s32 $_size_execute0_lowered;
	s4 =	sadd.s32 s4, s6;
	[dreg:$0x0] =	wrdreg $0x0  }
0xa9: {  	s6 =	sshll.u32 s28, $0x1;
	[dreg:$0x2] =	wrdreg s4  }
0xaa: {  	[dreg:$0x3] =	wrdreg s6  }
0xab: {  	[dreg:$0x4] =	wrdreg $0xC0  }
0xac: {  	_ =	task [dreg:s8], $0x5FFFF  }
0xad: {  	[dreg:$0x1] =	wrdreg $0xFFFFFFFF  }
0xae: {  	[dreg:$0x0] =	wrdreg $0x60  }
0xaf: {  	[dreg:$0x2] =	wrdreg s24  }
0xb0: {  	[dreg:$0x3] =	wrdreg s2  }
0xb1: {  	[dreg:$0x4] =	wrdreg s18  }
0xb2: {  	[dreg:$0x5] =	wrdreg $0x1B5900  }
0xb3: {  	[dreg:$0x6] =	wrdreg $0x18E100  }
0xb4: {  	[dreg:$0x7] =	wrdreg $0x9  }
0xb5: {  	_ =	task.clear_ibuf [dreg:s8], $0x8FFFF;
	_ =	strace $0x9000004C  }
0xb6: {  	s29 =	simm.s32 $0x9;
	_ =	strace $0x8000004E  }
0xb7: {  	_ =	swait.ge [sflag:s29], $0x1  }
0xb8: {  	[sflag:s29] =	ssyncadd.s32 $0xFFFFFFFF  }
0xb9: {  	_ =	strace $0x9000004E  }
0xba: {  	_ =	sfence  }
0xbb: {  	s30 =	sld [smem:$0x0];
	_ =	sdelay $0x2  }
0xbc: {  	s31 =	sshll.u32 s1, $0xD;
	s1 =	sshrl.u32 s1, $0x2  }
0xbd: {  	s3 =	sand.u32 $0x4000, s31;
	s1 =	sadd.s32 s1, s30  }
0xbe: {  	s0 =	sor.u32 s3, s0;
	s1 =	sshll.u32 s1, $0x11  }
0xbf: {  	s0 =	sor.u32 s1, s0  }
0xc0: {  	s0 =	sadd.s32 $0x8F2B, s0  }
0xc1: {  	[sflag:s0] =	ssyncadd.remote.s32 $0x1  }
0xc2: {  	_ =	sfence.sel $0xFFFF  }
0xc3: {  	[dreg:$0x0] =	wrdreg $0xFFFFFFFF;
	(pc) =	sbr.abs _section_cstart, $3  }
0xc4: {  	[dreg:$0x1] =	wrdreg $0xFFFFFFFF  }
0xc5: {  	_ =	task.clear_ibuf [dreg:s8], $0x2FFFF;
	_ =	strace $0x9FFFFFFF  }
0xc6: {  	(tm) =	ssettm $0x7FFFFFFF  }
0xc7: {  	_ =	shalt  }
tec
execute0_lowered:
.L_overlay_start_1:
0x0: {  	(tag) =	ssettag $0x1  }
0x1: {  	s0 =	rddreg [dreg:$0x0]  }
0x2: {  	s1 =	rddreg [dreg:$0x2]  }
0x3: {  	s3 =	rddreg [dreg:$0x3]  }
0x4: {  	s4 =	rddreg [dreg:$0x4];
	s12 =	stileid.u32  }
0x5: {  	s6 =	srdreg.scid;
	s5 =	simm.s32 $0x0;
	s16 =	simm.s32 $0xF000  }
0x6: {  	s17 =	simm.s32 $0xB;
	s28 =	simm.s32 $0x9000;
	s30 =	simm.s32 $0xB000  }
0x7: {  	s20 =	simm.s32 $0x3;
	s31 =	simm.s32 $0x5;
	s18 =	simm.s32 $0x7  }
0x8: {  	s2 =	smul.u32 $0x2780, s12;
	s6 =	sand.u32 $0x1, s6;
	[smem:$0x7FF] =	sst s5  }
0x9: {  	s29 =	simm.s32 $0x8;
	s8 =	smul.u32 $0x27800, s6;
	_ =	strace $0x8000004D  }
0xa: {  	s9 =	ssub.s32 $0x2, s6;
	s10 =	sshll.u32 s6, $0x4;
	p0 =	seq.s32 s6, $0x0  }
0xb: {  	s6 =	simm.s32 $0x9;
	s7 =	sshrl.u32 s2, $0x3;
	s11 =	sshrl.u32 s9, $0x1  }
0xc: {  	s10 =	sor.u32 s12, s10;
	s25 =	sadd.s32 s2, s3;
	s12 =	sadd.s32 s2, s4  }
0xd: {  	s7 =	sadd.s32 s7, s0;
	s8 =	sadd.s32 s2, s8;
	s9 =	ssub.s32 s9, s11  }
0xe: {  	s21 =	smul.u32 $0x2710, s10;
	[dreg:$0xa] =	wrdreg s25;
	s22 =	sadd.s32 $0x6C00, s7  }
0xf: {  	s25 =	simm.s32 $0x7000;
	s23 =	sadd.s32 $0xBB00, s7;
	[dreg:$0x6] =	wrdreg s22  }
0x10: {  	s2 =	simm.s32 $0xD000;
	s24 =	sadd.s32 $0x1C00, s7;
	[dreg:$0x7] =	wrdreg s23  }
0x11: {  	s8 =	sshrl.u32 s8, $0x3;
	s7 =	sadd.s32 $0x10A00, s7;
	[dreg:$0x8] =	wrdreg s24  }
0x12: {  	s15 =	smax.u32 s9, $0x1;
	s0 =	sadd.s32 s8, s0;
	[dreg:$0x9] =	wrdreg s7  }
0x13: {  	s26 =	sshrl.u32 s21, $0x3;
	s8 =	simm.f32 $0.0e+00;
	s22 =	simm.s32 $0x2800  }
0x14: {  	s23 =	simm.s32 $0x200;
	s24 =	simm.s32 $0x5000;
	s21 =	simm.s32 $0x6  }
0x15: {  	s7 =	simm.s32 $0xA;
	s11 =	sadd.s32 s1, s26;
	s8 =	simm.s32 @!p0 $0x3F800000  }
0x16: {  	s14 =	sadd.s32 $0x15A00, s0;
	s0 =	simm.s32 $0x1;
	s1 =	simm.s32 $0x2  }
0x17: {  	v1 =	vimm.f32 $0.0e+00;
	v2 =	vimm.s32 $0x2710;
	s26 =	simm.s32 $0x4;
	s13 =	sadd.s32 $0x9C40, s11;
	v0 =	vmov s8;
	s8 =	simm.s32 $0x0  }
.LBB2_1:
0x18: {  	s9 =	rddreg [dreg:$0x6]  }
0x19: {  	[tilespmem:s16], [sflag:$0xB] =	stream.linear.gather [hbm4b:s9+s5], $0x2780, $0x38;
	[tilespmem:$0x1DD10] =	vst v63  }
0x1a: {  	_ =	swait.ge [sflag:s17], $0x2780  }
0x1b: {  	[sflag:s17] =	ssyncset.done $0x0  }
0x1c: {  	s10 =	simm.s32 $0x11780;
	s19 =	rddreg [dreg:$0x7];
	[sflag:s17] =	ssyncadd.s32 $0xFFFFD880  }
0x1d: {  	[tilespmem:s10], [sflag:$0xB] =	stream.linear.gather [hbm4b:s19+s5], $0x2780, $0x38;
	[tilespmem:$0x1DD10] =	vst v63  }
0x1e: {  	_ =	swait.ge [sflag:s17], $0x2780  }
0x1f: {  	[sflag:s17] =	ssyncset.done $0x0  }
0x20: {  	s19 =	simm.s32 $0x16680;
	s10 =	rddreg [dreg:$0x8];
	[sflag:s17] =	ssyncadd.s32 $0xFFFFD880  }
0x21: {  	[tilespmem:s19], [sflag:$0xB] =	stream.linear.gather [hbm4b:s10+s5], $0x2780, $0x38;
	[tilespmem:$0x1DD10] =	vst v63  }
0x22: {  	_ =	swait.ge [sflag:s17], $0x2780  }
0x23: {  	[sflag:s17] =	ssyncset.done $0x0  }
0x24: {  	s19 =	simm.s32 $0x13F00;
	s10 =	rddreg [dreg:$0x9];
	[sflag:s17] =	ssyncadd.s32 $0xFFFFD880  }
0x25: {  	[tilespmem:s19], [sflag:$0xB] =	stream.linear.gather [hbm4b:s10+s5], $0x2780, $0x38;
	[tilespmem:$0x1DD10] =	vst v63  }
0x26: {  	_ =	swait.ge [sflag:s17], $0x2780  }
0x27: {  	[sflag:s17] =	ssyncset.done $0x0  }
0x28: {  	[sflag:s17] =	ssyncadd.s32 $0xFFFFD880  }
0x29: {  	s19 =	simm.s32 $0x18E00;
	s10 =	rddreg [dreg:$0x1]  }
0x2a: {  	[tilespmem:s19], [sflag:$0xB] =	stream.linear.gather [hbm4b:s10+s5], $0x10, $0x38;
	[tilespmem:$0x1DD10] =	vst v63  }
0x2b: {  	_ =	swait.ge [sflag:s17], $0x10  }
0x2c: {  	[sflag:s17] =	ssyncset.done $0x0  }
0x2d: {  	s9 =	simm.s32 $0x0;
	[sflag:s17] =	ssyncadd.s32 $0xFFFFFFF0  }
0x2e: {  	v3 =	vld [tilespmem:s9+$0xF000]  }
0x2f: {  	v4 =	vld [tilespmem:s9+$0x11780];
	_ =	sdelay $0x1  }
0x30: {  	v5 =	vld [tilespmem:s9+$0x16680];
	_ =	sdelay $0x1  }
0x31: {  	v6 =	vld [tilespmem:s9+$0x13F00]  }
0x32: {  	v3 =	vadd.f32 v4, v3  }
0x33: {  	v4 =	vld [tilespmem:$0x18E00]  }
0x34: {  	v3 =	vadd.f32 v5, v3;
	_ =	sdelay $0x1  }
0x35: {  	v3 =	vmul.f32 v3, v6  }
0x36: {  	v5 =	vld [tilespmem:s9+$0xF010]  }
0x37: {  	v3 =	vadd.f32 v4, v3;
	v4 =	vld [tilespmem:s9+$0x11790];
	_ =	sdelay $0x1  }
0x38: {  	v7 =	vld [tilespmem:s9+$0x16690];
	v3 =	vmax.f32 v3, $0.0e+00  }
0x39: {  	v3 =	vmul.f32 v3, v6  }
0x3a: {  	v6 =	vld [tilespmem:s9+$0x13F10]  }
0x3b: {  	[tilespmem:s9+$0x16680] =	vst v3;
	v3 =	vadd.f32 v4, v5  }
0x3c: {  	v4 =	vld [tilespmem:$0x18E00]  }
0x3d: {  	v3 =	vadd.f32 v7, v3;
	_ =	sdelay $0x1  }
0x3e: {  	v3 =	vmul.f32 v3, v6  }
0x3f: {  	v5 =	vld [tilespmem:s9+$0xF020]  }
0x40: {  	v3 =	vadd.f32 v4, v3;
	v4 =	vld [tilespmem:s9+$0x117A0];
	_ =	sdelay $0x1  }
0x41: {  	v7 =	vld [tilespmem:s9+$0x166A0];
	v3 =	vmax.f32 v3, $0.0e+00  }
0x42: {  	v3 =	vmul.f32 v3, v6  }
0x43: {  	v6 =	vld [tilespmem:s9+$0x13F20]  }
0x44: {  	[tilespmem:s9+$0x16690] =	vst v3;
	v3 =	vadd.f32 v4, v5  }
0x45: {  	v4 =	vld [tilespmem:$0x18E00]  }
0x46: {  	v3 =	vadd.f32 v7, v3;
	_ =	sdelay $0x1  }
0x47: {  	v3 =	vmul.f32 v3, v6  }
0x48: {  	v5 =	vld [tilespmem:s9+$0xF030]  }
0x49: {  	v3 =	vadd.f32 v4, v3;
	v4 =	vld [tilespmem:s9+$0x117B0];
	_ =	sdelay $0x1  }
0x4a: {  	v7 =	vld [tilespmem:s9+$0x166B0];
	v3 =	vmax.f32 v3, $0.0e+00  }
0x4b: {  	v3 =	vmul.f32 v3, v6  }
0x4c: {  	v6 =	vld [tilespmem:s9+$0x13F30]  }
0x4d: {  	[tilespmem:s9+$0x166A0] =	vst v3;
	v3 =	vadd.f32 v4, v5  }
0x4e: {  	v4 =	vld [tilespmem:$0x18E00]  }
0x4f: {  	v3 =	vadd.f32 v7, v3;
	_ =	sdelay $0x1  }
0x50: {  	v3 =	vmul.f32 v3, v6  }
0x51: {  	v5 =	vld [tilespmem:s9+$0xF040]  }
0x52: {  	v3 =	vadd.f32 v4, v3;
	v4 =	vld [tilespmem:s9+$0x117C0];
	_ =	sdelay $0x1  }
0x53: {  	v7 =	vld [tilespmem:s9+$0x166C0];
	v3 =	vmax.f32 v3, $0.0e+00  }
0x54: {  	v3 =	vmul.f32 v3, v6  }
0x55: {  	v6 =	vld [tilespmem:s9+$0x13F40]  }
0x56: {  	[tilespmem:s9+$0x166B0] =	vst v3;
	v3 =	vadd.f32 v4, v5  }
0x57: {  	v4 =	vld [tilespmem:$0x18E00]  }
0x58: {  	v3 =	vadd.f32 v7, v3;
	_ =	sdelay $0x1  }
0x59: {  	v3 =	vmul.f32 v3, v6  }
0x5a: {  	v5 =	vld [tilespmem:s9+$0xF050]  }
0x5b: {  	v3 =	vadd.f32 v4, v3;
	v4 =	vld [tilespmem:s9+$0x117D0];
	_ =	sdelay $0x1  }
0x5c: {  	v7 =	vld [tilespmem:s9+$0x166D0];
	v3 =	vmax.f32 v3, $0.0e+00  }
0x5d: {  	v3 =	vmul.f32 v3, v6  }
0x5e: {  	v6 =	vld [tilespmem:s9+$0x13F50]  }
0x5f: {  	[tilespmem:s9+$0x166C0] =	vst v3;
	v3 =	vadd.f32 v4, v5  }
0x60: {  	v4 =	vld [tilespmem:$0x18E00]  }
0x61: {  	v3 =	vadd.f32 v7, v3;
	_ =	sdelay $0x1  }
0x62: {  	v3 =	vmul.f32 v3, v6  }
0x63: {  	v5 =	vld [tilespmem:s9+$0xF060]  }
0x64: {  	v3 =	vadd.f32 v4, v3;
	v4 =	vld [tilespmem:s9+$0x117E0];
	_ =	sdelay $0x1  }
0x65: {  	v7 =	vld [tilespmem:s9+$0x166E0];
	v3 =	vmax.f32 v3, $0.0e+00  }
0x66: {  	v3 =	vmul.f32 v3, v6  }
0x67: {  	v6 =	vld [tilespmem:s9+$0x13F60]  }
0x68: {  	[tilespmem:s9+$0x166D0] =	vst v3;
	v3 =	vadd.f32 v4, v5  }
0x69: {  	v4 =	vld [tilespmem:$0x18E00]  }
0x6a: {  	v3 =	vadd.f32 v7, v3;
	_ =	sdelay $0x1  }
0x6b: {  	v5 =	vld [tilespmem:s9+$0xF070];
	v3 =	vmul.f32 v3, v6  }
0x6c: {  	v7 =	vld [tilespmem:s9+$0x117F0]  }
0x6d: {  	v3 =	vadd.f32 v4, v3  }
0x6e: {  	v4 =	vld [tilespmem:s9+$0x166F0]  }
0x6f: {  	v8 =	vmax.f32 v3, $0.0e+00  }
0x70: {  	v6 =	vmul.f32 v8, v6  }
0x71: {  	v5 =	vadd.f32 v7, v5;
	v3 =	vld [tilespmem:s9+$0x13F70]  }
0x72: {  	[tilespmem:s9+$0x166E0] =	vst v6  }
0x73: {  	v4 =	vadd.f32 v4, v5;
	v5 =	vld [tilespmem:$0x18E00];
	_ =	sdelay $0x2  }
0x74: {  	s10 =	simm.s32 $0x80;
	v6 =	vmul.f32 v4, v3  }
0x75: {  	s19 =	simm.s32 $0x400;
	v4 =	vld [tilespmem:s10+$0xF000]  }
.LBB2_2:
0x76: {  	p0 =	sne.s32 s19, $0x9C00;
	v7 =	vld [tilespmem:s10+$0x11780];
	v5 =	vadd.f32 v5, v6;
	_ =	sdelay $0x1  }
0x77: {  	v6 =	vld [tilespmem:s10+$0x16680];
	v5 =	vmax.f32 v5, $0.0e+00  }
0x78: {  	v3 =	vmul.f32 v5, v3  }
0x79: {  	v5 =	vld [tilespmem:s10+$0x13F00]  }
0x7a: {  	v4 =	vadd.f32 v7, v4;
	[tilespmem:s9+$0x166F0] =	vst v3;
	s9 =	smov.u32 s10  }
0x7b: {  	v3 =	vld [tilespmem:$0x18E00]  }
0x7c: {  	v4 =	vadd.f32 v6, v4;
	_ =	sdelay $0x1  }
0x7d: {  	v4 =	vmul.f32 v4, v5  }
0x7e: {  	v6 =	vld [tilespmem:s9+$0xF010]  }
0x7f: {  	v3 =	vadd.f32 v3, v4;
	v4 =	vld [tilespmem:s9+$0x11790];
	_ =	sdelay $0x1  }
0x80: {  	v3 =	vmax.f32 v3, $0.0e+00;
	v7 =	vld [tilespmem:s9+$0x16690]  }
0x81: {  	v3 =	vmul.f32 v3, v5  }
0x82: {  	v5 =	vld [tilespmem:s9+$0x13F10]  }
0x83: {  	[tilespmem:s9+$0x16680] =	vst v3;
	v3 =	vadd.f32 v4, v6  }
0x84: {  	v4 =	vld [tilespmem:$0x18E00]  }
0x85: {  	v3 =	vadd.f32 v7, v3;
	_ =	sdelay $0x1  }
0x86: {  	v3 =	vmul.f32 v3, v5  }
0x87: {  	v6 =	vld [tilespmem:s9+$0xF020]  }
0x88: {  	v3 =	vadd.f32 v4, v3;
	v4 =	vld [tilespmem:s9+$0x117A0];
	_ =	sdelay $0x1  }
0x89: {  	v3 =	vmax.f32 v3, $0.0e+00;
	v7 =	vld [tilespmem:s9+$0x166A0]  }
0x8a: {  	v3 =	vmul.f32 v3, v5  }
0x8b: {  	v5 =	vld [tilespmem:s9+$0x13F20]  }
0x8c: {  	[tilespmem:s9+$0x16690] =	vst v3;
	v3 =	vadd.f32 v4, v6  }
0x8d: {  	v4 =	vld [tilespmem:$0x18E00]  }
0x8e: {  	v3 =	vadd.f32 v7, v3;
	_ =	sdelay $0x1  }
0x8f: {  	v3 =	vmul.f32 v3, v5  }
0x90: {  	v6 =	vld [tilespmem:s9+$0xF030]  }
0x91: {  	v3 =	vadd.f32 v4, v3;
	v4 =	vld [tilespmem:s9+$0x117B0];
	_ =	sdelay $0x1  }
0x92: {  	v3 =	vmax.f32 v3, $0.0e+00;
	v7 =	vld [tilespmem:s9+$0x166B0]  }
0x93: {  	v3 =	vmul.f32 v3, v5  }
0x94: {  	v5 =	vld [tilespmem:s9+$0x13F30]  }
0x95: {  	[tilespmem:s9+$0x166A0] =	vst v3;
	v3 =	vadd.f32 v4, v6  }
0x96: {  	v4 =	vld [tilespmem:$0x18E00]  }
0x97: {  	v3 =	vadd.f32 v7, v3;
	_ =	sdelay $0x1  }
0x98: {  	v3 =	vmul.f32 v3, v5  }
0x99: {  	v6 =	vld [tilespmem:s9+$0xF040]  }
0x9a: {  	v3 =	vadd.f32 v4, v3;
	v4 =	vld [tilespmem:s9+$0x117C0];
	_ =	sdelay $0x1  }
0x9b: {  	v3 =	vmax.f32 v3, $0.0e+00;
	v7 =	vld [tilespmem:s9+$0x166C0]  }
0x9c: {  	v3 =	vmul.f32 v3, v5  }
0x9d: {  	v5 =	vld [tilespmem:s9+$0x13F40]  }
0x9e: {  	[tilespmem:s9+$0x166B0] =	vst v3;
	v3 =	vadd.f32 v4, v6  }
0x9f: {  	v4 =	vld [tilespmem:$0x18E00]  }
0xa0: {  	v3 =	vadd.f32 v7, v3;
	_ =	sdelay $0x1  }
0xa1: {  	v3 =	vmul.f32 v3, v5  }
0xa2: {  	v6 =	vld [tilespmem:s9+$0xF050]  }
0xa3: {  	v3 =	vadd.f32 v4, v3;
	v4 =	vld [tilespmem:s9+$0x117D0];
	_ =	sdelay $0x1  }
0xa4: {  	v3 =	vmax.f32 v3, $0.0e+00;
	v7 =	vld [tilespmem:s9+$0x166D0]  }
0xa5: {  	v3 =	vmul.f32 v3, v5  }
0xa6: {  	v5 =	vld [tilespmem:s9+$0x13F50]  }
0xa7: {  	[tilespmem:s9+$0x166C0] =	vst v3;
	v3 =	vadd.f32 v4, v6  }
0xa8: {  	v4 =	vld [tilespmem:$0x18E00]  }
0xa9: {  	v3 =	vadd.f32 v7, v3;
	_ =	sdelay $0x1  }
0xaa: {  	v3 =	vmul.f32 v3, v5  }
0xab: {  	v6 =	vld [tilespmem:s9+$0xF060]  }
0xac: {  	v3 =	vadd.f32 v4, v3;
	v4 =	vld [tilespmem:s9+$0x117E0];
	_ =	sdelay $0x1  }
0xad: {  	v3 =	vmax.f32 v3, $0.0e+00;
	v7 =	vld [tilespmem:s9+$0x166E0]  }
0xae: {  	v3 =	vmul.f32 v3, v5  }
0xaf: {  	v5 =	vld [tilespmem:s9+$0x13F60]  }
0xb0: {  	[tilespmem:s9+$0x166D0] =	vst v3;
	v3 =	vadd.f32 v4, v6  }
0xb1: {  	v4 =	vld [tilespmem:$0x18E00]  }
0xb2: {  	v3 =	vadd.f32 v7, v3;
	_ =	sdelay $0x1  }
0xb3: {  	v3 =	vmul.f32 v3, v5  }
0xb4: {  	v6 =	vld [tilespmem:s9+$0xF070]  }
0xb5: {  	v3 =	vadd.f32 v4, v3;
	v4 =	vld [tilespmem:s9+$0x117F0];
	_ =	sdelay $0x1  }
0xb6: {  	v3 =	vmax.f32 v3, $0.0e+00;
	v7 =	vld [tilespmem:s9+$0x166F0]  }
0xb7: {  	v5 =	vmul.f32 v3, v5  }
0xb8: {  	v3 =	vld [tilespmem:s9+$0x13F70]  }
0xb9: {  	[tilespmem:s9+$0x166E0] =	vst v5;
	v4 =	vadd.f32 v4, v6  }
.Ltmp0:
0xba: {  	v5 =	vld [tilespmem:$0x18E00];
	(pc) =	sbr.rel @p0 .LBB2_2-.Ltmp0, $3  }
0xbb: {  	v4 =	vadd.f32 v7, v4;
	_ =	sdelay $0x1  }
0xbc: {  	s10 =	sshra.s32 s19, $0x2;
	v6 =	vmul.f32 v4, v3  }
0xbd: {  	s19 =	sadd.s32 $0x200, s19;
	v4 =	vld [tilespmem:s10+$0xF000]  }
0xbe: {  	v7 =	vld [tilespmem:s10+$0x11780];
	v5 =	vadd.f32 v5, v6;
	_ =	sdelay $0x1  }
0xbf: {  	v27 =	vld [tilespmem:s10+$0x16680];
	v5 =	vmax.f32 v5, $0.0e+00  }
0xc0: {  	v3 =	vmul.f32 v5, v3  }
0xc1: {  	v28 =	vld [tilespmem:s10+$0x13F00]  }
0xc2: {  	v4 =	vadd.f32 v7, v4;
	[tilespmem:s9+$0x166F0] =	vst v3  }
0xc3: {  	v3 =	vld [tilespmem:$0x18E00]  }
0xc4: {  	v4 =	vadd.f32 v27, v4;
	_ =	sdelay $0x1  }
0xc5: {  	v4 =	vmul.f32 v4, v28  }
0xc6: {  	v29 =	vld [tilespmem:s10+$0xF010]  }
0xc7: {  	v30 =	vld [tilespmem:s10+$0x11790];
	v3 =	vadd.f32 v3, v4;
	_ =	sdelay $0x1  }
0xc8: {  	v31 =	vld [tilespmem:s10+$0x16690];
	v3 =	vmax.f32 v3, $0.0e+00  }
0xc9: {  	v3 =	vmul.f32 v3, v28  }
0xca: {  	v32 =	vld [tilespmem:s10+$0x13F10]  }
0xcb: {  	[tilespmem:s10+$0x16680] =	vst v3;
	v3 =	vadd.f32 v30, v29  }
0xcc: {  	v33 =	vld [tilespmem:$0x18E00]  }
0xcd: {  	v3 =	vadd.f32 v31, v3;
	_ =	sdelay $0x1  }
0xce: {  	v3 =	vmul.f32 v3, v32  }
0xcf: {  	v34 =	vld [tilespmem:s10+$0xF020]  }
0xd0: {  	v35 =	vld [tilespmem:s10+$0x117A0];
	v3 =	vadd.f32 v33, v3;
	_ =	sdelay $0x1  }
0xd1: {  	v36 =	vld [tilespmem:s10+$0x166A0];
	v3 =	vmax.f32 v3, $0.0e+00  }
0xd2: {  	v3 =	vmul.f32 v3, v32  }
0xd3: {  	v37 =	vld [tilespmem:s10+$0x13F20]  }
0xd4: {  	[tilespmem:s10+$0x16690] =	vst v3;
	v3 =	vadd.f32 v35, v34  }
0xd5: {  	v38 =	vld [tilespmem:$0x18E00]  }
0xd6: {  	v3 =	vadd.f32 v36, v3;
	_ =	sdelay $0x1  }
0xd7: {  	v3 =	vmul.f32 v3, v37  }
0xd8: {  	v39 =	vld [tilespmem:s10+$0xF030]  }
0xd9: {  	v40 =	vld [tilespmem:s10+$0x117B0];
	v3 =	vadd.f32 v38, v3;
	_ =	sdelay $0x1  }
0xda: {  	v41 =	vld [tilespmem:s10+$0x166B0];
	v3 =	vmax.f32 v3, $0.0e+00  }
0xdb: {  	v3 =	vmul.f32 v3, v37  }
0xdc: {  	v42 =	vld [tilespmem:s10+$0x13F30]  }
0xdd: {  	[tilespmem:s10+$0x166A0] =	vst v3;
	v3 =	vadd.f32 v40, v39  }
0xde: {  	v43 =	vld [tilespmem:$0x18E00]  }
0xdf: {  	v3 =	vadd.f32 v41, v3;
	_ =	sdelay $0x1  }
0xe0: {  	v3 =	vmul.f32 v3, v42  }
0xe1: {  	v44 =	vld [tilespmem:s10+$0xF040]  }
0xe2: {  	v45 =	vld [tilespmem:s10+$0x117C0];
	v3 =	vadd.f32 v43, v3;
	_ =	sdelay $0x1  }
0xe3: {  	v46 =	vld [tilespmem:s10+$0x166C0];
	v3 =	vmax.f32 v3, $0.0e+00  }
0xe4: {  	v3 =	vmul.f32 v3, v42  }
0xe5: {  	v47 =	vld [tilespmem:s10+$0x13F40]  }
0xe6: {  	[tilespmem:s10+$0x166B0] =	vst v3;
	v3 =	vadd.f32 v45, v44  }
0xe7: {  	v48 =	vld [tilespmem:$0x18E00]  }
0xe8: {  	v3 =	vadd.f32 v46, v3;
	_ =	sdelay $0x1  }
0xe9: {  	v3 =	vmul.f32 v3, v47  }
0xea: {  	v49 =	vld [tilespmem:s10+$0xF050]  }
0xeb: {  	v50 =	vld [tilespmem:s10+$0x117D0];
	v3 =	vadd.f32 v48, v3;
	_ =	sdelay $0x1  }
0xec: {  	v51 =	vld [tilespmem:s10+$0x166D0];
	v3 =	vmax.f32 v3, $0.0e+00  }
0xed: {  	v3 =	vmul.f32 v3, v47  }
0xee: {  	v52 =	vld [tilespmem:s10+$0x13F50]  }
0xef: {  	[tilespmem:s10+$0x166C0] =	vst v3;
	v3 =	vadd.f32 v50, v49  }
0xf0: {  	v53 =	vld [tilespmem:$0x18E00]  }
0xf1: {  	v3 =	vadd.f32 v51, v3;
	_ =	sdelay $0x1  }
0xf2: {  	v3 =	vmul.f32 v3, v52  }
0xf3: {  	v54 =	vld [tilespmem:s10+$0xF060]  }
0xf4: {  	v55 =	vld [tilespmem:s10+$0x117E0];
	v3 =	vadd.f32 v53, v3;
	_ =	sdelay $0x1  }
0xf5: {  	v56 =	vld [tilespmem:s10+$0x166E0];
	v3 =	vmax.f32 v3, $0.0e+00  }
0xf6: {  	v3 =	vmul.f32 v3, v52  }
0xf7: {  	v57 =	vld [tilespmem:s10+$0x13F60]  }
0xf8: {  	[tilespmem:s10+$0x166D0] =	vst v3;
	v3 =	vadd.f32 v55, v54  }
0xf9: {  	v58 =	vld [tilespmem:$0x18E00]  }
0xfa: {  	v3 =	vadd.f32 v56, v3;
	_ =	sdelay $0x1  }
0xfb: {  	v3 =	vmul.f32 v3, v57  }
0xfc: {  	v59 =	vld [tilespmem:s10+$0xF070]  }
0xfd: {  	v60 =	vld [tilespmem:s10+$0x117F0];
	v3 =	vadd.f32 v58, v3;
	_ =	sdelay $0x1  }
0xfe: {  	v61 =	vld [tilespmem:s10+$0x166F0];
	v3 =	vmax.f32 v3, $0.0e+00  }
0xff: {  	v3 =	vmul.f32 v3, v57  }
0x100: {  	v62 =	vld [tilespmem:s10+$0x13F70]  }
0x101: {  	[tilespmem:s10+$0x166E0] =	vst v3;
	v3 =	vadd.f32 v60, v59  }
0x102: {  	v63 =	vld [tilespmem:$0x18E00]  }
0x103: {  	v3 =	vadd.f32 v61, v3;
	_ =	sdelay $0x1  }
0x104: {  	v3 =	vmul.f32 v3, v62;
	_ =	sdelay $0x1  }
0x105: {  	v3 =	vadd.f32 v63, v3;
	_ =	sdelay $0x1  }
0x106: {  	v3 =	vmax.f32 v3, $0.0e+00  }
0x107: {  	v3 =	vmul.f32 v3, v62;
	_ =	sdelay $0x1  }
0x108: {  	s19 =	simm.s32 $0x16680;
	[tilespmem:s10+$0x166F0] =	vst v3;
	s10 =	rddreg [dreg:$0xa]  }
0x109: {  	[spmem:s10] =	stream.linear.scatter [tilespmem:s19], [sflag:$0xB], $0x2780, $0x38;
	[tilespmem:$0x1DD10] =	vst v63  }
0x10a: {  	_ =	swait.ge [sflag:s17], $0x2780  }
0x10b: {  	[sflag:s17] =	ssyncset.done $0x0  }
0x10c: {  	s9 =	simm.s32 $0x0;
	s10 =	simm.s32 $0x200;
	[sflag:s17] =	ssyncadd.s32 $0xFFFFD880  }
.LBB2_4:
0x10d: {  	p0 =	sne.s32 s10, $0x9C00;
	[tilespmem:s9+$0xF070] =	vst v1  }
0x10e: {  	[tilespmem:s9+$0xF000] =	vst v1  }
0x10f: {  	[tilespmem:s9+$0xF010] =	vst v1  }
.Ltmp1:
0x110: {  	[tilespmem:s9+$0xF020] =	vst v1;
	(pc) =	sbr.rel @p0 .LBB2_4-.Ltmp1, $4  }
0x111: {  	[tilespmem:s9+$0xF030] =	vst v1  }
0x112: {  	[tilespmem:s9+$0xF040] =	vst v1  }
0x113: {  	[tilespmem:s9+$0xF050] =	vst v1  }
0x114: {  	[tilespmem:s9+$0xF060] =	vst v1;
	s9 =	sshra.s32 s10, $0x2;
	s10 =	sadd.s32 $0x200, s10  }
0x115: {  	[tilespmem:s9+$0xF070] =	vst v1  }
0x116: {  	[tilespmem:s9+$0xF000] =	vst v1  }
0x117: {  	[tilespmem:s9+$0xF010] =	vst v1  }
0x118: {  	[tilespmem:s9+$0xF020] =	vst v1  }
0x119: {  	[tilespmem:s9+$0xF030] =	vst v1  }
0x11a: {  	[tilespmem:s9+$0xF040] =	vst v1  }
0x11b: {  	[tilespmem:s9+$0xF050] =	vst v1  }
0x11c: {  	[tilespmem:s9+$0xF060] =	vst v1  }
0x11d: {  	[spmem:s12] =	stream.linear.scatter [tilespmem:s16], [sflag:$0xB], $0x2780, $0x38;
	[tilespmem:$0x1DD10] =	vst v63  }
0x11e: {  	_ =	swait.ge [sflag:s17], $0x2780  }
0x11f: {  	[sflag:s17] =	ssyncset.done $0x0  }
0x120: {  	[sflag:s17] =	ssyncadd.s32 $0xFFFFD880  }
0x121: {  	s10 =	simm.s32 $0x0;
	[bflag:$0x0] =	sbarrier.arrive $0xFFFF  }
0x122: {  	[tilespmem:s10], [sflag:$0xB] =	stream.linear.gather [hbm4b:s11+s10], $0x2710, $0x38;
	[tilespmem:$0x1DD10] =	vst v63  }
0x123: {  	_ =	swait.ge [sflag:s17], $0x2710  }
0x124: {  	[sflag:s17] =	ssyncset.done $0x0  }
0x125: {  	[sflag:s17] =	ssyncadd.s32 $0xFFFFD8F0  }
0x126: {  	[tilespmem:s22], [sflag:$0xB] =	stream.linear.gather [hbm4b:s13+s10], $0x2710, $0x38;
	[tilespmem:$0x1DD10] =	vst v63  }
0x127: {  	_ =	swait.ge [sflag:s17], $0x2710  }
0x128: {  	[sflag:s17] =	ssyncset.done $0x0  }
0x129: {  	[sflag:s17] =	ssyncadd.s32 $0xFFFFD8F0  }
0x12a: {  	[tilespmem:$0x2710] =	vst v2  }
0x12b: {  	[tilespmem:$0x2720] =	vst v2  }
0x12c: {  	[tilespmem:$0x2730] =	vst v2  }
0x12d: {  	[tilespmem:$0x2740] =	vst v2  }
0x12e: {  	[tilespmem:$0x2750] =	vst v2  }
0x12f: {  	[tilespmem:$0x2760] =	vst v2  }
0x130: {  	[tilespmem:$0x2770] =	vst v2  }
0x131: {  	[tilespmem:$0x2780] =	vst v2  }
0x132: {  	[tilespmem:$0x2790] =	vst v2  }
0x133: {  	[tilespmem:$0x27A0] =	vst v2  }
0x134: {  	[tilespmem:$0x27B0] =	vst v2  }
0x135: {  	[tilespmem:$0x27C0] =	vst v2  }
0x136: {  	[tilespmem:$0x27D0] =	vst v2  }
0x137: {  	[tilespmem:$0x27E0] =	vst v2  }
0x138: {  	[tilespmem:$0x27F0] =	vst v2  }
0x139: {  	[tilespmem:$0x4F10] =	vst v2  }
0x13a: {  	[tilespmem:$0x4F20] =	vst v2  }
0x13b: {  	[tilespmem:$0x4F30] =	vst v2  }
0x13c: {  	[tilespmem:$0x4F40] =	vst v2  }
0x13d: {  	[tilespmem:$0x4F50] =	vst v2  }
0x13e: {  	[tilespmem:$0x4F60] =	vst v2  }
0x13f: {  	[tilespmem:$0x4F70] =	vst v2  }
0x140: {  	[tilespmem:$0x4F80] =	vst v2  }
0x141: {  	[tilespmem:$0x4F90] =	vst v2  }
0x142: {  	[tilespmem:$0x4FA0] =	vst v2  }
0x143: {  	[tilespmem:$0x4FB0] =	vst v2  }
0x144: {  	[tilespmem:$0x4FC0] =	vst v2  }
0x145: {  	[tilespmem:$0x4FD0] =	vst v2  }
0x146: {  	[tilespmem:$0x4FE0] =	vst v2  }
0x147: {  	[tilespmem:$0x4FF0] =	vst v2  }
0x148: {  	[tilespmem:s24], [sflag:$0x1] =	stream.indirect.gather [spmem:s3], $0x10, s10, s23, $0xb8;
	[tilespmem:$0x1DD10] =	vst v63  }
0x149: {  	_ = 	snop  }
0x14a: {  	[tilespmem:s25], [sflag:$0x2] =	stream.indirect.gather [spmem:s3], $0x10, s23, s23, $0xb8;
	[tilespmem:$0x1DD10] =	vst v63  }
0x14b: {  	s19 =	simm.s32 $0x400  }
0x14c: {  	[tilespmem:s28], [sflag:$0x3] =	stream.indirect.gather [spmem:s3], $0x10, s19, s23, $0xb8;
	[tilespmem:$0x1DD10] =	vst v63  }
0x14d: {  	s10 =	simm.s32 $0x600  }
0x14e: {  	[tilespmem:s30], [sflag:$0x4] =	stream.indirect.gather [spmem:s3], $0x10, s10, s23, $0xb8;
	[tilespmem:$0x1DD10] =	vst v63  }
0x14f: {  	s19 =	simm.s32 $0x800  }
0x150: {  	[tilespmem:s2], [sflag:$0x5] =	stream.indirect.gather [spmem:s3], $0x10, s19, s23, $0xb8;
	[tilespmem:$0x1DD10] =	vst v63  }
0x151: {  	_ =	swait.ge [sflag:s0], $0x2000  }
0x152: {  	[sflag:s0] =	ssyncset.done $0x0  }
0x153: {  	[sflag:s0] =	ssyncadd.s32 $0xFFFFE000  }
0x154: {  	[spmem:s4] =	stream.indirect.scatter.add.f32 [tilespmem:s24], [sflag:$0x6], $0x10, s22, s23, $0xb8;
	[tilespmem:$0x1DD10] =	vst v63  }
0x155: {  	_ =	swait.ge [sflag:s1], $0x2000  }
0x156: {  	[sflag:s1] =	ssyncset.done $0x0  }
0x157: {  	s10 =	simm.s32 $0x2A00;
	[sflag:s1] =	ssyncadd.s32 $0xFFFFE000  }
0x158: {  	[spmem:s4] =	stream.indirect.scatter.add.f32 [tilespmem:s25], [sflag:$0x7], $0x10, s10, s23, $0xb8;
	[tilespmem:$0x1DD10] =	vst v63  }
0x159: {  	_ =	swait.ge [sflag:s20], $0x2000  }
0x15a: {  	[sflag:s20] =	ssyncset.done $0x0  }
0x15b: {  	s19 =	simm.s32 $0x2C00;
	[sflag:s20] =	ssyncadd.s32 $0xFFFFE000  }
0x15c: {  	[spmem:s4] =	stream.indirect.scatter.add.f32 [tilespmem:s28], [sflag:$0x8], $0x10, s19, s23, $0xb8;
	[tilespmem:$0x1DD10] =	vst v63  }
0x15d: {  	_ =	swait.ge [sflag:s26], $0x2000  }
0x15e: {  	[sflag:s26] =	ssyncset.done $0x0  }
0x15f: {  	s10 =	simm.s32 $0x2E00;
	[sflag:s26] =	ssyncadd.s32 $0xFFFFE000  }
0x160: {  	[spmem:s4] =	stream.indirect.scatter.add.f32 [tilespmem:s30], [sflag:$0x9], $0x10, s10, s23, $0xb8;
	[tilespmem:$0x1DD10] =	vst v63  }
0x161: {  	_ =	swait.ge [sflag:s31], $0x2000  }
0x162: {  	[sflag:s31] =	ssyncset.done $0x0  }
0x163: {  	s19 =	simm.s32 $0x3000;
	[sflag:s31] =	ssyncadd.s32 $0xFFFFE000  }
0x164: {  	[spmem:s4] =	stream.indirect.scatter.add.f32 [tilespmem:s2], [sflag:$0xA], $0x10, s19, s23, $0xb8;
	[tilespmem:$0x1DD10] =	vst v63  }
0x165: {  	_ =	swait.ge [sflag:s21], $0x2000  }
0x166: {  	[sflag:s21] =	ssyncset.done $0x0  }
0x167: {  	s10 =	simm.s32 $0xA00;
	[sflag:s21] =	ssyncadd.s32 $0xFFFFE000  }
0x168: {  	[tilespmem:s24], [sflag:$0x1] =	stream.indirect.gather [spmem:s3], $0x10, s10, s23, $0xb8;
	[tilespmem:$0x1DD10] =	vst v63  }
0x169: {  	_ =	swait.ge [sflag:s18], $0x2000  }
0x16a: {  	[sflag:s18] =	ssyncset.done $0x0  }
0x16b: {  	s19 =	simm.s32 $0xC00;
	[sflag:s18] =	ssyncadd.s32 $0xFFFFE000  }
0x16c: {  	[tilespmem:s25], [sflag:$0x2] =	stream.indirect.gather [spmem:s3], $0x10, s19, s23, $0xb8;
	[tilespmem:$0x1DD10] =	vst v63  }
0x16d: {  	_ =	swait.ge [sflag:s29], $0x2000  }
0x16e: {  	[sflag:s29] =	ssyncset.done $0x0  }
0x16f: {  	s10 =	simm.s32 $0xE00;
	[sflag:s29] =	ssyncadd.s32 $0xFFFFE000  }
0x170: {  	[tilespmem:s28], [sflag:$0x3] =	stream.indirect.gather [spmem:s3], $0x10, s10, s23, $0xb8;
	[tilespmem:$0x1DD10] =	vst v63  }
0x171: {  	_ =	swait.ge [sflag:s6], $0x2000  }
0x172: {  	[sflag:s6] =	ssyncset.done $0x0  }
0x173: {  	s19 =	simm.s32 $0x1000;
	[sflag:s6] =	ssyncadd.s32 $0xFFFFE000  }
0x174: {  	[tilespmem:s30], [sflag:$0x4] =	stream.indirect.gather [spmem:s3], $0x10, s19, s23, $0xb8;
	[tilespmem:$0x1DD10] =	vst v63  }
0x175: {  	_ =	swait.ge [sflag:s7], $0x2000  }
0x176: {  	[sflag:s7] =	ssyncset.done $0x0  }
0x177: {  	s10 =	simm.s32 $0x1200;
	[sflag:s7] =	ssyncadd.s32 $0xFFFFE000  }
0x178: {  	[tilespmem:s2], [sflag:$0x5] =	stream.indirect.gather [spmem:s3], $0x10, s10, s23, $0xb8;
	[tilespmem:$0x1DD10] =	vst v63  }
0x179: {  	_ =	swait.ge [sflag:s0], $0x2000  }
0x17a: {  	[sflag:s0] =	ssyncset.done $0x0  }
0x17b: {  	s19 =	simm.s32 $0x3200;
	[sflag:s0] =	ssyncadd.s32 $0xFFFFE000  }
0x17c: {  	[spmem:s4] =	stream.indirect.scatter.add.f32 [tilespmem:s24], [sflag:$0x6], $0x10, s19, s23, $0xb8;
	[tilespmem:$0x1DD10] =	vst v63  }
0x17d: {  	_ =	swait.ge [sflag:s1], $0x2000  }
0x17e: {  	[sflag:s1] =	ssyncset.done $0x0  }
0x17f: {  	s10 =	simm.s32 $0x3400;
	[sflag:s1] =	ssyncadd.s32 $0xFFFFE000  }
0x180: {  	[spmem:s4] =	stream.indirect.scatter.add.f32 [tilespmem:s25], [sflag:$0x7], $0x10, s10, s23, $0xb8;
	[tilespmem:$0x1DD10] =	vst v63  }
0x181: {  	_ =	swait.ge [sflag:s20], $0x2000  }
0x182: {  	[sflag:s20] =	ssyncset.done $0x0  }
0x183: {  	s19 =	simm.s32 $0x3600;
	[sflag:s20] =	ssyncadd.s32 $0xFFFFE000  }
0x184: {  	[spmem:s4] =	stream.indirect.scatter.add.f32 [tilespmem:s28], [sflag:$0x8], $0x10, s19, s23, $0xb8;
	[tilespmem:$0x1DD10] =	vst v63  }
0x185: {  	_ =	swait.ge [sflag:s26], $0x2000  }
0x186: {  	[sflag:s26] =	ssyncset.done $0x0  }
0x187: {  	s10 =	simm.s32 $0x3800;
	[sflag:s26] =	ssyncadd.s32 $0xFFFFE000  }
0x188: {  	[spmem:s4] =	stream.indirect.scatter.add.f32 [tilespmem:s30], [sflag:$0x9], $0x10, s10, s23, $0xb8;
	[tilespmem:$0x1DD10] =	vst v63  }
0x189: {  	_ =	swait.ge [sflag:s31], $0x2000  }
0x18a: {  	[sflag:s31] =	ssyncset.done $0x0  }
0x18b: {  	s19 =	simm.s32 $0x3A00;
	[sflag:s31] =	ssyncadd.s32 $0xFFFFE000  }
0x18c: {  	[spmem:s4] =	stream.indirect.scatter.add.f32 [tilespmem:s2], [sflag:$0xA], $0x10, s19, s23, $0xb8;
	[tilespmem:$0x1DD10] =	vst v63  }
0x18d: {  	_ =	swait.ge [sflag:s21], $0x2000  }
0x18e: {  	[sflag:s21] =	ssyncset.done $0x0  }
0x18f: {  	s10 =	simm.s32 $0x1400;
	[sflag:s21] =	ssyncadd.s32 $0xFFFFE000  }
0x190: {  	[tilespmem:s24], [sflag:$0x1] =	stream.indirect.gather [spmem:s3], $0x10, s10, s23, $0xb8;
	[tilespmem:$0x1DD10] =	vst v63  }
0x191: {  	_ =	swait.ge [sflag:s18], $0x2000  }
0x192: {  	[sflag:s18] =	ssyncset.done $0x0  }
0x193: {  	s19 =	simm.s32 $0x1600;
	[sflag:s18] =	ssyncadd.s32 $0xFFFFE000  }
0x194: {  	[tilespmem:s25], [sflag:$0x2] =	stream.indirect.gather [spmem:s3], $0x10, s19, s23, $0xb8;
	[tilespmem:$0x1DD10] =	vst v63  }
0x195: {  	_ =	swait.ge [sflag:s29], $0x2000  }
0x196: {  	[sflag:s29] =	ssyncset.done $0x0  }
0x197: {  	s10 =	simm.s32 $0x1800;
	[sflag:s29] =	ssyncadd.s32 $0xFFFFE000  }
0x198: {  	[tilespmem:s28], [sflag:$0x3] =	stream.indirect.gather [spmem:s3], $0x10, s10, s23, $0xb8;
	[tilespmem:$0x1DD10] =	vst v63  }
0x199: {  	_ =	swait.ge [sflag:s6], $0x2000  }
0x19a: {  	[sflag:s6] =	ssyncset.done $0x0  }
0x19b: {  	s19 =	simm.s32 $0x1A00;
	[sflag:s6] =	ssyncadd.s32 $0xFFFFE000  }
0x19c: {  	[tilespmem:s30], [sflag:$0x4] =	stream.indirect.gather [spmem:s3], $0x10, s19, s23, $0xb8;
	[tilespmem:$0x1DD10] =	vst v63  }
0x19d: {  	_ =	swait.ge [sflag:s7], $0x2000  }
0x19e: {  	[sflag:s7] =	ssyncset.done $0x0  }
0x19f: {  	s10 =	simm.s32 $0x1C00;
	[sflag:s7] =	ssyncadd.s32 $0xFFFFE000  }
0x1a0: {  	[tilespmem:s2], [sflag:$0x5] =	stream.indirect.gather [spmem:s3], $0x10, s10, s23, $0xb8;
	[tilespmem:$0x1DD10] =	vst v63  }
0x1a1: {  	_ =	swait.ge [sflag:s0], $0x2000  }
0x1a2: {  	[sflag:s0] =	ssyncset.done $0x0  }
0x1a3: {  	s19 =	simm.s32 $0x3C00;
	[sflag:s0] =	ssyncadd.s32 $0xFFFFE000  }
0x1a4: {  	[spmem:s4] =	stream.indirect.scatter.add.f32 [tilespmem:s24], [sflag:$0x6], $0x10, s19, s23, $0xb8;
	[tilespmem:$0x1DD10] =	vst v63  }
0x1a5: {  	_ =	swait.ge [sflag:s1], $0x2000  }
0x1a6: {  	[sflag:s1] =	ssyncset.done $0x0  }
0x1a7: {  	s10 =	simm.s32 $0x3E00;
	[sflag:s1] =	ssyncadd.s32 $0xFFFFE000  }
0x1a8: {  	[spmem:s4] =	stream.indirect.scatter.add.f32 [tilespmem:s25], [sflag:$0x7], $0x10, s10, s23, $0xb8;
	[tilespmem:$0x1DD10] =	vst v63  }
0x1a9: {  	_ =	swait.ge [sflag:s20], $0x2000  }
0x1aa: {  	[sflag:s20] =	ssyncset.done $0x0  }
0x1ab: {  	s19 =	simm.s32 $0x4000;
	[sflag:s20] =	ssyncadd.s32 $0xFFFFE000  }
0x1ac: {  	[spmem:s4] =	stream.indirect.scatter.add.f32 [tilespmem:s28], [sflag:$0x8], $0x10, s19, s23, $0xb8;
	[tilespmem:$0x1DD10] =	vst v63  }
0x1ad: {  	_ =	swait.ge [sflag:s26], $0x2000  }
0x1ae: {  	[sflag:s26] =	ssyncset.done $0x0  }
0x1af: {  	s10 =	simm.s32 $0x4200;
	[sflag:s26] =	ssyncadd.s32 $0xFFFFE000  }
0x1b0: {  	[spmem:s4] =	stream.indirect.scatter.add.f32 [tilespmem:s30], [sflag:$0x9], $0x10, s10, s23, $0xb8;
	[tilespmem:$0x1DD10] =	vst v63  }
0x1b1: {  	_ =	swait.ge [sflag:s31], $0x2000  }
0x1b2: {  	[sflag:s31] =	ssyncset.done $0x0  }
0x1b3: {  	s19 =	simm.s32 $0x4400;
	[sflag:s31] =	ssyncadd.s32 $0xFFFFE000  }
0x1b4: {  	[spmem:s4] =	stream.indirect.scatter.add.f32 [tilespmem:s2], [sflag:$0xA], $0x10, s19, s23, $0xb8;
	[tilespmem:$0x1DD10] =	vst v63  }
0x1b5: {  	_ =	swait.ge [sflag:s21], $0x2000  }
0x1b6: {  	[sflag:s21] =	ssyncset.done $0x0  }
0x1b7: {  	s10 =	simm.s32 $0x1E00;
	[sflag:s21] =	ssyncadd.s32 $0xFFFFE000  }
0x1b8: {  	[tilespmem:s24], [sflag:$0x1] =	stream.indirect.gather [spmem:s3], $0x10, s10, s23, $0xb8;
	[tilespmem:$0x1DD10] =	vst v63  }
0x1b9: {  	_ =	swait.ge [sflag:s18], $0x2000  }
0x1ba: {  	[sflag:s18] =	ssyncset.done $0x0  }
0x1bb: {  	s19 =	simm.s32 $0x2000;
	[sflag:s18] =	ssyncadd.s32 $0xFFFFE000  }
0x1bc: {  	[tilespmem:s25], [sflag:$0x2] =	stream.indirect.gather [spmem:s3], $0x10, s19, s23, $0xb8;
	[tilespmem:$0x1DD10] =	vst v63  }
0x1bd: {  	_ =	swait.ge [sflag:s29], $0x2000  }
0x1be: {  	[sflag:s29] =	ssyncset.done $0x0  }
0x1bf: {  	s10 =	simm.s32 $0x2200;
	[sflag:s29] =	ssyncadd.s32 $0xFFFFE000  }
0x1c0: {  	[tilespmem:s28], [sflag:$0x3] =	stream.indirect.gather [spmem:s3], $0x10, s10, s23, $0xb8;
	[tilespmem:$0x1DD10] =	vst v63  }
0x1c1: {  	_ =	swait.ge [sflag:s6], $0x2000  }
0x1c2: {  	[sflag:s6] =	ssyncset.done $0x0  }
0x1c3: {  	s19 =	simm.s32 $0x2400;
	[sflag:s6] =	ssyncadd.s32 $0xFFFFE000  }
0x1c4: {  	[tilespmem:s30], [sflag:$0x4] =	stream.indirect.gather [spmem:s3], $0x10, s19, s23, $0xb8;
	[tilespmem:$0x1DD10] =	vst v63  }
0x1c5: {  	_ =	swait.ge [sflag:s7], $0x2000  }
0x1c6: {  	[sflag:s7] =	ssyncset.done $0x0  }
0x1c7: {  	s10 =	simm.s32 $0x2600;
	[sflag:s7] =	ssyncadd.s32 $0xFFFFE000  }
0x1c8: {  	[tilespmem:s2], [sflag:$0x5] =	stream.indirect.gather [spmem:s3], $0x10, s10, s23, $0xb8;
	[tilespmem:$0x1DD10] =	vst v63  }
0x1c9: {  	_ =	swait.ge [sflag:s0], $0x2000  }
0x1ca: {  	[sflag:s0] =	ssyncset.done $0x0  }
0x1cb: {  	s19 =	simm.s32 $0x4600;
	[sflag:s0] =	ssyncadd.s32 $0xFFFFE000  }
0x1cc: {  	[spmem:s4] =	stream.indirect.scatter.add.f32 [tilespmem:s24], [sflag:$0x6], $0x10, s19, s23, $0xb8;
	[tilespmem:$0x1DD10] =	vst v63  }
0x1cd: {  	_ =	swait.ge [sflag:s1], $0x2000  }
0x1ce: {  	[sflag:s1] =	ssyncset.done $0x0  }
0x1cf: {  	s10 =	simm.s32 $0x4800;
	[sflag:s1] =	ssyncadd.s32 $0xFFFFE000  }
0x1d0: {  	[spmem:s4] =	stream.indirect.scatter.add.f32 [tilespmem:s25], [sflag:$0x7], $0x10, s10, s23, $0xb8;
	[tilespmem:$0x1DD10] =	vst v63  }
0x1d1: {  	_ =	swait.ge [sflag:s20], $0x2000  }
0x1d2: {  	[sflag:s20] =	ssyncset.done $0x0  }
0x1d3: {  	s19 =	simm.s32 $0x4A00;
	[sflag:s20] =	ssyncadd.s32 $0xFFFFE000  }
0x1d4: {  	[spmem:s4] =	stream.indirect.scatter.add.f32 [tilespmem:s28], [sflag:$0x8], $0x10, s19, s23, $0xb8;
	[tilespmem:$0x1DD10] =	vst v63  }
0x1d5: {  	_ =	swait.ge [sflag:s26], $0x2000  }
0x1d6: {  	[sflag:s26] =	ssyncset.done $0x0  }
0x1d7: {  	s10 =	simm.s32 $0x4C00;
	[sflag:s26] =	ssyncadd.s32 $0xFFFFE000  }
0x1d8: {  	[spmem:s4] =	stream.indirect.scatter.add.f32 [tilespmem:s30], [sflag:$0x9], $0x10, s10, s23, $0xb8;
	[tilespmem:$0x1DD10] =	vst v63  }
0x1d9: {  	_ =	swait.ge [sflag:s31], $0x2000  }
0x1da: {  	[sflag:s31] =	ssyncset.done $0x0  }
0x1db: {  	s19 =	simm.s32 $0x4E00;
	[sflag:s31] =	ssyncadd.s32 $0xFFFFE000  }
0x1dc: {  	[spmem:s4] =	stream.indirect.scatter.add.f32 [tilespmem:s2], [sflag:$0xA], $0x10, s19, s23, $0xb8;
	[tilespmem:$0x1DD10] =	vst v63  }
0x1dd: {  	_ =	swait.ge [sflag:s21], $0x2000  }
0x1de: {  	[sflag:s21] =	ssyncset.done $0x0  }
0x1df: {  	[sflag:s21] =	ssyncadd.s32 $0xFFFFE000  }
0x1e0: {  	_ =	swait.ge [sflag:s18], $0x2000  }
0x1e1: {  	[sflag:s18] =	ssyncset.done $0x0  }
0x1e2: {  	[sflag:s18] =	ssyncadd.s32 $0xFFFFE000  }
0x1e3: {  	_ =	swait.ge [sflag:s29], $0x2000  }
0x1e4: {  	[sflag:s29] =	ssyncset.done $0x0  }
0x1e5: {  	[sflag:s29] =	ssyncadd.s32 $0xFFFFE000  }
0x1e6: {  	_ =	swait.ge [sflag:s6], $0x2000  }
0x1e7: {  	[sflag:s6] =	ssyncset.done $0x0  }
0x1e8: {  	[sflag:s6] =	ssyncadd.s32 $0xFFFFE000  }
0x1e9: {  	_ =	swait.ge [sflag:s7], $0x2000  }
0x1ea: {  	[sflag:s7] =	ssyncset.done $0x0  }
0x1eb: {  	[sflag:s7] =	ssyncadd.s32 $0xFFFFE000  }
0x1ec: {  	[bflag:$0x0] =	sbarrier.arrive $0xFFFF  }
0x1ed: {  	[tilespmem:s16], [sflag:$0xB] =	stream.linear.gather [spmem:s12], $0x2780, $0x38;
	[tilespmem:$0x1DD10] =	vst v63  }
0x1ee: {  	_ =	swait.ge [sflag:s17], $0x2780  }
0x1ef: {  	[sflag:s17] =	ssyncset.done $0x0  }
0x1f0: {  	s9 =	simm.s32 $0x0;
	[sflag:s17] =	ssyncadd.s32 $0xFFFFD880  }
0x1f1: {  	v8 =	vld [tilespmem:s9+$0x13F00]  }
0x1f2: {  	v7 =	vld [tilespmem:s9+$0x13F10]  }
0x1f3: {  	v6 =	vld [tilespmem:s9+$0x13F20]  }
0x1f4: {  	v5 =	vld [tilespmem:s9+$0x13F30]  }
0x1f5: {  	v4 =	vld [tilespmem:s9+$0x13F40]  }
0x1f6: {  	v3 =	vld [tilespmem:s9+$0x13F50]  }
0x1f7: {  	v15 =	vld [tilespmem:s9+$0x16680]  }
0x1f8: {  	v20 =	vld [tilespmem:s9+$0x16690]  }
0x1f9: {  	v14 =	vld [tilespmem:s9+$0x166A0]  }
0x1fa: {  	v13 =	vld [tilespmem:s9+$0x166B0]  }
0x1fb: {  	v12 =	vld [tilespmem:s9+$0x166C0]  }
0x1fc: {  	v11 =	vld [tilespmem:s9+$0x166D0]  }
0x1fd: {  	v10 =	vld [tilespmem:s9+$0x166E0]  }
0x1fe: {  	v9 =	vld [tilespmem:s9+$0x166F0]  }
0x1ff: {  	v19 =	vld [tilespmem:s9+$0xF000]  }
0x200: {  	v18 =	vld [tilespmem:s9+$0xF010]  }
0x201: {  	v17 =	vld [tilespmem:s9+$0xF020]  }
0x202: {  	v16 =	vld [tilespmem:s9+$0xF030];
	v21 =	vmul.f32 v15, v0  }
0x203: {  	s10 =	simm.s32 $0x200;
	v20 =	vmul.f32 v20, v0;
	v15 =	vld [tilespmem:s9+$0xF040]  }
.LBB2_6:
0x204: {  	p0 =	sne.s32 s10, $0x9C00;
	v19 =	vadd.f32 v21, v19;
	v14 =	vmul.f32 v14, v0;
	v21 =	vld [tilespmem:s9+$0xF050]  }
0x205: {  	v13 =	vmul.f32 v13, v0;
	v18 =	vadd.f32 v20, v18;
	v20 =	vld [tilespmem:s9+$0xF060]  }
0x206: {  	v12 =	vmul.f32 v12, v0;
	v8 =	vmul.f32 v19, v8;
	v14 =	vadd.f32 v14, v17;
	v17 =	vld [tilespmem:s9+$0xF070]  }
0x207: {  	v11 =	vmul.f32 v11, v0;
	v7 =	vmul.f32 v18, v7;
	v13 =	vadd.f32 v13, v16;
	v16 =	vld [tilespmem:s9+$0x13F60]  }
0x208: {  	s19 =	sshra.s32 s10, $0x2;
	v10 =	vmul.f32 v10, v0;
	[tilespmem:s9+$0xF000] =	vst v8;
	v6 =	vmul.f32 v14, v6;
	v12 =	vadd.f32 v12, v15;
	v14 =	vld [tilespmem:s9+$0x13F70]  }
0x209: {  	v9 =	vmul.f32 v9, v0;
	v8 =	vld [tilespmem:s19+$0x13F00];
	[tilespmem:s9+$0xF010] =	vst v7;
	v5 =	vmul.f32 v13, v5;
	v11 =	vadd.f32 v11, v21  }
0x20a: {  	v7 =	vld [tilespmem:s19+$0x13F10];
	[tilespmem:s9+$0xF020] =	vst v6;
	v4 =	vmul.f32 v12, v4;
	v10 =	vadd.f32 v10, v20  }
0x20b: {  	v6 =	vld [tilespmem:s19+$0x13F20];
	[tilespmem:s9+$0xF030] =	vst v5;
	v3 =	vmul.f32 v11, v3;
	v9 =	vadd.f32 v9, v17  }
0x20c: {  	v5 =	vld [tilespmem:s19+$0x13F30];
	[tilespmem:s9+$0xF040] =	vst v4;
	v10 =	vmul.f32 v10, v16  }
0x20d: {  	v4 =	vld [tilespmem:s19+$0x13F40];
	[tilespmem:s9+$0xF050] =	vst v3;
	v9 =	vmul.f32 v9, v14  }
0x20e: {  	v3 =	vld [tilespmem:s19+$0x13F50];
	[tilespmem:s9+$0xF060] =	vst v10  }
0x20f: {  	v15 =	vld [tilespmem:s19+$0x16680];
	[tilespmem:s9+$0xF070] =	vst v9;
	s9 =	smov.u32 s19  }
0x210: {  	v20 =	vld [tilespmem:s9+$0x16690]  }
0x211: {  	v14 =	vld [tilespmem:s9+$0x166A0]  }
0x212: {  	v13 =	vld [tilespmem:s9+$0x166B0]  }
0x213: {  	v12 =	vld [tilespmem:s9+$0x166C0]  }
0x214: {  	v11 =	vld [tilespmem:s9+$0x166D0]  }
0x215: {  	v10 =	vld [tilespmem:s9+$0x166E0]  }
0x216: {  	v9 =	vld [tilespmem:s9+$0x166F0]  }
.Ltmp2:
0x217: {  	v19 =	vld [tilespmem:s9+$0xF000];
	(pc) =	sbr.rel @p0 .LBB2_6-.Ltmp2, $4  }
0x218: {  	v18 =	vld [tilespmem:s9+$0xF010]  }
0x219: {  	v17 =	vld [tilespmem:s9+$0xF020]  }
0x21a: {  	v21 =	vmul.f32 v15, v0;
	v16 =	vld [tilespmem:s9+$0xF030]  }
0x21b: {  	s10 =	sadd.s32 $0x200, s10;
	v20 =	vmul.f32 v20, v0;
	v15 =	vld [tilespmem:s9+$0xF040]  }
0x21c: {  	v19 =	vadd.f32 v21, v19;
	v55 =	vld [tilespmem:s9+$0xF050];
	v14 =	vmul.f32 v14, v0  }
0x21d: {  	v22 =	vld [tilespmem:s9+$0xF060];
	v13 =	vmul.f32 v13, v0;
	v18 =	vadd.f32 v20, v18  }
0x21e: {  	v56 =	vld [tilespmem:s9+$0xF070];
	v12 =	vmul.f32 v12, v0;
	v8 =	vmul.f32 v19, v8;
	v14 =	vadd.f32 v14, v17  }
0x21f: {  	v57 =	vld [tilespmem:s9+$0x13F60];
	v11 =	vmul.f32 v11, v0;
	v7 =	vmul.f32 v18, v7;
	v13 =	vadd.f32 v13, v16  }
0x220: {  	v10 =	vmul.f32 v10, v0;
	v59 =	vld [tilespmem:s9+$0x13F70];
	[tilespmem:s9+$0xF000] =	vst v8;
	v6 =	vmul.f32 v14, v6;
	v58 =	vadd.f32 v12, v15  }
0x221: {  	v9 =	vmul.f32 v9, v0;
	[tilespmem:s9+$0xF010] =	vst v7;
	v5 =	vmul.f32 v13, v5;
	v60 =	vadd.f32 v11, v55  }
0x222: {  	v61 =	vadd.f32 v10, v22;
	[tilespmem:s9+$0xF020] =	vst v6;
	v4 =	vmul.f32 v58, v4  }
0x223: {  	v62 =	vadd.f32 v9, v56;
	[tilespmem:s9+$0xF030] =	vst v5;
	v3 =	vmul.f32 v60, v3  }
0x224: {  	v63 =	vmul.f32 v61, v57;
	[tilespmem:s9+$0xF040] =	vst v4  }
0x225: {  	s8 =	sadd.s32 $0x1, s8;
	[tilespmem:s9+$0xF050] =	vst v3;
	v3 =	vmul.f32 v62, v59  }
0x226: {  	p0 =	sne.s32 s8, s15;
	[tilespmem:s9+$0xF060] =	vst v63  }
.Ltmp3:
0x227: {  	[tilespmem:s9+$0xF070] =	vst v3;
	(pc) =	sbr.rel @p0 .LBB2_1-.Ltmp3, $4  }
0x228: {  	[hbm4b:s14+s5] =	stream.linear.scatter [tilespmem:s16], [sflag:$0xB], $0x2780, $0x38;
	[tilespmem:$0x1DD10] =	vst v63  }
0x229: {  	_ =	swait.ge [sflag:s17], $0x2780  }
0x22a: {  	[sflag:s17] =	ssyncset.done $0x0  }
0x22b: {  	[sflag:s17] =	ssyncadd.s32 $0xFFFFD880  }
0x22c: {  	_ =	sfence.sel $0x180000  }
0x22d: {  	[bflag:$0x0] =	sbarrier.arrive $0xFFFF  }
0x22e: {  	_ =	strace $0x9000004D  }
0x22f: {  	s0 =	stileid.u32;
	[bflag:$0x2] =	sbarrier.arrive $0xFFFF  }
0x230: {  	p0 =	sne.s32 s0, $0x0;
	s0 =	rddreg [dreg:$0x5]  }
0x231: {  	s0 =	sadd.s32 @!p0 $0x100000, s0  }
0x232: {  	[sflag:s0] =	ssyncadd.tile.s32 @!p0 $0x1;
	_ =	shalt  }
.Lfunc_end2:
_tile_overlayer_lowered:
.L_overlay_start_2:
0x233: {  	(tag) =	ssettag $0x2  }
0x234: {  	s0 =	rddreg [dreg:$0x0];
	s2 =	stileid.u32  }
0x235: {  	s1 =	rddreg [dreg:$0x1];
	p0 =	sne.s32 s2, $0x0  }
0x236: {  	s3 =	rddreg [dreg:$0x2];
	[bflag:$0x3] =	sbarrier.arrive $0xFFFF;
	s2 =	simm.s32 @!p0 $0x1C0B  }
0x237: {  	[timem:s3], [sflag:s2] =	dma.local @!p0 [hbm:s0], s1  }
0x238: {  	s0 =	simm.s32 @!p0 $0xB  }
0x239: {  	_ =	swait.ge @!p0 [sflag:s0], s1  }
0x23a: {  	s1 =	ssub.s32 @!p0 $0x0, s1;
	[sflag:s0] =	ssyncset.done @!p0 $0x0  }
0x23b: {  	[sflag:s0] =	ssyncadd.s32 @!p0 s1  }
0x23c: {  	[bflag:$0x3] =	sbarrier.arrive $0xFFFF  }
0x23d: {  	_ =	shalt  }

// kernel: kernel.7.cloned.1.call-start
scs
__scs_entry_jumppad:
0x0: {  	(pc) =	sbr.rel $0x88, $3  }
0x1: {  	(tag) =	ssettag $0x0;
	lr =	simm.s32 $0x1  }
0x2: {  	[smem:$0x3F9B] =	sst lr;
	_ =	strace $0xD0000000  }
0x3: {  	_ = 	snop  }
0x4: {  	_ = 	snop  }
0x5: {  	_ = 	snop  }
0x6: {  	_ = 	snop  }
0x7: {  	_ = 	snop  }
__scs_overlays_trampoline_lowered:
0x8: {  	[smem:$0x3FAA] =	sst s0  }
0x9: {  	[smem:$0x3FAB] =	sst s1  }
0xa: {  	[smem:$0x3FAC] =	sst s2  }
0xb: {  	[smem:$0x3FAD] =	sst s3  }
0xc: {  	[smem:$0x3FAE] =	sst s4  }
0xd: {  	[smem:$0x3FAF] =	sst s5  }
0xe: {  	[smem:$0x3FB0] =	sst s6  }
0xf: {  	[smem:$0x3FB1] =	sst s7  }
0x10: {  	[smem:$0x3FB2] =	sst s8  }
0x11: {  	[smem:$0x3FB3] =	sst s9;
	s0 =	simm.s32 @!p0 $0x0  }
0x12: {  	s1 =	sld [smem:$0x3F99];
	s0 =	simm.s32 @p0 $0x1  }
0x13: {  	[smem:$0x3FB4] =	sst s0;
	s0 =	simm.s32 @!p1 $0x0  }
0x14: {  	s2 =	sld [smem:$0x3F98];
	s0 =	simm.s32 @p1 $0x1  }
0x15: {  	[smem:$0x3FB5] =	sst s0;
	s0 =	simm.s32 @!p2 $0x0  }
0x16: {  	s3 =	sld [smem:$0x3FDB];
	s0 =	simm.s32 @p2 $0x1  }
0x17: {  	s4 =	simm.s32 $0x1BF5;
	[smem:$0x3FB7] =	sst s0  }
0x18: {  	s0 =	sld [smem:$0x3F9A];
	_ =	swait.ge [sflag:s4], $0x0  }
0x19: {  	s7 =	sld [smem:$0x3F9B]  }
0x1a: {  	s8 =	sadd.s32 $0xFFFFE003, lr  }
0x1b: {  	s9 =	sadd.s32 $0xFFFFFEF7, lr;
	s5 =	simm.s32 $0xFFFFFFFF;
	p2 =	slt.u32 s8, $0xFFFFF086  }
0x1c: {  	p1 =	slt.u32 s9, $0xF7A;
	s5 =	simm.s32 @!p2 $0x0  }
0x1d: {  	s5 =	simm.s32 @p1 $0x1;
	p0 =	seq.s32 s7, s2  }
0x1e: {  	s7 =	smul.u32 @!p0 $0xF7A, s2;
	p2 =	seq.s32 @!p0 s5, $0x0  }
0x1f: {  	s9 =	smul.u32 $0xF7A, s1;
	s8 =	simm.s32 @!p0 $0x1BF5;
	p2 =	por !p2, p0  }
0x20: {  	[sflag:s8] =	ssyncset.s32 @!p0 $0xFFFFF086;
	s6 =	sadd.s32 @!p0 s3, s7;
	s7 =	simm.s32 @!p0 $0x108  }
0x21: {  	s3 =	sadd.s32 s3, s9;
	s6 =	sadd.s32 @!p0 $0x88, s6;
	s7 =	simm.s32 @p2 $0x1082  }
0x22: {  	[simem:s7], [sflag:s8] =	dma.local @!p0 [hbm:s6], $0xF7A  }
0x23: {  	s9 =	sor.u32 $0xD0000000, s2;
	s6 =	simm.s32 $0x108;
	_ =	swait.ge @!p0 [sflag:s8], $0x0  }
0x24: {  	s3 =	sadd.s32 $0x88, s3;
	s6 =	simm.s32 @!p1 $0x1082;
	[sflag:s4] =	ssyncset.s32 $0xFFFFF086  }
0x25: {  	[simem:s6], [sflag:s4] =	dma.local [hbm:s3], $0xF7A  }
0x26: {  	[smem:$0x3F9B] =	sst s1;
	(tag) =	ssettag s2;
	_ =	strace s9  }
0x27: {  	s1 =	sld [smem:$0x3FAB]  }
0x28: {  	s2 =	sld [smem:$0x3FAC]  }
0x29: {  	s4 =	sld [smem:$0x3FAE]  }
0x2a: {  	p0 =	seq.s32 s5, $0x0;
	s5 =	sld [smem:$0x3FAF]  }
0x2b: {  	s6 =	sld [smem:$0x3FB0]  }
0x2c: {  	s7 =	sld [smem:$0x3FB1]  }
0x2d: {  	s3 =	simm.s32 $0x108;
	s8 =	sld [smem:$0x3FB2]  }
0x2e: {  	s3 =	simm.s32 @!p0 $0x1082;
	s9 =	sld [smem:$0x3FB3]  }
0x2f: {  	lr =	sadd.s32 s0, s3;
	s0 =	sld [smem:$0x3FAA]  }
0x30: {  	s3 =	sld [smem:$0x3FAD]  }
0x31: {  	[smem:$0x3FB6] =	sst s10  }
0x32: {  	s10 =	sld [smem:$0x3FB4];
	_ =	sdelay $0x3  }
0x33: {  	p0 =	seq.s32 s10, $0x1;
	s10 =	sld [smem:$0x3FB6];
	_ =	sdelay $0x3  }
0x34: {  	[smem:$0x3FB6] =	sst s10  }
0x35: {  	s10 =	sld [smem:$0x3FB5];
	_ =	sdelay $0x3  }
0x36: {  	p1 =	seq.s32 s10, $0x1;
	s10 =	sld [smem:$0x3FB6];
	_ =	sdelay $0x3  }
0x37: {  	[smem:$0x3FB6] =	sst s10  }
0x38: {  	s10 =	sld [smem:$0x3FB7]  }
0x39: {  	_ = 	snop;
	(pc) =	sbr.ind lr, $3  }
0x3a: {  	_ = 	snop  }
0x3b: {  	_ = 	snop  }
0x3c: {  	p2 =	seq.s32 s10, $0x1;
	s10 =	sld [smem:$0x3FB6]  }
0x3d: {  	_ =	shalt  }
0x3e: {  	_ =	shalt  }
0x3f: {  	_ =	shalt  }
0x40: {  	_ =	shalt  }
0x41: {  	_ =	shalt  }
0x42: {  	_ =	shalt  }
0x43: {  	_ =	shalt  }
0x44: {  	_ =	shalt  }
0x45: {  	_ =	shalt  }
0x46: {  	_ =	shalt  }
0x47: {  	_ =	shalt  }
0x48: {  	_ =	shalt  }
0x49: {  	_ =	shalt  }
0x4a: {  	_ =	shalt  }
0x4b: {  	_ =	shalt  }
0x4c: {  	_ =	shalt  }
0x4d: {  	_ =	shalt  }
0x4e: {  	_ =	shalt  }
0x4f: {  	_ =	shalt  }
0x50: {  	_ =	shalt  }
0x51: {  	_ =	shalt  }
0x52: {  	_ =	shalt  }
0x53: {  	_ =	shalt  }
0x54: {  	_ =	shalt  }
0x55: {  	_ =	shalt  }
0x56: {  	_ =	shalt  }
0x57: {  	_ =	shalt  }
0x58: {  	_ =	shalt  }
0x59: {  	_ =	shalt  }
0x5a: {  	_ =	shalt  }
0x5b: {  	_ =	shalt  }
0x5c: {  	_ =	shalt  }
0x5d: {  	_ =	shalt  }
0x5e: {  	_ =	shalt  }
0x5f: {  	_ =	shalt  }
0x60: {  	_ =	shalt  }
0x61: {  	_ =	shalt  }
0x62: {  	_ =	shalt  }
0x63: {  	_ =	shalt  }
0x64: {  	_ =	shalt  }
0x65: {  	_ =	shalt  }
0x66: {  	_ =	shalt  }
0x67: {  	_ =	shalt  }
0x68: {  	_ =	shalt  }
0x69: {  	_ =	shalt  }
0x6a: {  	_ =	shalt  }
0x6b: {  	_ =	shalt  }
0x6c: {  	_ =	shalt  }
0x6d: {  	_ =	shalt  }
0x6e: {  	_ =	shalt  }
0x6f: {  	_ =	shalt  }
0x70: {  	_ =	shalt  }
0x71: {  	_ =	shalt  }
0x72: {  	_ =	shalt  }
0x73: {  	_ =	shalt  }
0x74: {  	_ =	shalt  }
0x75: {  	_ =	shalt  }
0x76: {  	_ =	shalt  }
0x77: {  	_ =	shalt  }
0x78: {  	_ =	shalt  }
0x79: {  	_ =	shalt  }
0x7a: {  	_ =	shalt  }
0x7b: {  	_ =	shalt  }
0x7c: {  	_ =	shalt  }
0x7d: {  	_ =	shalt  }
0x7e: {  	_ =	shalt  }
0x7f: {  	_ =	shalt  }
0x80: {  	_ =	shalt  }
0x81: {  	_ =	shalt  }
0x82: {  	_ =	shalt  }
0x83: {  	_ =	shalt  }
0x84: {  	_ =	shalt  }
0x85: {  	_ =	shalt  }
0x86: {  	_ =	shalt  }
0x87: {  	_ =	shalt  }
.Lfunc_end0:
.L_simem_size_0:
called_computation_lowered:
.L_overlay_start_0:
0x88: {  	s2 =	sld [smem:$0x3FD9]  }
0x89: {  	s3 =	sld [smem:$0x3FFE];
	_ =	sdelay $0x1  }
0x8a: {  	s1 =	srdreg.scid  }
0x8b: {  	s0 =	sand.u32 $0x1, s1  }
0x8c: {  	s17 =	sshll.u32 s0, $0xA;
	s2 =	sadd.s32 s3, s2  }
0x8d: {  	s2 =	sadd.s32 s2, s17  }
0x8e: {  	[smem:$0x3FC2] =	sst s2  }
0x8f: {  	_ = 	snop  }
0x90: {  	s2 =	sld [smem:$0x3FD0];
	(tm) =	ssettm $0x1  }
0x91: {  	s18 =	sld [smem:$0x3FFB];
	_ =	sdelay $0x3  }
0x92: {  	_ =	strace s18  }
0x93: {  	s3 =	sld [smem:$0x3FFC];
	_ =	sdelay $0x3  }
0x94: {  	_ =	strace s3  }
0x95: {  	s3 =	sld [smem:$0x3FFD];
	_ =	sdelay $0x3  }
0x96: {  	_ =	strace s3  }
0x97: {  	_ =	strace $0x8FFFFFFF  }
0x98: {  	s19 =	sld [smem:$0x3FDB];
	_ =	sdelay $0x1  }
0x99: {  	s4 =	simm.s32 $_scs_section_size  }
0x9a: {  	s5 =	simm.s32 $_size__tile_overlayer_lowered;
	s6 =	simm.s32 $_tile_overlayer_lowered  }
0x9b: {  	s22 =	simm.s32 $0x1BFF;
	s21 =	sshll.u32 s6, $0x1;
	s3 =	sadd.s32 s4, s19  }
0x9c: {  	s7 =	simm.s32 $0x0;
	s20 =	sshll.u32 s5, $0x1;
	s5 =	sadd.s32 s21, s3  }
0x9d: {  	[timem:s7], [sflag:s22] =	dma.local [hbm:s5], s20  }
0x9e: {  	_ =	swait.ge [sflag:s22], s20  }
0x9f: {  	s4 =	ssub.s32 $0x0, s20;
	[sflag:s22] =	ssyncset.done $0x0  }
0xa0: {  	[sflag:s22] =	ssyncadd.s32 s4;
	_ =	sdelay $0x1  }
0xa1: {  	s23 =	simm.s32 $0x1B8B  }
0xa2: {  	_ =	swait.ge [sflag:s23], $0x1  }
0xa3: {  	[sflag:s23] =	ssyncset.done $0x0  }
0xa4: {  	s25 =	simm.s32 $0x1B8E;
	s24 =	sld [smem:$0x3FFE];
	[sflag:s23] =	ssyncadd.s32 $0xFFFFFFFF  }
0xa5: {  	s26 =	simm.s32 $execute0_lowered;
	[smem:$0x3FD2] =	sst s25  }
0xa6: {  	s5 =	sshll.u32 s26, $0x1;
	_ =	strace $0x80000046;
	[dreg:$0x1] =	wrdreg $0xFFFFFFFF  }
0xa7: {  	s28 =	simm.s32 $_size_execute0_lowered;
	s3 =	sadd.s32 s3, s5;
	[dreg:$0x0] =	wrdreg $0x0  }
0xa8: {  	s5 =	sshll.u32 s28, $0x1;
	[dreg:$0x2] =	wrdreg s3  }
0xa9: {  	[dreg:$0x3] =	wrdreg s5  }
0xaa: {  	[dreg:$0x4] =	wrdreg $0xC0  }
0xab: {  	_ =	task [dreg:s7], $0x5FFFF  }
0xac: {  	[dreg:$0x1] =	wrdreg $0xFFFFFFFF  }
0xad: {  	[dreg:$0x0] =	wrdreg $0x60  }
0xae: {  	[dreg:$0x2] =	wrdreg s2  }
0xaf: {  	[dreg:$0x3] =	wrdreg s24  }
0xb0: {  	[dreg:$0x4] =	wrdreg $0x6F800  }
0xb1: {  	[dreg:$0x5] =	wrdreg $0x9  }
0xb2: {  	_ =	task.clear_ibuf [dreg:s7], $0x6FFFF;
	_ =	strace $0x90000046  }
0xb3: {  	s29 =	simm.s32 $0x9;
	_ =	strace $0x80000048  }
0xb4: {  	_ =	swait.ge [sflag:s29], $0x1  }
0xb5: {  	[sflag:s29] =	ssyncadd.s32 $0xFFFFFFFF  }
0xb6: {  	_ =	strace $0x90000048  }
0xb7: {  	_ =	sfence  }
0xb8: {  	s30 =	sld [smem:$0x0];
	_ =	sdelay $0x2  }
0xb9: {  	s31 =	sshll.u32 s1, $0xD;
	s1 =	sshrl.u32 s1, $0x2  }
0xba: {  	s3 =	sand.u32 $0x4000, s31;
	s1 =	sadd.s32 s1, s30  }
0xbb: {  	s0 =	sor.u32 s3, s0;
	s1 =	sshll.u32 s1, $0x11  }
0xbc: {  	s0 =	sor.u32 s1, s0  }
0xbd: {  	s0 =	sadd.s32 $0x8F2B, s0  }
0xbe: {  	[sflag:s0] =	ssyncadd.remote.s32 $0x1  }
0xbf: {  	_ =	sfence.sel $0xFFFF  }
0xc0: {  	[dreg:$0x0] =	wrdreg $0xFFFFFFFF;
	(pc) =	sbr.abs _section_cstart, $3  }
0xc1: {  	[dreg:$0x1] =	wrdreg $0xFFFFFFFF  }
0xc2: {  	_ =	task.clear_ibuf [dreg:s7], $0x2FFFF;
	_ =	strace $0x9FFFFFFF  }
0xc3: {  	(tm) =	ssettm $0x7FFFFFFF  }
tec
execute0_lowered:
.L_overlay_start_1:
0x0: {  	(tag) =	ssettag $0x1  }
0x1: {  	s0 =	rddreg [dreg:$0x0];
	s1 =	srdreg.scid  }
0x2: {  	s8 =	stileid.u32;
	s4 =	rddreg [dreg:$0x1]  }
0x3: {  	s2 =	rddreg [dreg:$0x2];
	s3 =	simm.s32 $0x0;
	s9 =	simm.s32 $0x2  }
0x4: {  	s10 =	simm.s32 $0x200;
	s11 =	simm.s32 $0x2800;
	s12 =	simm.s32 $0x400  }
0x5: {  	s13 =	simm.s32 $0x600;
	s14 =	simm.s32 $0x800;
	s15 =	simm.s32 $0xA00  }
0x6: {  	s16 =	simm.s32 $0xC00;
	s17 =	simm.s32 $0xE00;
	s18 =	simm.s32 $0x1000  }
0x7: {  	s19 =	simm.s32 $0x1200;
	s20 =	simm.s32 $0x1400;
	s21 =	simm.s32 $0x1600  }
0x8: {  	s22 =	simm.s32 $0x1800;
	s23 =	simm.s32 $0x1A00;
	s24 =	simm.s32 $0x1C00  }
0x9: {  	s25 =	simm.s32 $0x1E00;
	s28 =	simm.s32 $0x2200;
	s29 =	simm.s32 $0x2400  }
0xa: {  	s30 =	simm.s32 $0x2600;
	s1 =	sand.u32 $0x1, s1;
	s5 =	smul.u32 $0x2780, s8  }
0xb: {  	s31 =	simm.s32 $0x1;
	s6 =	smul.u32 $0x27800, s1;
	s7 =	sshll.u32 s1, $0x4  }
0xc: {  	[smem:$0x7FF] =	sst s3;
	s1 =	ssub.s32 $0x2, s1;
	s7 =	sor.u32 s8, s7  }
0xd: {  	s26 =	sshrl.u32 s1, $0x1;
	s6 =	sadd.s32 s5, s6;
	s7 =	smul.u32 $0x2710, s7  }
0xe: {  	_ =	strace $0x80000047;
	s1 =	ssub.s32 s1, s26;
	s6 =	sshrl.u32 s6, $0x3  }
0xf: {  	s26 =	simm.s32 $0x2000;
	s6 =	sadd.s32 s6, s4;
	s7 =	sshrl.u32 s7, $0x3  }
0x10: {  	s4 =	sadd.s32 s5, s2;
	s0 =	sadd.s32 s0, s7;
	s6 =	sadd.s32 $0x1C00, s6  }
0x11: {  	v0 =	vimm.f32 $1.000000000e+00;
	v1 =	vimm.f32 $0.0e+00;
	v2 =	vimm.s32 $0x2710;
	s7 =	smax.u32 s1, $0x1;
	s1 =	simm.s32 $0x0;
	s5 =	sadd.s32 $0x9C40, s0  }
.LBB2_1:
0x12: {  	s0 =	simm.s32 $0x0;
	s8 =	simm.s32 $0x200  }
.LBB2_2:
0x13: {  	p0 =	sne.s32 s8, $0x7E00;
	[tilespmem:s0+$0x2870] =	vst v0  }
0x14: {  	[tilespmem:s0+$0x2800] =	vst v0  }
0x15: {  	[tilespmem:s0+$0x2810] =	vst v0  }
.Ltmp0:
0x16: {  	[tilespmem:s0+$0x2820] =	vst v0;
	(pc) =	sbr.rel @p0 .LBB2_2-.Ltmp0, $4  }
0x17: {  	[tilespmem:s0+$0x2830] =	vst v0  }
0x18: {  	[tilespmem:s0+$0x2840] =	vst v0  }
0x19: {  	[tilespmem:s0+$0x2850] =	vst v0  }
0x1a: {  	[tilespmem:s0+$0x2860] =	vst v0;
	s0 =	sshra.s32 s8, $0x2;
	s8 =	sadd.s32 $0x200, s8  }
0x1b: {  	[tilespmem:s0+$0x2870] =	vst v0  }
0x1c: {  	[tilespmem:s0+$0x2800] =	vst v0  }
0x1d: {  	[tilespmem:s0+$0x2810] =	vst v0  }
0x1e: {  	[tilespmem:s0+$0x2820] =	vst v0  }
0x1f: {  	[tilespmem:s0+$0x2830] =	vst v0  }
0x20: {  	[tilespmem:s0+$0x2840] =	vst v0  }
0x21: {  	[tilespmem:s0+$0x2850] =	vst v0  }
0x22: {  	[tilespmem:s0+$0x2860] =	vst v0;
	s0 =	simm.s32 $0x0;
	s8 =	simm.s32 $0x200  }
.LBB2_4:
0x23: {  	p0 =	sne.s32 s8, $0x9C00;
	[tilespmem:s0+$0x4870] =	vst v1  }
0x24: {  	[tilespmem:s0+$0x4800] =	vst v1  }
0x25: {  	[tilespmem:s0+$0x4810] =	vst v1  }
.Ltmp1:
0x26: {  	[tilespmem:s0+$0x4820] =	vst v1;
	(pc) =	sbr.rel @p0 .LBB2_4-.Ltmp1, $4  }
0x27: {  	[tilespmem:s0+$0x4830] =	vst v1  }
0x28: {  	[tilespmem:s0+$0x4840] =	vst v1  }
0x29: {  	[tilespmem:s0+$0x4850] =	vst v1  }
0x2a: {  	[tilespmem:s0+$0x4860] =	vst v1;
	s0 =	sshra.s32 s8, $0x2;
	s8 =	sadd.s32 $0x200, s8  }
0x2b: {  	[tilespmem:s0+$0x4870] =	vst v1  }
0x2c: {  	[tilespmem:s0+$0x4800] =	vst v1  }
0x2d: {  	[tilespmem:s0+$0x4810] =	vst v1  }
0x2e: {  	[tilespmem:s0+$0x4820] =	vst v1  }
0x2f: {  	[tilespmem:s0+$0x4830] =	vst v1  }
0x30: {  	[tilespmem:s0+$0x4840] =	vst v1  }
0x31: {  	[tilespmem:s0+$0x4850] =	vst v1  }
0x32: {  	[tilespmem:s0+$0x4860] =	vst v1;
	s8 =	simm.s32 $0x4800  }
0x33: {  	[spmem:s4] =	stream.linear.scatter [tilespmem:s8], [sflag:$0x2], $0x2780, $0x38;
	[tilespmem:$0x9700] =	vst v63  }
0x34: {  	_ =	swait.ge [sflag:s9], $0x2780  }
0x35: {  	[sflag:s9] =	ssyncset.done $0x0  }
0x36: {  	[sflag:s9] =	ssyncadd.s32 $0xFFFFD880  }
0x37: {  	[bflag:$0x0] =	sbarrier.arrive $0xFFFF  }
0x38: {  	[tilespmem:s3], [sflag:$0x2] =	stream.linear.gather [hbm4b:s5+s3], $0x2710, $0x38;
	[tilespmem:$0x9700] =	vst v63  }
0x39: {  	_ =	swait.ge [sflag:s9], $0x2710  }
0x3a: {  	[sflag:s9] =	ssyncset.done $0x0  }
0x3b: {  	[sflag:s9] =	ssyncadd.s32 $0xFFFFD8F0  }
0x3c: {  	[tilespmem:$0x2710] =	vst v2  }
0x3d: {  	[tilespmem:$0x2720] =	vst v2  }
0x3e: {  	[tilespmem:$0x2730] =	vst v2  }
0x3f: {  	[tilespmem:$0x2740] =	vst v2  }
0x40: {  	[tilespmem:$0x2750] =	vst v2  }
0x41: {  	[tilespmem:$0x2760] =	vst v2  }
0x42: {  	[tilespmem:$0x2770] =	vst v2  }
0x43: {  	[tilespmem:$0x2780] =	vst v2  }
0x44: {  	[tilespmem:$0x2790] =	vst v2  }
0x45: {  	[tilespmem:$0x27A0] =	vst v2  }
0x46: {  	[tilespmem:$0x27B0] =	vst v2  }
0x47: {  	[tilespmem:$0x27C0] =	vst v2  }
0x48: {  	[tilespmem:$0x27D0] =	vst v2  }
0x49: {  	[tilespmem:$0x27E0] =	vst v2  }
0x4a: {  	[tilespmem:$0x27F0] =	vst v2  }
0x4b: {  	[spmem:s2] =	stream.indirect.scatter.add.f32 [tilespmem:s11], [sflag:$0x1], $0x10, s3, s10, $0xb8;
	[tilespmem:$0x9700] =	vst v63  }
0x4c: {  	_ = 	snop  }
0x4d: {  	[spmem:s2] =	stream.indirect.scatter.add.f32 [tilespmem:s11], [sflag:$0x1], $0x10, s10, s10, $0xb8;
	[tilespmem:$0x9700] =	vst v63  }
0x4e: {  	_ = 	snop  }
0x4f: {  	[spmem:s2] =	stream.indirect.scatter.add.f32 [tilespmem:s11], [sflag:$0x1], $0x10, s12, s10, $0xb8;
	[tilespmem:$0x9700] =	vst v63  }
0x50: {  	_ = 	snop  }
0x51: {  	[spmem:s2] =	stream.indirect.scatter.add.f32 [tilespmem:s11], [sflag:$0x1], $0x10, s13, s10, $0xb8;
	[tilespmem:$0x9700] =	vst v63  }
0x52: {  	_ = 	snop  }
0x53: {  	[spmem:s2] =	stream.indirect.scatter.add.f32 [tilespmem:s11], [sflag:$0x1], $0x10, s14, s10, $0xb8;
	[tilespmem:$0x9700] =	vst v63  }
0x54: {  	_ = 	snop  }
0x55: {  	[spmem:s2] =	stream.indirect.scatter.add.f32 [tilespmem:s11], [sflag:$0x1], $0x10, s15, s10, $0xb8;
	[tilespmem:$0x9700] =	vst v63  }
0x56: {  	_ = 	snop  }
0x57: {  	[spmem:s2] =	stream.indirect.scatter.add.f32 [tilespmem:s11], [sflag:$0x1], $0x10, s16, s10, $0xb8;
	[tilespmem:$0x9700] =	vst v63  }
0x58: {  	_ = 	snop  }
0x59: {  	[spmem:s2] =	stream.indirect.scatter.add.f32 [tilespmem:s11], [sflag:$0x1], $0x10, s17, s10, $0xb8;
	[tilespmem:$0x9700] =	vst v63  }
0x5a: {  	_ = 	snop  }
0x5b: {  	[spmem:s2] =	stream.indirect.scatter.add.f32 [tilespmem:s11], [sflag:$0x1], $0x10, s18, s10, $0xb8;
	[tilespmem:$0x9700] =	vst v63  }
0x5c: {  	_ = 	snop  }
0x5d: {  	[spmem:s2] =	stream.indirect.scatter.add.f32 [tilespmem:s11], [sflag:$0x1], $0x10, s19, s10, $0xb8;
	[tilespmem:$0x9700] =	vst v63  }
0x5e: {  	_ = 	snop  }
0x5f: {  	[spmem:s2] =	stream.indirect.scatter.add.f32 [tilespmem:s11], [sflag:$0x1], $0x10, s20, s10, $0xb8;
	[tilespmem:$0x9700] =	vst v63  }
0x60: {  	_ = 	snop  }
0x61: {  	[spmem:s2] =	stream.indirect.scatter.add.f32 [tilespmem:s11], [sflag:$0x1], $0x10, s21, s10, $0xb8;
	[tilespmem:$0x9700] =	vst v63  }
0x62: {  	_ = 	snop  }
0x63: {  	[spmem:s2] =	stream.indirect.scatter.add.f32 [tilespmem:s11], [sflag:$0x1], $0x10, s22, s10, $0xb8;
	[tilespmem:$0x9700] =	vst v63  }
0x64: {  	_ = 	snop  }
0x65: {  	[spmem:s2] =	stream.indirect.scatter.add.f32 [tilespmem:s11], [sflag:$0x1], $0x10, s23, s10, $0xb8;
	[tilespmem:$0x9700] =	vst v63  }
0x66: {  	_ = 	snop  }
0x67: {  	[spmem:s2] =	stream.indirect.scatter.add.f32 [tilespmem:s11], [sflag:$0x1], $0x10, s24, s10, $0xb8;
	[tilespmem:$0x9700] =	vst v63  }
0x68: {  	_ = 	snop  }
0x69: {  	[spmem:s2] =	stream.indirect.scatter.add.f32 [tilespmem:s11], [sflag:$0x1], $0x10, s25, s10, $0xb8;
	[tilespmem:$0x9700] =	vst v63  }
0x6a: {  	_ = 	snop  }
0x6b: {  	[spmem:s2] =	stream.indirect.scatter.add.f32 [tilespmem:s11], [sflag:$0x1], $0x10, s26, s10, $0xb8;
	[tilespmem:$0x9700] =	vst v63  }
0x6c: {  	_ = 	snop  }
0x6d: {  	[spmem:s2] =	stream.indirect.scatter.add.f32 [tilespmem:s11], [sflag:$0x1], $0x10, s28, s10, $0xb8;
	[tilespmem:$0x9700] =	vst v63  }
0x6e: {  	_ = 	snop  }
0x6f: {  	[spmem:s2] =	stream.indirect.scatter.add.f32 [tilespmem:s11], [sflag:$0x1], $0x10, s29, s10, $0xb8;
	[tilespmem:$0x9700] =	vst v63  }
0x70: {  	_ = 	snop  }
0x71: {  	[spmem:s2] =	stream.indirect.scatter.add.f32 [tilespmem:s11], [sflag:$0x1], $0x10, s30, s10, $0xb8;
	[tilespmem:$0x9700] =	vst v63  }
0x72: {  	_ =	swait.ge [sflag:s31], $0x2000  }
0x73: {  	[sflag:s31] =	ssyncset.done $0x0  }
0x74: {  	[sflag:s31] =	ssyncadd.s32 $0xFFFFE000  }
0x75: {  	_ =	swait.ge [sflag:s31], $0x2000  }
0x76: {  	[sflag:s31] =	ssyncset.done $0x0  }
0x77: {  	[sflag:s31] =	ssyncadd.s32 $0xFFFFE000  }
0x78: {  	_ =	swait.ge [sflag:s31], $0x2000  }
0x79: {  	[sflag:s31] =	ssyncset.done $0x0  }
0x7a: {  	[sflag:s31] =	ssyncadd.s32 $0xFFFFE000  }
0x7b: {  	_ =	swait.ge [sflag:s31], $0x2000  }
0x7c: {  	[sflag:s31] =	ssyncset.done $0x0  }
0x7d: {  	[sflag:s31] =	ssyncadd.s32 $0xFFFFE000  }
0x7e: {  	_ =	swait.ge [sflag:s31], $0x2000  }
0x7f: {  	[sflag:s31] =	ssyncset.done $0x0  }
0x80: {  	[sflag:s31] =	ssyncadd.s32 $0xFFFFE000  }
0x81: {  	_ =	swait.ge [sflag:s31], $0x2000  }
0x82: {  	[sflag:s31] =	ssyncset.done $0x0  }
0x83: {  	[sflag:s31] =	ssyncadd.s32 $0xFFFFE000  }
0x84: {  	_ =	swait.ge [sflag:s31], $0x2000  }
0x85: {  	[sflag:s31] =	ssyncset.done $0x0  }
0x86: {  	[sflag:s31] =	ssyncadd.s32 $0xFFFFE000  }
0x87: {  	_ =	swait.ge [sflag:s31], $0x2000  }
0x88: {  	[sflag:s31] =	ssyncset.done $0x0  }
0x89: {  	[sflag:s31] =	ssyncadd.s32 $0xFFFFE000  }
0x8a: {  	_ =	swait.ge [sflag:s31], $0x2000  }
0x8b: {  	[sflag:s31] =	ssyncset.done $0x0  }
0x8c: {  	[sflag:s31] =	ssyncadd.s32 $0xFFFFE000  }
0x8d: {  	_ =	swait.ge [sflag:s31], $0x2000  }
0x8e: {  	[sflag:s31] =	ssyncset.done $0x0  }
0x8f: {  	[sflag:s31] =	ssyncadd.s32 $0xFFFFE000  }
0x90: {  	_ =	swait.ge [sflag:s31], $0x2000  }
0x91: {  	[sflag:s31] =	ssyncset.done $0x0  }
0x92: {  	[sflag:s31] =	ssyncadd.s32 $0xFFFFE000  }
0x93: {  	_ =	swait.ge [sflag:s31], $0x2000  }
0x94: {  	[sflag:s31] =	ssyncset.done $0x0  }
0x95: {  	[sflag:s31] =	ssyncadd.s32 $0xFFFFE000  }
0x96: {  	_ =	swait.ge [sflag:s31], $0x2000  }
0x97: {  	[sflag:s31] =	ssyncset.done $0x0  }
0x98: {  	[sflag:s31] =	ssyncadd.s32 $0xFFFFE000  }
0x99: {  	_ =	swait.ge [sflag:s31], $0x2000  }
0x9a: {  	[sflag:s31] =	ssyncset.done $0x0  }
0x9b: {  	[sflag:s31] =	ssyncadd.s32 $0xFFFFE000  }
0x9c: {  	_ =	swait.ge [sflag:s31], $0x2000  }
0x9d: {  	[sflag:s31] =	ssyncset.done $0x0  }
0x9e: {  	[sflag:s31] =	ssyncadd.s32 $0xFFFFE000  }
0x9f: {  	_ =	swait.ge [sflag:s31], $0x2000  }
0xa0: {  	[sflag:s31] =	ssyncset.done $0x0  }
0xa1: {  	[sflag:s31] =	ssyncadd.s32 $0xFFFFE000  }
0xa2: {  	_ =	swait.ge [sflag:s31], $0x2000  }
0xa3: {  	[sflag:s31] =	ssyncset.done $0x0  }
0xa4: {  	[sflag:s31] =	ssyncadd.s32 $0xFFFFE000  }
0xa5: {  	_ =	swait.ge [sflag:s31], $0x2000  }
0xa6: {  	[sflag:s31] =	ssyncset.done $0x0  }
0xa7: {  	[sflag:s31] =	ssyncadd.s32 $0xFFFFE000  }
0xa8: {  	_ =	swait.ge [sflag:s31], $0x2000  }
0xa9: {  	[sflag:s31] =	ssyncset.done $0x0  }
0xaa: {  	[sflag:s31] =	ssyncadd.s32 $0xFFFFE000  }
0xab: {  	s1 =	sadd.s32 $0x1, s1;
	_ =	swait.ge [sflag:s31], $0x2000  }
0xac: {  	s8 =	stileid.u32;
	p0 =	sne.s32 s1, s7;
	[sflag:s31] =	ssyncset.done $0x0  }
0xad: {  	s0 =	sshll.u32 s8, $0x6;
	s8 =	sshrl.u32 s4, $0x3;
	[sflag:s31] =	ssyncadd.s32 $0xFFFFE000  }
.Ltmp2:
0xae: {  	s0 =	sor.u32 $0x1C02, s0;
	[bflag:$0x0] =	sbarrier.arrive $0xFFFF;
	(pc) =	sbr.rel @p0 .LBB2_1-.Ltmp2, $4  }
0xaf: {  	[hbm:s6], [sflag:s0] =	dma.local [spmem:s8], $0x4F0  }
0xb0: {  	_ =	swait.ge [sflag:s9], $0x4F0  }
0xb1: {  	[sflag:s9] =	ssyncset.done $0x0  }
0xb2: {  	[sflag:s9] =	ssyncadd.s32 $0xFFFFFB10  }
0xb3: {  	_ =	sfence.sel $0x180000  }
0xb4: {  	[bflag:$0x0] =	sbarrier.arrive $0xFFFF  }
0xb5: {  	_ =	strace $0x90000047  }
0xb6: {  	s0 =	stileid.u32;
	[bflag:$0x2] =	sbarrier.arrive $0xFFFF  }
0xb7: {  	p0 =	sne.s32 s0, $0x0;
	s0 =	rddreg [dreg:$0x3]  }
0xb8: {  	s0 =	sadd.s32 @!p0 $0x100000, s0  }
0xb9: {  	[sflag:s0] =	ssyncadd.tile.s32 @!p0 $0x1;
	_ =	shalt  }
.Lfunc_end2:
_tile_overlayer_lowered:
.L_overlay_start_2:
0xba: {  	(tag) =	ssettag $0x2  }
0xbb: {  	s0 =	rddreg [dreg:$0x0];
	s2 =	stileid.u32  }
0xbc: {  	s1 =	rddreg [dreg:$0x1];
	p0 =	sne.s32 s2, $0x0  }
0xbd: {  	s3 =	rddreg [dreg:$0x2];
	[bflag:$0x3] =	sbarrier.arrive $0xFFFF;
	s2 =	simm.s32 @!p0 $0x1C02  }
0xbe: {  	[timem:s3], [sflag:s2] =	dma.local @!p0 [hbm:s0], s1  }
0xbf: {  	s0 =	simm.s32 @!p0 $0x2  }
0xc0: {  	_ =	swait.ge @!p0 [sflag:s0], s1  }
0xc1: {  	s1 =	ssub.s32 @!p0 $0x0, s1;
	[sflag:s0] =	ssyncset.done @!p0 $0x0  }
0xc2: {  	[sflag:s0] =	ssyncadd.s32 @!p0 s1  }
0xc3: {  	[bflag:$0x3] =	sbarrier.arrive $0xFFFF  }
0xc4: {  	_ =	shalt  }

</sc_bundles>
